<compile_context>
chip_gen: v7x
topology: tpu7x:2x2x1
jax: 0.10.2.dev20260603
libtpu: 0.0.44.dev20260713+nightly
codegen_flags: <defaults>
</compile_context>

<pallas_src>
import functools

import jax
import jax.numpy as jnp
from jax import lax
from jax.experimental import pallas as pl
from jax.experimental.pallas import tpu as pltpu
from jax.experimental.pallas import tpu_sc as plsc

_N = 10000
_E = 160000
_IN = 128
_ED = 16
_H = 8
_G = 64

_NWORK = 32
_CH = 128
_CHUNKS = 40
_EP = _NWORK * _CHUNKS * _CH
_NP = 10240
_W = 128
_NP8 = _NP // 8



_NB = 5
_OUTER = _CHUNKS // _NB


def _make_gather(D):
    mesh = plsc.VectorSubcoreMesh(core_axis_name="c", subcore_axis_name="s")
    per_w = _EP // _NWORK

    @functools.partial(
        pl.kernel, mesh=mesh,
        out_type=jax.ShapeDtypeStruct((_EP, D), jnp.float32),
        scratch_types=[
            pltpu.VMEM((per_w,), jnp.int32),
            pltpu.VMEM((_NB, _CH, D), jnp.float32),
            pltpu.SemaphoreType.DMA,
            pltpu.SemaphoreType.DMA,
        ],
    )
    def gather_k(table_hbm, idx_hbm, out_hbm, idx_all, rows_v, sem_g, sem_o):
        wid = lax.axis_index("c") * 16 + lax.axis_index("s")
        base = wid * per_w
        pltpu.sync_copy(idx_hbm.at[pl.ds(base, per_w)], idx_all)

        def outer(t, carry):
            off0 = t * (_NB * _CH)
            gs = [pltpu.async_copy(
                      table_hbm.at[idx_all.at[pl.ds(off0 + k * _CH, _CH)]],
                      rows_v.at[k], sem_g) for k in range(_NB)]
            for h in gs:
                h.wait()
            os_ = [pltpu.async_copy(
                       rows_v.at[k],
                       out_hbm.at[pl.ds(base + off0 + k * _CH, _CH)], sem_o)
                   for k in range(_NB)]
            for h in os_:
                h.wait()
            return carry

        lax.fori_loop(0, _OUTER, outer, 0)

    return gather_k


def _make_scatter():
    mesh = plsc.VectorSubcoreMesh(core_axis_name="c", subcore_axis_name="s")
    per_w = _EP // _NWORK
    rpt = _NP8 // 16

    @functools.partial(
        pl.kernel, mesh=mesh,
        out_type=jax.ShapeDtypeStruct((2, _NP8, _W), jnp.float32),
        scratch_types=[
            pltpu.VMEM((_NB, _CH), jnp.int32),
            pltpu.VMEM((_NB, _CH, _W), jnp.float32),
            pltpu.VMEM_SHARED((_NP8, _W), jnp.float32),
            pltpu.SemaphoreType.DMA,
            pltpu.SemaphoreType.DMA,
            pltpu.SemaphoreType.DMA,
        ],
    )
    def scatter_k(msg_hbm, dst_hbm, zeros_hbm, out_hbm, idx_b, rows_v, acc_sh,
                  sem_i, sem_r, sem_s):
        cid = lax.axis_index("c")
        sid = lax.axis_index("s")
        wid = cid * 16 + sid

        pltpu.sync_copy(zeros_hbm, acc_sh.at[pl.ds(sid * rpt, rpt)])
        plsc.subcore_barrier()

        base = wid * per_w

        def outer(t, carry):
            off0 = base + t * (_NB * _CH)
            is_ = [pltpu.async_copy(dst_hbm.at[pl.ds(off0 + k * _CH, _CH)],
                                    idx_b.at[k], sem_i) for k in range(_NB)]
            rs = [pltpu.async_copy(msg_hbm.at[pl.ds(off0 + k * _CH, _CH)],
                                   rows_v.at[k], sem_r) for k in range(_NB)]
            for h in is_:
                h.wait()
            for h in rs:
                h.wait()
            ss = [pltpu.async_copy(rows_v.at[k], acc_sh.at[idx_b.at[k]],
                                   sem_s, add=True) for k in range(_NB)]
            for h in ss:
                h.wait()
            return carry

        lax.fori_loop(0, _OUTER, outer, 0)
        plsc.subcore_barrier()

        pltpu.sync_copy(acc_sh.at[pl.ds(sid * rpt, rpt)],
                        out_hbm.at[cid, pl.ds(sid * rpt, rpt)])

    return scatter_k



def _edge_body(ea_ref, xs_ref, dstm_ref, w1_ref, b1_ref, w2p_ref, b2p_ref,
               out_ref, *, in_dim):
    h = jnp.maximum(
        jnp.dot(ea_ref[...], w1_ref[...], preferred_element_type=jnp.float32)
        + b1_ref[...], 0.0)
    wf = jnp.dot(h, w2p_ref[...], preferred_element_type=jnp.float32) + b2p_ref[...]
    xs = xs_ref[...][:, :in_dim]
    xs8 = jnp.concatenate([xs] * 8, axis=1)
    t = xs8 * wf
    ko = wf.shape[1]
    gsz = ko // 8
    cc = lax.broadcasted_iota(jnp.int32, (ko, 8), 0) // gsz
    oo = lax.broadcasted_iota(jnp.int32, (ko, 8), 1)
    sel = (cc == oo).astype(jnp.float32)
    msg = jnp.dot(t, sel, preferred_element_type=jnp.float32)
    b = msg.shape[0]
    m16 = jnp.concatenate(
        [msg, jnp.ones((b, 1), jnp.float32), jnp.zeros((b, 7), jnp.float32)],
        axis=1)
    tiled = jnp.concatenate([m16] * 8, axis=1)
    slot = lax.broadcasted_iota(jnp.int32, (b, _W), 1) // 16
    place = (slot == dstm_ref[...]).astype(jnp.float32)
    out_ref[...] = tiled * place


def _edge_call(ea, xs, dstm, w1, b1, w2p, b2p, block, in_dim):
    ep = ea.shape[0]
    return pl.pallas_call(
        functools.partial(_edge_body, in_dim=in_dim),
        grid=(ep // block,),
        in_specs=[
            pl.BlockSpec((block, ea.shape[1]), lambda i: (i, 0)),
            pl.BlockSpec((block, xs.shape[1]), lambda i: (i, 0)),
            pl.BlockSpec((block, 1), lambda i: (i, 0)),
            pl.BlockSpec(w1.shape, lambda i: (0, 0)),
            pl.BlockSpec(b1.shape, lambda i: (0, 0)),
            pl.BlockSpec(w2p.shape, lambda i: (0, 0)),
            pl.BlockSpec(b2p.shape, lambda i: (0, 0)),
        ],
        out_specs=pl.BlockSpec((block, _W), lambda i: (i, 0)),
        out_shape=jax.ShapeDtypeStruct((ep, _W), jnp.float32),
    )(ea, xs, dstm, w1, b1, w2p, b2p)


def _unpack_mean(p_ref):
    p = p_ref[0] + p_ref[1]
    pr = jnp.broadcast_to(p[:, None, :], (_NP8, 8, _W)).reshape(_NP, _W)
    rmask = (lax.broadcasted_iota(jnp.int32, (_NP, _W), 1) // 16
             == lax.broadcasted_iota(jnp.int32, (_NP, _W), 0) % 8
             ).astype(jnp.float32)
    tmat = (lax.broadcasted_iota(jnp.int32, (_W, 16), 0) % 16
            == lax.broadcasted_iota(jnp.int32, (_W, 16), 1)
            ).astype(jnp.float32)
    s16 = jnp.dot(pr * rmask, tmat, preferred_element_type=jnp.float32)
    s = s16[:_N, :8]
    cnt = s16[:_N, 8:9]
    return s / jnp.maximum(cnt, 1.0)


def _node_body(x_ref, p_ref, root_ref, bias_ref, out_ref):
    mean = _unpack_mean(p_ref)
    hn = jnp.maximum(
        jnp.dot(x_ref[...], root_ref[...], preferred_element_type=jnp.float32)
        + mean + bias_ref[...], 0.0)
    out_ref[...] = jnp.concatenate(
        [hn, jnp.zeros((_N, _IN - _H), jnp.float32)], axis=1)


def _node_call(x, p, root, bias):
    return pl.pallas_call(
        _node_body,
        out_shape=jax.ShapeDtypeStruct((_N, _IN), jnp.float32),
    )(x, p, root, bias)


def _final_body(hn_ref, p_ref, batch_ref, root_ref, bias_ref,
                w1_ref, b1_ref, w2_ref, b2_ref, out_ref):
    mean = _unpack_mean(p_ref)
    h2 = jnp.maximum(
        jnp.dot(hn_ref[...][:, :_H], root_ref[...],
                preferred_element_type=jnp.float32)
        + mean + bias_ref[...], 0.0)
    bvec = batch_ref[...]
    mask = (jnp.broadcast_to(bvec, (_G, _N))
            == lax.broadcasted_iota(jnp.int32, (_G, _N), 0)).astype(jnp.float32)
    gs = jnp.dot(mask, h2, preferred_element_type=jnp.float32)
    gc = jnp.sum(mask, axis=1, keepdims=True)
    g = gs / jnp.maximum(gc, 1.0)
    z = jnp.maximum(
        jnp.dot(g, w1_ref[...], preferred_element_type=jnp.float32)
        + b1_ref[...], 0.0)
    out_ref[...] = jnp.dot(z, w2_ref[...], preferred_element_type=jnp.float32) + b2_ref[...]


def _final_call(hn, p, batch2d, root, bias, w1, b1, w2, b2):
    return pl.pallas_call(
        _final_body,
        out_shape=jax.ShapeDtypeStruct((_G, 1), jnp.float32),
    )(hn, p, batch2d, root, bias, w1, b1, w2, b2)


_make_gather = functools.lru_cache(maxsize=None)(_make_gather)
_make_scatter = functools.lru_cache(maxsize=None)(_make_scatter)


def _perm_w2(w2, b2, in_dim):
    k = w2.shape[0]
    w2p = w2.reshape(k, in_dim, 8).transpose(0, 2, 1).reshape(k, in_dim * 8)
    b2p = b2.reshape(in_dim, 8).T.reshape(1, in_dim * 8)
    return w2p, b2p


def kernel(x, edge_index, edge_attr, batch,
           en1_w1, en1_b1, en1_w2, en1_b2, root1, bias1,
           en2_w1, en2_b1, en2_w2, en2_b2, root2, bias2,
           mlp_w1, mlp_b1, mlp_w2, mlp_b2):
    pad = _EP - _E
    src_p = jnp.concatenate([edge_index[0], jnp.zeros((pad,), jnp.int32)])
    dst_p = jnp.concatenate([edge_index[1], jnp.full((pad,), _N, jnp.int32)])
    ea_p = jnp.concatenate(
        [edge_attr, jnp.zeros((pad, _ED), jnp.float32)], axis=0)

    w2p1, b2p1 = _perm_w2(en1_w2, en1_b2, _IN)
    w2p2, b2p2 = _perm_w2(en2_w2, en2_b2, _H)
    zeros = jnp.zeros((_NP8 // 16, _W), jnp.float32)
    dst8_p = dst_p // 8
    dstm_p = (dst_p % 8).reshape(-1, 1)

    xs = _make_gather(_IN)(x, src_p)
    msg1 = _edge_call(ea_p, xs, dstm_p, en1_w1, en1_b1.reshape(1, -1),
                      w2p1, b2p1, block=1024, in_dim=_IN)
    p1 = _make_scatter()(msg1, dst8_p, zeros)
    hn = _node_call(x, p1, root1, bias1.reshape(1, -1))
    hs = _make_gather(_IN)(hn, src_p)
    msg2 = _edge_call(ea_p, hs, dstm_p, en2_w1, en2_b1.reshape(1, -1),
                      w2p2, b2p2, block=2048, in_dim=_H)
    p2 = _make_scatter()(msg2, dst8_p, zeros)
    return _final_call(hn, p2, batch.reshape(1, -1), root2,
                       bias2.reshape(1, -1), mlp_w1,
                       mlp_b1.reshape(1, -1), mlp_w2, mlp_b2.reshape(1, -1))

# --- scband reference (transcript-rebuilt; emitter-appended) ---
"""Pipeline reference for scband-mpnnregressor-27986006901222 (READ-ONLY COPY).

The authoritative reference and input builder live on the scoring server;
editing this copy changes nothing except your own understanding.
"""

import jax, jax.numpy as jnp
import numpy as np

N = 10000
E = 160000
IN = 128
ED = 16
H = 8
G = 64


def setup_inputs(seed: int = 0) -> dict:
    key = jax.random.key(seed)
    ks = jax.random.split(key, 16)

    def lin(k, i, o):
        return (jax.random.normal(k, (i, o), dtype=jnp.float32) / np.sqrt(i)).astype(jnp.float32)

    inp = {}
    inp["x"] = jax.random.normal(ks[0], (N, IN), dtype=jnp.float32)
    inp["edge_index"] = jax.random.randint(ks[1], (2, E), 0, N, dtype=jnp.int32)
    inp["edge_attr"] = jax.random.normal(ks[2], (E, ED), dtype=jnp.float32)
    inp["batch"] = jnp.sort(jax.random.randint(ks[3], (N,), 0, G, dtype=jnp.int32))
    # layer 1 NNConv: edge_nn Linear(ED, H*IN) -> ReLU -> Linear(H*IN, H*IN); root weight + bias
    inp["en1_w1"] = lin(ks[4], ED, H * IN); inp["en1_b1"] = jnp.zeros((H * IN,), jnp.float32)
    inp["en1_w2"] = lin(ks[5], H * IN, H * IN); inp["en1_b2"] = jnp.zeros((H * IN,), jnp.float32)
    inp["root1"] = lin(ks[6], IN, H); inp["bias1"] = jnp.zeros((H,), jnp.float32)
    # layer 2 NNConv: edge_nn Linear(ED, H*H) -> ReLU -> Linear(H*H, H*H)
    inp["en2_w1"] = lin(ks[7], ED, H * H); inp["en2_b1"] = jnp.zeros((H * H,), jnp.float32)
    inp["en2_w2"] = lin(ks[8], H * H, H * H); inp["en2_b2"] = jnp.zeros((H * H,), jnp.float32)
    inp["root2"] = lin(ks[9], H, H); inp["bias2"] = jnp.zeros((H,), jnp.float32)
    # readout MLP
    inp["mlp_w1"] = lin(ks[10], H, H); inp["mlp_b1"] = jnp.zeros((H,), jnp.float32)
    inp["mlp_w2"] = lin(ks[11], H, 1); inp["mlp_b2"] = jnp.zeros((1,), jnp.float32)
    return inp


def _nnconv(x, src, dst, edge_attr, w1, b1, w2, b2, root, bias, in_dim, out_dim):
    # edge network -> per-edge weight matrix [E, in_dim, out_dim]
    h = jnp.maximum(edge_attr @ w1 + b1, 0.0)
    Wf = h @ w2 + b2
    W = Wf.reshape(-1, in_dim, out_dim)
    # message: x_j @ W_e, gathered at source nodes
    msg = jnp.einsum("ei,eio->eo", x[src], W)
    # mean aggregation at destination nodes
    s = jax.ops.segment_sum(msg, dst, num_segments=N)
    cnt = jax.ops.segment_sum(jnp.ones((msg.shape[0],), x.dtype), dst, num_segments=N)
    mean = s / jnp.maximum(cnt, 1.0)[:, None]
    # root transform + bias (PyG NNConv defaults)
    return x @ root + mean + bias


def reference(x, edge_index, edge_attr, batch,
              en1_w1, en1_b1, en1_w2, en1_b2, root1, bias1,
              en2_w1, en2_b1, en2_w2, en2_b2, root2, bias2,
              mlp_w1, mlp_b1, mlp_w2, mlp_b2):
    src = edge_index[0]
    dst = edge_index[1]
    h = _nnconv(x, src, dst, edge_attr, en1_w1, en1_b1, en1_w2, en1_b2, root1, bias1, IN, H)
    h = jnp.maximum(h, 0.0)  # dropout is identity in eval mode
    h = _nnconv(h, src, dst, edge_attr, en2_w1, en2_b1, en2_w2, en2_b2, root2, bias2, H, H)
    h = jnp.maximum(h, 0.0)
    # global mean pool over graphs
    gs = jax.ops.segment_sum(h, batch, num_segments=G)
    gc = jax.ops.segment_sum(jnp.ones((N,), h.dtype), batch, num_segments=G)
    g = gs / jnp.maximum(gc, 1.0)[:, None]
    z = jnp.maximum(g @ mlp_w1 + mlp_b1, 0.0)
    return z @ mlp_w2 + mlp_b2

if __name__ == "__main__":
    import jax
    _d = setup_inputs()
    print(jax.jit(kernel)(*tuple(_d.values())))

</pallas_src>

<mosaic_0001>
#map = affine_map<(d0, d1) -> (0, 0)>
#map1 = affine_map<(d0, d1) -> (0)>
module attributes {stable_mosaic.version = 14 : i64} {
  func.func @gather_k(%arg0: i32, %arg1: i32, %arg2: memref<10000x128xf32, #tpu.memory_space<hbm>>, %arg3: memref<163840xi32, #tpu.memory_space<hbm>>, %arg4: memref<163840x128xf32, #tpu.memory_space<hbm>>, %arg5: memref<5120xi32, #tpu.memory_space<vmem>>, %arg6: memref<5x128x128xf32, #tpu.memory_space<vmem>>, %arg7: memref<!tpu.dma_semaphore, #tpu.memory_space<semaphore_mem>>, %arg8: memref<!tpu.dma_semaphore, #tpu.memory_space<semaphore_mem>>) attributes {dimension_semantics = [#tpu.dimension_semantics<core_parallel>, #tpu.dimension_semantics<subcore_parallel>], iteration_bounds = array<i64: 2, 16>, scalar_prefetch = 0 : i64, scratch_operands = 4 : i64, tpu.core_type = #tpu.core_type<sc_vector_subcore>, window_params = [{transform_indices = #map}, {transform_indices = #map1}, {transform_indices = #map}]} {
    %mul3A = arith.constant 16 : i32
    %mul3A_0 = arith.muli %arg0, %mul3A : i32
    %add3A = arith.addi %mul3A_0, %arg1 : i32
    %mul3A_1 = arith.constant 5120 : i32
    %mul3A_2 = arith.muli %add3A, %mul3A_1 : i32
    "tpu.region"() ({
      %run_scoped3A = tpu.sem_alloc : memref<!tpu.dma_semaphore, #tpu.memory_space<semaphore_mem>>
      %dma_start3A = tpu.memref_slice %arg3[%mul3A_2] : memref<163840xi32, #tpu.memory_space<hbm>> -> memref<5120xi32, #tpu.memory_space<hbm>>
      %dma_start3A_8 = tpu.memref_slice %arg3[%mul3A_2] : memref<163840xi32, #tpu.memory_space<hbm>> -> memref<5120xi32, #tpu.memory_space<hbm>>
      tpu.enqueue_dma source(%dma_start3A_8 : memref<5120xi32, #tpu.memory_space<hbm>>) target(%arg5 : memref<5120xi32, #tpu.memory_space<vmem>>) target_semaphore(%run_scoped3A : memref<!tpu.dma_semaphore, #tpu.memory_space<semaphore_mem>>)
      %dma_wait3A = tpu.memref_slice %arg3[%mul3A_2] : memref<163840xi32, #tpu.memory_space<hbm>> -> memref<5120xi32, #tpu.memory_space<hbm>>
      %dma_wait3A_9 = tpu.memref_slice %arg3[%mul3A_2] : memref<163840xi32, #tpu.memory_space<hbm>> -> memref<5120xi32, #tpu.memory_space<hbm>>
      tpu.wait_dma2 semaphore(%run_scoped3A : memref<!tpu.dma_semaphore, #tpu.memory_space<semaphore_mem>>) src(%dma_wait3A_9 : memref<5120xi32, #tpu.memory_space<hbm>>) dst(%arg5 : memref<5120xi32, #tpu.memory_space<vmem>>)
      tpu.yield
    }) : () -> ()
    %scan3A = arith.constant 0 : i32
    %scan3A_3 = arith.constant 0 : i32
    %scan3A_4 = arith.constant 8 : i32
    %scan3A_5 = arith.addi %scan3A_3, %scan3A_4 : i32
    %scan3A_6 = arith.constant 1 : i32
    scf.for %scan3A_8 = %scan3A_3 to %scan3A_5 step %scan3A_6  : i32 {
      %mul3A_9 = arith.constant 640 : i32
      %mul3A_10 = arith.muli %scan3A_8, %mul3A_9 : i32
      %add3A_11 = arith.constant 0 : i32
      %add3A_12 = arith.addi %mul3A_10, %add3A_11 : i32
      %dma_start3A = arith.constant 0 : i32
      %dma_start3A_13 = arith.constant 0 : i32
      %dma_start3A_14 = arith.constant 0 : i32
      %dma_start3A_15 = tpu.memref_slice %arg6[%dma_start3A, %dma_start3A_13, %dma_start3A_14] : memref<5x128x128xf32, #tpu.memory_space<vmem>> -> memref<1x128x128xf32, #tpu.memory_space<vmem>>
      %dma_start3A_16 = tpu.memref_squeeze %dma_start3A_15 : memref<1x128x128xf32, #tpu.memory_space<vmem>> -> memref<128x128xf32, #tpu.memory_space<vmem>>
      %dma_start3A_17 = tpu.memref_slice %arg5[%add3A_12] : memref<5120xi32, #tpu.memory_space<vmem>> -> memref<128xi32, #tpu.memory_space<vmem>>
      %dma_start3A_18 = arith.constant 0 : i32
      %dma_start3A_19 = arith.constant 0 : i32
      %dma_start3A_20 = tpu.memref_slice %arg2[%dma_start3A_18, %dma_start3A_19] : memref<10000x128xf32, #tpu.memory_space<hbm>> -> memref<10000x128xf32, #tpu.memory_space<hbm>>
      tpu.enqueue_indirect_dma source(%dma_start3A_20 : memref<10000x128xf32, #tpu.memory_space<hbm>>) target(%dma_start3A_16 : memref<128x128xf32, #tpu.memory_space<vmem>>) offsets(%dma_start3A_17 : memref<128xi32, #tpu.memory_space<vmem>>) semaphore(%arg7 : memref<!tpu.dma_semaphore, #tpu.memory_space<semaphore_mem>>)
      %add3A_21 = arith.constant 128 : i32
      %add3A_22 = arith.addi %mul3A_10, %add3A_21 : i32
      %dma_start3A_23 = arith.constant 1 : i32
      %dma_start3A_24 = arith.constant 0 : i32
      %dma_start3A_25 = arith.constant 0 : i32
      %dma_start3A_26 = tpu.memref_slice %arg6[%dma_start3A_23, %dma_start3A_24, %dma_start3A_25] : memref<5x128x128xf32, #tpu.memory_space<vmem>> -> memref<1x128x128xf32, #tpu.memory_space<vmem>>
      %dma_start3A_27 = tpu.memref_squeeze %dma_start3A_26 : memref<1x128x128xf32, #tpu.memory_space<vmem>> -> memref<128x128xf32, #tpu.memory_space<vmem>>
      %dma_start3A_28 = tpu.memref_slice %arg5[%add3A_22] : memref<5120xi32, #tpu.memory_space<vmem>> -> memref<128xi32, #tpu.memory_space<vmem>>
      %dma_start3A_29 = arith.constant 0 : i32
      %dma_start3A_30 = arith.constant 0 : i32
      %dma_start3A_31 = tpu.memref_slice %arg2[%dma_start3A_29, %dma_start3A_30] : memref<10000x128xf32, #tpu.memory_space<hbm>> -> memref<10000x128xf32, #tpu.memory_space<hbm>>
      tpu.enqueue_indirect_dma source(%dma_start3A_31 : memref<10000x128xf32, #tpu.memory_space<hbm>>) target(%dma_start3A_27 : memref<128x128xf32, #tpu.memory_space<vmem>>) offsets(%dma_start3A_28 : memref<128xi32, #tpu.memory_space<vmem>>) semaphore(%arg7 : memref<!tpu.dma_semaphore, #tpu.memory_space<semaphore_mem>>)
      %add3A_32 = arith.constant 256 : i32
      %add3A_33 = arith.addi %mul3A_10, %add3A_32 : i32
      %dma_start3A_34 = arith.constant 2 : i32
      %dma_start3A_35 = arith.constant 0 : i32
      %dma_start3A_36 = arith.constant 0 : i32
      %dma_start3A_37 = tpu.memref_slice %arg6[%dma_start3A_34, %dma_start3A_35, %dma_start3A_36] : memref<5x128x128xf32, #tpu.memory_space<vmem>> -> memref<1x128x128xf32, #tpu.memory_space<vmem>>
      %dma_start3A_38 = tpu.memref_squeeze %dma_start3A_37 : memref<1x128x128xf32, #tpu.memory_space<vmem>> -> memref<128x128xf32, #tpu.memory_space<vmem>>
      %dma_start3A_39 = tpu.memref_slice %arg5[%add3A_33] : memref<5120xi32, #tpu.memory_space<vmem>> -> memref<128xi32, #tpu.memory_space<vmem>>
      %dma_start3A_40 = arith.constant 0 : i32
      %dma_start3A_41 = arith.constant 0 : i32
      %dma_start3A_42 = tpu.memref_slice %arg2[%dma_start3A_40, %dma_start3A_41] : memref<10000x128xf32, #tpu.memory_space<hbm>> -> memref<10000x128xf32, #tpu.memory_space<hbm>>
      tpu.enqueue_indirect_dma source(%dma_start3A_42 : memref<10000x128xf32, #tpu.memory_space<hbm>>) target(%dma_start3A_38 : memref<128x128xf32, #tpu.memory_space<vmem>>) offsets(%dma_start3A_39 : memref<128xi32, #tpu.memory_space<vmem>>) semaphore(%arg7 : memref<!tpu.dma_semaphore, #tpu.memory_space<semaphore_mem>>)
      %add3A_43 = arith.constant 384 : i32
      %add3A_44 = arith.addi %mul3A_10, %add3A_43 : i32
      %dma_start3A_45 = arith.constant 3 : i32
      %dma_start3A_46 = arith.constant 0 : i32
      %dma_start3A_47 = arith.constant 0 : i32
      %dma_start3A_48 = tpu.memref_slice %arg6[%dma_start3A_45, %dma_start3A_46, %dma_start3A_47] : memref<5x128x128xf32, #tpu.memory_space<vmem>> -> memref<1x128x128xf32, #tpu.memory_space<vmem>>
      %dma_start3A_49 = tpu.memref_squeeze %dma_start3A_48 : memref<1x128x128xf32, #tpu.memory_space<vmem>> -> memref<128x128xf32, #tpu.memory_space<vmem>>
      %dma_start3A_50 = tpu.memref_slice %arg5[%add3A_44] : memref<5120xi32, #tpu.memory_space<vmem>> -> memref<128xi32, #tpu.memory_space<vmem>>
      %dma_start3A_51 = arith.constant 0 : i32
      %dma_start3A_52 = arith.constant 0 : i32
      %dma_start3A_53 = tpu.memref_slice %arg2[%dma_start3A_51, %dma_start3A_52] : memref<10000x128xf32, #tpu.memory_space<hbm>> -> memref<10000x128xf32, #tpu.memory_space<hbm>>
      tpu.enqueue_indirect_dma source(%dma_start3A_53 : memref<10000x128xf32, #tpu.memory_space<hbm>>) target(%dma_start3A_49 : memref<128x128xf32, #tpu.memory_space<vmem>>) offsets(%dma_start3A_50 : memref<128xi32, #tpu.memory_space<vmem>>) semaphore(%arg7 : memref<!tpu.dma_semaphore, #tpu.memory_space<semaphore_mem>>)
      %add3A_54 = arith.constant 512 : i32
      %add3A_55 = arith.addi %mul3A_10, %add3A_54 : i32
      %dma_start3A_56 = arith.constant 4 : i32
      %dma_start3A_57 = arith.constant 0 : i32
      %dma_start3A_58 = arith.constant 0 : i32
      %dma_start3A_59 = tpu.memref_slice %arg6[%dma_start3A_56, %dma_start3A_57, %dma_start3A_58] : memref<5x128x128xf32, #tpu.memory_space<vmem>> -> memref<1x128x128xf32, #tpu.memory_space<vmem>>
      %dma_start3A_60 = tpu.memref_squeeze %dma_start3A_59 : memref<1x128x128xf32, #tpu.memory_space<vmem>> -> memref<128x128xf32, #tpu.memory_space<vmem>>
      %dma_start3A_61 = tpu.memref_slice %arg5[%add3A_55] : memref<5120xi32, #tpu.memory_space<vmem>> -> memref<128xi32, #tpu.memory_space<vmem>>
      %dma_start3A_62 = arith.constant 0 : i32
      %dma_start3A_63 = arith.constant 0 : i32
      %dma_start3A_64 = tpu.memref_slice %arg2[%dma_start3A_62, %dma_start3A_63] : memref<10000x128xf32, #tpu.memory_space<hbm>> -> memref<10000x128xf32, #tpu.memory_space<hbm>>
      tpu.enqueue_indirect_dma source(%dma_start3A_64 : memref<10000x128xf32, #tpu.memory_space<hbm>>) target(%dma_start3A_60 : memref<128x128xf32, #tpu.memory_space<vmem>>) offsets(%dma_start3A_61 : memref<128xi32, #tpu.memory_space<vmem>>) semaphore(%arg7 : memref<!tpu.dma_semaphore, #tpu.memory_space<semaphore_mem>>)
      %dma_wait3A = arith.constant 0 : i32
      %dma_wait3A_65 = arith.constant 0 : i32
      %dma_wait3A_66 = arith.constant 0 : i32
      %dma_wait3A_67 = tpu.memref_slice %arg6[%dma_wait3A, %dma_wait3A_65, %dma_wait3A_66] : memref<5x128x128xf32, #tpu.memory_space<vmem>> -> memref<1x128x128xf32, #tpu.memory_space<vmem>>
      %dma_wait3A_68 = tpu.memref_squeeze %dma_wait3A_67 : memref<1x128x128xf32, #tpu.memory_space<vmem>> -> memref<128x128xf32, #tpu.memory_space<vmem>>
      %dma_wait3A_69 = tpu.memref_slice %arg5[%add3A_12] : memref<5120xi32, #tpu.memory_space<vmem>> -> memref<128xi32, #tpu.memory_space<vmem>>
      %dma_wait3A_70 = arith.constant 0 : i32
      %dma_wait3A_71 = arith.constant 0 : i32
      %dma_wait3A_72 = tpu.memref_slice %arg2[%dma_wait3A_70, %dma_wait3A_71] : memref<10000x128xf32, #tpu.memory_space<hbm>> -> memref<10000x128xf32, #tpu.memory_space<hbm>>
      tpu.wait_indirect_dma semaphore(%arg7 : memref<!tpu.dma_semaphore, #tpu.memory_space<semaphore_mem>>) src(%dma_wait3A_72 : memref<10000x128xf32, #tpu.memory_space<hbm>>) dst(%dma_wait3A_68 : memref<128x128xf32, #tpu.memory_space<vmem>>)
      %dma_wait3A_73 = arith.constant 1 : i32
      %dma_wait3A_74 = arith.constant 0 : i32
      %dma_wait3A_75 = arith.constant 0 : i32
      %dma_wait3A_76 = tpu.memref_slice %arg6[%dma_wait3A_73, %dma_wait3A_74, %dma_wait3A_75] : memref<5x128x128xf32, #tpu.memory_space<vmem>> -> memref<1x128x128xf32, #tpu.memory_space<vmem>>
      %dma_wait3A_77 = tpu.memref_squeeze %dma_wait3A_76 : memref<1x128x128xf32, #tpu.memory_space<vmem>> -> memref<128x128xf32, #tpu.memory_space<vmem>>
      %dma_wait3A_78 = tpu.memref_slice %arg5[%add3A_22] : memref<5120xi32, #tpu.memory_space<vmem>> -> memref<128xi32, #tpu.memory_space<vmem>>
      %dma_wait3A_79 = arith.constant 0 : i32
      %dma_wait3A_80 = arith.constant 0 : i32
      %dma_wait3A_81 = tpu.memref_slice %arg2[%dma_wait3A_79, %dma_wait3A_80] : memref<10000x128xf32, #tpu.memory_space<hbm>> -> memref<10000x128xf32, #tpu.memory_space<hbm>>
      tpu.wait_indirect_dma semaphore(%arg7 : memref<!tpu.dma_semaphore, #tpu.memory_space<semaphore_mem>>) src(%dma_wait3A_81 : memref<10000x128xf32, #tpu.memory_space<hbm>>) dst(%dma_wait3A_77 : memref<128x128xf32, #tpu.memory_space<vmem>>)
      %dma_wait3A_82 = arith.constant 2 : i32
      %dma_wait3A_83 = arith.constant 0 : i32
      %dma_wait3A_84 = arith.constant 0 : i32
      %dma_wait3A_85 = tpu.memref_slice %arg6[%dma_wait3A_82, %dma_wait3A_83, %dma_wait3A_84] : memref<5x128x128xf32, #tpu.memory_space<vmem>> -> memref<1x128x128xf32, #tpu.memory_space<vmem>>
      %dma_wait3A_86 = tpu.memref_squeeze %dma_wait3A_85 : memref<1x128x128xf32, #tpu.memory_space<vmem>> -> memref<128x128xf32, #tpu.memory_space<vmem>>
      %dma_wait3A_87 = tpu.memref_slice %arg5[%add3A_33] : memref<5120xi32, #tpu.memory_space<vmem>> -> memref<128xi32, #tpu.memory_space<vmem>>
      %dma_wait3A_88 = arith.constant 0 : i32
      %dma_wait3A_89 = arith.constant 0 : i32
      %dma_wait3A_90 = tpu.memref_slice %arg2[%dma_wait3A_88, %dma_wait3A_89] : memref<10000x128xf32, #tpu.memory_space<hbm>> -> memref<10000x128xf32, #tpu.memory_space<hbm>>
      tpu.wait_indirect_dma semaphore(%arg7 : memref<!tpu.dma_semaphore, #tpu.memory_space<semaphore_mem>>) src(%dma_wait3A_90 : memref<10000x128xf32, #tpu.memory_space<hbm>>) dst(%dma_wait3A_86 : memref<128x128xf32, #tpu.memory_space<vmem>>)
      %dma_wait3A_91 = arith.constant 3 : i32
      %dma_wait3A_92 = arith.constant 0 : i32
      %dma_wait3A_93 = arith.constant 0 : i32
      %dma_wait3A_94 = tpu.memref_slice %arg6[%dma_wait3A_91, %dma_wait3A_92, %dma_wait3A_93] : memref<5x128x128xf32, #tpu.memory_space<vmem>> -> memref<1x128x128xf32, #tpu.memory_space<vmem>>
      %dma_wait3A_95 = tpu.memref_squeeze %dma_wait3A_94 : memref<1x128x128xf32, #tpu.memory_space<vmem>> -> memref<128x128xf32, #tpu.memory_space<vmem>>
      %dma_wait3A_96 = tpu.memref_slice %arg5[%add3A_44] : memref<5120xi32, #tpu.memory_space<vmem>> -> memref<128xi32, #tpu.memory_space<vmem>>
      %dma_wait3A_97 = arith.constant 0 : i32
      %dma_wait3A_98 = arith.constant 0 : i32
      %dma_wait3A_99 = tpu.memref_slice %arg2[%dma_wait3A_97, %dma_wait3A_98] : memref<10000x128xf32, #tpu.memory_space<hbm>> -> memref<10000x128xf32, #tpu.memory_space<hbm>>
      tpu.wait_indirect_dma semaphore(%arg7 : memref<!tpu.dma_semaphore, #tpu.memory_space<semaphore_mem>>) src(%dma_wait3A_99 : memref<10000x128xf32, #tpu.memory_space<hbm>>) dst(%dma_wait3A_95 : memref<128x128xf32, #tpu.memory_space<vmem>>)
      %dma_wait3A_100 = arith.constant 4 : i32
      %dma_wait3A_101 = arith.constant 0 : i32
      %dma_wait3A_102 = arith.constant 0 : i32
      %dma_wait3A_103 = tpu.memref_slice %arg6[%dma_wait3A_100, %dma_wait3A_101, %dma_wait3A_102] : memref<5x128x128xf32, #tpu.memory_space<vmem>> -> memref<1x128x128xf32, #tpu.memory_space<vmem>>
      %dma_wait3A_104 = tpu.memref_squeeze %dma_wait3A_103 : memref<1x128x128xf32, #tpu.memory_space<vmem>> -> memref<128x128xf32, #tpu.memory_space<vmem>>
      %dma_wait3A_105 = tpu.memref_slice %arg5[%add3A_55] : memref<5120xi32, #tpu.memory_space<vmem>> -> memref<128xi32, #tpu.memory_space<vmem>>
      %dma_wait3A_106 = arith.constant 0 : i32
      %dma_wait3A_107 = arith.constant 0 : i32
      %dma_wait3A_108 = tpu.memref_slice %arg2[%dma_wait3A_106, %dma_wait3A_107] : memref<10000x128xf32, #tpu.memory_space<hbm>> -> memref<10000x128xf32, #tpu.memory_space<hbm>>
      tpu.wait_indirect_dma semaphore(%arg7 : memref<!tpu.dma_semaphore, #tpu.memory_space<semaphore_mem>>) src(%dma_wait3A_108 : memref<10000x128xf32, #tpu.memory_space<hbm>>) dst(%dma_wait3A_104 : memref<128x128xf32, #tpu.memory_space<vmem>>)
      %add3A_109 = arith.addi %mul3A_2, %mul3A_10 : i32
      %add3A_110 = arith.constant 0 : i32
      %add3A_111 = arith.addi %add3A_109, %add3A_110 : i32
      %dma_start3A_112 = arith.constant 0 : i32
      %dma_start3A_113 = arith.constant 0 : i32
      %dma_start3A_114 = arith.constant 0 : i32
      %dma_start3A_115 = tpu.memref_slice %arg6[%dma_start3A_112, %dma_start3A_113, %dma_start3A_114] : memref<5x128x128xf32, #tpu.memory_space<vmem>> -> memref<1x128x128xf32, #tpu.memory_space<vmem>>
      %dma_start3A_116 = tpu.memref_squeeze %dma_start3A_115 : memref<1x128x128xf32, #tpu.memory_space<vmem>> -> memref<128x128xf32, #tpu.memory_space<vmem>>
      %dma_start3A_117 = arith.constant 0 : i32
      %dma_start3A_118 = tpu.memref_slice %arg4[%add3A_111, %dma_start3A_117] : memref<163840x128xf32, #tpu.memory_space<hbm>> -> memref<128x128xf32, #tpu.memory_space<hbm>>
      %dma_start3A_119 = arith.constant 0 : i32
      %dma_start3A_120 = tpu.memref_slice %arg4[%add3A_111, %dma_start3A_119] : memref<163840x128xf32, #tpu.memory_space<hbm>> -> memref<128x128xf32, #tpu.memory_space<hbm>>
      %dma_start3A_121 = arith.constant 0 : i32
      %dma_start3A_122 = arith.constant 0 : i32
      %dma_start3A_123 = tpu.memref_slice %arg6[%dma_start3A_112, %dma_start3A_121, %dma_start3A_122] : memref<5x128x128xf32, #tpu.memory_space<vmem>> -> memref<1x128x128xf32, #tpu.memory_space<vmem>>
      %dma_start3A_124 = tpu.memref_squeeze %dma_start3A_123 : memref<1x128x128xf32, #tpu.memory_space<vmem>> -> memref<128x128xf32, #tpu.memory_space<vmem>>
      tpu.enqueue_dma source(%dma_start3A_124 : memref<128x128xf32, #tpu.memory_space<vmem>>) target(%dma_start3A_120 : memref<128x128xf32, #tpu.memory_space<hbm>>) target_semaphore(%arg8 : memref<!tpu.dma_semaphore, #tpu.memory_space<semaphore_mem>>)
      %add3A_125 = arith.addi %mul3A_2, %mul3A_10 : i32
      %add3A_126 = arith.constant 128 : i32
      %add3A_127 = arith.addi %add3A_125, %add3A_126 : i32
      %dma_start3A_128 = arith.constant 1 : i32
      %dma_start3A_129 = arith.constant 0 : i32
      %dma_start3A_130 = arith.constant 0 : i32
      %dma_start3A_131 = tpu.memref_slice %arg6[%dma_start3A_128, %dma_start3A_129, %dma_start3A_130] : memref<5x128x128xf32, #tpu.memory_space<vmem>> -> memref<1x128x128xf32, #tpu.memory_space<vmem>>
      %dma_start3A_132 = tpu.memref_squeeze %dma_start3A_131 : memref<1x128x128xf32, #tpu.memory_space<vmem>> -> memref<128x128xf32, #tpu.memory_space<vmem>>
      %dma_start3A_133 = arith.constant 0 : i32
      %dma_start3A_134 = tpu.memref_slice %arg4[%add3A_127, %dma_start3A_133] : memref<163840x128xf32, #tpu.memory_space<hbm>> -> memref<128x128xf32, #tpu.memory_space<hbm>>
      %dma_start3A_135 = arith.constant 0 : i32
      %dma_start3A_136 = tpu.memref_slice %arg4[%add3A_127, %dma_start3A_135] : memref<163840x128xf32, #tpu.memory_space<hbm>> -> memref<128x128xf32, #tpu.memory_space<hbm>>
      %dma_start3A_137 = arith.constant 0 : i32
      %dma_start3A_138 = arith.constant 0 : i32
      %dma_start3A_139 = tpu.memref_slice %arg6[%dma_start3A_128, %dma_start3A_137, %dma_start3A_138] : memref<5x128x128xf32, #tpu.memory_space<vmem>> -> memref<1x128x128xf32, #tpu.memory_space<vmem>>
      %dma_start3A_140 = tpu.memref_squeeze %dma_start3A_139 : memref<1x128x128xf32, #tpu.memory_space<vmem>> -> memref<128x128xf32, #tpu.memory_space<vmem>>
      tpu.enqueue_dma source(%dma_start3A_140 : memref<128x128xf32, #tpu.memory_space<vmem>>) target(%dma_start3A_136 : memref<128x128xf32, #tpu.memory_space<hbm>>) target_semaphore(%arg8 : memref<!tpu.dma_semaphore, #tpu.memory_space<semaphore_mem>>)
      %add3A_141 = arith.addi %mul3A_2, %mul3A_10 : i32
      %add3A_142 = arith.constant 256 : i32
      %add3A_143 = arith.addi %add3A_141, %add3A_142 : i32
      %dma_start3A_144 = arith.constant 2 : i32
      %dma_start3A_145 = arith.constant 0 : i32
      %dma_start3A_146 = arith.constant 0 : i32
      %dma_start3A_147 = tpu.memref_slice %arg6[%dma_start3A_144, %dma_start3A_145, %dma_start3A_146] : memref<5x128x128xf32, #tpu.memory_space<vmem>> -> memref<1x128x128xf32, #tpu.memory_space<vmem>>
      %dma_start3A_148 = tpu.memref_squeeze %dma_start3A_147 : memref<1x128x128xf32, #tpu.memory_space<vmem>> -> memref<128x128xf32, #tpu.memory_space<vmem>>
      %dma_start3A_149 = arith.constant 0 : i32
      %dma_start3A_150 = tpu.memref_slice %arg4[%add3A_143, %dma_start3A_149] : memref<163840x128xf32, #tpu.memory_space<hbm>> -> memref<128x128xf32, #tpu.memory_space<hbm>>
      %dma_start3A_151 = arith.constant 0 : i32
      %dma_start3A_152 = tpu.memref_slice %arg4[%add3A_143, %dma_start3A_151] : memref<163840x128xf32, #tpu.memory_space<hbm>> -> memref<128x128xf32, #tpu.memory_space<hbm>>
      %dma_start3A_153 = arith.constant 0 : i32
      %dma_start3A_154 = arith.constant 0 : i32
      %dma_start3A_155 = tpu.memref_slice %arg6[%dma_start3A_144, %dma_start3A_153, %dma_start3A_154] : memref<5x128x128xf32, #tpu.memory_space<vmem>> -> memref<1x128x128xf32, #tpu.memory_space<vmem>>
      %dma_start3A_156 = tpu.memref_squeeze %dma_start3A_155 : memref<1x128x128xf32, #tpu.memory_space<vmem>> -> memref<128x128xf32, #tpu.memory_space<vmem>>
      tpu.enqueue_dma source(%dma_start3A_156 : memref<128x128xf32, #tpu.memory_space<vmem>>) target(%dma_start3A_152 : memref<128x128xf32, #tpu.memory_space<hbm>>) target_semaphore(%arg8 : memref<!tpu.dma_semaphore, #tpu.memory_space<semaphore_mem>>)
      %add3A_157 = arith.addi %mul3A_2, %mul3A_10 : i32
      %add3A_158 = arith.constant 384 : i32
      %add3A_159 = arith.addi %add3A_157, %add3A_158 : i32
      %dma_start3A_160 = arith.constant 3 : i32
      %dma_start3A_161 = arith.constant 0 : i32
      %dma_start3A_162 = arith.constant 0 : i32
      %dma_start3A_163 = tpu.memref_slice %arg6[%dma_start3A_160, %dma_start3A_161, %dma_start3A_162] : memref<5x128x128xf32, #tpu.memory_space<vmem>> -> memref<1x128x128xf32, #tpu.memory_space<vmem>>
      %dma_start3A_164 = tpu.memref_squeeze %dma_start3A_163 : memref<1x128x128xf32, #tpu.memory_space<vmem>> -> memref<128x128xf32, #tpu.memory_space<vmem>>
      %dma_start3A_165 = arith.constant 0 : i32
      %dma_start3A_166 = tpu.memref_slice %arg4[%add3A_159, %dma_start3A_165] : memref<163840x128xf32, #tpu.memory_space<hbm>> -> memref<128x128xf32, #tpu.memory_space<hbm>>
      %dma_start3A_167 = arith.constant 0 : i32
      %dma_start3A_168 = tpu.memref_slice %arg4[%add3A_159, %dma_start3A_167] : memref<163840x128xf32, #tpu.memory_space<hbm>> -> memref<128x128xf32, #tpu.memory_space<hbm>>
      %dma_start3A_169 = arith.constant 0 : i32
      %dma_start3A_170 = arith.constant 0 : i32
      %dma_start3A_171 = tpu.memref_slice %arg6[%dma_start3A_160, %dma_start3A_169, %dma_start3A_170] : memref<5x128x128xf32, #tpu.memory_space<vmem>> -> memref<1x128x128xf32, #tpu.memory_space<vmem>>
      %dma_start3A_172 = tpu.memref_squeeze %dma_start3A_171 : memref<1x128x128xf32, #tpu.memory_space<vmem>> -> memref<128x128xf32, #tpu.memory_space<vmem>>
      tpu.enqueue_dma source(%dma_start3A_172 : memref<128x128xf32, #tpu.memory_space<vmem>>) target(%dma_start3A_168 : memref<128x128xf32, #tpu.memory_space<hbm>>) target_semaphore(%arg8 : memref<!tpu.dma_semaphore, #tpu.memory_space<semaphore_mem>>)
      %add3A_173 = arith.addi %mul3A_2, %mul3A_10 : i32
      %add3A_174 = arith.constant 512 : i32
      %add3A_175 = arith.addi %add3A_173, %add3A_174 : i32
      %dma_start3A_176 = arith.constant 4 : i32
      %dma_start3A_177 = arith.constant 0 : i32
      %dma_start3A_178 = arith.constant 0 : i32
      %dma_start3A_179 = tpu.memref_slice %arg6[%dma_start3A_176, %dma_start3A_177, %dma_start3A_178] : memref<5x128x128xf32, #tpu.memory_space<vmem>> -> memref<1x128x128xf32, #tpu.memory_space<vmem>>
      %dma_start3A_180 = tpu.memref_squeeze %dma_start3A_179 : memref<1x128x128xf32, #tpu.memory_space<vmem>> -> memref<128x128xf32, #tpu.memory_space<vmem>>
      %dma_start3A_181 = arith.constant 0 : i32
      %dma_start3A_182 = tpu.memref_slice %arg4[%add3A_175, %dma_start3A_181] : memref<163840x128xf32, #tpu.memory_space<hbm>> -> memref<128x128xf32, #tpu.memory_space<hbm>>
      %dma_start3A_183 = arith.constant 0 : i32
      %dma_start3A_184 = tpu.memref_slice %arg4[%add3A_175, %dma_start3A_183] : memref<163840x128xf32, #tpu.memory_space<hbm>> -> memref<128x128xf32, #tpu.memory_space<hbm>>
      %dma_start3A_185 = arith.constant 0 : i32
      %dma_start3A_186 = arith.constant 0 : i32
      %dma_start3A_187 = tpu.memref_slice %arg6[%dma_start3A_176, %dma_start3A_185, %dma_start3A_186] : memref<5x128x128xf32, #tpu.memory_space<vmem>> -> memref<1x128x128xf32, #tpu.memory_space<vmem>>
      %dma_start3A_188 = tpu.memref_squeeze %dma_start3A_187 : memref<1x128x128xf32, #tpu.memory_space<vmem>> -> memref<128x128xf32, #tpu.memory_space<vmem>>
      tpu.enqueue_dma source(%dma_start3A_188 : memref<128x128xf32, #tpu.memory_space<vmem>>) target(%dma_start3A_184 : memref<128x128xf32, #tpu.memory_space<hbm>>) target_semaphore(%arg8 : memref<!tpu.dma_semaphore, #tpu.memory_space<semaphore_mem>>)
      %dma_wait3A_189 = arith.constant 0 : i32
      %dma_wait3A_190 = arith.constant 0 : i32
      %dma_wait3A_191 = arith.constant 0 : i32
      %dma_wait3A_192 = tpu.memref_slice %arg6[%dma_wait3A_189, %dma_wait3A_190, %dma_wait3A_191] : memref<5x128x128xf32, #tpu.memory_space<vmem>> -> memref<1x128x128xf32, #tpu.memory_space<vmem>>
      %dma_wait3A_193 = tpu.memref_squeeze %dma_wait3A_192 : memref<1x128x128xf32, #tpu.memory_space<vmem>> -> memref<128x128xf32, #tpu.memory_space<vmem>>
      %dma_wait3A_194 = arith.constant 0 : i32
      %dma_wait3A_195 = tpu.memref_slice %arg4[%add3A_111, %dma_wait3A_194] : memref<163840x128xf32, #tpu.memory_space<hbm>> -> memref<128x128xf32, #tpu.memory_space<hbm>>
      %dma_wait3A_196 = arith.constant 0 : i32
      %dma_wait3A_197 = tpu.memref_slice %arg4[%add3A_111, %dma_wait3A_196] : memref<163840x128xf32, #tpu.memory_space<hbm>> -> memref<128x128xf32, #tpu.memory_space<hbm>>
      %dma_wait3A_198 = arith.constant 0 : i32
      %dma_wait3A_199 = arith.constant 0 : i32
      %dma_wait3A_200 = tpu.memref_slice %arg6[%dma_wait3A_189, %dma_wait3A_198, %dma_wait3A_199] : memref<5x128x128xf32, #tpu.memory_space<vmem>> -> memref<1x128x128xf32, #tpu.memory_space<vmem>>
      %dma_wait3A_201 = tpu.memref_squeeze %dma_wait3A_200 : memref<1x128x128xf32, #tpu.memory_space<vmem>> -> memref<128x128xf32, #tpu.memory_space<vmem>>
      tpu.wait_dma2 semaphore(%arg8 : memref<!tpu.dma_semaphore, #tpu.memory_space<semaphore_mem>>) src(%dma_wait3A_201 : memref<128x128xf32, #tpu.memory_space<vmem>>) dst(%dma_wait3A_197 : memref<128x128xf32, #tpu.memory_space<hbm>>)
      %dma_wait3A_202 = arith.constant 1 : i32
      %dma_wait3A_203 = arith.constant 0 : i32
      %dma_wait3A_204 = arith.constant 0 : i32
      %dma_wait3A_205 = tpu.memref_slice %arg6[%dma_wait3A_202, %dma_wait3A_203, %dma_wait3A_204] : memref<5x128x128xf32, #tpu.memory_space<vmem>> -> memref<1x128x128xf32, #tpu.memory_space<vmem>>
      %dma_wait3A_206 = tpu.memref_squeeze %dma_wait3A_205 : memref<1x128x128xf32, #tpu.memory_space<vmem>> -> memref<128x128xf32, #tpu.memory_space<vmem>>
      %dma_wait3A_207 = arith.constant 0 : i32
      %dma_wait3A_208 = tpu.memref_slice %arg4[%add3A_127, %dma_wait3A_207] : memref<163840x128xf32, #tpu.memory_space<hbm>> -> memref<128x128xf32, #tpu.memory_space<hbm>>
      %dma_wait3A_209 = arith.constant 0 : i32
      %dma_wait3A_210 = tpu.memref_slice %arg4[%add3A_127, %dma_wait3A_209] : memref<163840x128xf32, #tpu.memory_space<hbm>> -> memref<128x128xf32, #tpu.memory_space<hbm>>
      %dma_wait3A_211 = arith.constant 0 : i32
      %dma_wait3A_212 = arith.constant 0 : i32
      %dma_wait3A_213 = tpu.memref_slice %arg6[%dma_wait3A_202, %dma_wait3A_211, %dma_wait3A_212] : memref<5x128x128xf32, #tpu.memory_space<vmem>> -> memref<1x128x128xf32, #tpu.memory_space<vmem>>
      %dma_wait3A_214 = tpu.memref_squeeze %dma_wait3A_213 : memref<1x128x128xf32, #tpu.memory_space<vmem>> -> memref<128x128xf32, #tpu.memory_space<vmem>>
      tpu.wait_dma2 semaphore(%arg8 : memref<!tpu.dma_semaphore, #tpu.memory_space<semaphore_mem>>) src(%dma_wait3A_214 : memref<128x128xf32, #tpu.memory_space<vmem>>) dst(%dma_wait3A_210 : memref<128x128xf32, #tpu.memory_space<hbm>>)
      %dma_wait3A_215 = arith.constant 2 : i32
      %dma_wait3A_216 = arith.constant 0 : i32
      %dma_wait3A_217 = arith.constant 0 : i32
      %dma_wait3A_218 = tpu.memref_slice %arg6[%dma_wait3A_215, %dma_wait3A_216, %dma_wait3A_217] : memref<5x128x128xf32, #tpu.memory_space<vmem>> -> memref<1x128x128xf32, #tpu.memory_space<vmem>>
      %dma_wait3A_219 = tpu.memref_squeeze %dma_wait3A_218 : memref<1x128x128xf32, #tpu.memory_space<vmem>> -> memref<128x128xf32, #tpu.memory_space<vmem>>
      %dma_wait3A_220 = arith.constant 0 : i32
      %dma_wait3A_221 = tpu.memref_slice %arg4[%add3A_143, %dma_wait3A_220] : memref<163840x128xf32, #tpu.memory_space<hbm>> -> memref<128x128xf32, #tpu.memory_space<hbm>>
      %dma_wait3A_222 = arith.constant 0 : i32
      %dma_wait3A_223 = tpu.memref_slice %arg4[%add3A_143, %dma_wait3A_222] : memref<163840x128xf32, #tpu.memory_space<hbm>> -> memref<128x128xf32, #tpu.memory_space<hbm>>
      %dma_wait3A_224 = arith.constant 0 : i32
      %dma_wait3A_225 = arith.constant 0 : i32
      %dma_wait3A_226 = tpu.memref_slice %arg6[%dma_wait3A_215, %dma_wait3A_224, %dma_wait3A_225] : memref<5x128x128xf32, #tpu.memory_space<vmem>> -> memref<1x128x128xf32, #tpu.memory_space<vmem>>
      %dma_wait3A_227 = tpu.memref_squeeze %dma_wait3A_226 : memref<1x128x128xf32, #tpu.memory_space<vmem>> -> memref<128x128xf32, #tpu.memory_space<vmem>>
      tpu.wait_dma2 semaphore(%arg8 : memref<!tpu.dma_semaphore, #tpu.memory_space<semaphore_mem>>) src(%dma_wait3A_227 : memref<128x128xf32, #tpu.memory_space<vmem>>) dst(%dma_wait3A_223 : memref<128x128xf32, #tpu.memory_space<hbm>>)
      %dma_wait3A_228 = arith.constant 3 : i32
      %dma_wait3A_229 = arith.constant 0 : i32
      %dma_wait3A_230 = arith.constant 0 : i32
      %dma_wait3A_231 = tpu.memref_slice %arg6[%dma_wait3A_228, %dma_wait3A_229, %dma_wait3A_230] : memref<5x128x128xf32, #tpu.memory_space<vmem>> -> memref<1x128x128xf32, #tpu.memory_space<vmem>>
      %dma_wait3A_232 = tpu.memref_squeeze %dma_wait3A_231 : memref<1x128x128xf32, #tpu.memory_space<vmem>> -> memref<128x128xf32, #tpu.memory_space<vmem>>
      %dma_wait3A_233 = arith.constant 0 : i32
      %dma_wait3A_234 = tpu.memref_slice %arg4[%add3A_159, %dma_wait3A_233] : memref<163840x128xf32, #tpu.memory_space<hbm>> -> memref<128x128xf32, #tpu.memory_space<hbm>>
      %dma_wait3A_235 = arith.constant 0 : i32
      %dma_wait3A_236 = tpu.memref_slice %arg4[%add3A_159, %dma_wait3A_235] : memref<163840x128xf32, #tpu.memory_space<hbm>> -> memref<128x128xf32, #tpu.memory_space<hbm>>
      %dma_wait3A_237 = arith.constant 0 : i32
      %dma_wait3A_238 = arith.constant 0 : i32
      %dma_wait3A_239 = tpu.memref_slice %arg6[%dma_wait3A_228, %dma_wait3A_237, %dma_wait3A_238] : memref<5x128x128xf32, #tpu.memory_space<vmem>> -> memref<1x128x128xf32, #tpu.memory_space<vmem>>
      %dma_wait3A_240 = tpu.memref_squeeze %dma_wait3A_239 : memref<1x128x128xf32, #tpu.memory_space<vmem>> -> memref<128x128xf32, #tpu.memory_space<vmem>>
      tpu.wait_dma2 semaphore(%arg8 : memref<!tpu.dma_semaphore, #tpu.memory_space<semaphore_mem>>) src(%dma_wait3A_240 : memref<128x128xf32, #tpu.memory_space<vmem>>) dst(%dma_wait3A_236 : memref<128x128xf32, #tpu.memory_space<hbm>>)
      %dma_wait3A_241 = arith.constant 4 : i32
      %dma_wait3A_242 = arith.constant 0 : i32
      %dma_wait3A_243 = arith.constant 0 : i32
      %dma_wait3A_244 = tpu.memref_slice %arg6[%dma_wait3A_241, %dma_wait3A_242, %dma_wait3A_243] : memref<5x128x128xf32, #tpu.memory_space<vmem>> -> memref<1x128x128xf32, #tpu.memory_space<vmem>>
      %dma_wait3A_245 = tpu.memref_squeeze %dma_wait3A_244 : memref<1x128x128xf32, #tpu.memory_space<vmem>> -> memref<128x128xf32, #tpu.memory_space<vmem>>
      %dma_wait3A_246 = arith.constant 0 : i32
      %dma_wait3A_247 = tpu.memref_slice %arg4[%add3A_175, %dma_wait3A_246] : memref<163840x128xf32, #tpu.memory_space<hbm>> -> memref<128x128xf32, #tpu.memory_space<hbm>>
      %dma_wait3A_248 = arith.constant 0 : i32
      %dma_wait3A_249 = tpu.memref_slice %arg4[%add3A_175, %dma_wait3A_248] : memref<163840x128xf32, #tpu.memory_space<hbm>> -> memref<128x128xf32, #tpu.memory_space<hbm>>
      %dma_wait3A_250 = arith.constant 0 : i32
      %dma_wait3A_251 = arith.constant 0 : i32
      %dma_wait3A_252 = tpu.memref_slice %arg6[%dma_wait3A_241, %dma_wait3A_250, %dma_wait3A_251] : memref<5x128x128xf32, #tpu.memory_space<vmem>> -> memref<1x128x128xf32, #tpu.memory_space<vmem>>
      %dma_wait3A_253 = tpu.memref_squeeze %dma_wait3A_252 : memref<1x128x128xf32, #tpu.memory_space<vmem>> -> memref<128x128xf32, #tpu.memory_space<vmem>>
      tpu.wait_dma2 semaphore(%arg8 : memref<!tpu.dma_semaphore, #tpu.memory_space<semaphore_mem>>) src(%dma_wait3A_253 : memref<128x128xf32, #tpu.memory_space<vmem>>) dst(%dma_wait3A_249 : memref<128x128xf32, #tpu.memory_space<hbm>>)
    }
    %scan3A_7 = arith.constant 8 : i32
    return
  }
}

#map = affine_map<(d0, d1) -> (0, 0)>
#map1 = affine_map<(d0, d1) -> (0)>
#map2 = affine_map<(d0, d1) -> (0, 0, 0)>
module attributes {stable_mosaic.version = 14 : i64} {
  func.func @scatter_k(%arg0: i32, %arg1: i32, %arg2: memref<163840x128xf32, #tpu.memory_space<hbm>>, %arg3: memref<163840xi32, #tpu.memory_space<hbm>>, %arg4: memref<80x128xf32, #tpu.memory_space<hbm>>, %arg5: memref<2x1280x128xf32, #tpu.memory_space<hbm>>, %arg6: memref<5x128xi32, #tpu.memory_space<vmem>>, %arg7: memref<5x128x128xf32, #tpu.memory_space<vmem>>, %arg8: memref<1280x128xf32, #tpu.memory_space<vmem_shared>>, %arg9: memref<!tpu.dma_semaphore, #tpu.memory_space<semaphore_mem>>, %arg10: memref<!tpu.dma_semaphore, #tpu.memory_space<semaphore_mem>>, %arg11: memref<!tpu.dma_semaphore, #tpu.memory_space<semaphore_mem>>) attributes {dimension_semantics = [#tpu.dimension_semantics<core_parallel>, #tpu.dimension_semantics<subcore_parallel>], iteration_bounds = array<i64: 2, 16>, scalar_prefetch = 0 : i64, scratch_operands = 6 : i64, tpu.core_type = #tpu.core_type<sc_vector_subcore>, window_params = [{transform_indices = #map}, {transform_indices = #map1}, {transform_indices = #map}, {transform_indices = #map2}]} {
    %mul3A = arith.constant 16 : i32
    %mul3A_0 = arith.muli %arg0, %mul3A : i32
    %add3A = arith.addi %mul3A_0, %arg1 : i32
    %mul3A_1 = arith.constant 80 : i32
    %mul3A_2 = arith.muli %arg1, %mul3A_1 : i32
    "tpu.region"() ({
      %run_scoped3A = tpu.sem_alloc : memref<!tpu.dma_semaphore, #tpu.memory_space<semaphore_mem>>
      %dma_start3A = arith.constant 0 : i32
      %dma_start3A_15 = tpu.memref_slice %arg8[%mul3A_2, %dma_start3A] : memref<1280x128xf32, #tpu.memory_space<vmem_shared>> -> memref<80x128xf32, #tpu.memory_space<vmem_shared>>
      tpu.enqueue_dma source(%arg4 : memref<80x128xf32, #tpu.memory_space<hbm>>) target(%dma_start3A_15 : memref<80x128xf32, #tpu.memory_space<vmem_shared>>) target_semaphore(%run_scoped3A : memref<!tpu.dma_semaphore, #tpu.memory_space<semaphore_mem>>)
      %dma_wait3A = arith.constant 0 : i32
      %dma_wait3A_16 = tpu.memref_slice %arg8[%mul3A_2, %dma_wait3A] : memref<1280x128xf32, #tpu.memory_space<vmem_shared>> -> memref<80x128xf32, #tpu.memory_space<vmem_shared>>
      tpu.wait_dma2 semaphore(%run_scoped3A : memref<!tpu.dma_semaphore, #tpu.memory_space<semaphore_mem>>) src(%arg4 : memref<80x128xf32, #tpu.memory_space<hbm>>) dst(%dma_wait3A_16 : memref<80x128xf32, #tpu.memory_space<vmem_shared>>)
      tpu.yield
    }) : () -> ()
    %barrier3A = arith.constant 0 : index
    tpu.barrier barrier_id(%barrier3A)
    %mul3A_3 = arith.constant 5120 : i32
    %mul3A_4 = arith.muli %add3A, %mul3A_3 : i32
    %scan3A = arith.constant 0 : i32
    %scan3A_5 = arith.constant 0 : i32
    %scan3A_6 = arith.constant 8 : i32
    %scan3A_7 = arith.addi %scan3A_5, %scan3A_6 : i32
    %scan3A_8 = arith.constant 1 : i32
    scf.for %scan3A_15 = %scan3A_5 to %scan3A_7 step %scan3A_8  : i32 {
      %mul3A_16 = arith.constant 640 : i32
      %mul3A_17 = arith.muli %scan3A_15, %mul3A_16 : i32
      %add3A_18 = arith.addi %mul3A_4, %mul3A_17 : i32
      %add3A_19 = arith.constant 0 : i32
      %add3A_20 = arith.addi %add3A_18, %add3A_19 : i32
      %dma_start3A = arith.constant 0 : i32
      %dma_start3A_21 = arith.constant 0 : i32
      %dma_start3A_22 = tpu.memref_slice %arg6[%dma_start3A, %dma_start3A_21] : memref<5x128xi32, #tpu.memory_space<vmem>> -> memref<1x128xi32, #tpu.memory_space<vmem>>
      %dma_start3A_23 = tpu.memref_squeeze %dma_start3A_22 : memref<1x128xi32, #tpu.memory_space<vmem>> -> memref<128xi32, #tpu.memory_space<vmem>>
      %dma_start3A_24 = tpu.memref_slice %arg3[%add3A_20] : memref<163840xi32, #tpu.memory_space<hbm>> -> memref<128xi32, #tpu.memory_space<hbm>>
      %dma_start3A_25 = arith.constant 0 : i32
      %dma_start3A_26 = tpu.memref_slice %arg6[%dma_start3A, %dma_start3A_25] : memref<5x128xi32, #tpu.memory_space<vmem>> -> memref<1x128xi32, #tpu.memory_space<vmem>>
      %dma_start3A_27 = tpu.memref_squeeze %dma_start3A_26 : memref<1x128xi32, #tpu.memory_space<vmem>> -> memref<128xi32, #tpu.memory_space<vmem>>
      %dma_start3A_28 = tpu.memref_slice %arg3[%add3A_20] : memref<163840xi32, #tpu.memory_space<hbm>> -> memref<128xi32, #tpu.memory_space<hbm>>
      tpu.enqueue_dma source(%dma_start3A_28 : memref<128xi32, #tpu.memory_space<hbm>>) target(%dma_start3A_27 : memref<128xi32, #tpu.memory_space<vmem>>) target_semaphore(%arg9 : memref<!tpu.dma_semaphore, #tpu.memory_space<semaphore_mem>>)
      %add3A_29 = arith.constant 128 : i32
      %add3A_30 = arith.addi %add3A_18, %add3A_29 : i32
      %dma_start3A_31 = arith.constant 1 : i32
      %dma_start3A_32 = arith.constant 0 : i32
      %dma_start3A_33 = tpu.memref_slice %arg6[%dma_start3A_31, %dma_start3A_32] : memref<5x128xi32, #tpu.memory_space<vmem>> -> memref<1x128xi32, #tpu.memory_space<vmem>>
      %dma_start3A_34 = tpu.memref_squeeze %dma_start3A_33 : memref<1x128xi32, #tpu.memory_space<vmem>> -> memref<128xi32, #tpu.memory_space<vmem>>
      %dma_start3A_35 = tpu.memref_slice %arg3[%add3A_30] : memref<163840xi32, #tpu.memory_space<hbm>> -> memref<128xi32, #tpu.memory_space<hbm>>
      %dma_start3A_36 = arith.constant 0 : i32
      %dma_start3A_37 = tpu.memref_slice %arg6[%dma_start3A_31, %dma_start3A_36] : memref<5x128xi32, #tpu.memory_space<vmem>> -> memref<1x128xi32, #tpu.memory_space<vmem>>
      %dma_start3A_38 = tpu.memref_squeeze %dma_start3A_37 : memref<1x128xi32, #tpu.memory_space<vmem>> -> memref<128xi32, #tpu.memory_space<vmem>>
      %dma_start3A_39 = tpu.memref_slice %arg3[%add3A_30] : memref<163840xi32, #tpu.memory_space<hbm>> -> memref<128xi32, #tpu.memory_space<hbm>>
      tpu.enqueue_dma source(%dma_start3A_39 : memref<128xi32, #tpu.memory_space<hbm>>) target(%dma_start3A_38 : memref<128xi32, #tpu.memory_space<vmem>>) target_semaphore(%arg9 : memref<!tpu.dma_semaphore, #tpu.memory_space<semaphore_mem>>)
      %add3A_40 = arith.constant 256 : i32
      %add3A_41 = arith.addi %add3A_18, %add3A_40 : i32
      %dma_start3A_42 = arith.constant 2 : i32
      %dma_start3A_43 = arith.constant 0 : i32
      %dma_start3A_44 = tpu.memref_slice %arg6[%dma_start3A_42, %dma_start3A_43] : memref<5x128xi32, #tpu.memory_space<vmem>> -> memref<1x128xi32, #tpu.memory_space<vmem>>
      %dma_start3A_45 = tpu.memref_squeeze %dma_start3A_44 : memref<1x128xi32, #tpu.memory_space<vmem>> -> memref<128xi32, #tpu.memory_space<vmem>>
      %dma_start3A_46 = tpu.memref_slice %arg3[%add3A_41] : memref<163840xi32, #tpu.memory_space<hbm>> -> memref<128xi32, #tpu.memory_space<hbm>>
      %dma_start3A_47 = arith.constant 0 : i32
      %dma_start3A_48 = tpu.memref_slice %arg6[%dma_start3A_42, %dma_start3A_47] : memref<5x128xi32, #tpu.memory_space<vmem>> -> memref<1x128xi32, #tpu.memory_space<vmem>>
      %dma_start3A_49 = tpu.memref_squeeze %dma_start3A_48 : memref<1x128xi32, #tpu.memory_space<vmem>> -> memref<128xi32, #tpu.memory_space<vmem>>
      %dma_start3A_50 = tpu.memref_slice %arg3[%add3A_41] : memref<163840xi32, #tpu.memory_space<hbm>> -> memref<128xi32, #tpu.memory_space<hbm>>
      tpu.enqueue_dma source(%dma_start3A_50 : memref<128xi32, #tpu.memory_space<hbm>>) target(%dma_start3A_49 : memref<128xi32, #tpu.memory_space<vmem>>) target_semaphore(%arg9 : memref<!tpu.dma_semaphore, #tpu.memory_space<semaphore_mem>>)
      %add3A_51 = arith.constant 384 : i32
      %add3A_52 = arith.addi %add3A_18, %add3A_51 : i32
      %dma_start3A_53 = arith.constant 3 : i32
      %dma_start3A_54 = arith.constant 0 : i32
      %dma_start3A_55 = tpu.memref_slice %arg6[%dma_start3A_53, %dma_start3A_54] : memref<5x128xi32, #tpu.memory_space<vmem>> -> memref<1x128xi32, #tpu.memory_space<vmem>>
      %dma_start3A_56 = tpu.memref_squeeze %dma_start3A_55 : memref<1x128xi32, #tpu.memory_space<vmem>> -> memref<128xi32, #tpu.memory_space<vmem>>
      %dma_start3A_57 = tpu.memref_slice %arg3[%add3A_52] : memref<163840xi32, #tpu.memory_space<hbm>> -> memref<128xi32, #tpu.memory_space<hbm>>
      %dma_start3A_58 = arith.constant 0 : i32
      %dma_start3A_59 = tpu.memref_slice %arg6[%dma_start3A_53, %dma_start3A_58] : memref<5x128xi32, #tpu.memory_space<vmem>> -> memref<1x128xi32, #tpu.memory_space<vmem>>
      %dma_start3A_60 = tpu.memref_squeeze %dma_start3A_59 : memref<1x128xi32, #tpu.memory_space<vmem>> -> memref<128xi32, #tpu.memory_space<vmem>>
      %dma_start3A_61 = tpu.memref_slice %arg3[%add3A_52] : memref<163840xi32, #tpu.memory_space<hbm>> -> memref<128xi32, #tpu.memory_space<hbm>>
      tpu.enqueue_dma source(%dma_start3A_61 : memref<128xi32, #tpu.memory_space<hbm>>) target(%dma_start3A_60 : memref<128xi32, #tpu.memory_space<vmem>>) target_semaphore(%arg9 : memref<!tpu.dma_semaphore, #tpu.memory_space<semaphore_mem>>)
      %add3A_62 = arith.constant 512 : i32
      %add3A_63 = arith.addi %add3A_18, %add3A_62 : i32
      %dma_start3A_64 = arith.constant 4 : i32
      %dma_start3A_65 = arith.constant 0 : i32
      %dma_start3A_66 = tpu.memref_slice %arg6[%dma_start3A_64, %dma_start3A_65] : memref<5x128xi32, #tpu.memory_space<vmem>> -> memref<1x128xi32, #tpu.memory_space<vmem>>
      %dma_start3A_67 = tpu.memref_squeeze %dma_start3A_66 : memref<1x128xi32, #tpu.memory_space<vmem>> -> memref<128xi32, #tpu.memory_space<vmem>>
      %dma_start3A_68 = tpu.memref_slice %arg3[%add3A_63] : memref<163840xi32, #tpu.memory_space<hbm>> -> memref<128xi32, #tpu.memory_space<hbm>>
      %dma_start3A_69 = arith.constant 0 : i32
      %dma_start3A_70 = tpu.memref_slice %arg6[%dma_start3A_64, %dma_start3A_69] : memref<5x128xi32, #tpu.memory_space<vmem>> -> memref<1x128xi32, #tpu.memory_space<vmem>>
      %dma_start3A_71 = tpu.memref_squeeze %dma_start3A_70 : memref<1x128xi32, #tpu.memory_space<vmem>> -> memref<128xi32, #tpu.memory_space<vmem>>
      %dma_start3A_72 = tpu.memref_slice %arg3[%add3A_63] : memref<163840xi32, #tpu.memory_space<hbm>> -> memref<128xi32, #tpu.memory_space<hbm>>
      tpu.enqueue_dma source(%dma_start3A_72 : memref<128xi32, #tpu.memory_space<hbm>>) target(%dma_start3A_71 : memref<128xi32, #tpu.memory_space<vmem>>) target_semaphore(%arg9 : memref<!tpu.dma_semaphore, #tpu.memory_space<semaphore_mem>>)
      %add3A_73 = arith.constant 0 : i32
      %add3A_74 = arith.addi %add3A_18, %add3A_73 : i32
      %dma_start3A_75 = arith.constant 0 : i32
      %dma_start3A_76 = arith.constant 0 : i32
      %dma_start3A_77 = arith.constant 0 : i32
      %dma_start3A_78 = tpu.memref_slice %arg7[%dma_start3A_75, %dma_start3A_76, %dma_start3A_77] : memref<5x128x128xf32, #tpu.memory_space<vmem>> -> memref<1x128x128xf32, #tpu.memory_space<vmem>>
      %dma_start3A_79 = tpu.memref_squeeze %dma_start3A_78 : memref<1x128x128xf32, #tpu.memory_space<vmem>> -> memref<128x128xf32, #tpu.memory_space<vmem>>
      %dma_start3A_80 = arith.constant 0 : i32
      %dma_start3A_81 = tpu.memref_slice %arg2[%add3A_74, %dma_start3A_80] : memref<163840x128xf32, #tpu.memory_space<hbm>> -> memref<128x128xf32, #tpu.memory_space<hbm>>
      %dma_start3A_82 = arith.constant 0 : i32
      %dma_start3A_83 = arith.constant 0 : i32
      %dma_start3A_84 = tpu.memref_slice %arg7[%dma_start3A_75, %dma_start3A_82, %dma_start3A_83] : memref<5x128x128xf32, #tpu.memory_space<vmem>> -> memref<1x128x128xf32, #tpu.memory_space<vmem>>
      %dma_start3A_85 = tpu.memref_squeeze %dma_start3A_84 : memref<1x128x128xf32, #tpu.memory_space<vmem>> -> memref<128x128xf32, #tpu.memory_space<vmem>>
      %dma_start3A_86 = arith.constant 0 : i32
      %dma_start3A_87 = tpu.memref_slice %arg2[%add3A_74, %dma_start3A_86] : memref<163840x128xf32, #tpu.memory_space<hbm>> -> memref<128x128xf32, #tpu.memory_space<hbm>>
      tpu.enqueue_dma source(%dma_start3A_87 : memref<128x128xf32, #tpu.memory_space<hbm>>) target(%dma_start3A_85 : memref<128x128xf32, #tpu.memory_space<vmem>>) target_semaphore(%arg10 : memref<!tpu.dma_semaphore, #tpu.memory_space<semaphore_mem>>)
      %add3A_88 = arith.constant 128 : i32
      %add3A_89 = arith.addi %add3A_18, %add3A_88 : i32
      %dma_start3A_90 = arith.constant 1 : i32
      %dma_start3A_91 = arith.constant 0 : i32
      %dma_start3A_92 = arith.constant 0 : i32
      %dma_start3A_93 = tpu.memref_slice %arg7[%dma_start3A_90, %dma_start3A_91, %dma_start3A_92] : memref<5x128x128xf32, #tpu.memory_space<vmem>> -> memref<1x128x128xf32, #tpu.memory_space<vmem>>
      %dma_start3A_94 = tpu.memref_squeeze %dma_start3A_93 : memref<1x128x128xf32, #tpu.memory_space<vmem>> -> memref<128x128xf32, #tpu.memory_space<vmem>>
      %dma_start3A_95 = arith.constant 0 : i32
      %dma_start3A_96 = tpu.memref_slice %arg2[%add3A_89, %dma_start3A_95] : memref<163840x128xf32, #tpu.memory_space<hbm>> -> memref<128x128xf32, #tpu.memory_space<hbm>>
      %dma_start3A_97 = arith.constant 0 : i32
      %dma_start3A_98 = arith.constant 0 : i32
      %dma_start3A_99 = tpu.memref_slice %arg7[%dma_start3A_90, %dma_start3A_97, %dma_start3A_98] : memref<5x128x128xf32, #tpu.memory_space<vmem>> -> memref<1x128x128xf32, #tpu.memory_space<vmem>>
      %dma_start3A_100 = tpu.memref_squeeze %dma_start3A_99 : memref<1x128x128xf32, #tpu.memory_space<vmem>> -> memref<128x128xf32, #tpu.memory_space<vmem>>
      %dma_start3A_101 = arith.constant 0 : i32
      %dma_start3A_102 = tpu.memref_slice %arg2[%add3A_89, %dma_start3A_101] : memref<163840x128xf32, #tpu.memory_space<hbm>> -> memref<128x128xf32, #tpu.memory_space<hbm>>
      tpu.enqueue_dma source(%dma_start3A_102 : memref<128x128xf32, #tpu.memory_space<hbm>>) target(%dma_start3A_100 : memref<128x128xf32, #tpu.memory_space<vmem>>) target_semaphore(%arg10 : memref<!tpu.dma_semaphore, #tpu.memory_space<semaphore_mem>>)
      %add3A_103 = arith.constant 256 : i32
      %add3A_104 = arith.addi %add3A_18, %add3A_103 : i32
      %dma_start3A_105 = arith.constant 2 : i32
      %dma_start3A_106 = arith.constant 0 : i32
      %dma_start3A_107 = arith.constant 0 : i32
      %dma_start3A_108 = tpu.memref_slice %arg7[%dma_start3A_105, %dma_start3A_106, %dma_start3A_107] : memref<5x128x128xf32, #tpu.memory_space<vmem>> -> memref<1x128x128xf32, #tpu.memory_space<vmem>>
      %dma_start3A_109 = tpu.memref_squeeze %dma_start3A_108 : memref<1x128x128xf32, #tpu.memory_space<vmem>> -> memref<128x128xf32, #tpu.memory_space<vmem>>
      %dma_start3A_110 = arith.constant 0 : i32
      %dma_start3A_111 = tpu.memref_slice %arg2[%add3A_104, %dma_start3A_110] : memref<163840x128xf32, #tpu.memory_space<hbm>> -> memref<128x128xf32, #tpu.memory_space<hbm>>
      %dma_start3A_112 = arith.constant 0 : i32
      %dma_start3A_113 = arith.constant 0 : i32
      %dma_start3A_114 = tpu.memref_slice %arg7[%dma_start3A_105, %dma_start3A_112, %dma_start3A_113] : memref<5x128x128xf32, #tpu.memory_space<vmem>> -> memref<1x128x128xf32, #tpu.memory_space<vmem>>
      %dma_start3A_115 = tpu.memref_squeeze %dma_start3A_114 : memref<1x128x128xf32, #tpu.memory_space<vmem>> -> memref<128x128xf32, #tpu.memory_space<vmem>>
      %dma_start3A_116 = arith.constant 0 : i32
      %dma_start3A_117 = tpu.memref_slice %arg2[%add3A_104, %dma_start3A_116] : memref<163840x128xf32, #tpu.memory_space<hbm>> -> memref<128x128xf32, #tpu.memory_space<hbm>>
      tpu.enqueue_dma source(%dma_start3A_117 : memref<128x128xf32, #tpu.memory_space<hbm>>) target(%dma_start3A_115 : memref<128x128xf32, #tpu.memory_space<vmem>>) target_semaphore(%arg10 : memref<!tpu.dma_semaphore, #tpu.memory_space<semaphore_mem>>)
      %add3A_118 = arith.constant 384 : i32
      %add3A_119 = arith.addi %add3A_18, %add3A_118 : i32
      %dma_start3A_120 = arith.constant 3 : i32
      %dma_start3A_121 = arith.constant 0 : i32
      %dma_start3A_122 = arith.constant 0 : i32
      %dma_start3A_123 = tpu.memref_slice %arg7[%dma_start3A_120, %dma_start3A_121, %dma_start3A_122] : memref<5x128x128xf32, #tpu.memory_space<vmem>> -> memref<1x128x128xf32, #tpu.memory_space<vmem>>
      %dma_start3A_124 = tpu.memref_squeeze %dma_start3A_123 : memref<1x128x128xf32, #tpu.memory_space<vmem>> -> memref<128x128xf32, #tpu.memory_space<vmem>>
      %dma_start3A_125 = arith.constant 0 : i32
      %dma_start3A_126 = tpu.memref_slice %arg2[%add3A_119, %dma_start3A_125] : memref<163840x128xf32, #tpu.memory_space<hbm>> -> memref<128x128xf32, #tpu.memory_space<hbm>>
      %dma_start3A_127 = arith.constant 0 : i32
      %dma_start3A_128 = arith.constant 0 : i32
      %dma_start3A_129 = tpu.memref_slice %arg7[%dma_start3A_120, %dma_start3A_127, %dma_start3A_128] : memref<5x128x128xf32, #tpu.memory_space<vmem>> -> memref<1x128x128xf32, #tpu.memory_space<vmem>>
      %dma_start3A_130 = tpu.memref_squeeze %dma_start3A_129 : memref<1x128x128xf32, #tpu.memory_space<vmem>> -> memref<128x128xf32, #tpu.memory_space<vmem>>
      %dma_start3A_131 = arith.constant 0 : i32
      %dma_start3A_132 = tpu.memref_slice %arg2[%add3A_119, %dma_start3A_131] : memref<163840x128xf32, #tpu.memory_space<hbm>> -> memref<128x128xf32, #tpu.memory_space<hbm>>
      tpu.enqueue_dma source(%dma_start3A_132 : memref<128x128xf32, #tpu.memory_space<hbm>>) target(%dma_start3A_130 : memref<128x128xf32, #tpu.memory_space<vmem>>) target_semaphore(%arg10 : memref<!tpu.dma_semaphore, #tpu.memory_space<semaphore_mem>>)
      %add3A_133 = arith.constant 512 : i32
      %add3A_134 = arith.addi %add3A_18, %add3A_133 : i32
      %dma_start3A_135 = arith.constant 4 : i32
      %dma_start3A_136 = arith.constant 0 : i32
      %dma_start3A_137 = arith.constant 0 : i32
      %dma_start3A_138 = tpu.memref_slice %arg7[%dma_start3A_135, %dma_start3A_136, %dma_start3A_137] : memref<5x128x128xf32, #tpu.memory_space<vmem>> -> memref<1x128x128xf32, #tpu.memory_space<vmem>>
      %dma_start3A_139 = tpu.memref_squeeze %dma_start3A_138 : memref<1x128x128xf32, #tpu.memory_space<vmem>> -> memref<128x128xf32, #tpu.memory_space<vmem>>
      %dma_start3A_140 = arith.constant 0 : i32
      %dma_start3A_141 = tpu.memref_slice %arg2[%add3A_134, %dma_start3A_140] : memref<163840x128xf32, #tpu.memory_space<hbm>> -> memref<128x128xf32, #tpu.memory_space<hbm>>
      %dma_start3A_142 = arith.constant 0 : i32
      %dma_start3A_143 = arith.constant 0 : i32
      %dma_start3A_144 = tpu.memref_slice %arg7[%dma_start3A_135, %dma_start3A_142, %dma_start3A_143] : memref<5x128x128xf32, #tpu.memory_space<vmem>> -> memref<1x128x128xf32, #tpu.memory_space<vmem>>
      %dma_start3A_145 = tpu.memref_squeeze %dma_start3A_144 : memref<1x128x128xf32, #tpu.memory_space<vmem>> -> memref<128x128xf32, #tpu.memory_space<vmem>>
      %dma_start3A_146 = arith.constant 0 : i32
      %dma_start3A_147 = tpu.memref_slice %arg2[%add3A_134, %dma_start3A_146] : memref<163840x128xf32, #tpu.memory_space<hbm>> -> memref<128x128xf32, #tpu.memory_space<hbm>>
      tpu.enqueue_dma source(%dma_start3A_147 : memref<128x128xf32, #tpu.memory_space<hbm>>) target(%dma_start3A_145 : memref<128x128xf32, #tpu.memory_space<vmem>>) target_semaphore(%arg10 : memref<!tpu.dma_semaphore, #tpu.memory_space<semaphore_mem>>)
      %dma_wait3A = arith.constant 0 : i32
      %dma_wait3A_148 = arith.constant 0 : i32
      %dma_wait3A_149 = tpu.memref_slice %arg6[%dma_wait3A, %dma_wait3A_148] : memref<5x128xi32, #tpu.memory_space<vmem>> -> memref<1x128xi32, #tpu.memory_space<vmem>>
      %dma_wait3A_150 = tpu.memref_squeeze %dma_wait3A_149 : memref<1x128xi32, #tpu.memory_space<vmem>> -> memref<128xi32, #tpu.memory_space<vmem>>
      %dma_wait3A_151 = tpu.memref_slice %arg3[%add3A_20] : memref<163840xi32, #tpu.memory_space<hbm>> -> memref<128xi32, #tpu.memory_space<hbm>>
      %dma_wait3A_152 = arith.constant 0 : i32
      %dma_wait3A_153 = tpu.memref_slice %arg6[%dma_wait3A, %dma_wait3A_152] : memref<5x128xi32, #tpu.memory_space<vmem>> -> memref<1x128xi32, #tpu.memory_space<vmem>>
      %dma_wait3A_154 = tpu.memref_squeeze %dma_wait3A_153 : memref<1x128xi32, #tpu.memory_space<vmem>> -> memref<128xi32, #tpu.memory_space<vmem>>
      %dma_wait3A_155 = tpu.memref_slice %arg3[%add3A_20] : memref<163840xi32, #tpu.memory_space<hbm>> -> memref<128xi32, #tpu.memory_space<hbm>>
      tpu.wait_dma2 semaphore(%arg9 : memref<!tpu.dma_semaphore, #tpu.memory_space<semaphore_mem>>) src(%dma_wait3A_155 : memref<128xi32, #tpu.memory_space<hbm>>) dst(%dma_wait3A_154 : memref<128xi32, #tpu.memory_space<vmem>>)
      %dma_wait3A_156 = arith.constant 1 : i32
      %dma_wait3A_157 = arith.constant 0 : i32
      %dma_wait3A_158 = tpu.memref_slice %arg6[%dma_wait3A_156, %dma_wait3A_157] : memref<5x128xi32, #tpu.memory_space<vmem>> -> memref<1x128xi32, #tpu.memory_space<vmem>>
      %dma_wait3A_159 = tpu.memref_squeeze %dma_wait3A_158 : memref<1x128xi32, #tpu.memory_space<vmem>> -> memref<128xi32, #tpu.memory_space<vmem>>
      %dma_wait3A_160 = tpu.memref_slice %arg3[%add3A_30] : memref<163840xi32, #tpu.memory_space<hbm>> -> memref<128xi32, #tpu.memory_space<hbm>>
      %dma_wait3A_161 = arith.constant 0 : i32
      %dma_wait3A_162 = tpu.memref_slice %arg6[%dma_wait3A_156, %dma_wait3A_161] : memref<5x128xi32, #tpu.memory_space<vmem>> -> memref<1x128xi32, #tpu.memory_space<vmem>>
      %dma_wait3A_163 = tpu.memref_squeeze %dma_wait3A_162 : memref<1x128xi32, #tpu.memory_space<vmem>> -> memref<128xi32, #tpu.memory_space<vmem>>
      %dma_wait3A_164 = tpu.memref_slice %arg3[%add3A_30] : memref<163840xi32, #tpu.memory_space<hbm>> -> memref<128xi32, #tpu.memory_space<hbm>>
      tpu.wait_dma2 semaphore(%arg9 : memref<!tpu.dma_semaphore, #tpu.memory_space<semaphore_mem>>) src(%dma_wait3A_164 : memref<128xi32, #tpu.memory_space<hbm>>) dst(%dma_wait3A_163 : memref<128xi32, #tpu.memory_space<vmem>>)
      %dma_wait3A_165 = arith.constant 2 : i32
      %dma_wait3A_166 = arith.constant 0 : i32
      %dma_wait3A_167 = tpu.memref_slice %arg6[%dma_wait3A_165, %dma_wait3A_166] : memref<5x128xi32, #tpu.memory_space<vmem>> -> memref<1x128xi32, #tpu.memory_space<vmem>>
      %dma_wait3A_168 = tpu.memref_squeeze %dma_wait3A_167 : memref<1x128xi32, #tpu.memory_space<vmem>> -> memref<128xi32, #tpu.memory_space<vmem>>
      %dma_wait3A_169 = tpu.memref_slice %arg3[%add3A_41] : memref<163840xi32, #tpu.memory_space<hbm>> -> memref<128xi32, #tpu.memory_space<hbm>>
      %dma_wait3A_170 = arith.constant 0 : i32
      %dma_wait3A_171 = tpu.memref_slice %arg6[%dma_wait3A_165, %dma_wait3A_170] : memref<5x128xi32, #tpu.memory_space<vmem>> -> memref<1x128xi32, #tpu.memory_space<vmem>>
      %dma_wait3A_172 = tpu.memref_squeeze %dma_wait3A_171 : memref<1x128xi32, #tpu.memory_space<vmem>> -> memref<128xi32, #tpu.memory_space<vmem>>
      %dma_wait3A_173 = tpu.memref_slice %arg3[%add3A_41] : memref<163840xi32, #tpu.memory_space<hbm>> -> memref<128xi32, #tpu.memory_space<hbm>>
      tpu.wait_dma2 semaphore(%arg9 : memref<!tpu.dma_semaphore, #tpu.memory_space<semaphore_mem>>) src(%dma_wait3A_173 : memref<128xi32, #tpu.memory_space<hbm>>) dst(%dma_wait3A_172 : memref<128xi32, #tpu.memory_space<vmem>>)
      %dma_wait3A_174 = arith.constant 3 : i32
      %dma_wait3A_175 = arith.constant 0 : i32
      %dma_wait3A_176 = tpu.memref_slice %arg6[%dma_wait3A_174, %dma_wait3A_175] : memref<5x128xi32, #tpu.memory_space<vmem>> -> memref<1x128xi32, #tpu.memory_space<vmem>>
      %dma_wait3A_177 = tpu.memref_squeeze %dma_wait3A_176 : memref<1x128xi32, #tpu.memory_space<vmem>> -> memref<128xi32, #tpu.memory_space<vmem>>
      %dma_wait3A_178 = tpu.memref_slice %arg3[%add3A_52] : memref<163840xi32, #tpu.memory_space<hbm>> -> memref<128xi32, #tpu.memory_space<hbm>>
      %dma_wait3A_179 = arith.constant 0 : i32
      %dma_wait3A_180 = tpu.memref_slice %arg6[%dma_wait3A_174, %dma_wait3A_179] : memref<5x128xi32, #tpu.memory_space<vmem>> -> memref<1x128xi32, #tpu.memory_space<vmem>>
      %dma_wait3A_181 = tpu.memref_squeeze %dma_wait3A_180 : memref<1x128xi32, #tpu.memory_space<vmem>> -> memref<128xi32, #tpu.memory_space<vmem>>
      %dma_wait3A_182 = tpu.memref_slice %arg3[%add3A_52] : memref<163840xi32, #tpu.memory_space<hbm>> -> memref<128xi32, #tpu.memory_space<hbm>>
      tpu.wait_dma2 semaphore(%arg9 : memref<!tpu.dma_semaphore, #tpu.memory_space<semaphore_mem>>) src(%dma_wait3A_182 : memref<128xi32, #tpu.memory_space<hbm>>) dst(%dma_wait3A_181 : memref<128xi32, #tpu.memory_space<vmem>>)
      %dma_wait3A_183 = arith.constant 4 : i32
      %dma_wait3A_184 = arith.constant 0 : i32
      %dma_wait3A_185 = tpu.memref_slice %arg6[%dma_wait3A_183, %dma_wait3A_184] : memref<5x128xi32, #tpu.memory_space<vmem>> -> memref<1x128xi32, #tpu.memory_space<vmem>>
      %dma_wait3A_186 = tpu.memref_squeeze %dma_wait3A_185 : memref<1x128xi32, #tpu.memory_space<vmem>> -> memref<128xi32, #tpu.memory_space<vmem>>
      %dma_wait3A_187 = tpu.memref_slice %arg3[%add3A_63] : memref<163840xi32, #tpu.memory_space<hbm>> -> memref<128xi32, #tpu.memory_space<hbm>>
      %dma_wait3A_188 = arith.constant 0 : i32
      %dma_wait3A_189 = tpu.memref_slice %arg6[%dma_wait3A_183, %dma_wait3A_188] : memref<5x128xi32, #tpu.memory_space<vmem>> -> memref<1x128xi32, #tpu.memory_space<vmem>>
      %dma_wait3A_190 = tpu.memref_squeeze %dma_wait3A_189 : memref<1x128xi32, #tpu.memory_space<vmem>> -> memref<128xi32, #tpu.memory_space<vmem>>
      %dma_wait3A_191 = tpu.memref_slice %arg3[%add3A_63] : memref<163840xi32, #tpu.memory_space<hbm>> -> memref<128xi32, #tpu.memory_space<hbm>>
      tpu.wait_dma2 semaphore(%arg9 : memref<!tpu.dma_semaphore, #tpu.memory_space<semaphore_mem>>) src(%dma_wait3A_191 : memref<128xi32, #tpu.memory_space<hbm>>) dst(%dma_wait3A_190 : memref<128xi32, #tpu.memory_space<vmem>>)
      %dma_wait3A_192 = arith.constant 0 : i32
      %dma_wait3A_193 = arith.constant 0 : i32
      %dma_wait3A_194 = arith.constant 0 : i32
      %dma_wait3A_195 = tpu.memref_slice %arg7[%dma_wait3A_192, %dma_wait3A_193, %dma_wait3A_194] : memref<5x128x128xf32, #tpu.memory_space<vmem>> -> memref<1x128x128xf32, #tpu.memory_space<vmem>>
      %dma_wait3A_196 = tpu.memref_squeeze %dma_wait3A_195 : memref<1x128x128xf32, #tpu.memory_space<vmem>> -> memref<128x128xf32, #tpu.memory_space<vmem>>
      %dma_wait3A_197 = arith.constant 0 : i32
      %dma_wait3A_198 = tpu.memref_slice %arg2[%add3A_74, %dma_wait3A_197] : memref<163840x128xf32, #tpu.memory_space<hbm>> -> memref<128x128xf32, #tpu.memory_space<hbm>>
      %dma_wait3A_199 = arith.constant 0 : i32
      %dma_wait3A_200 = arith.constant 0 : i32
      %dma_wait3A_201 = tpu.memref_slice %arg7[%dma_wait3A_192, %dma_wait3A_199, %dma_wait3A_200] : memref<5x128x128xf32, #tpu.memory_space<vmem>> -> memref<1x128x128xf32, #tpu.memory_space<vmem>>
      %dma_wait3A_202 = tpu.memref_squeeze %dma_wait3A_201 : memref<1x128x128xf32, #tpu.memory_space<vmem>> -> memref<128x128xf32, #tpu.memory_space<vmem>>
      %dma_wait3A_203 = arith.constant 0 : i32
      %dma_wait3A_204 = tpu.memref_slice %arg2[%add3A_74, %dma_wait3A_203] : memref<163840x128xf32, #tpu.memory_space<hbm>> -> memref<128x128xf32, #tpu.memory_space<hbm>>
      tpu.wait_dma2 semaphore(%arg10 : memref<!tpu.dma_semaphore, #tpu.memory_space<semaphore_mem>>) src(%dma_wait3A_204 : memref<128x128xf32, #tpu.memory_space<hbm>>) dst(%dma_wait3A_202 : memref<128x128xf32, #tpu.memory_space<vmem>>)
      %dma_wait3A_205 = arith.constant 1 : i32
      %dma_wait3A_206 = arith.constant 0 : i32
      %dma_wait3A_207 = arith.constant 0 : i32
      %dma_wait3A_208 = tpu.memref_slice %arg7[%dma_wait3A_205, %dma_wait3A_206, %dma_wait3A_207] : memref<5x128x128xf32, #tpu.memory_space<vmem>> -> memref<1x128x128xf32, #tpu.memory_space<vmem>>
      %dma_wait3A_209 = tpu.memref_squeeze %dma_wait3A_208 : memref<1x128x128xf32, #tpu.memory_space<vmem>> -> memref<128x128xf32, #tpu.memory_space<vmem>>
      %dma_wait3A_210 = arith.constant 0 : i32
      %dma_wait3A_211 = tpu.memref_slice %arg2[%add3A_89, %dma_wait3A_210] : memref<163840x128xf32, #tpu.memory_space<hbm>> -> memref<128x128xf32, #tpu.memory_space<hbm>>
      %dma_wait3A_212 = arith.constant 0 : i32
      %dma_wait3A_213 = arith.constant 0 : i32
      %dma_wait3A_214 = tpu.memref_slice %arg7[%dma_wait3A_205, %dma_wait3A_212, %dma_wait3A_213] : memref<5x128x128xf32, #tpu.memory_space<vmem>> -> memref<1x128x128xf32, #tpu.memory_space<vmem>>
      %dma_wait3A_215 = tpu.memref_squeeze %dma_wait3A_214 : memref<1x128x128xf32, #tpu.memory_space<vmem>> -> memref<128x128xf32, #tpu.memory_space<vmem>>
      %dma_wait3A_216 = arith.constant 0 : i32
      %dma_wait3A_217 = tpu.memref_slice %arg2[%add3A_89, %dma_wait3A_216] : memref<163840x128xf32, #tpu.memory_space<hbm>> -> memref<128x128xf32, #tpu.memory_space<hbm>>
      tpu.wait_dma2 semaphore(%arg10 : memref<!tpu.dma_semaphore, #tpu.memory_space<semaphore_mem>>) src(%dma_wait3A_217 : memref<128x128xf32, #tpu.memory_space<hbm>>) dst(%dma_wait3A_215 : memref<128x128xf32, #tpu.memory_space<vmem>>)
      %dma_wait3A_218 = arith.constant 2 : i32
      %dma_wait3A_219 = arith.constant 0 : i32
      %dma_wait3A_220 = arith.constant 0 : i32
      %dma_wait3A_221 = tpu.memref_slice %arg7[%dma_wait3A_218, %dma_wait3A_219, %dma_wait3A_220] : memref<5x128x128xf32, #tpu.memory_space<vmem>> -> memref<1x128x128xf32, #tpu.memory_space<vmem>>
      %dma_wait3A_222 = tpu.memref_squeeze %dma_wait3A_221 : memref<1x128x128xf32, #tpu.memory_space<vmem>> -> memref<128x128xf32, #tpu.memory_space<vmem>>
      %dma_wait3A_223 = arith.constant 0 : i32
      %dma_wait3A_224 = tpu.memref_slice %arg2[%add3A_104, %dma_wait3A_223] : memref<163840x128xf32, #tpu.memory_space<hbm>> -> memref<128x128xf32, #tpu.memory_space<hbm>>
      %dma_wait3A_225 = arith.constant 0 : i32
      %dma_wait3A_226 = arith.constant 0 : i32
      %dma_wait3A_227 = tpu.memref_slice %arg7[%dma_wait3A_218, %dma_wait3A_225, %dma_wait3A_226] : memref<5x128x128xf32, #tpu.memory_space<vmem>> -> memref<1x128x128xf32, #tpu.memory_space<vmem>>
      %dma_wait3A_228 = tpu.memref_squeeze %dma_wait3A_227 : memref<1x128x128xf32, #tpu.memory_space<vmem>> -> memref<128x128xf32, #tpu.memory_space<vmem>>
      %dma_wait3A_229 = arith.constant 0 : i32
      %dma_wait3A_230 = tpu.memref_slice %arg2[%add3A_104, %dma_wait3A_229] : memref<163840x128xf32, #tpu.memory_space<hbm>> -> memref<128x128xf32, #tpu.memory_space<hbm>>
      tpu.wait_dma2 semaphore(%arg10 : memref<!tpu.dma_semaphore, #tpu.memory_space<semaphore_mem>>) src(%dma_wait3A_230 : memref<128x128xf32, #tpu.memory_space<hbm>>) dst(%dma_wait3A_228 : memref<128x128xf32, #tpu.memory_space<vmem>>)
      %dma_wait3A_231 = arith.constant 3 : i32
      %dma_wait3A_232 = arith.constant 0 : i32
      %dma_wait3A_233 = arith.constant 0 : i32
      %dma_wait3A_234 = tpu.memref_slice %arg7[%dma_wait3A_231, %dma_wait3A_232, %dma_wait3A_233] : memref<5x128x128xf32, #tpu.memory_space<vmem>> -> memref<1x128x128xf32, #tpu.memory_space<vmem>>
      %dma_wait3A_235 = tpu.memref_squeeze %dma_wait3A_234 : memref<1x128x128xf32, #tpu.memory_space<vmem>> -> memref<128x128xf32, #tpu.memory_space<vmem>>
      %dma_wait3A_236 = arith.constant 0 : i32
      %dma_wait3A_237 = tpu.memref_slice %arg2[%add3A_119, %dma_wait3A_236] : memref<163840x128xf32, #tpu.memory_space<hbm>> -> memref<128x128xf32, #tpu.memory_space<hbm>>
      %dma_wait3A_238 = arith.constant 0 : i32
      %dma_wait3A_239 = arith.constant 0 : i32
      %dma_wait3A_240 = tpu.memref_slice %arg7[%dma_wait3A_231, %dma_wait3A_238, %dma_wait3A_239] : memref<5x128x128xf32, #tpu.memory_space<vmem>> -> memref<1x128x128xf32, #tpu.memory_space<vmem>>
      %dma_wait3A_241 = tpu.memref_squeeze %dma_wait3A_240 : memref<1x128x128xf32, #tpu.memory_space<vmem>> -> memref<128x128xf32, #tpu.memory_space<vmem>>
      %dma_wait3A_242 = arith.constant 0 : i32
      %dma_wait3A_243 = tpu.memref_slice %arg2[%add3A_119, %dma_wait3A_242] : memref<163840x128xf32, #tpu.memory_space<hbm>> -> memref<128x128xf32, #tpu.memory_space<hbm>>
      tpu.wait_dma2 semaphore(%arg10 : memref<!tpu.dma_semaphore, #tpu.memory_space<semaphore_mem>>) src(%dma_wait3A_243 : memref<128x128xf32, #tpu.memory_space<hbm>>) dst(%dma_wait3A_241 : memref<128x128xf32, #tpu.memory_space<vmem>>)
      %dma_wait3A_244 = arith.constant 4 : i32
      %dma_wait3A_245 = arith.constant 0 : i32
      %dma_wait3A_246 = arith.constant 0 : i32
      %dma_wait3A_247 = tpu.memref_slice %arg7[%dma_wait3A_244, %dma_wait3A_245, %dma_wait3A_246] : memref<5x128x128xf32, #tpu.memory_space<vmem>> -> memref<1x128x128xf32, #tpu.memory_space<vmem>>
      %dma_wait3A_248 = tpu.memref_squeeze %dma_wait3A_247 : memref<1x128x128xf32, #tpu.memory_space<vmem>> -> memref<128x128xf32, #tpu.memory_space<vmem>>
      %dma_wait3A_249 = arith.constant 0 : i32
      %dma_wait3A_250 = tpu.memref_slice %arg2[%add3A_134, %dma_wait3A_249] : memref<163840x128xf32, #tpu.memory_space<hbm>> -> memref<128x128xf32, #tpu.memory_space<hbm>>
      %dma_wait3A_251 = arith.constant 0 : i32
      %dma_wait3A_252 = arith.constant 0 : i32
      %dma_wait3A_253 = tpu.memref_slice %arg7[%dma_wait3A_244, %dma_wait3A_251, %dma_wait3A_252] : memref<5x128x128xf32, #tpu.memory_space<vmem>> -> memref<1x128x128xf32, #tpu.memory_space<vmem>>
      %dma_wait3A_254 = tpu.memref_squeeze %dma_wait3A_253 : memref<1x128x128xf32, #tpu.memory_space<vmem>> -> memref<128x128xf32, #tpu.memory_space<vmem>>
      %dma_wait3A_255 = arith.constant 0 : i32
      %dma_wait3A_256 = tpu.memref_slice %arg2[%add3A_134, %dma_wait3A_255] : memref<163840x128xf32, #tpu.memory_space<hbm>> -> memref<128x128xf32, #tpu.memory_space<hbm>>
      tpu.wait_dma2 semaphore(%arg10 : memref<!tpu.dma_semaphore, #tpu.memory_space<semaphore_mem>>) src(%dma_wait3A_256 : memref<128x128xf32, #tpu.memory_space<hbm>>) dst(%dma_wait3A_254 : memref<128x128xf32, #tpu.memory_space<vmem>>)
      %dma_start3A_257 = arith.constant 0 : i32
      %dma_start3A_258 = arith.constant 0 : i32
      %dma_start3A_259 = arith.constant 0 : i32
      %dma_start3A_260 = arith.constant 0 : i32
      %dma_start3A_261 = tpu.memref_slice %arg7[%dma_start3A_257, %dma_start3A_259, %dma_start3A_260] : memref<5x128x128xf32, #tpu.memory_space<vmem>> -> memref<1x128x128xf32, #tpu.memory_space<vmem>>
      %dma_start3A_262 = tpu.memref_squeeze %dma_start3A_261 : memref<1x128x128xf32, #tpu.memory_space<vmem>> -> memref<128x128xf32, #tpu.memory_space<vmem>>
      %dma_start3A_263 = arith.constant 0 : i32
      %dma_start3A_264 = tpu.memref_slice %arg6[%dma_start3A_258, %dma_start3A_263] : memref<5x128xi32, #tpu.memory_space<vmem>> -> memref<1x128xi32, #tpu.memory_space<vmem>>
      %dma_start3A_265 = tpu.memref_squeeze %dma_start3A_264 : memref<1x128xi32, #tpu.memory_space<vmem>> -> memref<128xi32, #tpu.memory_space<vmem>>
      %dma_start3A_266 = arith.constant 0 : i32
      %dma_start3A_267 = arith.constant 0 : i32
      %dma_start3A_268 = tpu.memref_slice %arg8[%dma_start3A_266, %dma_start3A_267] : memref<1280x128xf32, #tpu.memory_space<vmem_shared>> -> memref<1280x128xf32, #tpu.memory_space<vmem_shared>>
      tpu.enqueue_indirect_dma source(%dma_start3A_262 : memref<128x128xf32, #tpu.memory_space<vmem>>) target(%dma_start3A_268 : memref<1280x128xf32, #tpu.memory_space<vmem_shared>>) offsets(%dma_start3A_265 : memref<128xi32, #tpu.memory_space<vmem>>) semaphore(%arg11 : memref<!tpu.dma_semaphore, #tpu.memory_space<semaphore_mem>>) {add = true}
      %dma_start3A_269 = arith.constant 1 : i32
      %dma_start3A_270 = arith.constant 1 : i32
      %dma_start3A_271 = arith.constant 0 : i32
      %dma_start3A_272 = arith.constant 0 : i32
      %dma_start3A_273 = tpu.memref_slice %arg7[%dma_start3A_269, %dma_start3A_271, %dma_start3A_272] : memref<5x128x128xf32, #tpu.memory_space<vmem>> -> memref<1x128x128xf32, #tpu.memory_space<vmem>>
      %dma_start3A_274 = tpu.memref_squeeze %dma_start3A_273 : memref<1x128x128xf32, #tpu.memory_space<vmem>> -> memref<128x128xf32, #tpu.memory_space<vmem>>
      %dma_start3A_275 = arith.constant 0 : i32
      %dma_start3A_276 = tpu.memref_slice %arg6[%dma_start3A_270, %dma_start3A_275] : memref<5x128xi32, #tpu.memory_space<vmem>> -> memref<1x128xi32, #tpu.memory_space<vmem>>
      %dma_start3A_277 = tpu.memref_squeeze %dma_start3A_276 : memref<1x128xi32, #tpu.memory_space<vmem>> -> memref<128xi32, #tpu.memory_space<vmem>>
      %dma_start3A_278 = arith.constant 0 : i32
      %dma_start3A_279 = arith.constant 0 : i32
      %dma_start3A_280 = tpu.memref_slice %arg8[%dma_start3A_278, %dma_start3A_279] : memref<1280x128xf32, #tpu.memory_space<vmem_shared>> -> memref<1280x128xf32, #tpu.memory_space<vmem_shared>>
      tpu.enqueue_indirect_dma source(%dma_start3A_274 : memref<128x128xf32, #tpu.memory_space<vmem>>) target(%dma_start3A_280 : memref<1280x128xf32, #tpu.memory_space<vmem_shared>>) offsets(%dma_start3A_277 : memref<128xi32, #tpu.memory_space<vmem>>) semaphore(%arg11 : memref<!tpu.dma_semaphore, #tpu.memory_space<semaphore_mem>>) {add = true}
      %dma_start3A_281 = arith.constant 2 : i32
      %dma_start3A_282 = arith.constant 2 : i32
      %dma_start3A_283 = arith.constant 0 : i32
      %dma_start3A_284 = arith.constant 0 : i32
      %dma_start3A_285 = tpu.memref_slice %arg7[%dma_start3A_281, %dma_start3A_283, %dma_start3A_284] : memref<5x128x128xf32, #tpu.memory_space<vmem>> -> memref<1x128x128xf32, #tpu.memory_space<vmem>>
      %dma_start3A_286 = tpu.memref_squeeze %dma_start3A_285 : memref<1x128x128xf32, #tpu.memory_space<vmem>> -> memref<128x128xf32, #tpu.memory_space<vmem>>
      %dma_start3A_287 = arith.constant 0 : i32
      %dma_start3A_288 = tpu.memref_slice %arg6[%dma_start3A_282, %dma_start3A_287] : memref<5x128xi32, #tpu.memory_space<vmem>> -> memref<1x128xi32, #tpu.memory_space<vmem>>
      %dma_start3A_289 = tpu.memref_squeeze %dma_start3A_288 : memref<1x128xi32, #tpu.memory_space<vmem>> -> memref<128xi32, #tpu.memory_space<vmem>>
      %dma_start3A_290 = arith.constant 0 : i32
      %dma_start3A_291 = arith.constant 0 : i32
      %dma_start3A_292 = tpu.memref_slice %arg8[%dma_start3A_290, %dma_start3A_291] : memref<1280x128xf32, #tpu.memory_space<vmem_shared>> -> memref<1280x128xf32, #tpu.memory_space<vmem_shared>>
      tpu.enqueue_indirect_dma source(%dma_start3A_286 : memref<128x128xf32, #tpu.memory_space<vmem>>) target(%dma_start3A_292 : memref<1280x128xf32, #tpu.memory_space<vmem_shared>>) offsets(%dma_start3A_289 : memref<128xi32, #tpu.memory_space<vmem>>) semaphore(%arg11 : memref<!tpu.dma_semaphore, #tpu.memory_space<semaphore_mem>>) {add = true}
      %dma_start3A_293 = arith.constant 3 : i32
      %dma_start3A_294 = arith.constant 3 : i32
      %dma_start3A_295 = arith.constant 0 : i32
      %dma_start3A_296 = arith.constant 0 : i32
      %dma_start3A_297 = tpu.memref_slice %arg7[%dma_start3A_293, %dma_start3A_295, %dma_start3A_296] : memref<5x128x128xf32, #tpu.memory_space<vmem>> -> memref<1x128x128xf32, #tpu.memory_space<vmem>>
      %dma_start3A_298 = tpu.memref_squeeze %dma_start3A_297 : memref<1x128x128xf32, #tpu.memory_space<vmem>> -> memref<128x128xf32, #tpu.memory_space<vmem>>
      %dma_start3A_299 = arith.constant 0 : i32
      %dma_start3A_300 = tpu.memref_slice %arg6[%dma_start3A_294, %dma_start3A_299] : memref<5x128xi32, #tpu.memory_space<vmem>> -> memref<1x128xi32, #tpu.memory_space<vmem>>
      %dma_start3A_301 = tpu.memref_squeeze %dma_start3A_300 : memref<1x128xi32, #tpu.memory_space<vmem>> -> memref<128xi32, #tpu.memory_space<vmem>>
      %dma_start3A_302 = arith.constant 0 : i32
      %dma_start3A_303 = arith.constant 0 : i32
      %dma_start3A_304 = tpu.memref_slice %arg8[%dma_start3A_302, %dma_start3A_303] : memref<1280x128xf32, #tpu.memory_space<vmem_shared>> -> memref<1280x128xf32, #tpu.memory_space<vmem_shared>>
      tpu.enqueue_indirect_dma source(%dma_start3A_298 : memref<128x128xf32, #tpu.memory_space<vmem>>) target(%dma_start3A_304 : memref<1280x128xf32, #tpu.memory_space<vmem_shared>>) offsets(%dma_start3A_301 : memref<128xi32, #tpu.memory_space<vmem>>) semaphore(%arg11 : memref<!tpu.dma_semaphore, #tpu.memory_space<semaphore_mem>>) {add = true}
      %dma_start3A_305 = arith.constant 4 : i32
      %dma_start3A_306 = arith.constant 4 : i32
      %dma_start3A_307 = arith.constant 0 : i32
      %dma_start3A_308 = arith.constant 0 : i32
      %dma_start3A_309 = tpu.memref_slice %arg7[%dma_start3A_305, %dma_start3A_307, %dma_start3A_308] : memref<5x128x128xf32, #tpu.memory_space<vmem>> -> memref<1x128x128xf32, #tpu.memory_space<vmem>>
      %dma_start3A_310 = tpu.memref_squeeze %dma_start3A_309 : memref<1x128x128xf32, #tpu.memory_space<vmem>> -> memref<128x128xf32, #tpu.memory_space<vmem>>
      %dma_start3A_311 = arith.constant 0 : i32
      %dma_start3A_312 = tpu.memref_slice %arg6[%dma_start3A_306, %dma_start3A_311] : memref<5x128xi32, #tpu.memory_space<vmem>> -> memref<1x128xi32, #tpu.memory_space<vmem>>
      %dma_start3A_313 = tpu.memref_squeeze %dma_start3A_312 : memref<1x128xi32, #tpu.memory_space<vmem>> -> memref<128xi32, #tpu.memory_space<vmem>>
      %dma_start3A_314 = arith.constant 0 : i32
      %dma_start3A_315 = arith.constant 0 : i32
      %dma_start3A_316 = tpu.memref_slice %arg8[%dma_start3A_314, %dma_start3A_315] : memref<1280x128xf32, #tpu.memory_space<vmem_shared>> -> memref<1280x128xf32, #tpu.memory_space<vmem_shared>>
      tpu.enqueue_indirect_dma source(%dma_start3A_310 : memref<128x128xf32, #tpu.memory_space<vmem>>) target(%dma_start3A_316 : memref<1280x128xf32, #tpu.memory_space<vmem_shared>>) offsets(%dma_start3A_313 : memref<128xi32, #tpu.memory_space<vmem>>) semaphore(%arg11 : memref<!tpu.dma_semaphore, #tpu.memory_space<semaphore_mem>>) {add = true}
      %dma_wait3A_317 = arith.constant 0 : i32
      %dma_wait3A_318 = arith.constant 0 : i32
      %dma_wait3A_319 = arith.constant 0 : i32
      %dma_wait3A_320 = arith.constant 0 : i32
      %dma_wait3A_321 = tpu.memref_slice %arg7[%dma_wait3A_317, %dma_wait3A_319, %dma_wait3A_320] : memref<5x128x128xf32, #tpu.memory_space<vmem>> -> memref<1x128x128xf32, #tpu.memory_space<vmem>>
      %dma_wait3A_322 = tpu.memref_squeeze %dma_wait3A_321 : memref<1x128x128xf32, #tpu.memory_space<vmem>> -> memref<128x128xf32, #tpu.memory_space<vmem>>
      %dma_wait3A_323 = arith.constant 0 : i32
      %dma_wait3A_324 = tpu.memref_slice %arg6[%dma_wait3A_318, %dma_wait3A_323] : memref<5x128xi32, #tpu.memory_space<vmem>> -> memref<1x128xi32, #tpu.memory_space<vmem>>
      %dma_wait3A_325 = tpu.memref_squeeze %dma_wait3A_324 : memref<1x128xi32, #tpu.memory_space<vmem>> -> memref<128xi32, #tpu.memory_space<vmem>>
      %dma_wait3A_326 = arith.constant 0 : i32
      %dma_wait3A_327 = arith.constant 0 : i32
      %dma_wait3A_328 = tpu.memref_slice %arg8[%dma_wait3A_326, %dma_wait3A_327] : memref<1280x128xf32, #tpu.memory_space<vmem_shared>> -> memref<1280x128xf32, #tpu.memory_space<vmem_shared>>
      tpu.wait_indirect_dma semaphore(%arg11 : memref<!tpu.dma_semaphore, #tpu.memory_space<semaphore_mem>>) src(%dma_wait3A_322 : memref<128x128xf32, #tpu.memory_space<vmem>>) dst(%dma_wait3A_328 : memref<1280x128xf32, #tpu.memory_space<vmem_shared>>)
      %dma_wait3A_329 = arith.constant 1 : i32
      %dma_wait3A_330 = arith.constant 1 : i32
      %dma_wait3A_331 = arith.constant 0 : i32
      %dma_wait3A_332 = arith.constant 0 : i32
      %dma_wait3A_333 = tpu.memref_slice %arg7[%dma_wait3A_329, %dma_wait3A_331, %dma_wait3A_332] : memref<5x128x128xf32, #tpu.memory_space<vmem>> -> memref<1x128x128xf32, #tpu.memory_space<vmem>>
      %dma_wait3A_334 = tpu.memref_squeeze %dma_wait3A_333 : memref<1x128x128xf32, #tpu.memory_space<vmem>> -> memref<128x128xf32, #tpu.memory_space<vmem>>
      %dma_wait3A_335 = arith.constant 0 : i32
      %dma_wait3A_336 = tpu.memref_slice %arg6[%dma_wait3A_330, %dma_wait3A_335] : memref<5x128xi32, #tpu.memory_space<vmem>> -> memref<1x128xi32, #tpu.memory_space<vmem>>
      %dma_wait3A_337 = tpu.memref_squeeze %dma_wait3A_336 : memref<1x128xi32, #tpu.memory_space<vmem>> -> memref<128xi32, #tpu.memory_space<vmem>>
      %dma_wait3A_338 = arith.constant 0 : i32
      %dma_wait3A_339 = arith.constant 0 : i32
      %dma_wait3A_340 = tpu.memref_slice %arg8[%dma_wait3A_338, %dma_wait3A_339] : memref<1280x128xf32, #tpu.memory_space<vmem_shared>> -> memref<1280x128xf32, #tpu.memory_space<vmem_shared>>
      tpu.wait_indirect_dma semaphore(%arg11 : memref<!tpu.dma_semaphore, #tpu.memory_space<semaphore_mem>>) src(%dma_wait3A_334 : memref<128x128xf32, #tpu.memory_space<vmem>>) dst(%dma_wait3A_340 : memref<1280x128xf32, #tpu.memory_space<vmem_shared>>)
      %dma_wait3A_341 = arith.constant 2 : i32
      %dma_wait3A_342 = arith.constant 2 : i32
      %dma_wait3A_343 = arith.constant 0 : i32
      %dma_wait3A_344 = arith.constant 0 : i32
      %dma_wait3A_345 = tpu.memref_slice %arg7[%dma_wait3A_341, %dma_wait3A_343, %dma_wait3A_344] : memref<5x128x128xf32, #tpu.memory_space<vmem>> -> memref<1x128x128xf32, #tpu.memory_space<vmem>>
      %dma_wait3A_346 = tpu.memref_squeeze %dma_wait3A_345 : memref<1x128x128xf32, #tpu.memory_space<vmem>> -> memref<128x128xf32, #tpu.memory_space<vmem>>
      %dma_wait3A_347 = arith.constant 0 : i32
      %dma_wait3A_348 = tpu.memref_slice %arg6[%dma_wait3A_342, %dma_wait3A_347] : memref<5x128xi32, #tpu.memory_space<vmem>> -> memref<1x128xi32, #tpu.memory_space<vmem>>
      %dma_wait3A_349 = tpu.memref_squeeze %dma_wait3A_348 : memref<1x128xi32, #tpu.memory_space<vmem>> -> memref<128xi32, #tpu.memory_space<vmem>>
      %dma_wait3A_350 = arith.constant 0 : i32
      %dma_wait3A_351 = arith.constant 0 : i32
      %dma_wait3A_352 = tpu.memref_slice %arg8[%dma_wait3A_350, %dma_wait3A_351] : memref<1280x128xf32, #tpu.memory_space<vmem_shared>> -> memref<1280x128xf32, #tpu.memory_space<vmem_shared>>
      tpu.wait_indirect_dma semaphore(%arg11 : memref<!tpu.dma_semaphore, #tpu.memory_space<semaphore_mem>>) src(%dma_wait3A_346 : memref<128x128xf32, #tpu.memory_space<vmem>>) dst(%dma_wait3A_352 : memref<1280x128xf32, #tpu.memory_space<vmem_shared>>)
      %dma_wait3A_353 = arith.constant 3 : i32
      %dma_wait3A_354 = arith.constant 3 : i32
      %dma_wait3A_355 = arith.constant 0 : i32
      %dma_wait3A_356 = arith.constant 0 : i32
      %dma_wait3A_357 = tpu.memref_slice %arg7[%dma_wait3A_353, %dma_wait3A_355, %dma_wait3A_356] : memref<5x128x128xf32, #tpu.memory_space<vmem>> -> memref<1x128x128xf32, #tpu.memory_space<vmem>>
      %dma_wait3A_358 = tpu.memref_squeeze %dma_wait3A_357 : memref<1x128x128xf32, #tpu.memory_space<vmem>> -> memref<128x128xf32, #tpu.memory_space<vmem>>
      %dma_wait3A_359 = arith.constant 0 : i32
      %dma_wait3A_360 = tpu.memref_slice %arg6[%dma_wait3A_354, %dma_wait3A_359] : memref<5x128xi32, #tpu.memory_space<vmem>> -> memref<1x128xi32, #tpu.memory_space<vmem>>
      %dma_wait3A_361 = tpu.memref_squeeze %dma_wait3A_360 : memref<1x128xi32, #tpu.memory_space<vmem>> -> memref<128xi32, #tpu.memory_space<vmem>>
      %dma_wait3A_362 = arith.constant 0 : i32
      %dma_wait3A_363 = arith.constant 0 : i32
      %dma_wait3A_364 = tpu.memref_slice %arg8[%dma_wait3A_362, %dma_wait3A_363] : memref<1280x128xf32, #tpu.memory_space<vmem_shared>> -> memref<1280x128xf32, #tpu.memory_space<vmem_shared>>
      tpu.wait_indirect_dma semaphore(%arg11 : memref<!tpu.dma_semaphore, #tpu.memory_space<semaphore_mem>>) src(%dma_wait3A_358 : memref<128x128xf32, #tpu.memory_space<vmem>>) dst(%dma_wait3A_364 : memref<1280x128xf32, #tpu.memory_space<vmem_shared>>)
      %dma_wait3A_365 = arith.constant 4 : i32
      %dma_wait3A_366 = arith.constant 4 : i32
      %dma_wait3A_367 = arith.constant 0 : i32
      %dma_wait3A_368 = arith.constant 0 : i32
      %dma_wait3A_369 = tpu.memref_slice %arg7[%dma_wait3A_365, %dma_wait3A_367, %dma_wait3A_368] : memref<5x128x128xf32, #tpu.memory_space<vmem>> -> memref<1x128x128xf32, #tpu.memory_space<vmem>>
      %dma_wait3A_370 = tpu.memref_squeeze %dma_wait3A_369 : memref<1x128x128xf32, #tpu.memory_space<vmem>> -> memref<128x128xf32, #tpu.memory_space<vmem>>
      %dma_wait3A_371 = arith.constant 0 : i32
      %dma_wait3A_372 = tpu.memref_slice %arg6[%dma_wait3A_366, %dma_wait3A_371] : memref<5x128xi32, #tpu.memory_space<vmem>> -> memref<1x128xi32, #tpu.memory_space<vmem>>
      %dma_wait3A_373 = tpu.memref_squeeze %dma_wait3A_372 : memref<1x128xi32, #tpu.memory_space<vmem>> -> memref<128xi32, #tpu.memory_space<vmem>>
      %dma_wait3A_374 = arith.constant 0 : i32
      %dma_wait3A_375 = arith.constant 0 : i32
      %dma_wait3A_376 = tpu.memref_slice %arg8[%dma_wait3A_374, %dma_wait3A_375] : memref<1280x128xf32, #tpu.memory_space<vmem_shared>> -> memref<1280x128xf32, #tpu.memory_space<vmem_shared>>
      tpu.wait_indirect_dma semaphore(%arg11 : memref<!tpu.dma_semaphore, #tpu.memory_space<semaphore_mem>>) src(%dma_wait3A_370 : memref<128x128xf32, #tpu.memory_space<vmem>>) dst(%dma_wait3A_376 : memref<1280x128xf32, #tpu.memory_space<vmem_shared>>)
    }
    %scan3A_9 = arith.constant 8 : i32
    %barrier3A_10 = arith.constant 0 : index
    tpu.barrier barrier_id(%barrier3A_10)
    %mul3A_11 = arith.constant 80 : i32
    %mul3A_12 = arith.muli %arg1, %mul3A_11 : i32
    %mul3A_13 = arith.constant 80 : i32
    %mul3A_14 = arith.muli %arg1, %mul3A_13 : i32
    "tpu.region"() ({
      %run_scoped3A = tpu.sem_alloc : memref<!tpu.dma_semaphore, #tpu.memory_space<semaphore_mem>>
      %dma_start3A = arith.constant 0 : i32
      %dma_start3A_15 = tpu.memref_slice %arg5[%arg0, %mul3A_14, %dma_start3A] : memref<2x1280x128xf32, #tpu.memory_space<hbm>> -> memref<1x80x128xf32, #tpu.memory_space<hbm>>
      %dma_start3A_16 = tpu.memref_squeeze %dma_start3A_15 : memref<1x80x128xf32, #tpu.memory_space<hbm>> -> memref<80x128xf32, #tpu.memory_space<hbm>>
      %dma_start3A_17 = arith.constant 0 : i32
      %dma_start3A_18 = tpu.memref_slice %arg8[%mul3A_12, %dma_start3A_17] : memref<1280x128xf32, #tpu.memory_space<vmem_shared>> -> memref<80x128xf32, #tpu.memory_space<vmem_shared>>
      tpu.enqueue_dma source(%dma_start3A_18 : memref<80x128xf32, #tpu.memory_space<vmem_shared>>) target(%dma_start3A_16 : memref<80x128xf32, #tpu.memory_space<hbm>>) target_semaphore(%run_scoped3A : memref<!tpu.dma_semaphore, #tpu.memory_space<semaphore_mem>>)
      %dma_wait3A = arith.constant 0 : i32
      %dma_wait3A_19 = tpu.memref_slice %arg5[%arg0, %mul3A_14, %dma_wait3A] : memref<2x1280x128xf32, #tpu.memory_space<hbm>> -> memref<1x80x128xf32, #tpu.memory_space<hbm>>
      %dma_wait3A_20 = tpu.memref_squeeze %dma_wait3A_19 : memref<1x80x128xf32, #tpu.memory_space<hbm>> -> memref<80x128xf32, #tpu.memory_space<hbm>>
      %dma_wait3A_21 = arith.constant 0 : i32
      %dma_wait3A_22 = tpu.memref_slice %arg8[%mul3A_12, %dma_wait3A_21] : memref<1280x128xf32, #tpu.memory_space<vmem_shared>> -> memref<80x128xf32, #tpu.memory_space<vmem_shared>>
      tpu.wait_dma2 semaphore(%run_scoped3A : memref<!tpu.dma_semaphore, #tpu.memory_space<semaphore_mem>>) src(%dma_wait3A_22 : memref<80x128xf32, #tpu.memory_space<vmem_shared>>) dst(%dma_wait3A_20 : memref<80x128xf32, #tpu.memory_space<hbm>>)
      tpu.yield
    }) : () -> ()
    return
  }
}

#map = affine_map<(d0, d1) -> (0, 0)>
#map1 = affine_map<(d0, d1) -> (0)>
#map2 = affine_map<(d0, d1) -> (0, 0, 0)>
module attributes {stable_mosaic.version = 14 : i64} {
  func.func @scatter_k(%arg0: i32, %arg1: i32, %arg2: memref<163840x128xf32, #tpu.memory_space<hbm>>, %arg3: memref<163840xi32, #tpu.memory_space<hbm>>, %arg4: memref<80x128xf32, #tpu.memory_space<hbm>>, %arg5: memref<2x1280x128xf32, #tpu.memory_space<hbm>>, %arg6: memref<5x128xi32, #tpu.memory_space<vmem>>, %arg7: memref<5x128x128xf32, #tpu.memory_space<vmem>>, %arg8: memref<1280x128xf32, #tpu.memory_space<vmem_shared>>, %arg9: memref<!tpu.dma_semaphore, #tpu.memory_space<semaphore_mem>>, %arg10: memref<!tpu.dma_semaphore, #tpu.memory_space<semaphore_mem>>, %arg11: memref<!tpu.dma_semaphore, #tpu.memory_space<semaphore_mem>>) attributes {dimension_semantics = [#tpu.dimension_semantics<core_parallel>, #tpu.dimension_semantics<subcore_parallel>], iteration_bounds = array<i64: 2, 16>, scalar_prefetch = 0 : i64, scratch_operands = 6 : i64, tpu.core_type = #tpu.core_type<sc_vector_subcore>, window_params = [{transform_indices = #map}, {transform_indices = #map1}, {transform_indices = #map}, {transform_indices = #map2}]} {
    %mul3A = arith.constant 16 : i32
    %mul3A_0 = arith.muli %arg0, %mul3A : i32
    %add3A = arith.addi %mul3A_0, %arg1 : i32
    %mul3A_1 = arith.constant 80 : i32
    %mul3A_2 = arith.muli %arg1, %mul3A_1 : i32
    "tpu.region"() ({
      %run_scoped3A = tpu.sem_alloc : memref<!tpu.dma_semaphore, #tpu.memory_space<semaphore_mem>>
      %dma_start3A = arith.constant 0 : i32
      %dma_start3A_15 = tpu.memref_slice %arg8[%mul3A_2, %dma_start3A] : memref<1280x128xf32, #tpu.memory_space<vmem_shared>> -> memref<80x128xf32, #tpu.memory_space<vmem_shared>>
      tpu.enqueue_dma source(%arg4 : memref<80x128xf32, #tpu.memory_space<hbm>>) target(%dma_start3A_15 : memref<80x128xf32, #tpu.memory_space<vmem_shared>>) target_semaphore(%run_scoped3A : memref<!tpu.dma_semaphore, #tpu.memory_space<semaphore_mem>>)
      %dma_wait3A = arith.constant 0 : i32
      %dma_wait3A_16 = tpu.memref_slice %arg8[%mul3A_2, %dma_wait3A] : memref<1280x128xf32, #tpu.memory_space<vmem_shared>> -> memref<80x128xf32, #tpu.memory_space<vmem_shared>>
      tpu.wait_dma2 semaphore(%run_scoped3A : memref<!tpu.dma_semaphore, #tpu.memory_space<semaphore_mem>>) src(%arg4 : memref<80x128xf32, #tpu.memory_space<hbm>>) dst(%dma_wait3A_16 : memref<80x128xf32, #tpu.memory_space<vmem_shared>>)
      tpu.yield
    }) : () -> ()
    %barrier3A = arith.constant 0 : index
    tpu.barrier barrier_id(%barrier3A)
    %mul3A_3 = arith.constant 5120 : i32
    %mul3A_4 = arith.muli %add3A, %mul3A_3 : i32
    %scan3A = arith.constant 0 : i32
    %scan3A_5 = arith.constant 0 : i32
    %scan3A_6 = arith.constant 8 : i32
    %scan3A_7 = arith.addi %scan3A_5, %scan3A_6 : i32
    %scan3A_8 = arith.constant 1 : i32
    scf.for %scan3A_15 = %scan3A_5 to %scan3A_7 step %scan3A_8  : i32 {
      %mul3A_16 = arith.constant 640 : i32
      %mul3A_17 = arith.muli %scan3A_15, %mul3A_16 : i32
      %add3A_18 = arith.addi %mul3A_4, %mul3A_17 : i32
      %add3A_19 = arith.constant 0 : i32
      %add3A_20 = arith.addi %add3A_18, %add3A_19 : i32
      %dma_start3A = arith.constant 0 : i32
      %dma_start3A_21 = arith.constant 0 : i32
      %dma_start3A_22 = tpu.memref_slice %arg6[%dma_start3A, %dma_start3A_21] : memref<5x128xi32, #tpu.memory_space<vmem>> -> memref<1x128xi32, #tpu.memory_space<vmem>>
      %dma_start3A_23 = tpu.memref_squeeze %dma_start3A_22 : memref<1x128xi32, #tpu.memory_space<vmem>> -> memref<128xi32, #tpu.memory_space<vmem>>
      %dma_start3A_24 = tpu.memref_slice %arg3[%add3A_20] : memref<163840xi32, #tpu.memory_space<hbm>> -> memref<128xi32, #tpu.memory_space<hbm>>
      %dma_start3A_25 = arith.constant 0 : i32
      %dma_start3A_26 = tpu.memref_slice %arg6[%dma_start3A, %dma_start3A_25] : memref<5x128xi32, #tpu.memory_space<vmem>> -> memref<1x128xi32, #tpu.memory_space<vmem>>
      %dma_start3A_27 = tpu.memref_squeeze %dma_start3A_26 : memref<1x128xi32, #tpu.memory_space<vmem>> -> memref<128xi32, #tpu.memory_space<vmem>>
      %dma_start3A_28 = tpu.memref_slice %arg3[%add3A_20] : memref<163840xi32, #tpu.memory_space<hbm>> -> memref<128xi32, #tpu.memory_space<hbm>>
      tpu.enqueue_dma source(%dma_start3A_28 : memref<128xi32, #tpu.memory_space<hbm>>) target(%dma_start3A_27 : memref<128xi32, #tpu.memory_space<vmem>>) target_semaphore(%arg9 : memref<!tpu.dma_semaphore, #tpu.memory_space<semaphore_mem>>)
      %add3A_29 = arith.constant 128 : i32
      %add3A_30 = arith.addi %add3A_18, %add3A_29 : i32
      %dma_start3A_31 = arith.constant 1 : i32
      %dma_start3A_32 = arith.constant 0 : i32
      %dma_start3A_33 = tpu.memref_slice %arg6[%dma_start3A_31, %dma_start3A_32] : memref<5x128xi32, #tpu.memory_space<vmem>> -> memref<1x128xi32, #tpu.memory_space<vmem>>
      %dma_start3A_34 = tpu.memref_squeeze %dma_start3A_33 : memref<1x128xi32, #tpu.memory_space<vmem>> -> memref<128xi32, #tpu.memory_space<vmem>>
      %dma_start3A_35 = tpu.memref_slice %arg3[%add3A_30] : memref<163840xi32, #tpu.memory_space<hbm>> -> memref<128xi32, #tpu.memory_space<hbm>>
      %dma_start3A_36 = arith.constant 0 : i32
      %dma_start3A_37 = tpu.memref_slice %arg6[%dma_start3A_31, %dma_start3A_36] : memref<5x128xi32, #tpu.memory_space<vmem>> -> memref<1x128xi32, #tpu.memory_space<vmem>>
      %dma_start3A_38 = tpu.memref_squeeze %dma_start3A_37 : memref<1x128xi32, #tpu.memory_space<vmem>> -> memref<128xi32, #tpu.memory_space<vmem>>
      %dma_start3A_39 = tpu.memref_slice %arg3[%add3A_30] : memref<163840xi32, #tpu.memory_space<hbm>> -> memref<128xi32, #tpu.memory_space<hbm>>
      tpu.enqueue_dma source(%dma_start3A_39 : memref<128xi32, #tpu.memory_space<hbm>>) target(%dma_start3A_38 : memref<128xi32, #tpu.memory_space<vmem>>) target_semaphore(%arg9 : memref<!tpu.dma_semaphore, #tpu.memory_space<semaphore_mem>>)
      %add3A_40 = arith.constant 256 : i32
      %add3A_41 = arith.addi %add3A_18, %add3A_40 : i32
      %dma_start3A_42 = arith.constant 2 : i32
      %dma_start3A_43 = arith.constant 0 : i32
      %dma_start3A_44 = tpu.memref_slice %arg6[%dma_start3A_42, %dma_start3A_43] : memref<5x128xi32, #tpu.memory_space<vmem>> -> memref<1x128xi32, #tpu.memory_space<vmem>>
      %dma_start3A_45 = tpu.memref_squeeze %dma_start3A_44 : memref<1x128xi32, #tpu.memory_space<vmem>> -> memref<128xi32, #tpu.memory_space<vmem>>
      %dma_start3A_46 = tpu.memref_slice %arg3[%add3A_41] : memref<163840xi32, #tpu.memory_space<hbm>> -> memref<128xi32, #tpu.memory_space<hbm>>
      %dma_start3A_47 = arith.constant 0 : i32
      %dma_start3A_48 = tpu.memref_slice %arg6[%dma_start3A_42, %dma_start3A_47] : memref<5x128xi32, #tpu.memory_space<vmem>> -> memref<1x128xi32, #tpu.memory_space<vmem>>
      %dma_start3A_49 = tpu.memref_squeeze %dma_start3A_48 : memref<1x128xi32, #tpu.memory_space<vmem>> -> memref<128xi32, #tpu.memory_space<vmem>>
      %dma_start3A_50 = tpu.memref_slice %arg3[%add3A_41] : memref<163840xi32, #tpu.memory_space<hbm>> -> memref<128xi32, #tpu.memory_space<hbm>>
      tpu.enqueue_dma source(%dma_start3A_50 : memref<128xi32, #tpu.memory_space<hbm>>) target(%dma_start3A_49 : memref<128xi32, #tpu.memory_space<vmem>>) target_semaphore(%arg9 : memref<!tpu.dma_semaphore, #tpu.memory_space<semaphore_mem>>)
      %add3A_51 = arith.constant 384 : i32
      %add3A_52 = arith.addi %add3A_18, %add3A_51 : i32
      %dma_start3A_53 = arith.constant 3 : i32
      %dma_start3A_54 = arith.constant 0 : i32
      %dma_start3A_55 = tpu.memref_slice %arg6[%dma_start3A_53, %dma_start3A_54] : memref<5x128xi32, #tpu.memory_space<vmem>> -> memref<1x128xi32, #tpu.memory_space<vmem>>
      %dma_start3A_56 = tpu.memref_squeeze %dma_start3A_55 : memref<1x128xi32, #tpu.memory_space<vmem>> -> memref<128xi32, #tpu.memory_space<vmem>>
      %dma_start3A_57 = tpu.memref_slice %arg3[%add3A_52] : memref<163840xi32, #tpu.memory_space<hbm>> -> memref<128xi32, #tpu.memory_space<hbm>>
      %dma_start3A_58 = arith.constant 0 : i32
      %dma_start3A_59 = tpu.memref_slice %arg6[%dma_start3A_53, %dma_start3A_58] : memref<5x128xi32, #tpu.memory_space<vmem>> -> memref<1x128xi32, #tpu.memory_space<vmem>>
      %dma_start3A_60 = tpu.memref_squeeze %dma_start3A_59 : memref<1x128xi32, #tpu.memory_space<vmem>> -> memref<128xi32, #tpu.memory_space<vmem>>
      %dma_start3A_61 = tpu.memref_slice %arg3[%add3A_52] : memref<163840xi32, #tpu.memory_space<hbm>> -> memref<128xi32, #tpu.memory_space<hbm>>
      tpu.enqueue_dma source(%dma_start3A_61 : memref<128xi32, #tpu.memory_space<hbm>>) target(%dma_start3A_60 : memref<128xi32, #tpu.memory_space<vmem>>) target_semaphore(%arg9 : memref<!tpu.dma_semaphore, #tpu.memory_space<semaphore_mem>>)
      %add3A_62 = arith.constant 512 : i32
      %add3A_63 = arith.addi %add3A_18, %add3A_62 : i32
      %dma_start3A_64 = arith.constant 4 : i32
      %dma_start3A_65 = arith.constant 0 : i32
      %dma_start3A_66 = tpu.memref_slice %arg6[%dma_start3A_64, %dma_start3A_65] : memref<5x128xi32, #tpu.memory_space<vmem>> -> memref<1x128xi32, #tpu.memory_space<vmem>>
      %dma_start3A_67 = tpu.memref_squeeze %dma_start3A_66 : memref<1x128xi32, #tpu.memory_space<vmem>> -> memref<128xi32, #tpu.memory_space<vmem>>
      %dma_start3A_68 = tpu.memref_slice %arg3[%add3A_63] : memref<163840xi32, #tpu.memory_space<hbm>> -> memref<128xi32, #tpu.memory_space<hbm>>
      %dma_start3A_69 = arith.constant 0 : i32
      %dma_start3A_70 = tpu.memref_slice %arg6[%dma_start3A_64, %dma_start3A_69] : memref<5x128xi32, #tpu.memory_space<vmem>> -> memref<1x128xi32, #tpu.memory_space<vmem>>
      %dma_start3A_71 = tpu.memref_squeeze %dma_start3A_70 : memref<1x128xi32, #tpu.memory_space<vmem>> -> memref<128xi32, #tpu.memory_space<vmem>>
      %dma_start3A_72 = tpu.memref_slice %arg3[%add3A_63] : memref<163840xi32, #tpu.memory_space<hbm>> -> memref<128xi32, #tpu.memory_space<hbm>>
      tpu.enqueue_dma source(%dma_start3A_72 : memref<128xi32, #tpu.memory_space<hbm>>) target(%dma_start3A_71 : memref<128xi32, #tpu.memory_space<vmem>>) target_semaphore(%arg9 : memref<!tpu.dma_semaphore, #tpu.memory_space<semaphore_mem>>)
      %add3A_73 = arith.constant 0 : i32
      %add3A_74 = arith.addi %add3A_18, %add3A_73 : i32
      %dma_start3A_75 = arith.constant 0 : i32
      %dma_start3A_76 = arith.constant 0 : i32
      %dma_start3A_77 = arith.constant 0 : i32
      %dma_start3A_78 = tpu.memref_slice %arg7[%dma_start3A_75, %dma_start3A_76, %dma_start3A_77] : memref<5x128x128xf32, #tpu.memory_space<vmem>> -> memref<1x128x128xf32, #tpu.memory_space<vmem>>
      %dma_start3A_79 = tpu.memref_squeeze %dma_start3A_78 : memref<1x128x128xf32, #tpu.memory_space<vmem>> -> memref<128x128xf32, #tpu.memory_space<vmem>>
      %dma_start3A_80 = arith.constant 0 : i32
      %dma_start3A_81 = tpu.memref_slice %arg2[%add3A_74, %dma_start3A_80] : memref<163840x128xf32, #tpu.memory_space<hbm>> -> memref<128x128xf32, #tpu.memory_space<hbm>>
      %dma_start3A_82 = arith.constant 0 : i32
      %dma_start3A_83 = arith.constant 0 : i32
      %dma_start3A_84 = tpu.memref_slice %arg7[%dma_start3A_75, %dma_start3A_82, %dma_start3A_83] : memref<5x128x128xf32, #tpu.memory_space<vmem>> -> memref<1x128x128xf32, #tpu.memory_space<vmem>>
      %dma_start3A_85 = tpu.memref_squeeze %dma_start3A_84 : memref<1x128x128xf32, #tpu.memory_space<vmem>> -> memref<128x128xf32, #tpu.memory_space<vmem>>
      %dma_start3A_86 = arith.constant 0 : i32
      %dma_start3A_87 = tpu.memref_slice %arg2[%add3A_74, %dma_start3A_86] : memref<163840x128xf32, #tpu.memory_space<hbm>> -> memref<128x128xf32, #tpu.memory_space<hbm>>
      tpu.enqueue_dma source(%dma_start3A_87 : memref<128x128xf32, #tpu.memory_space<hbm>>) target(%dma_start3A_85 : memref<128x128xf32, #tpu.memory_space<vmem>>) target_semaphore(%arg10 : memref<!tpu.dma_semaphore, #tpu.memory_space<semaphore_mem>>)
      %add3A_88 = arith.constant 128 : i32
      %add3A_89 = arith.addi %add3A_18, %add3A_88 : i32
      %dma_start3A_90 = arith.constant 1 : i32
      %dma_start3A_91 = arith.constant 0 : i32
      %dma_start3A_92 = arith.constant 0 : i32
      %dma_start3A_93 = tpu.memref_slice %arg7[%dma_start3A_90, %dma_start3A_91, %dma_start3A_92] : memref<5x128x128xf32, #tpu.memory_space<vmem>> -> memref<1x128x128xf32, #tpu.memory_space<vmem>>
      %dma_start3A_94 = tpu.memref_squeeze %dma_start3A_93 : memref<1x128x128xf32, #tpu.memory_space<vmem>> -> memref<128x128xf32, #tpu.memory_space<vmem>>
      %dma_start3A_95 = arith.constant 0 : i32
      %dma_start3A_96 = tpu.memref_slice %arg2[%add3A_89, %dma_start3A_95] : memref<163840x128xf32, #tpu.memory_space<hbm>> -> memref<128x128xf32, #tpu.memory_space<hbm>>
      %dma_start3A_97 = arith.constant 0 : i32
      %dma_start3A_98 = arith.constant 0 : i32
      %dma_start3A_99 = tpu.memref_slice %arg7[%dma_start3A_90, %dma_start3A_97, %dma_start3A_98] : memref<5x128x128xf32, #tpu.memory_space<vmem>> -> memref<1x128x128xf32, #tpu.memory_space<vmem>>
      %dma_start3A_100 = tpu.memref_squeeze %dma_start3A_99 : memref<1x128x128xf32, #tpu.memory_space<vmem>> -> memref<128x128xf32, #tpu.memory_space<vmem>>
      %dma_start3A_101 = arith.constant 0 : i32
      %dma_start3A_102 = tpu.memref_slice %arg2[%add3A_89, %dma_start3A_101] : memref<163840x128xf32, #tpu.memory_space<hbm>> -> memref<128x128xf32, #tpu.memory_space<hbm>>
      tpu.enqueue_dma source(%dma_start3A_102 : memref<128x128xf32, #tpu.memory_space<hbm>>) target(%dma_start3A_100 : memref<128x128xf32, #tpu.memory_space<vmem>>) target_semaphore(%arg10 : memref<!tpu.dma_semaphore, #tpu.memory_space<semaphore_mem>>)
      %add3A_103 = arith.constant 256 : i32
      %add3A_104 = arith.addi %add3A_18, %add3A_103 : i32
      %dma_start3A_105 = arith.constant 2 : i32
      %dma_start3A_106 = arith.constant 0 : i32
      %dma_start3A_107 = arith.constant 0 : i32
      %dma_start3A_108 = tpu.memref_slice %arg7[%dma_start3A_105, %dma_start3A_106, %dma_start3A_107] : memref<5x128x128xf32, #tpu.memory_space<vmem>> -> memref<1x128x128xf32, #tpu.memory_space<vmem>>
      %dma_start3A_109 = tpu.memref_squeeze %dma_start3A_108 : memref<1x128x128xf32, #tpu.memory_space<vmem>> -> memref<128x128xf32, #tpu.memory_space<vmem>>
      %dma_start3A_110 = arith.constant 0 : i32
      %dma_start3A_111 = tpu.memref_slice %arg2[%add3A_104, %dma_start3A_110] : memref<163840x128xf32, #tpu.memory_space<hbm>> -> memref<128x128xf32, #tpu.memory_space<hbm>>
      %dma_start3A_112 = arith.constant 0 : i32
      %dma_start3A_113 = arith.constant 0 : i32
      %dma_start3A_114 = tpu.memref_slice %arg7[%dma_start3A_105, %dma_start3A_112, %dma_start3A_113] : memref<5x128x128xf32, #tpu.memory_space<vmem>> -> memref<1x128x128xf32, #tpu.memory_space<vmem>>
      %dma_start3A_115 = tpu.memref_squeeze %dma_start3A_114 : memref<1x128x128xf32, #tpu.memory_space<vmem>> -> memref<128x128xf32, #tpu.memory_space<vmem>>
      %dma_start3A_116 = arith.constant 0 : i32
      %dma_start3A_117 = tpu.memref_slice %arg2[%add3A_104, %dma_start3A_116] : memref<163840x128xf32, #tpu.memory_space<hbm>> -> memref<128x128xf32, #tpu.memory_space<hbm>>
      tpu.enqueue_dma source(%dma_start3A_117 : memref<128x128xf32, #tpu.memory_space<hbm>>) target(%dma_start3A_115 : memref<128x128xf32, #tpu.memory_space<vmem>>) target_semaphore(%arg10 : memref<!tpu.dma_semaphore, #tpu.memory_space<semaphore_mem>>)
      %add3A_118 = arith.constant 384 : i32
      %add3A_119 = arith.addi %add3A_18, %add3A_118 : i32
      %dma_start3A_120 = arith.constant 3 : i32
      %dma_start3A_121 = arith.constant 0 : i32
      %dma_start3A_122 = arith.constant 0 : i32
      %dma_start3A_123 = tpu.memref_slice %arg7[%dma_start3A_120, %dma_start3A_121, %dma_start3A_122] : memref<5x128x128xf32, #tpu.memory_space<vmem>> -> memref<1x128x128xf32, #tpu.memory_space<vmem>>
      %dma_start3A_124 = tpu.memref_squeeze %dma_start3A_123 : memref<1x128x128xf32, #tpu.memory_space<vmem>> -> memref<128x128xf32, #tpu.memory_space<vmem>>
      %dma_start3A_125 = arith.constant 0 : i32
      %dma_start3A_126 = tpu.memref_slice %arg2[%add3A_119, %dma_start3A_125] : memref<163840x128xf32, #tpu.memory_space<hbm>> -> memref<128x128xf32, #tpu.memory_space<hbm>>
      %dma_start3A_127 = arith.constant 0 : i32
      %dma_start3A_128 = arith.constant 0 : i32
      %dma_start3A_129 = tpu.memref_slice %arg7[%dma_start3A_120, %dma_start3A_127, %dma_start3A_128] : memref<5x128x128xf32, #tpu.memory_space<vmem>> -> memref<1x128x128xf32, #tpu.memory_space<vmem>>
      %dma_start3A_130 = tpu.memref_squeeze %dma_start3A_129 : memref<1x128x128xf32, #tpu.memory_space<vmem>> -> memref<128x128xf32, #tpu.memory_space<vmem>>
      %dma_start3A_131 = arith.constant 0 : i32
      %dma_start3A_132 = tpu.memref_slice %arg2[%add3A_119, %dma_start3A_131] : memref<163840x128xf32, #tpu.memory_space<hbm>> -> memref<128x128xf32, #tpu.memory_space<hbm>>
      tpu.enqueue_dma source(%dma_start3A_132 : memref<128x128xf32, #tpu.memory_space<hbm>>) target(%dma_start3A_130 : memref<128x128xf32, #tpu.memory_space<vmem>>) target_semaphore(%arg10 : memref<!tpu.dma_semaphore, #tpu.memory_space<semaphore_mem>>)
      %add3A_133 = arith.constant 512 : i32
      %add3A_134 = arith.addi %add3A_18, %add3A_133 : i32
      %dma_start3A_135 = arith.constant 4 : i32
      %dma_start3A_136 = arith.constant 0 : i32
      %dma_start3A_137 = arith.constant 0 : i32
      %dma_start3A_138 = tpu.memref_slice %arg7[%dma_start3A_135, %dma_start3A_136, %dma_start3A_137] : memref<5x128x128xf32, #tpu.memory_space<vmem>> -> memref<1x128x128xf32, #tpu.memory_space<vmem>>
      %dma_start3A_139 = tpu.memref_squeeze %dma_start3A_138 : memref<1x128x128xf32, #tpu.memory_space<vmem>> -> memref<128x128xf32, #tpu.memory_space<vmem>>
      %dma_start3A_140 = arith.constant 0 : i32
      %dma_start3A_141 = tpu.memref_slice %arg2[%add3A_134, %dma_start3A_140] : memref<163840x128xf32, #tpu.memory_space<hbm>> -> memref<128x128xf32, #tpu.memory_space<hbm>>
      %dma_start3A_142 = arith.constant 0 : i32
      %dma_start3A_143 = arith.constant 0 : i32
      %dma_start3A_144 = tpu.memref_slice %arg7[%dma_start3A_135, %dma_start3A_142, %dma_start3A_143] : memref<5x128x128xf32, #tpu.memory_space<vmem>> -> memref<1x128x128xf32, #tpu.memory_space<vmem>>
      %dma_start3A_145 = tpu.memref_squeeze %dma_start3A_144 : memref<1x128x128xf32, #tpu.memory_space<vmem>> -> memref<128x128xf32, #tpu.memory_space<vmem>>
      %dma_start3A_146 = arith.constant 0 : i32
      %dma_start3A_147 = tpu.memref_slice %arg2[%add3A_134, %dma_start3A_146] : memref<163840x128xf32, #tpu.memory_space<hbm>> -> memref<128x128xf32, #tpu.memory_space<hbm>>
      tpu.enqueue_dma source(%dma_start3A_147 : memref<128x128xf32, #tpu.memory_space<hbm>>) target(%dma_start3A_145 : memref<128x128xf32, #tpu.memory_space<vmem>>) target_semaphore(%arg10 : memref<!tpu.dma_semaphore, #tpu.memory_space<semaphore_mem>>)
      %dma_wait3A = arith.constant 0 : i32
      %dma_wait3A_148 = arith.constant 0 : i32
      %dma_wait3A_149 = tpu.memref_slice %arg6[%dma_wait3A, %dma_wait3A_148] : memref<5x128xi32, #tpu.memory_space<vmem>> -> memref<1x128xi32, #tpu.memory_space<vmem>>
      %dma_wait3A_150 = tpu.memref_squeeze %dma_wait3A_149 : memref<1x128xi32, #tpu.memory_space<vmem>> -> memref<128xi32, #tpu.memory_space<vmem>>
      %dma_wait3A_151 = tpu.memref_slice %arg3[%add3A_20] : memref<163840xi32, #tpu.memory_space<hbm>> -> memref<128xi32, #tpu.memory_space<hbm>>
      %dma_wait3A_152 = arith.constant 0 : i32
      %dma_wait3A_153 = tpu.memref_slice %arg6[%dma_wait3A, %dma_wait3A_152] : memref<5x128xi32, #tpu.memory_space<vmem>> -> memref<1x128xi32, #tpu.memory_space<vmem>>
      %dma_wait3A_154 = tpu.memref_squeeze %dma_wait3A_153 : memref<1x128xi32, #tpu.memory_space<vmem>> -> memref<128xi32, #tpu.memory_space<vmem>>
      %dma_wait3A_155 = tpu.memref_slice %arg3[%add3A_20] : memref<163840xi32, #tpu.memory_space<hbm>> -> memref<128xi32, #tpu.memory_space<hbm>>
      tpu.wait_dma2 semaphore(%arg9 : memref<!tpu.dma_semaphore, #tpu.memory_space<semaphore_mem>>) src(%dma_wait3A_155 : memref<128xi32, #tpu.memory_space<hbm>>) dst(%dma_wait3A_154 : memref<128xi32, #tpu.memory_space<vmem>>)
      %dma_wait3A_156 = arith.constant 1 : i32
      %dma_wait3A_157 = arith.constant 0 : i32
      %dma_wait3A_158 = tpu.memref_slice %arg6[%dma_wait3A_156, %dma_wait3A_157] : memref<5x128xi32, #tpu.memory_space<vmem>> -> memref<1x128xi32, #tpu.memory_space<vmem>>
      %dma_wait3A_159 = tpu.memref_squeeze %dma_wait3A_158 : memref<1x128xi32, #tpu.memory_space<vmem>> -> memref<128xi32, #tpu.memory_space<vmem>>
      %dma_wait3A_160 = tpu.memref_slice %arg3[%add3A_30] : memref<163840xi32, #tpu.memory_space<hbm>> -> memref<128xi32, #tpu.memory_space<hbm>>
      %dma_wait3A_161 = arith.constant 0 : i32
      %dma_wait3A_162 = tpu.memref_slice %arg6[%dma_wait3A_156, %dma_wait3A_161] : memref<5x128xi32, #tpu.memory_space<vmem>> -> memref<1x128xi32, #tpu.memory_space<vmem>>
      %dma_wait3A_163 = tpu.memref_squeeze %dma_wait3A_162 : memref<1x128xi32, #tpu.memory_space<vmem>> -> memref<128xi32, #tpu.memory_space<vmem>>
      %dma_wait3A_164 = tpu.memref_slice %arg3[%add3A_30] : memref<163840xi32, #tpu.memory_space<hbm>> -> memref<128xi32, #tpu.memory_space<hbm>>
      tpu.wait_dma2 semaphore(%arg9 : memref<!tpu.dma_semaphore, #tpu.memory_space<semaphore_mem>>) src(%dma_wait3A_164 : memref<128xi32, #tpu.memory_space<hbm>>) dst(%dma_wait3A_163 : memref<128xi32, #tpu.memory_space<vmem>>)
      %dma_wait3A_165 = arith.constant 2 : i32
      %dma_wait3A_166 = arith.constant 0 : i32
      %dma_wait3A_167 = tpu.memref_slice %arg6[%dma_wait3A_165, %dma_wait3A_166] : memref<5x128xi32, #tpu.memory_space<vmem>> -> memref<1x128xi32, #tpu.memory_space<vmem>>
      %dma_wait3A_168 = tpu.memref_squeeze %dma_wait3A_167 : memref<1x128xi32, #tpu.memory_space<vmem>> -> memref<128xi32, #tpu.memory_space<vmem>>
      %dma_wait3A_169 = tpu.memref_slice %arg3[%add3A_41] : memref<163840xi32, #tpu.memory_space<hbm>> -> memref<128xi32, #tpu.memory_space<hbm>>
      %dma_wait3A_170 = arith.constant 0 : i32
      %dma_wait3A_171 = tpu.memref_slice %arg6[%dma_wait3A_165, %dma_wait3A_170] : memref<5x128xi32, #tpu.memory_space<vmem>> -> memref<1x128xi32, #tpu.memory_space<vmem>>
      %dma_wait3A_172 = tpu.memref_squeeze %dma_wait3A_171 : memref<1x128xi32, #tpu.memory_space<vmem>> -> memref<128xi32, #tpu.memory_space<vmem>>
      %dma_wait3A_173 = tpu.memref_slice %arg3[%add3A_41] : memref<163840xi32, #tpu.memory_space<hbm>> -> memref<128xi32, #tpu.memory_space<hbm>>
      tpu.wait_dma2 semaphore(%arg9 : memref<!tpu.dma_semaphore, #tpu.memory_space<semaphore_mem>>) src(%dma_wait3A_173 : memref<128xi32, #tpu.memory_space<hbm>>) dst(%dma_wait3A_172 : memref<128xi32, #tpu.memory_space<vmem>>)
      %dma_wait3A_174 = arith.constant 3 : i32
      %dma_wait3A_175 = arith.constant 0 : i32
      %dma_wait3A_176 = tpu.memref_slice %arg6[%dma_wait3A_174, %dma_wait3A_175] : memref<5x128xi32, #tpu.memory_space<vmem>> -> memref<1x128xi32, #tpu.memory_space<vmem>>
      %dma_wait3A_177 = tpu.memref_squeeze %dma_wait3A_176 : memref<1x128xi32, #tpu.memory_space<vmem>> -> memref<128xi32, #tpu.memory_space<vmem>>
      %dma_wait3A_178 = tpu.memref_slice %arg3[%add3A_52] : memref<163840xi32, #tpu.memory_space<hbm>> -> memref<128xi32, #tpu.memory_space<hbm>>
      %dma_wait3A_179 = arith.constant 0 : i32
      %dma_wait3A_180 = tpu.memref_slice %arg6[%dma_wait3A_174, %dma_wait3A_179] : memref<5x128xi32, #tpu.memory_space<vmem>> -> memref<1x128xi32, #tpu.memory_space<vmem>>
      %dma_wait3A_181 = tpu.memref_squeeze %dma_wait3A_180 : memref<1x128xi32, #tpu.memory_space<vmem>> -> memref<128xi32, #tpu.memory_space<vmem>>
      %dma_wait3A_182 = tpu.memref_slice %arg3[%add3A_52] : memref<163840xi32, #tpu.memory_space<hbm>> -> memref<128xi32, #tpu.memory_space<hbm>>
      tpu.wait_dma2 semaphore(%arg9 : memref<!tpu.dma_semaphore, #tpu.memory_space<semaphore_mem>>) src(%dma_wait3A_182 : memref<128xi32, #tpu.memory_space<hbm>>) dst(%dma_wait3A_181 : memref<128xi32, #tpu.memory_space<vmem>>)
      %dma_wait3A_183 = arith.constant 4 : i32
      %dma_wait3A_184 = arith.constant 0 : i32
      %dma_wait3A_185 = tpu.memref_slice %arg6[%dma_wait3A_183, %dma_wait3A_184] : memref<5x128xi32, #tpu.memory_space<vmem>> -> memref<1x128xi32, #tpu.memory_space<vmem>>
      %dma_wait3A_186 = tpu.memref_squeeze %dma_wait3A_185 : memref<1x128xi32, #tpu.memory_space<vmem>> -> memref<128xi32, #tpu.memory_space<vmem>>
      %dma_wait3A_187 = tpu.memref_slice %arg3[%add3A_63] : memref<163840xi32, #tpu.memory_space<hbm>> -> memref<128xi32, #tpu.memory_space<hbm>>
      %dma_wait3A_188 = arith.constant 0 : i32
      %dma_wait3A_189 = tpu.memref_slice %arg6[%dma_wait3A_183, %dma_wait3A_188] : memref<5x128xi32, #tpu.memory_space<vmem>> -> memref<1x128xi32, #tpu.memory_space<vmem>>
      %dma_wait3A_190 = tpu.memref_squeeze %dma_wait3A_189 : memref<1x128xi32, #tpu.memory_space<vmem>> -> memref<128xi32, #tpu.memory_space<vmem>>
      %dma_wait3A_191 = tpu.memref_slice %arg3[%add3A_63] : memref<163840xi32, #tpu.memory_space<hbm>> -> memref<128xi32, #tpu.memory_space<hbm>>
      tpu.wait_dma2 semaphore(%arg9 : memref<!tpu.dma_semaphore, #tpu.memory_space<semaphore_mem>>) src(%dma_wait3A_191 : memref<128xi32, #tpu.memory_space<hbm>>) dst(%dma_wait3A_190 : memref<128xi32, #tpu.memory_space<vmem>>)
      %dma_wait3A_192 = arith.constant 0 : i32
      %dma_wait3A_193 = arith.constant 0 : i32
      %dma_wait3A_194 = arith.constant 0 : i32
      %dma_wait3A_195 = tpu.memref_slice %arg7[%dma_wait3A_192, %dma_wait3A_193, %dma_wait3A_194] : memref<5x128x128xf32, #tpu.memory_space<vmem>> -> memref<1x128x128xf32, #tpu.memory_space<vmem>>
      %dma_wait3A_196 = tpu.memref_squeeze %dma_wait3A_195 : memref<1x128x128xf32, #tpu.memory_space<vmem>> -> memref<128x128xf32, #tpu.memory_space<vmem>>
      %dma_wait3A_197 = arith.constant 0 : i32
      %dma_wait3A_198 = tpu.memref_slice %arg2[%add3A_74, %dma_wait3A_197] : memref<163840x128xf32, #tpu.memory_space<hbm>> -> memref<128x128xf32, #tpu.memory_space<hbm>>
      %dma_wait3A_199 = arith.constant 0 : i32
      %dma_wait3A_200 = arith.constant 0 : i32
      %dma_wait3A_201 = tpu.memref_slice %arg7[%dma_wait3A_192, %dma_wait3A_199, %dma_wait3A_200] : memref<5x128x128xf32, #tpu.memory_space<vmem>> -> memref<1x128x128xf32, #tpu.memory_space<vmem>>
      %dma_wait3A_202 = tpu.memref_squeeze %dma_wait3A_201 : memref<1x128x128xf32, #tpu.memory_space<vmem>> -> memref<128x128xf32, #tpu.memory_space<vmem>>
      %dma_wait3A_203 = arith.constant 0 : i32
      %dma_wait3A_204 = tpu.memref_slice %arg2[%add3A_74, %dma_wait3A_203] : memref<163840x128xf32, #tpu.memory_space<hbm>> -> memref<128x128xf32, #tpu.memory_space<hbm>>
      tpu.wait_dma2 semaphore(%arg10 : memref<!tpu.dma_semaphore, #tpu.memory_space<semaphore_mem>>) src(%dma_wait3A_204 : memref<128x128xf32, #tpu.memory_space<hbm>>) dst(%dma_wait3A_202 : memref<128x128xf32, #tpu.memory_space<vmem>>)
      %dma_wait3A_205 = arith.constant 1 : i32
      %dma_wait3A_206 = arith.constant 0 : i32
      %dma_wait3A_207 = arith.constant 0 : i32
      %dma_wait3A_208 = tpu.memref_slice %arg7[%dma_wait3A_205, %dma_wait3A_206, %dma_wait3A_207] : memref<5x128x128xf32, #tpu.memory_space<vmem>> -> memref<1x128x128xf32, #tpu.memory_space<vmem>>
      %dma_wait3A_209 = tpu.memref_squeeze %dma_wait3A_208 : memref<1x128x128xf32, #tpu.memory_space<vmem>> -> memref<128x128xf32, #tpu.memory_space<vmem>>
      %dma_wait3A_210 = arith.constant 0 : i32
      %dma_wait3A_211 = tpu.memref_slice %arg2[%add3A_89, %dma_wait3A_210] : memref<163840x128xf32, #tpu.memory_space<hbm>> -> memref<128x128xf32, #tpu.memory_space<hbm>>
      %dma_wait3A_212 = arith.constant 0 : i32
      %dma_wait3A_213 = arith.constant 0 : i32
      %dma_wait3A_214 = tpu.memref_slice %arg7[%dma_wait3A_205, %dma_wait3A_212, %dma_wait3A_213] : memref<5x128x128xf32, #tpu.memory_space<vmem>> -> memref<1x128x128xf32, #tpu.memory_space<vmem>>
      %dma_wait3A_215 = tpu.memref_squeeze %dma_wait3A_214 : memref<1x128x128xf32, #tpu.memory_space<vmem>> -> memref<128x128xf32, #tpu.memory_space<vmem>>
      %dma_wait3A_216 = arith.constant 0 : i32
      %dma_wait3A_217 = tpu.memref_slice %arg2[%add3A_89, %dma_wait3A_216] : memref<163840x128xf32, #tpu.memory_space<hbm>> -> memref<128x128xf32, #tpu.memory_space<hbm>>
      tpu.wait_dma2 semaphore(%arg10 : memref<!tpu.dma_semaphore, #tpu.memory_space<semaphore_mem>>) src(%dma_wait3A_217 : memref<128x128xf32, #tpu.memory_space<hbm>>) dst(%dma_wait3A_215 : memref<128x128xf32, #tpu.memory_space<vmem>>)
      %dma_wait3A_218 = arith.constant 2 : i32
      %dma_wait3A_219 = arith.constant 0 : i32
      %dma_wait3A_220 = arith.constant 0 : i32
      %dma_wait3A_221 = tpu.memref_slice %arg7[%dma_wait3A_218, %dma_wait3A_219, %dma_wait3A_220] : memref<5x128x128xf32, #tpu.memory_space<vmem>> -> memref<1x128x128xf32, #tpu.memory_space<vmem>>
      %dma_wait3A_222 = tpu.memref_squeeze %dma_wait3A_221 : memref<1x128x128xf32, #tpu.memory_space<vmem>> -> memref<128x128xf32, #tpu.memory_space<vmem>>
      %dma_wait3A_223 = arith.constant 0 : i32
      %dma_wait3A_224 = tpu.memref_slice %arg2[%add3A_104, %dma_wait3A_223] : memref<163840x128xf32, #tpu.memory_space<hbm>> -> memref<128x128xf32, #tpu.memory_space<hbm>>
      %dma_wait3A_225 = arith.constant 0 : i32
      %dma_wait3A_226 = arith.constant 0 : i32
      %dma_wait3A_227 = tpu.memref_slice %arg7[%dma_wait3A_218, %dma_wait3A_225, %dma_wait3A_226] : memref<5x128x128xf32, #tpu.memory_space<vmem>> -> memref<1x128x128xf32, #tpu.memory_space<vmem>>
      %dma_wait3A_228 = tpu.memref_squeeze %dma_wait3A_227 : memref<1x128x128xf32, #tpu.memory_space<vmem>> -> memref<128x128xf32, #tpu.memory_space<vmem>>
      %dma_wait3A_229 = arith.constant 0 : i32
      %dma_wait3A_230 = tpu.memref_slice %arg2[%add3A_104, %dma_wait3A_229] : memref<163840x128xf32, #tpu.memory_space<hbm>> -> memref<128x128xf32, #tpu.memory_space<hbm>>
      tpu.wait_dma2 semaphore(%arg10 : memref<!tpu.dma_semaphore, #tpu.memory_space<semaphore_mem>>) src(%dma_wait3A_230 : memref<128x128xf32, #tpu.memory_space<hbm>>) dst(%dma_wait3A_228 : memref<128x128xf32, #tpu.memory_space<vmem>>)
      %dma_wait3A_231 = arith.constant 3 : i32
      %dma_wait3A_232 = arith.constant 0 : i32
      %dma_wait3A_233 = arith.constant 0 : i32
      %dma_wait3A_234 = tpu.memref_slice %arg7[%dma_wait3A_231, %dma_wait3A_232, %dma_wait3A_233] : memref<5x128x128xf32, #tpu.memory_space<vmem>> -> memref<1x128x128xf32, #tpu.memory_space<vmem>>
      %dma_wait3A_235 = tpu.memref_squeeze %dma_wait3A_234 : memref<1x128x128xf32, #tpu.memory_space<vmem>> -> memref<128x128xf32, #tpu.memory_space<vmem>>
      %dma_wait3A_236 = arith.constant 0 : i32
      %dma_wait3A_237 = tpu.memref_slice %arg2[%add3A_119, %dma_wait3A_236] : memref<163840x128xf32, #tpu.memory_space<hbm>> -> memref<128x128xf32, #tpu.memory_space<hbm>>
      %dma_wait3A_238 = arith.constant 0 : i32
      %dma_wait3A_239 = arith.constant 0 : i32
      %dma_wait3A_240 = tpu.memref_slice %arg7[%dma_wait3A_231, %dma_wait3A_238, %dma_wait3A_239] : memref<5x128x128xf32, #tpu.memory_space<vmem>> -> memref<1x128x128xf32, #tpu.memory_space<vmem>>
      %dma_wait3A_241 = tpu.memref_squeeze %dma_wait3A_240 : memref<1x128x128xf32, #tpu.memory_space<vmem>> -> memref<128x128xf32, #tpu.memory_space<vmem>>
      %dma_wait3A_242 = arith.constant 0 : i32
      %dma_wait3A_243 = tpu.memref_slice %arg2[%add3A_119, %dma_wait3A_242] : memref<163840x128xf32, #tpu.memory_space<hbm>> -> memref<128x128xf32, #tpu.memory_space<hbm>>
      tpu.wait_dma2 semaphore(%arg10 : memref<!tpu.dma_semaphore, #tpu.memory_space<semaphore_mem>>) src(%dma_wait3A_243 : memref<128x128xf32, #tpu.memory_space<hbm>>) dst(%dma_wait3A_241 : memref<128x128xf32, #tpu.memory_space<vmem>>)
      %dma_wait3A_244 = arith.constant 4 : i32
      %dma_wait3A_245 = arith.constant 0 : i32
      %dma_wait3A_246 = arith.constant 0 : i32
      %dma_wait3A_247 = tpu.memref_slice %arg7[%dma_wait3A_244, %dma_wait3A_245, %dma_wait3A_246] : memref<5x128x128xf32, #tpu.memory_space<vmem>> -> memref<1x128x128xf32, #tpu.memory_space<vmem>>
      %dma_wait3A_248 = tpu.memref_squeeze %dma_wait3A_247 : memref<1x128x128xf32, #tpu.memory_space<vmem>> -> memref<128x128xf32, #tpu.memory_space<vmem>>
      %dma_wait3A_249 = arith.constant 0 : i32
      %dma_wait3A_250 = tpu.memref_slice %arg2[%add3A_134, %dma_wait3A_249] : memref<163840x128xf32, #tpu.memory_space<hbm>> -> memref<128x128xf32, #tpu.memory_space<hbm>>
      %dma_wait3A_251 = arith.constant 0 : i32
      %dma_wait3A_252 = arith.constant 0 : i32
      %dma_wait3A_253 = tpu.memref_slice %arg7[%dma_wait3A_244, %dma_wait3A_251, %dma_wait3A_252] : memref<5x128x128xf32, #tpu.memory_space<vmem>> -> memref<1x128x128xf32, #tpu.memory_space<vmem>>
      %dma_wait3A_254 = tpu.memref_squeeze %dma_wait3A_253 : memref<1x128x128xf32, #tpu.memory_space<vmem>> -> memref<128x128xf32, #tpu.memory_space<vmem>>
      %dma_wait3A_255 = arith.constant 0 : i32
      %dma_wait3A_256 = tpu.memref_slice %arg2[%add3A_134, %dma_wait3A_255] : memref<163840x128xf32, #tpu.memory_space<hbm>> -> memref<128x128xf32, #tpu.memory_space<hbm>>
      tpu.wait_dma2 semaphore(%arg10 : memref<!tpu.dma_semaphore, #tpu.memory_space<semaphore_mem>>) src(%dma_wait3A_256 : memref<128x128xf32, #tpu.memory_space<hbm>>) dst(%dma_wait3A_254 : memref<128x128xf32, #tpu.memory_space<vmem>>)
      %dma_start3A_257 = arith.constant 0 : i32
      %dma_start3A_258 = arith.constant 0 : i32
      %dma_start3A_259 = arith.constant 0 : i32
      %dma_start3A_260 = arith.constant 0 : i32
      %dma_start3A_261 = tpu.memref_slice %arg7[%dma_start3A_257, %dma_start3A_259, %dma_start3A_260] : memref<5x128x128xf32, #tpu.memory_space<vmem>> -> memref<1x128x128xf32, #tpu.memory_space<vmem>>
      %dma_start3A_262 = tpu.memref_squeeze %dma_start3A_261 : memref<1x128x128xf32, #tpu.memory_space<vmem>> -> memref<128x128xf32, #tpu.memory_space<vmem>>
      %dma_start3A_263 = arith.constant 0 : i32
      %dma_start3A_264 = tpu.memref_slice %arg6[%dma_start3A_258, %dma_start3A_263] : memref<5x128xi32, #tpu.memory_space<vmem>> -> memref<1x128xi32, #tpu.memory_space<vmem>>
      %dma_start3A_265 = tpu.memref_squeeze %dma_start3A_264 : memref<1x128xi32, #tpu.memory_space<vmem>> -> memref<128xi32, #tpu.memory_space<vmem>>
      %dma_start3A_266 = arith.constant 0 : i32
      %dma_start3A_267 = arith.constant 0 : i32
      %dma_start3A_268 = tpu.memref_slice %arg8[%dma_start3A_266, %dma_start3A_267] : memref<1280x128xf32, #tpu.memory_space<vmem_shared>> -> memref<1280x128xf32, #tpu.memory_space<vmem_shared>>
      tpu.enqueue_indirect_dma source(%dma_start3A_262 : memref<128x128xf32, #tpu.memory_space<vmem>>) target(%dma_start3A_268 : memref<1280x128xf32, #tpu.memory_space<vmem_shared>>) offsets(%dma_start3A_265 : memref<128xi32, #tpu.memory_space<vmem>>) semaphore(%arg11 : memref<!tpu.dma_semaphore, #tpu.memory_space<semaphore_mem>>) {add = true}
      %dma_start3A_269 = arith.constant 1 : i32
      %dma_start3A_270 = arith.constant 1 : i32
      %dma_start3A_271 = arith.constant 0 : i32
      %dma_start3A_272 = arith.constant 0 : i32
      %dma_start3A_273 = tpu.memref_slice %arg7[%dma_start3A_269, %dma_start3A_271, %dma_start3A_272] : memref<5x128x128xf32, #tpu.memory_space<vmem>> -> memref<1x128x128xf32, #tpu.memory_space<vmem>>
      %dma_start3A_274 = tpu.memref_squeeze %dma_start3A_273 : memref<1x128x128xf32, #tpu.memory_space<vmem>> -> memref<128x128xf32, #tpu.memory_space<vmem>>
      %dma_start3A_275 = arith.constant 0 : i32
      %dma_start3A_276 = tpu.memref_slice %arg6[%dma_start3A_270, %dma_start3A_275] : memref<5x128xi32, #tpu.memory_space<vmem>> -> memref<1x128xi32, #tpu.memory_space<vmem>>
      %dma_start3A_277 = tpu.memref_squeeze %dma_start3A_276 : memref<1x128xi32, #tpu.memory_space<vmem>> -> memref<128xi32, #tpu.memory_space<vmem>>
      %dma_start3A_278 = arith.constant 0 : i32
      %dma_start3A_279 = arith.constant 0 : i32
      %dma_start3A_280 = tpu.memref_slice %arg8[%dma_start3A_278, %dma_start3A_279] : memref<1280x128xf32, #tpu.memory_space<vmem_shared>> -> memref<1280x128xf32, #tpu.memory_space<vmem_shared>>
      tpu.enqueue_indirect_dma source(%dma_start3A_274 : memref<128x128xf32, #tpu.memory_space<vmem>>) target(%dma_start3A_280 : memref<1280x128xf32, #tpu.memory_space<vmem_shared>>) offsets(%dma_start3A_277 : memref<128xi32, #tpu.memory_space<vmem>>) semaphore(%arg11 : memref<!tpu.dma_semaphore, #tpu.memory_space<semaphore_mem>>) {add = true}
      %dma_start3A_281 = arith.constant 2 : i32
      %dma_start3A_282 = arith.constant 2 : i32
      %dma_start3A_283 = arith.constant 0 : i32
      %dma_start3A_284 = arith.constant 0 : i32
      %dma_start3A_285 = tpu.memref_slice %arg7[%dma_start3A_281, %dma_start3A_283, %dma_start3A_284] : memref<5x128x128xf32, #tpu.memory_space<vmem>> -> memref<1x128x128xf32, #tpu.memory_space<vmem>>
      %dma_start3A_286 = tpu.memref_squeeze %dma_start3A_285 : memref<1x128x128xf32, #tpu.memory_space<vmem>> -> memref<128x128xf32, #tpu.memory_space<vmem>>
      %dma_start3A_287 = arith.constant 0 : i32
      %dma_start3A_288 = tpu.memref_slice %arg6[%dma_start3A_282, %dma_start3A_287] : memref<5x128xi32, #tpu.memory_space<vmem>> -> memref<1x128xi32, #tpu.memory_space<vmem>>
      %dma_start3A_289 = tpu.memref_squeeze %dma_start3A_288 : memref<1x128xi32, #tpu.memory_space<vmem>> -> memref<128xi32, #tpu.memory_space<vmem>>
      %dma_start3A_290 = arith.constant 0 : i32
      %dma_start3A_291 = arith.constant 0 : i32
      %dma_start3A_292 = tpu.memref_slice %arg8[%dma_start3A_290, %dma_start3A_291] : memref<1280x128xf32, #tpu.memory_space<vmem_shared>> -> memref<1280x128xf32, #tpu.memory_space<vmem_shared>>
      tpu.enqueue_indirect_dma source(%dma_start3A_286 : memref<128x128xf32, #tpu.memory_space<vmem>>) target(%dma_start3A_292 : memref<1280x128xf32, #tpu.memory_space<vmem_shared>>) offsets(%dma_start3A_289 : memref<128xi32, #tpu.memory_space<vmem>>) semaphore(%arg11 : memref<!tpu.dma_semaphore, #tpu.memory_space<semaphore_mem>>) {add = true}
      %dma_start3A_293 = arith.constant 3 : i32
      %dma_start3A_294 = arith.constant 3 : i32
      %dma_start3A_295 = arith.constant 0 : i32
      %dma_start3A_296 = arith.constant 0 : i32
      %dma_start3A_297 = tpu.memref_slice %arg7[%dma_start3A_293, %dma_start3A_295, %dma_start3A_296] : memref<5x128x128xf32, #tpu.memory_space<vmem>> -> memref<1x128x128xf32, #tpu.memory_space<vmem>>
      %dma_start3A_298 = tpu.memref_squeeze %dma_start3A_297 : memref<1x128x128xf32, #tpu.memory_space<vmem>> -> memref<128x128xf32, #tpu.memory_space<vmem>>
      %dma_start3A_299 = arith.constant 0 : i32
      %dma_start3A_300 = tpu.memref_slice %arg6[%dma_start3A_294, %dma_start3A_299] : memref<5x128xi32, #tpu.memory_space<vmem>> -> memref<1x128xi32, #tpu.memory_space<vmem>>
      %dma_start3A_301 = tpu.memref_squeeze %dma_start3A_300 : memref<1x128xi32, #tpu.memory_space<vmem>> -> memref<128xi32, #tpu.memory_space<vmem>>
      %dma_start3A_302 = arith.constant 0 : i32
      %dma_start3A_303 = arith.constant 0 : i32
      %dma_start3A_304 = tpu.memref_slice %arg8[%dma_start3A_302, %dma_start3A_303] : memref<1280x128xf32, #tpu.memory_space<vmem_shared>> -> memref<1280x128xf32, #tpu.memory_space<vmem_shared>>
      tpu.enqueue_indirect_dma source(%dma_start3A_298 : memref<128x128xf32, #tpu.memory_space<vmem>>) target(%dma_start3A_304 : memref<1280x128xf32, #tpu.memory_space<vmem_shared>>) offsets(%dma_start3A_301 : memref<128xi32, #tpu.memory_space<vmem>>) semaphore(%arg11 : memref<!tpu.dma_semaphore, #tpu.memory_space<semaphore_mem>>) {add = true}
      %dma_start3A_305 = arith.constant 4 : i32
      %dma_start3A_306 = arith.constant 4 : i32
      %dma_start3A_307 = arith.constant 0 : i32
      %dma_start3A_308 = arith.constant 0 : i32
      %dma_start3A_309 = tpu.memref_slice %arg7[%dma_start3A_305, %dma_start3A_307, %dma_start3A_308] : memref<5x128x128xf32, #tpu.memory_space<vmem>> -> memref<1x128x128xf32, #tpu.memory_space<vmem>>
      %dma_start3A_310 = tpu.memref_squeeze %dma_start3A_309 : memref<1x128x128xf32, #tpu.memory_space<vmem>> -> memref<128x128xf32, #tpu.memory_space<vmem>>
      %dma_start3A_311 = arith.constant 0 : i32
      %dma_start3A_312 = tpu.memref_slice %arg6[%dma_start3A_306, %dma_start3A_311] : memref<5x128xi32, #tpu.memory_space<vmem>> -> memref<1x128xi32, #tpu.memory_space<vmem>>
      %dma_start3A_313 = tpu.memref_squeeze %dma_start3A_312 : memref<1x128xi32, #tpu.memory_space<vmem>> -> memref<128xi32, #tpu.memory_space<vmem>>
      %dma_start3A_314 = arith.constant 0 : i32
      %dma_start3A_315 = arith.constant 0 : i32
      %dma_start3A_316 = tpu.memref_slice %arg8[%dma_start3A_314, %dma_start3A_315] : memref<1280x128xf32, #tpu.memory_space<vmem_shared>> -> memref<1280x128xf32, #tpu.memory_space<vmem_shared>>
      tpu.enqueue_indirect_dma source(%dma_start3A_310 : memref<128x128xf32, #tpu.memory_space<vmem>>) target(%dma_start3A_316 : memref<1280x128xf32, #tpu.memory_space<vmem_shared>>) offsets(%dma_start3A_313 : memref<128xi32, #tpu.memory_space<vmem>>) semaphore(%arg11 : memref<!tpu.dma_semaphore, #tpu.memory_space<semaphore_mem>>) {add = true}
      %dma_wait3A_317 = arith.constant 0 : i32
      %dma_wait3A_318 = arith.constant 0 : i32
      %dma_wait3A_319 = arith.constant 0 : i32
      %dma_wait3A_320 = arith.constant 0 : i32
      %dma_wait3A_321 = tpu.memref_slice %arg7[%dma_wait3A_317, %dma_wait3A_319, %dma_wait3A_320] : memref<5x128x128xf32, #tpu.memory_space<vmem>> -> memref<1x128x128xf32, #tpu.memory_space<vmem>>
      %dma_wait3A_322 = tpu.memref_squeeze %dma_wait3A_321 : memref<1x128x128xf32, #tpu.memory_space<vmem>> -> memref<128x128xf32, #tpu.memory_space<vmem>>
      %dma_wait3A_323 = arith.constant 0 : i32
      %dma_wait3A_324 = tpu.memref_slice %arg6[%dma_wait3A_318, %dma_wait3A_323] : memref<5x128xi32, #tpu.memory_space<vmem>> -> memref<1x128xi32, #tpu.memory_space<vmem>>
      %dma_wait3A_325 = tpu.memref_squeeze %dma_wait3A_324 : memref<1x128xi32, #tpu.memory_space<vmem>> -> memref<128xi32, #tpu.memory_space<vmem>>
      %dma_wait3A_326 = arith.constant 0 : i32
      %dma_wait3A_327 = arith.constant 0 : i32
      %dma_wait3A_328 = tpu.memref_slice %arg8[%dma_wait3A_326, %dma_wait3A_327] : memref<1280x128xf32, #tpu.memory_space<vmem_shared>> -> memref<1280x128xf32, #tpu.memory_space<vmem_shared>>
      tpu.wait_indirect_dma semaphore(%arg11 : memref<!tpu.dma_semaphore, #tpu.memory_space<semaphore_mem>>) src(%dma_wait3A_322 : memref<128x128xf32, #tpu.memory_space<vmem>>) dst(%dma_wait3A_328 : memref<1280x128xf32, #tpu.memory_space<vmem_shared>>)
      %dma_wait3A_329 = arith.constant 1 : i32
      %dma_wait3A_330 = arith.constant 1 : i32
      %dma_wait3A_331 = arith.constant 0 : i32
      %dma_wait3A_332 = arith.constant 0 : i32
      %dma_wait3A_333 = tpu.memref_slice %arg7[%dma_wait3A_329, %dma_wait3A_331, %dma_wait3A_332] : memref<5x128x128xf32, #tpu.memory_space<vmem>> -> memref<1x128x128xf32, #tpu.memory_space<vmem>>
      %dma_wait3A_334 = tpu.memref_squeeze %dma_wait3A_333 : memref<1x128x128xf32, #tpu.memory_space<vmem>> -> memref<128x128xf32, #tpu.memory_space<vmem>>
      %dma_wait3A_335 = arith.constant 0 : i32
      %dma_wait3A_336 = tpu.memref_slice %arg6[%dma_wait3A_330, %dma_wait3A_335] : memref<5x128xi32, #tpu.memory_space<vmem>> -> memref<1x128xi32, #tpu.memory_space<vmem>>
      %dma_wait3A_337 = tpu.memref_squeeze %dma_wait3A_336 : memref<1x128xi32, #tpu.memory_space<vmem>> -> memref<128xi32, #tpu.memory_space<vmem>>
      %dma_wait3A_338 = arith.constant 0 : i32
      %dma_wait3A_339 = arith.constant 0 : i32
      %dma_wait3A_340 = tpu.memref_slice %arg8[%dma_wait3A_338, %dma_wait3A_339] : memref<1280x128xf32, #tpu.memory_space<vmem_shared>> -> memref<1280x128xf32, #tpu.memory_space<vmem_shared>>
      tpu.wait_indirect_dma semaphore(%arg11 : memref<!tpu.dma_semaphore, #tpu.memory_space<semaphore_mem>>) src(%dma_wait3A_334 : memref<128x128xf32, #tpu.memory_space<vmem>>) dst(%dma_wait3A_340 : memref<1280x128xf32, #tpu.memory_space<vmem_shared>>)
      %dma_wait3A_341 = arith.constant 2 : i32
      %dma_wait3A_342 = arith.constant 2 : i32
      %dma_wait3A_343 = arith.constant 0 : i32
      %dma_wait3A_344 = arith.constant 0 : i32
      %dma_wait3A_345 = tpu.memref_slice %arg7[%dma_wait3A_341, %dma_wait3A_343, %dma_wait3A_344] : memref<5x128x128xf32, #tpu.memory_space<vmem>> -> memref<1x128x128xf32, #tpu.memory_space<vmem>>
      %dma_wait3A_346 = tpu.memref_squeeze %dma_wait3A_345 : memref<1x128x128xf32, #tpu.memory_space<vmem>> -> memref<128x128xf32, #tpu.memory_space<vmem>>
      %dma_wait3A_347 = arith.constant 0 : i32
      %dma_wait3A_348 = tpu.memref_slice %arg6[%dma_wait3A_342, %dma_wait3A_347] : memref<5x128xi32, #tpu.memory_space<vmem>> -> memref<1x128xi32, #tpu.memory_space<vmem>>
      %dma_wait3A_349 = tpu.memref_squeeze %dma_wait3A_348 : memref<1x128xi32, #tpu.memory_space<vmem>> -> memref<128xi32, #tpu.memory_space<vmem>>
      %dma_wait3A_350 = arith.constant 0 : i32
      %dma_wait3A_351 = arith.constant 0 : i32
      %dma_wait3A_352 = tpu.memref_slice %arg8[%dma_wait3A_350, %dma_wait3A_351] : memref<1280x128xf32, #tpu.memory_space<vmem_shared>> -> memref<1280x128xf32, #tpu.memory_space<vmem_shared>>
      tpu.wait_indirect_dma semaphore(%arg11 : memref<!tpu.dma_semaphore, #tpu.memory_space<semaphore_mem>>) src(%dma_wait3A_346 : memref<128x128xf32, #tpu.memory_space<vmem>>) dst(%dma_wait3A_352 : memref<1280x128xf32, #tpu.memory_space<vmem_shared>>)
      %dma_wait3A_353 = arith.constant 3 : i32
      %dma_wait3A_354 = arith.constant 3 : i32
      %dma_wait3A_355 = arith.constant 0 : i32
      %dma_wait3A_356 = arith.constant 0 : i32
      %dma_wait3A_357 = tpu.memref_slice %arg7[%dma_wait3A_353, %dma_wait3A_355, %dma_wait3A_356] : memref<5x128x128xf32, #tpu.memory_space<vmem>> -> memref<1x128x128xf32, #tpu.memory_space<vmem>>
      %dma_wait3A_358 = tpu.memref_squeeze %dma_wait3A_357 : memref<1x128x128xf32, #tpu.memory_space<vmem>> -> memref<128x128xf32, #tpu.memory_space<vmem>>
      %dma_wait3A_359 = arith.constant 0 : i32
      %dma_wait3A_360 = tpu.memref_slice %arg6[%dma_wait3A_354, %dma_wait3A_359] : memref<5x128xi32, #tpu.memory_space<vmem>> -> memref<1x128xi32, #tpu.memory_space<vmem>>
      %dma_wait3A_361 = tpu.memref_squeeze %dma_wait3A_360 : memref<1x128xi32, #tpu.memory_space<vmem>> -> memref<128xi32, #tpu.memory_space<vmem>>
      %dma_wait3A_362 = arith.constant 0 : i32
      %dma_wait3A_363 = arith.constant 0 : i32
      %dma_wait3A_364 = tpu.memref_slice %arg8[%dma_wait3A_362, %dma_wait3A_363] : memref<1280x128xf32, #tpu.memory_space<vmem_shared>> -> memref<1280x128xf32, #tpu.memory_space<vmem_shared>>
      tpu.wait_indirect_dma semaphore(%arg11 : memref<!tpu.dma_semaphore, #tpu.memory_space<semaphore_mem>>) src(%dma_wait3A_358 : memref<128x128xf32, #tpu.memory_space<vmem>>) dst(%dma_wait3A_364 : memref<1280x128xf32, #tpu.memory_space<vmem_shared>>)
      %dma_wait3A_365 = arith.constant 4 : i32
      %dma_wait3A_366 = arith.constant 4 : i32
      %dma_wait3A_367 = arith.constant 0 : i32
      %dma_wait3A_368 = arith.constant 0 : i32
      %dma_wait3A_369 = tpu.memref_slice %arg7[%dma_wait3A_365, %dma_wait3A_367, %dma_wait3A_368] : memref<5x128x128xf32, #tpu.memory_space<vmem>> -> memref<1x128x128xf32, #tpu.memory_space<vmem>>
      %dma_wait3A_370 = tpu.memref_squeeze %dma_wait3A_369 : memref<1x128x128xf32, #tpu.memory_space<vmem>> -> memref<128x128xf32, #tpu.memory_space<vmem>>
      %dma_wait3A_371 = arith.constant 0 : i32
      %dma_wait3A_372 = tpu.memref_slice %arg6[%dma_wait3A_366, %dma_wait3A_371] : memref<5x128xi32, #tpu.memory_space<vmem>> -> memref<1x128xi32, #tpu.memory_space<vmem>>
      %dma_wait3A_373 = tpu.memref_squeeze %dma_wait3A_372 : memref<1x128xi32, #tpu.memory_space<vmem>> -> memref<128xi32, #tpu.memory_space<vmem>>
      %dma_wait3A_374 = arith.constant 0 : i32
      %dma_wait3A_375 = arith.constant 0 : i32
      %dma_wait3A_376 = tpu.memref_slice %arg8[%dma_wait3A_374, %dma_wait3A_375] : memref<1280x128xf32, #tpu.memory_space<vmem_shared>> -> memref<1280x128xf32, #tpu.memory_space<vmem_shared>>
      tpu.wait_indirect_dma semaphore(%arg11 : memref<!tpu.dma_semaphore, #tpu.memory_space<semaphore_mem>>) src(%dma_wait3A_370 : memref<128x128xf32, #tpu.memory_space<vmem>>) dst(%dma_wait3A_376 : memref<1280x128xf32, #tpu.memory_space<vmem_shared>>)
    }
    %scan3A_9 = arith.constant 8 : i32
    %barrier3A_10 = arith.constant 0 : index
    tpu.barrier barrier_id(%barrier3A_10)
    %mul3A_11 = arith.constant 80 : i32
    %mul3A_12 = arith.muli %arg1, %mul3A_11 : i32
    %mul3A_13 = arith.constant 80 : i32
    %mul3A_14 = arith.muli %arg1, %mul3A_13 : i32
    "tpu.region"() ({
      %run_scoped3A = tpu.sem_alloc : memref<!tpu.dma_semaphore, #tpu.memory_space<semaphore_mem>>
      %dma_start3A = arith.constant 0 : i32
      %dma_start3A_15 = tpu.memref_slice %arg5[%arg0, %mul3A_14, %dma_start3A] : memref<2x1280x128xf32, #tpu.memory_space<hbm>> -> memref<1x80x128xf32, #tpu.memory_space<hbm>>
      %dma_start3A_16 = tpu.memref_squeeze %dma_start3A_15 : memref<1x80x128xf32, #tpu.memory_space<hbm>> -> memref<80x128xf32, #tpu.memory_space<hbm>>
      %dma_start3A_17 = arith.constant 0 : i32
      %dma_start3A_18 = tpu.memref_slice %arg8[%mul3A_12, %dma_start3A_17] : memref<1280x128xf32, #tpu.memory_space<vmem_shared>> -> memref<80x128xf32, #tpu.memory_space<vmem_shared>>
      tpu.enqueue_dma source(%dma_start3A_18 : memref<80x128xf32, #tpu.memory_space<vmem_shared>>) target(%dma_start3A_16 : memref<80x128xf32, #tpu.memory_space<hbm>>) target_semaphore(%run_scoped3A : memref<!tpu.dma_semaphore, #tpu.memory_space<semaphore_mem>>)
      %dma_wait3A = arith.constant 0 : i32
      %dma_wait3A_19 = tpu.memref_slice %arg5[%arg0, %mul3A_14, %dma_wait3A] : memref<2x1280x128xf32, #tpu.memory_space<hbm>> -> memref<1x80x128xf32, #tpu.memory_space<hbm>>
      %dma_wait3A_20 = tpu.memref_squeeze %dma_wait3A_19 : memref<1x80x128xf32, #tpu.memory_space<hbm>> -> memref<80x128xf32, #tpu.memory_space<hbm>>
      %dma_wait3A_21 = arith.constant 0 : i32
      %dma_wait3A_22 = tpu.memref_slice %arg8[%mul3A_12, %dma_wait3A_21] : memref<1280x128xf32, #tpu.memory_space<vmem_shared>> -> memref<80x128xf32, #tpu.memory_space<vmem_shared>>
      tpu.wait_dma2 semaphore(%run_scoped3A : memref<!tpu.dma_semaphore, #tpu.memory_space<semaphore_mem>>) src(%dma_wait3A_22 : memref<80x128xf32, #tpu.memory_space<vmem_shared>>) dst(%dma_wait3A_20 : memref<80x128xf32, #tpu.memory_space<hbm>>)
      tpu.yield
    }) : () -> ()
    return
  }
}

#map = affine_map<(d0, d1) -> (0, 0)>
#map1 = affine_map<(d0, d1) -> (0)>
module attributes {stable_mosaic.version = 14 : i64} {
  func.func @gather_k(%arg0: i32, %arg1: i32, %arg2: memref<10000x128xf32, #tpu.memory_space<hbm>>, %arg3: memref<163840xi32, #tpu.memory_space<hbm>>, %arg4: memref<163840x128xf32, #tpu.memory_space<hbm>>, %arg5: memref<5120xi32, #tpu.memory_space<vmem>>, %arg6: memref<5x128x128xf32, #tpu.memory_space<vmem>>, %arg7: memref<!tpu.dma_semaphore, #tpu.memory_space<semaphore_mem>>, %arg8: memref<!tpu.dma_semaphore, #tpu.memory_space<semaphore_mem>>) attributes {dimension_semantics = [#tpu.dimension_semantics<core_parallel>, #tpu.dimension_semantics<subcore_parallel>], iteration_bounds = array<i64: 2, 16>, scalar_prefetch = 0 : i64, scratch_operands = 4 : i64, tpu.core_type = #tpu.core_type<sc_vector_subcore>, window_params = [{transform_indices = #map}, {transform_indices = #map1}, {transform_indices = #map}]} {
    %mul3A = arith.constant 16 : i32
    %mul3A_0 = arith.muli %arg0, %mul3A : i32
    %add3A = arith.addi %mul3A_0, %arg1 : i32
    %mul3A_1 = arith.constant 5120 : i32
    %mul3A_2 = arith.muli %add3A, %mul3A_1 : i32
    "tpu.region"() ({
      %run_scoped3A = tpu.sem_alloc : memref<!tpu.dma_semaphore, #tpu.memory_space<semaphore_mem>>
      %dma_start3A = tpu.memref_slice %arg3[%mul3A_2] : memref<163840xi32, #tpu.memory_space<hbm>> -> memref<5120xi32, #tpu.memory_space<hbm>>
      %dma_start3A_8 = tpu.memref_slice %arg3[%mul3A_2] : memref<163840xi32, #tpu.memory_space<hbm>> -> memref<5120xi32, #tpu.memory_space<hbm>>
      tpu.enqueue_dma source(%dma_start3A_8 : memref<5120xi32, #tpu.memory_space<hbm>>) target(%arg5 : memref<5120xi32, #tpu.memory_space<vmem>>) target_semaphore(%run_scoped3A : memref<!tpu.dma_semaphore, #tpu.memory_space<semaphore_mem>>)
      %dma_wait3A = tpu.memref_slice %arg3[%mul3A_2] : memref<163840xi32, #tpu.memory_space<hbm>> -> memref<5120xi32, #tpu.memory_space<hbm>>
      %dma_wait3A_9 = tpu.memref_slice %arg3[%mul3A_2] : memref<163840xi32, #tpu.memory_space<hbm>> -> memref<5120xi32, #tpu.memory_space<hbm>>
      tpu.wait_dma2 semaphore(%run_scoped3A : memref<!tpu.dma_semaphore, #tpu.memory_space<semaphore_mem>>) src(%dma_wait3A_9 : memref<5120xi32, #tpu.memory_space<hbm>>) dst(%arg5 : memref<5120xi32, #tpu.memory_space<vmem>>)
      tpu.yield
    }) : () -> ()
    %scan3A = arith.constant 0 : i32
    %scan3A_3 = arith.constant 0 : i32
    %scan3A_4 = arith.constant 8 : i32
    %scan3A_5 = arith.addi %scan3A_3, %scan3A_4 : i32
    %scan3A_6 = arith.constant 1 : i32
    scf.for %scan3A_8 = %scan3A_3 to %scan3A_5 step %scan3A_6  : i32 {
      %mul3A_9 = arith.constant 640 : i32
      %mul3A_10 = arith.muli %scan3A_8, %mul3A_9 : i32
      %add3A_11 = arith.constant 0 : i32
      %add3A_12 = arith.addi %mul3A_10, %add3A_11 : i32
      %dma_start3A = arith.constant 0 : i32
      %dma_start3A_13 = arith.constant 0 : i32
      %dma_start3A_14 = arith.constant 0 : i32
      %dma_start3A_15 = tpu.memref_slice %arg6[%dma_start3A, %dma_start3A_13, %dma_start3A_14] : memref<5x128x128xf32, #tpu.memory_space<vmem>> -> memref<1x128x128xf32, #tpu.memory_space<vmem>>
      %dma_start3A_16 = tpu.memref_squeeze %dma_start3A_15 : memref<1x128x128xf32, #tpu.memory_space<vmem>> -> memref<128x128xf32, #tpu.memory_space<vmem>>
      %dma_start3A_17 = tpu.memref_slice %arg5[%add3A_12] : memref<5120xi32, #tpu.memory_space<vmem>> -> memref<128xi32, #tpu.memory_space<vmem>>
      %dma_start3A_18 = arith.constant 0 : i32
      %dma_start3A_19 = arith.constant 0 : i32
      %dma_start3A_20 = tpu.memref_slice %arg2[%dma_start3A_18, %dma_start3A_19] : memref<10000x128xf32, #tpu.memory_space<hbm>> -> memref<10000x128xf32, #tpu.memory_space<hbm>>
      tpu.enqueue_indirect_dma source(%dma_start3A_20 : memref<10000x128xf32, #tpu.memory_space<hbm>>) target(%dma_start3A_16 : memref<128x128xf32, #tpu.memory_space<vmem>>) offsets(%dma_start3A_17 : memref<128xi32, #tpu.memory_space<vmem>>) semaphore(%arg7 : memref<!tpu.dma_semaphore, #tpu.memory_space<semaphore_mem>>)
      %add3A_21 = arith.constant 128 : i32
      %add3A_22 = arith.addi %mul3A_10, %add3A_21 : i32
      %dma_start3A_23 = arith.constant 1 : i32
      %dma_start3A_24 = arith.constant 0 : i32
      %dma_start3A_25 = arith.constant 0 : i32
      %dma_start3A_26 = tpu.memref_slice %arg6[%dma_start3A_23, %dma_start3A_24, %dma_start3A_25] : memref<5x128x128xf32, #tpu.memory_space<vmem>> -> memref<1x128x128xf32, #tpu.memory_space<vmem>>
      %dma_start3A_27 = tpu.memref_squeeze %dma_start3A_26 : memref<1x128x128xf32, #tpu.memory_space<vmem>> -> memref<128x128xf32, #tpu.memory_space<vmem>>
      %dma_start3A_28 = tpu.memref_slice %arg5[%add3A_22] : memref<5120xi32, #tpu.memory_space<vmem>> -> memref<128xi32, #tpu.memory_space<vmem>>
      %dma_start3A_29 = arith.constant 0 : i32
      %dma_start3A_30 = arith.constant 0 : i32
      %dma_start3A_31 = tpu.memref_slice %arg2[%dma_start3A_29, %dma_start3A_30] : memref<10000x128xf32, #tpu.memory_space<hbm>> -> memref<10000x128xf32, #tpu.memory_space<hbm>>
      tpu.enqueue_indirect_dma source(%dma_start3A_31 : memref<10000x128xf32, #tpu.memory_space<hbm>>) target(%dma_start3A_27 : memref<128x128xf32, #tpu.memory_space<vmem>>) offsets(%dma_start3A_28 : memref<128xi32, #tpu.memory_space<vmem>>) semaphore(%arg7 : memref<!tpu.dma_semaphore, #tpu.memory_space<semaphore_mem>>)
      %add3A_32 = arith.constant 256 : i32
      %add3A_33 = arith.addi %mul3A_10, %add3A_32 : i32
      %dma_start3A_34 = arith.constant 2 : i32
      %dma_start3A_35 = arith.constant 0 : i32
      %dma_start3A_36 = arith.constant 0 : i32
      %dma_start3A_37 = tpu.memref_slice %arg6[%dma_start3A_34, %dma_start3A_35, %dma_start3A_36] : memref<5x128x128xf32, #tpu.memory_space<vmem>> -> memref<1x128x128xf32, #tpu.memory_space<vmem>>
      %dma_start3A_38 = tpu.memref_squeeze %dma_start3A_37 : memref<1x128x128xf32, #tpu.memory_space<vmem>> -> memref<128x128xf32, #tpu.memory_space<vmem>>
      %dma_start3A_39 = tpu.memref_slice %arg5[%add3A_33] : memref<5120xi32, #tpu.memory_space<vmem>> -> memref<128xi32, #tpu.memory_space<vmem>>
      %dma_start3A_40 = arith.constant 0 : i32
      %dma_start3A_41 = arith.constant 0 : i32
      %dma_start3A_42 = tpu.memref_slice %arg2[%dma_start3A_40, %dma_start3A_41] : memref<10000x128xf32, #tpu.memory_space<hbm>> -> memref<10000x128xf32, #tpu.memory_space<hbm>>
      tpu.enqueue_indirect_dma source(%dma_start3A_42 : memref<10000x128xf32, #tpu.memory_space<hbm>>) target(%dma_start3A_38 : memref<128x128xf32, #tpu.memory_space<vmem>>) offsets(%dma_start3A_39 : memref<128xi32, #tpu.memory_space<vmem>>) semaphore(%arg7 : memref<!tpu.dma_semaphore, #tpu.memory_space<semaphore_mem>>)
      %add3A_43 = arith.constant 384 : i32
      %add3A_44 = arith.addi %mul3A_10, %add3A_43 : i32
      %dma_start3A_45 = arith.constant 3 : i32
      %dma_start3A_46 = arith.constant 0 : i32
      %dma_start3A_47 = arith.constant 0 : i32
      %dma_start3A_48 = tpu.memref_slice %arg6[%dma_start3A_45, %dma_start3A_46, %dma_start3A_47] : memref<5x128x128xf32, #tpu.memory_space<vmem>> -> memref<1x128x128xf32, #tpu.memory_space<vmem>>
      %dma_start3A_49 = tpu.memref_squeeze %dma_start3A_48 : memref<1x128x128xf32, #tpu.memory_space<vmem>> -> memref<128x128xf32, #tpu.memory_space<vmem>>
      %dma_start3A_50 = tpu.memref_slice %arg5[%add3A_44] : memref<5120xi32, #tpu.memory_space<vmem>> -> memref<128xi32, #tpu.memory_space<vmem>>
      %dma_start3A_51 = arith.constant 0 : i32
      %dma_start3A_52 = arith.constant 0 : i32
      %dma_start3A_53 = tpu.memref_slice %arg2[%dma_start3A_51, %dma_start3A_52] : memref<10000x128xf32, #tpu.memory_space<hbm>> -> memref<10000x128xf32, #tpu.memory_space<hbm>>
      tpu.enqueue_indirect_dma source(%dma_start3A_53 : memref<10000x128xf32, #tpu.memory_space<hbm>>) target(%dma_start3A_49 : memref<128x128xf32, #tpu.memory_space<vmem>>) offsets(%dma_start3A_50 : memref<128xi32, #tpu.memory_space<vmem>>) semaphore(%arg7 : memref<!tpu.dma_semaphore, #tpu.memory_space<semaphore_mem>>)
      %add3A_54 = arith.constant 512 : i32
      %add3A_55 = arith.addi %mul3A_10, %add3A_54 : i32
      %dma_start3A_56 = arith.constant 4 : i32
      %dma_start3A_57 = arith.constant 0 : i32
      %dma_start3A_58 = arith.constant 0 : i32
      %dma_start3A_59 = tpu.memref_slice %arg6[%dma_start3A_56, %dma_start3A_57, %dma_start3A_58] : memref<5x128x128xf32, #tpu.memory_space<vmem>> -> memref<1x128x128xf32, #tpu.memory_space<vmem>>
      %dma_start3A_60 = tpu.memref_squeeze %dma_start3A_59 : memref<1x128x128xf32, #tpu.memory_space<vmem>> -> memref<128x128xf32, #tpu.memory_space<vmem>>
      %dma_start3A_61 = tpu.memref_slice %arg5[%add3A_55] : memref<5120xi32, #tpu.memory_space<vmem>> -> memref<128xi32, #tpu.memory_space<vmem>>
      %dma_start3A_62 = arith.constant 0 : i32
      %dma_start3A_63 = arith.constant 0 : i32
      %dma_start3A_64 = tpu.memref_slice %arg2[%dma_start3A_62, %dma_start3A_63] : memref<10000x128xf32, #tpu.memory_space<hbm>> -> memref<10000x128xf32, #tpu.memory_space<hbm>>
      tpu.enqueue_indirect_dma source(%dma_start3A_64 : memref<10000x128xf32, #tpu.memory_space<hbm>>) target(%dma_start3A_60 : memref<128x128xf32, #tpu.memory_space<vmem>>) offsets(%dma_start3A_61 : memref<128xi32, #tpu.memory_space<vmem>>) semaphore(%arg7 : memref<!tpu.dma_semaphore, #tpu.memory_space<semaphore_mem>>)
      %dma_wait3A = arith.constant 0 : i32
      %dma_wait3A_65 = arith.constant 0 : i32
      %dma_wait3A_66 = arith.constant 0 : i32
      %dma_wait3A_67 = tpu.memref_slice %arg6[%dma_wait3A, %dma_wait3A_65, %dma_wait3A_66] : memref<5x128x128xf32, #tpu.memory_space<vmem>> -> memref<1x128x128xf32, #tpu.memory_space<vmem>>
      %dma_wait3A_68 = tpu.memref_squeeze %dma_wait3A_67 : memref<1x128x128xf32, #tpu.memory_space<vmem>> -> memref<128x128xf32, #tpu.memory_space<vmem>>
      %dma_wait3A_69 = tpu.memref_slice %arg5[%add3A_12] : memref<5120xi32, #tpu.memory_space<vmem>> -> memref<128xi32, #tpu.memory_space<vmem>>
      %dma_wait3A_70 = arith.constant 0 : i32
      %dma_wait3A_71 = arith.constant 0 : i32
      %dma_wait3A_72 = tpu.memref_slice %arg2[%dma_wait3A_70, %dma_wait3A_71] : memref<10000x128xf32, #tpu.memory_space<hbm>> -> memref<10000x128xf32, #tpu.memory_space<hbm>>
      tpu.wait_indirect_dma semaphore(%arg7 : memref<!tpu.dma_semaphore, #tpu.memory_space<semaphore_mem>>) src(%dma_wait3A_72 : memref<10000x128xf32, #tpu.memory_space<hbm>>) dst(%dma_wait3A_68 : memref<128x128xf32, #tpu.memory_space<vmem>>)
      %dma_wait3A_73 = arith.constant 1 : i32
      %dma_wait3A_74 = arith.constant 0 : i32
      %dma_wait3A_75 = arith.constant 0 : i32
      %dma_wait3A_76 = tpu.memref_slice %arg6[%dma_wait3A_73, %dma_wait3A_74, %dma_wait3A_75] : memref<5x128x128xf32, #tpu.memory_space<vmem>> -> memref<1x128x128xf32, #tpu.memory_space<vmem>>
      %dma_wait3A_77 = tpu.memref_squeeze %dma_wait3A_76 : memref<1x128x128xf32, #tpu.memory_space<vmem>> -> memref<128x128xf32, #tpu.memory_space<vmem>>
      %dma_wait3A_78 = tpu.memref_slice %arg5[%add3A_22] : memref<5120xi32, #tpu.memory_space<vmem>> -> memref<128xi32, #tpu.memory_space<vmem>>
      %dma_wait3A_79 = arith.constant 0 : i32
      %dma_wait3A_80 = arith.constant 0 : i32
      %dma_wait3A_81 = tpu.memref_slice %arg2[%dma_wait3A_79, %dma_wait3A_80] : memref<10000x128xf32, #tpu.memory_space<hbm>> -> memref<10000x128xf32, #tpu.memory_space<hbm>>
      tpu.wait_indirect_dma semaphore(%arg7 : memref<!tpu.dma_semaphore, #tpu.memory_space<semaphore_mem>>) src(%dma_wait3A_81 : memref<10000x128xf32, #tpu.memory_space<hbm>>) dst(%dma_wait3A_77 : memref<128x128xf32, #tpu.memory_space<vmem>>)
      %dma_wait3A_82 = arith.constant 2 : i32
      %dma_wait3A_83 = arith.constant 0 : i32
      %dma_wait3A_84 = arith.constant 0 : i32
      %dma_wait3A_85 = tpu.memref_slice %arg6[%dma_wait3A_82, %dma_wait3A_83, %dma_wait3A_84] : memref<5x128x128xf32, #tpu.memory_space<vmem>> -> memref<1x128x128xf32, #tpu.memory_space<vmem>>
      %dma_wait3A_86 = tpu.memref_squeeze %dma_wait3A_85 : memref<1x128x128xf32, #tpu.memory_space<vmem>> -> memref<128x128xf32, #tpu.memory_space<vmem>>
      %dma_wait3A_87 = tpu.memref_slice %arg5[%add3A_33] : memref<5120xi32, #tpu.memory_space<vmem>> -> memref<128xi32, #tpu.memory_space<vmem>>
      %dma_wait3A_88 = arith.constant 0 : i32
      %dma_wait3A_89 = arith.constant 0 : i32
      %dma_wait3A_90 = tpu.memref_slice %arg2[%dma_wait3A_88, %dma_wait3A_89] : memref<10000x128xf32, #tpu.memory_space<hbm>> -> memref<10000x128xf32, #tpu.memory_space<hbm>>
      tpu.wait_indirect_dma semaphore(%arg7 : memref<!tpu.dma_semaphore, #tpu.memory_space<semaphore_mem>>) src(%dma_wait3A_90 : memref<10000x128xf32, #tpu.memory_space<hbm>>) dst(%dma_wait3A_86 : memref<128x128xf32, #tpu.memory_space<vmem>>)
      %dma_wait3A_91 = arith.constant 3 : i32
      %dma_wait3A_92 = arith.constant 0 : i32
      %dma_wait3A_93 = arith.constant 0 : i32
      %dma_wait3A_94 = tpu.memref_slice %arg6[%dma_wait3A_91, %dma_wait3A_92, %dma_wait3A_93] : memref<5x128x128xf32, #tpu.memory_space<vmem>> -> memref<1x128x128xf32, #tpu.memory_space<vmem>>
      %dma_wait3A_95 = tpu.memref_squeeze %dma_wait3A_94 : memref<1x128x128xf32, #tpu.memory_space<vmem>> -> memref<128x128xf32, #tpu.memory_space<vmem>>
      %dma_wait3A_96 = tpu.memref_slice %arg5[%add3A_44] : memref<5120xi32, #tpu.memory_space<vmem>> -> memref<128xi32, #tpu.memory_space<vmem>>
      %dma_wait3A_97 = arith.constant 0 : i32
      %dma_wait3A_98 = arith.constant 0 : i32
      %dma_wait3A_99 = tpu.memref_slice %arg2[%dma_wait3A_97, %dma_wait3A_98] : memref<10000x128xf32, #tpu.memory_space<hbm>> -> memref<10000x128xf32, #tpu.memory_space<hbm>>
      tpu.wait_indirect_dma semaphore(%arg7 : memref<!tpu.dma_semaphore, #tpu.memory_space<semaphore_mem>>) src(%dma_wait3A_99 : memref<10000x128xf32, #tpu.memory_space<hbm>>) dst(%dma_wait3A_95 : memref<128x128xf32, #tpu.memory_space<vmem>>)
      %dma_wait3A_100 = arith.constant 4 : i32
      %dma_wait3A_101 = arith.constant 0 : i32
      %dma_wait3A_102 = arith.constant 0 : i32
      %dma_wait3A_103 = tpu.memref_slice %arg6[%dma_wait3A_100, %dma_wait3A_101, %dma_wait3A_102] : memref<5x128x128xf32, #tpu.memory_space<vmem>> -> memref<1x128x128xf32, #tpu.memory_space<vmem>>
      %dma_wait3A_104 = tpu.memref_squeeze %dma_wait3A_103 : memref<1x128x128xf32, #tpu.memory_space<vmem>> -> memref<128x128xf32, #tpu.memory_space<vmem>>
      %dma_wait3A_105 = tpu.memref_slice %arg5[%add3A_55] : memref<5120xi32, #tpu.memory_space<vmem>> -> memref<128xi32, #tpu.memory_space<vmem>>
      %dma_wait3A_106 = arith.constant 0 : i32
      %dma_wait3A_107 = arith.constant 0 : i32
      %dma_wait3A_108 = tpu.memref_slice %arg2[%dma_wait3A_106, %dma_wait3A_107] : memref<10000x128xf32, #tpu.memory_space<hbm>> -> memref<10000x128xf32, #tpu.memory_space<hbm>>
      tpu.wait_indirect_dma semaphore(%arg7 : memref<!tpu.dma_semaphore, #tpu.memory_space<semaphore_mem>>) src(%dma_wait3A_108 : memref<10000x128xf32, #tpu.memory_space<hbm>>) dst(%dma_wait3A_104 : memref<128x128xf32, #tpu.memory_space<vmem>>)
      %add3A_109 = arith.addi %mul3A_2, %mul3A_10 : i32
      %add3A_110 = arith.constant 0 : i32
      %add3A_111 = arith.addi %add3A_109, %add3A_110 : i32
      %dma_start3A_112 = arith.constant 0 : i32
      %dma_start3A_113 = arith.constant 0 : i32
      %dma_start3A_114 = arith.constant 0 : i32
      %dma_start3A_115 = tpu.memref_slice %arg6[%dma_start3A_112, %dma_start3A_113, %dma_start3A_114] : memref<5x128x128xf32, #tpu.memory_space<vmem>> -> memref<1x128x128xf32, #tpu.memory_space<vmem>>
      %dma_start3A_116 = tpu.memref_squeeze %dma_start3A_115 : memref<1x128x128xf32, #tpu.memory_space<vmem>> -> memref<128x128xf32, #tpu.memory_space<vmem>>
      %dma_start3A_117 = arith.constant 0 : i32
      %dma_start3A_118 = tpu.memref_slice %arg4[%add3A_111, %dma_start3A_117] : memref<163840x128xf32, #tpu.memory_space<hbm>> -> memref<128x128xf32, #tpu.memory_space<hbm>>
      %dma_start3A_119 = arith.constant 0 : i32
      %dma_start3A_120 = tpu.memref_slice %arg4[%add3A_111, %dma_start3A_119] : memref<163840x128xf32, #tpu.memory_space<hbm>> -> memref<128x128xf32, #tpu.memory_space<hbm>>
      %dma_start3A_121 = arith.constant 0 : i32
      %dma_start3A_122 = arith.constant 0 : i32
      %dma_start3A_123 = tpu.memref_slice %arg6[%dma_start3A_112, %dma_start3A_121, %dma_start3A_122] : memref<5x128x128xf32, #tpu.memory_space<vmem>> -> memref<1x128x128xf32, #tpu.memory_space<vmem>>
      %dma_start3A_124 = tpu.memref_squeeze %dma_start3A_123 : memref<1x128x128xf32, #tpu.memory_space<vmem>> -> memref<128x128xf32, #tpu.memory_space<vmem>>
      tpu.enqueue_dma source(%dma_start3A_124 : memref<128x128xf32, #tpu.memory_space<vmem>>) target(%dma_start3A_120 : memref<128x128xf32, #tpu.memory_space<hbm>>) target_semaphore(%arg8 : memref<!tpu.dma_semaphore, #tpu.memory_space<semaphore_mem>>)
      %add3A_125 = arith.addi %mul3A_2, %mul3A_10 : i32
      %add3A_126 = arith.constant 128 : i32
      %add3A_127 = arith.addi %add3A_125, %add3A_126 : i32
      %dma_start3A_128 = arith.constant 1 : i32
      %dma_start3A_129 = arith.constant 0 : i32
      %dma_start3A_130 = arith.constant 0 : i32
      %dma_start3A_131 = tpu.memref_slice %arg6[%dma_start3A_128, %dma_start3A_129, %dma_start3A_130] : memref<5x128x128xf32, #tpu.memory_space<vmem>> -> memref<1x128x128xf32, #tpu.memory_space<vmem>>
      %dma_start3A_132 = tpu.memref_squeeze %dma_start3A_131 : memref<1x128x128xf32, #tpu.memory_space<vmem>> -> memref<128x128xf32, #tpu.memory_space<vmem>>
      %dma_start3A_133 = arith.constant 0 : i32
      %dma_start3A_134 = tpu.memref_slice %arg4[%add3A_127, %dma_start3A_133] : memref<163840x128xf32, #tpu.memory_space<hbm>> -> memref<128x128xf32, #tpu.memory_space<hbm>>
      %dma_start3A_135 = arith.constant 0 : i32
      %dma_start3A_136 = tpu.memref_slice %arg4[%add3A_127, %dma_start3A_135] : memref<163840x128xf32, #tpu.memory_space<hbm>> -> memref<128x128xf32, #tpu.memory_space<hbm>>
      %dma_start3A_137 = arith.constant 0 : i32
      %dma_start3A_138 = arith.constant 0 : i32
      %dma_start3A_139 = tpu.memref_slice %arg6[%dma_start3A_128, %dma_start3A_137, %dma_start3A_138] : memref<5x128x128xf32, #tpu.memory_space<vmem>> -> memref<1x128x128xf32, #tpu.memory_space<vmem>>
      %dma_start3A_140 = tpu.memref_squeeze %dma_start3A_139 : memref<1x128x128xf32, #tpu.memory_space<vmem>> -> memref<128x128xf32, #tpu.memory_space<vmem>>
      tpu.enqueue_dma source(%dma_start3A_140 : memref<128x128xf32, #tpu.memory_space<vmem>>) target(%dma_start3A_136 : memref<128x128xf32, #tpu.memory_space<hbm>>) target_semaphore(%arg8 : memref<!tpu.dma_semaphore, #tpu.memory_space<semaphore_mem>>)
      %add3A_141 = arith.addi %mul3A_2, %mul3A_10 : i32
      %add3A_142 = arith.constant 256 : i32
      %add3A_143 = arith.addi %add3A_141, %add3A_142 : i32
      %dma_start3A_144 = arith.constant 2 : i32
      %dma_start3A_145 = arith.constant 0 : i32
      %dma_start3A_146 = arith.constant 0 : i32
      %dma_start3A_147 = tpu.memref_slice %arg6[%dma_start3A_144, %dma_start3A_145, %dma_start3A_146] : memref<5x128x128xf32, #tpu.memory_space<vmem>> -> memref<1x128x128xf32, #tpu.memory_space<vmem>>
      %dma_start3A_148 = tpu.memref_squeeze %dma_start3A_147 : memref<1x128x128xf32, #tpu.memory_space<vmem>> -> memref<128x128xf32, #tpu.memory_space<vmem>>
      %dma_start3A_149 = arith.constant 0 : i32
      %dma_start3A_150 = tpu.memref_slice %arg4[%add3A_143, %dma_start3A_149] : memref<163840x128xf32, #tpu.memory_space<hbm>> -> memref<128x128xf32, #tpu.memory_space<hbm>>
      %dma_start3A_151 = arith.constant 0 : i32
      %dma_start3A_152 = tpu.memref_slice %arg4[%add3A_143, %dma_start3A_151] : memref<163840x128xf32, #tpu.memory_space<hbm>> -> memref<128x128xf32, #tpu.memory_space<hbm>>
      %dma_start3A_153 = arith.constant 0 : i32
      %dma_start3A_154 = arith.constant 0 : i32
      %dma_start3A_155 = tpu.memref_slice %arg6[%dma_start3A_144, %dma_start3A_153, %dma_start3A_154] : memref<5x128x128xf32, #tpu.memory_space<vmem>> -> memref<1x128x128xf32, #tpu.memory_space<vmem>>
      %dma_start3A_156 = tpu.memref_squeeze %dma_start3A_155 : memref<1x128x128xf32, #tpu.memory_space<vmem>> -> memref<128x128xf32, #tpu.memory_space<vmem>>
      tpu.enqueue_dma source(%dma_start3A_156 : memref<128x128xf32, #tpu.memory_space<vmem>>) target(%dma_start3A_152 : memref<128x128xf32, #tpu.memory_space<hbm>>) target_semaphore(%arg8 : memref<!tpu.dma_semaphore, #tpu.memory_space<semaphore_mem>>)
      %add3A_157 = arith.addi %mul3A_2, %mul3A_10 : i32
      %add3A_158 = arith.constant 384 : i32
      %add3A_159 = arith.addi %add3A_157, %add3A_158 : i32
      %dma_start3A_160 = arith.constant 3 : i32
      %dma_start3A_161 = arith.constant 0 : i32
      %dma_start3A_162 = arith.constant 0 : i32
      %dma_start3A_163 = tpu.memref_slice %arg6[%dma_start3A_160, %dma_start3A_161, %dma_start3A_162] : memref<5x128x128xf32, #tpu.memory_space<vmem>> -> memref<1x128x128xf32, #tpu.memory_space<vmem>>
      %dma_start3A_164 = tpu.memref_squeeze %dma_start3A_163 : memref<1x128x128xf32, #tpu.memory_space<vmem>> -> memref<128x128xf32, #tpu.memory_space<vmem>>
      %dma_start3A_165 = arith.constant 0 : i32
      %dma_start3A_166 = tpu.memref_slice %arg4[%add3A_159, %dma_start3A_165] : memref<163840x128xf32, #tpu.memory_space<hbm>> -> memref<128x128xf32, #tpu.memory_space<hbm>>
      %dma_start3A_167 = arith.constant 0 : i32
      %dma_start3A_168 = tpu.memref_slice %arg4[%add3A_159, %dma_start3A_167] : memref<163840x128xf32, #tpu.memory_space<hbm>> -> memref<128x128xf32, #tpu.memory_space<hbm>>
      %dma_start3A_169 = arith.constant 0 : i32
      %dma_start3A_170 = arith.constant 0 : i32
      %dma_start3A_171 = tpu.memref_slice %arg6[%dma_start3A_160, %dma_start3A_169, %dma_start3A_170] : memref<5x128x128xf32, #tpu.memory_space<vmem>> -> memref<1x128x128xf32, #tpu.memory_space<vmem>>
      %dma_start3A_172 = tpu.memref_squeeze %dma_start3A_171 : memref<1x128x128xf32, #tpu.memory_space<vmem>> -> memref<128x128xf32, #tpu.memory_space<vmem>>
      tpu.enqueue_dma source(%dma_start3A_172 : memref<128x128xf32, #tpu.memory_space<vmem>>) target(%dma_start3A_168 : memref<128x128xf32, #tpu.memory_space<hbm>>) target_semaphore(%arg8 : memref<!tpu.dma_semaphore, #tpu.memory_space<semaphore_mem>>)
      %add3A_173 = arith.addi %mul3A_2, %mul3A_10 : i32
      %add3A_174 = arith.constant 512 : i32
      %add3A_175 = arith.addi %add3A_173, %add3A_174 : i32
      %dma_start3A_176 = arith.constant 4 : i32
      %dma_start3A_177 = arith.constant 0 : i32
      %dma_start3A_178 = arith.constant 0 : i32
      %dma_start3A_179 = tpu.memref_slice %arg6[%dma_start3A_176, %dma_start3A_177, %dma_start3A_178] : memref<5x128x128xf32, #tpu.memory_space<vmem>> -> memref<1x128x128xf32, #tpu.memory_space<vmem>>
      %dma_start3A_180 = tpu.memref_squeeze %dma_start3A_179 : memref<1x128x128xf32, #tpu.memory_space<vmem>> -> memref<128x128xf32, #tpu.memory_space<vmem>>
      %dma_start3A_181 = arith.constant 0 : i32
      %dma_start3A_182 = tpu.memref_slice %arg4[%add3A_175, %dma_start3A_181] : memref<163840x128xf32, #tpu.memory_space<hbm>> -> memref<128x128xf32, #tpu.memory_space<hbm>>
      %dma_start3A_183 = arith.constant 0 : i32
      %dma_start3A_184 = tpu.memref_slice %arg4[%add3A_175, %dma_start3A_183] : memref<163840x128xf32, #tpu.memory_space<hbm>> -> memref<128x128xf32, #tpu.memory_space<hbm>>
      %dma_start3A_185 = arith.constant 0 : i32
      %dma_start3A_186 = arith.constant 0 : i32
      %dma_start3A_187 = tpu.memref_slice %arg6[%dma_start3A_176, %dma_start3A_185, %dma_start3A_186] : memref<5x128x128xf32, #tpu.memory_space<vmem>> -> memref<1x128x128xf32, #tpu.memory_space<vmem>>
      %dma_start3A_188 = tpu.memref_squeeze %dma_start3A_187 : memref<1x128x128xf32, #tpu.memory_space<vmem>> -> memref<128x128xf32, #tpu.memory_space<vmem>>
      tpu.enqueue_dma source(%dma_start3A_188 : memref<128x128xf32, #tpu.memory_space<vmem>>) target(%dma_start3A_184 : memref<128x128xf32, #tpu.memory_space<hbm>>) target_semaphore(%arg8 : memref<!tpu.dma_semaphore, #tpu.memory_space<semaphore_mem>>)
      %dma_wait3A_189 = arith.constant 0 : i32
      %dma_wait3A_190 = arith.constant 0 : i32
      %dma_wait3A_191 = arith.constant 0 : i32
      %dma_wait3A_192 = tpu.memref_slice %arg6[%dma_wait3A_189, %dma_wait3A_190, %dma_wait3A_191] : memref<5x128x128xf32, #tpu.memory_space<vmem>> -> memref<1x128x128xf32, #tpu.memory_space<vmem>>
      %dma_wait3A_193 = tpu.memref_squeeze %dma_wait3A_192 : memref<1x128x128xf32, #tpu.memory_space<vmem>> -> memref<128x128xf32, #tpu.memory_space<vmem>>
      %dma_wait3A_194 = arith.constant 0 : i32
      %dma_wait3A_195 = tpu.memref_slice %arg4[%add3A_111, %dma_wait3A_194] : memref<163840x128xf32, #tpu.memory_space<hbm>> -> memref<128x128xf32, #tpu.memory_space<hbm>>
      %dma_wait3A_196 = arith.constant 0 : i32
      %dma_wait3A_197 = tpu.memref_slice %arg4[%add3A_111, %dma_wait3A_196] : memref<163840x128xf32, #tpu.memory_space<hbm>> -> memref<128x128xf32, #tpu.memory_space<hbm>>
      %dma_wait3A_198 = arith.constant 0 : i32
      %dma_wait3A_199 = arith.constant 0 : i32
      %dma_wait3A_200 = tpu.memref_slice %arg6[%dma_wait3A_189, %dma_wait3A_198, %dma_wait3A_199] : memref<5x128x128xf32, #tpu.memory_space<vmem>> -> memref<1x128x128xf32, #tpu.memory_space<vmem>>
      %dma_wait3A_201 = tpu.memref_squeeze %dma_wait3A_200 : memref<1x128x128xf32, #tpu.memory_space<vmem>> -> memref<128x128xf32, #tpu.memory_space<vmem>>
      tpu.wait_dma2 semaphore(%arg8 : memref<!tpu.dma_semaphore, #tpu.memory_space<semaphore_mem>>) src(%dma_wait3A_201 : memref<128x128xf32, #tpu.memory_space<vmem>>) dst(%dma_wait3A_197 : memref<128x128xf32, #tpu.memory_space<hbm>>)
      %dma_wait3A_202 = arith.constant 1 : i32
      %dma_wait3A_203 = arith.constant 0 : i32
      %dma_wait3A_204 = arith.constant 0 : i32
      %dma_wait3A_205 = tpu.memref_slice %arg6[%dma_wait3A_202, %dma_wait3A_203, %dma_wait3A_204] : memref<5x128x128xf32, #tpu.memory_space<vmem>> -> memref<1x128x128xf32, #tpu.memory_space<vmem>>
      %dma_wait3A_206 = tpu.memref_squeeze %dma_wait3A_205 : memref<1x128x128xf32, #tpu.memory_space<vmem>> -> memref<128x128xf32, #tpu.memory_space<vmem>>
      %dma_wait3A_207 = arith.constant 0 : i32
      %dma_wait3A_208 = tpu.memref_slice %arg4[%add3A_127, %dma_wait3A_207] : memref<163840x128xf32, #tpu.memory_space<hbm>> -> memref<128x128xf32, #tpu.memory_space<hbm>>
      %dma_wait3A_209 = arith.constant 0 : i32
      %dma_wait3A_210 = tpu.memref_slice %arg4[%add3A_127, %dma_wait3A_209] : memref<163840x128xf32, #tpu.memory_space<hbm>> -> memref<128x128xf32, #tpu.memory_space<hbm>>
      %dma_wait3A_211 = arith.constant 0 : i32
      %dma_wait3A_212 = arith.constant 0 : i32
      %dma_wait3A_213 = tpu.memref_slice %arg6[%dma_wait3A_202, %dma_wait3A_211, %dma_wait3A_212] : memref<5x128x128xf32, #tpu.memory_space<vmem>> -> memref<1x128x128xf32, #tpu.memory_space<vmem>>
      %dma_wait3A_214 = tpu.memref_squeeze %dma_wait3A_213 : memref<1x128x128xf32, #tpu.memory_space<vmem>> -> memref<128x128xf32, #tpu.memory_space<vmem>>
      tpu.wait_dma2 semaphore(%arg8 : memref<!tpu.dma_semaphore, #tpu.memory_space<semaphore_mem>>) src(%dma_wait3A_214 : memref<128x128xf32, #tpu.memory_space<vmem>>) dst(%dma_wait3A_210 : memref<128x128xf32, #tpu.memory_space<hbm>>)
      %dma_wait3A_215 = arith.constant 2 : i32
      %dma_wait3A_216 = arith.constant 0 : i32
      %dma_wait3A_217 = arith.constant 0 : i32
      %dma_wait3A_218 = tpu.memref_slice %arg6[%dma_wait3A_215, %dma_wait3A_216, %dma_wait3A_217] : memref<5x128x128xf32, #tpu.memory_space<vmem>> -> memref<1x128x128xf32, #tpu.memory_space<vmem>>
      %dma_wait3A_219 = tpu.memref_squeeze %dma_wait3A_218 : memref<1x128x128xf32, #tpu.memory_space<vmem>> -> memref<128x128xf32, #tpu.memory_space<vmem>>
      %dma_wait3A_220 = arith.constant 0 : i32
      %dma_wait3A_221 = tpu.memref_slice %arg4[%add3A_143, %dma_wait3A_220] : memref<163840x128xf32, #tpu.memory_space<hbm>> -> memref<128x128xf32, #tpu.memory_space<hbm>>
      %dma_wait3A_222 = arith.constant 0 : i32
      %dma_wait3A_223 = tpu.memref_slice %arg4[%add3A_143, %dma_wait3A_222] : memref<163840x128xf32, #tpu.memory_space<hbm>> -> memref<128x128xf32, #tpu.memory_space<hbm>>
      %dma_wait3A_224 = arith.constant 0 : i32
      %dma_wait3A_225 = arith.constant 0 : i32
      %dma_wait3A_226 = tpu.memref_slice %arg6[%dma_wait3A_215, %dma_wait3A_224, %dma_wait3A_225] : memref<5x128x128xf32, #tpu.memory_space<vmem>> -> memref<1x128x128xf32, #tpu.memory_space<vmem>>
      %dma_wait3A_227 = tpu.memref_squeeze %dma_wait3A_226 : memref<1x128x128xf32, #tpu.memory_space<vmem>> -> memref<128x128xf32, #tpu.memory_space<vmem>>
      tpu.wait_dma2 semaphore(%arg8 : memref<!tpu.dma_semaphore, #tpu.memory_space<semaphore_mem>>) src(%dma_wait3A_227 : memref<128x128xf32, #tpu.memory_space<vmem>>) dst(%dma_wait3A_223 : memref<128x128xf32, #tpu.memory_space<hbm>>)
      %dma_wait3A_228 = arith.constant 3 : i32
      %dma_wait3A_229 = arith.constant 0 : i32
      %dma_wait3A_230 = arith.constant 0 : i32
      %dma_wait3A_231 = tpu.memref_slice %arg6[%dma_wait3A_228, %dma_wait3A_229, %dma_wait3A_230] : memref<5x128x128xf32, #tpu.memory_space<vmem>> -> memref<1x128x128xf32, #tpu.memory_space<vmem>>
      %dma_wait3A_232 = tpu.memref_squeeze %dma_wait3A_231 : memref<1x128x128xf32, #tpu.memory_space<vmem>> -> memref<128x128xf32, #tpu.memory_space<vmem>>
      %dma_wait3A_233 = arith.constant 0 : i32
      %dma_wait3A_234 = tpu.memref_slice %arg4[%add3A_159, %dma_wait3A_233] : memref<163840x128xf32, #tpu.memory_space<hbm>> -> memref<128x128xf32, #tpu.memory_space<hbm>>
      %dma_wait3A_235 = arith.constant 0 : i32
      %dma_wait3A_236 = tpu.memref_slice %arg4[%add3A_159, %dma_wait3A_235] : memref<163840x128xf32, #tpu.memory_space<hbm>> -> memref<128x128xf32, #tpu.memory_space<hbm>>
      %dma_wait3A_237 = arith.constant 0 : i32
      %dma_wait3A_238 = arith.constant 0 : i32
      %dma_wait3A_239 = tpu.memref_slice %arg6[%dma_wait3A_228, %dma_wait3A_237, %dma_wait3A_238] : memref<5x128x128xf32, #tpu.memory_space<vmem>> -> memref<1x128x128xf32, #tpu.memory_space<vmem>>
      %dma_wait3A_240 = tpu.memref_squeeze %dma_wait3A_239 : memref<1x128x128xf32, #tpu.memory_space<vmem>> -> memref<128x128xf32, #tpu.memory_space<vmem>>
      tpu.wait_dma2 semaphore(%arg8 : memref<!tpu.dma_semaphore, #tpu.memory_space<semaphore_mem>>) src(%dma_wait3A_240 : memref<128x128xf32, #tpu.memory_space<vmem>>) dst(%dma_wait3A_236 : memref<128x128xf32, #tpu.memory_space<hbm>>)
      %dma_wait3A_241 = arith.constant 4 : i32
      %dma_wait3A_242 = arith.constant 0 : i32
      %dma_wait3A_243 = arith.constant 0 : i32
      %dma_wait3A_244 = tpu.memref_slice %arg6[%dma_wait3A_241, %dma_wait3A_242, %dma_wait3A_243] : memref<5x128x128xf32, #tpu.memory_space<vmem>> -> memref<1x128x128xf32, #tpu.memory_space<vmem>>
      %dma_wait3A_245 = tpu.memref_squeeze %dma_wait3A_244 : memref<1x128x128xf32, #tpu.memory_space<vmem>> -> memref<128x128xf32, #tpu.memory_space<vmem>>
      %dma_wait3A_246 = arith.constant 0 : i32
      %dma_wait3A_247 = tpu.memref_slice %arg4[%add3A_175, %dma_wait3A_246] : memref<163840x128xf32, #tpu.memory_space<hbm>> -> memref<128x128xf32, #tpu.memory_space<hbm>>
      %dma_wait3A_248 = arith.constant 0 : i32
      %dma_wait3A_249 = tpu.memref_slice %arg4[%add3A_175, %dma_wait3A_248] : memref<163840x128xf32, #tpu.memory_space<hbm>> -> memref<128x128xf32, #tpu.memory_space<hbm>>
      %dma_wait3A_250 = arith.constant 0 : i32
      %dma_wait3A_251 = arith.constant 0 : i32
      %dma_wait3A_252 = tpu.memref_slice %arg6[%dma_wait3A_241, %dma_wait3A_250, %dma_wait3A_251] : memref<5x128x128xf32, #tpu.memory_space<vmem>> -> memref<1x128x128xf32, #tpu.memory_space<vmem>>
      %dma_wait3A_253 = tpu.memref_squeeze %dma_wait3A_252 : memref<1x128x128xf32, #tpu.memory_space<vmem>> -> memref<128x128xf32, #tpu.memory_space<vmem>>
      tpu.wait_dma2 semaphore(%arg8 : memref<!tpu.dma_semaphore, #tpu.memory_space<semaphore_mem>>) src(%dma_wait3A_253 : memref<128x128xf32, #tpu.memory_space<vmem>>) dst(%dma_wait3A_249 : memref<128x128xf32, #tpu.memory_space<hbm>>)
    }
    %scan3A_7 = arith.constant 8 : i32
    return
  }
}

module attributes {stable_mosaic.version = 14 : i64} {
  func.func @_edge_body(%arg0: i32, %arg1: memref<1024x16xf32, #tpu.memory_space<vmem>>, %arg2: memref<1024x128xf32, #tpu.memory_space<vmem>>, %arg3: memref<1024x1xi32, #tpu.memory_space<vmem>>, %arg4: memref<16x1024xf32, #tpu.memory_space<vmem>>, %arg5: memref<1x1024xf32, #tpu.memory_space<vmem>>, %arg6: memref<1024x1024xf32, #tpu.memory_space<vmem>>, %arg7: memref<1x1024xf32, #tpu.memory_space<vmem>>, %arg8: memref<1024x128xf32, #tpu.memory_space<vmem>>) attributes {dimension_semantics = [#tpu.dimension_semantics<arbitrary>], iteration_bounds = array<i64: 160>, scalar_prefetch = 0 : i64, scratch_operands = 0 : i64, tpu.core_type = #tpu.core_type<tc>, window_params = [{transform_indices = @transform_0, window_bounds = array<i64: 1024, 16>}, {transform_indices = @transform_1, window_bounds = array<i64: 1024, 128>}, {transform_indices = @transform_2, window_bounds = array<i64: 1024, 1>}, {pipeline_mode = #tpu.pipeline_mode<synchronous>, transform_indices = @transform_3, window_bounds = array<i64: 16, 1024>}, {pipeline_mode = #tpu.pipeline_mode<synchronous>, transform_indices = @transform_4, window_bounds = array<i64: 1, 1024>}, {pipeline_mode = #tpu.pipeline_mode<synchronous>, transform_indices = @transform_5, window_bounds = array<i64: 1024, 1024>}, {pipeline_mode = #tpu.pipeline_mode<synchronous>, transform_indices = @transform_6, window_bounds = array<i64: 1, 1024>}, {transform_indices = @transform_7, window_bounds = array<i64: 1024, 128>}]} {
    %get3A = arith.constant 0 : index
    %get3A_0 = arith.constant 0 : index
    %get3A_1 = vector.load %arg1[%get3A, %get3A_0] : memref<1024x16xf32, #tpu.memory_space<vmem>>, vector<1024x16xf32>
    %get3A_2 = arith.constant 0 : index
    %get3A_3 = arith.constant 0 : index
    %get3A_4 = vector.load %arg4[%get3A_2, %get3A_3] : memref<16x1024xf32, #tpu.memory_space<vmem>>, vector<16x1024xf32>
    %dot_general3A = arith.constant dense<0.000000e+00> : vector<1024x1024xf32>
    %dot_general3A_5 = tpu.matmul %get3A_1, %get3A_4, %dot_general3A {dimension_numbers = #tpu.dot_dimension_numbers<[1], [0], [0], [1], [0, 0, 1, 1], [], []>, transpose_lhs_hint = false} : vector<1024x16xf32>, vector<16x1024xf32>, vector<1024x1024xf32> -> vector<1024x1024xf32>
    %get3A_6 = arith.constant 0 : index
    %get3A_7 = arith.constant 0 : index
    %get3A_8 = vector.load %arg5[%get3A_6, %get3A_7] : memref<1x1024xf32, #tpu.memory_space<vmem>>, vector<1x1024xf32>
    %add3A = vector.broadcast %get3A_8 : vector<1x1024xf32> to vector<1024x1024xf32>
    %add3A_9 = arith.addf %dot_general3A_5, %add3A : vector<1024x1024xf32>
    %max3A = arith.constant 0.000000e+00 : f32
    %max3A_10 = vector.broadcast %max3A : f32 to vector<1024x1024xf32>
    %max3A_11 = arith.maximumf %add3A_9, %max3A_10 : vector<1024x1024xf32>
    %get3A_12 = arith.constant 0 : index
    %get3A_13 = arith.constant 0 : index
    %get3A_14 = vector.load %arg6[%get3A_12, %get3A_13] : memref<1024x1024xf32, #tpu.memory_space<vmem>>, vector<1024x1024xf32>
    %dot_general3A_15 = arith.constant dense<0.000000e+00> : vector<1024x1024xf32>
    %dot_general3A_16 = tpu.matmul %max3A_11, %get3A_14, %dot_general3A_15 {dimension_numbers = #tpu.dot_dimension_numbers<[1], [0], [0], [1], [0, 0, 1, 1], [], []>, transpose_lhs_hint = false} : vector<1024x1024xf32>, vector<1024x1024xf32>, vector<1024x1024xf32> -> vector<1024x1024xf32>
    %get3A_17 = arith.constant 0 : index
    %get3A_18 = arith.constant 0 : index
    %get3A_19 = vector.load %arg7[%get3A_17, %get3A_18] : memref<1x1024xf32, #tpu.memory_space<vmem>>, vector<1x1024xf32>
    %add3A_20 = vector.broadcast %get3A_19 : vector<1x1024xf32> to vector<1024x1024xf32>
    %add3A_21 = arith.addf %dot_general3A_16, %add3A_20 : vector<1024x1024xf32>
    %get3A_22 = arith.constant 0 : index
    %get3A_23 = arith.constant 0 : index
    %get3A_24 = vector.load %arg2[%get3A_22, %get3A_23] : memref<1024x128xf32, #tpu.memory_space<vmem>>, vector<1024x128xf32>
    %concatenate3A = tpu.concatenate %get3A_24, %get3A_24, %get3A_24, %get3A_24, %get3A_24, %get3A_24, %get3A_24, %get3A_24 in 1 : vector<1024x128xf32>, vector<1024x128xf32>, vector<1024x128xf32>, vector<1024x128xf32>, vector<1024x128xf32>, vector<1024x128xf32>, vector<1024x128xf32>, vector<1024x128xf32> -> vector<1024x1024xf32>
    %mul3A = arith.mulf %concatenate3A, %add3A_21 : vector<1024x1024xf32>
    %iota3A = tpu.iota {dimensions = array<i32: 0>} : vector<1024x8xi32>
    %jit3A = arith.constant 128 : i32
    %div3A = vector.broadcast %jit3A : i32 to vector<1024x8xi32>
    %div3A_25 = arith.divsi %iota3A, %div3A : vector<1024x8xi32>
    %sign3A = arith.constant 0 : i32
    %sign3A_26 = vector.broadcast %sign3A : i32 to vector<1024x8xi32>
    %sign3A_27 = arith.cmpi sgt, %iota3A, %sign3A_26 : vector<1024x8xi32>
    %sign3A_28 = arith.extui %sign3A_27 : vector<1024x8xi1> to vector<1024x8xi32>
    %sign3A_29 = arith.constant 0 : i32
    %sign3A_30 = vector.broadcast %sign3A_29 : i32 to vector<1024x8xi32>
    %sign3A_31 = arith.cmpi slt, %iota3A, %sign3A_30 : vector<1024x8xi32>
    %sign3A_32 = arith.extui %sign3A_31 : vector<1024x8xi1> to vector<1024x8xi32>
    %sign3A_33 = arith.subi %sign3A_28, %sign3A_32 : vector<1024x8xi32>
    %sign3A_34 = arith.constant 0 : i32
    %sign3A_35 = arith.cmpi sgt, %jit3A, %sign3A_34 : i32
    %sign3A_36 = arith.extui %sign3A_35 : i1 to i32
    %sign3A_37 = arith.constant 0 : i32
    %sign3A_38 = arith.cmpi slt, %jit3A, %sign3A_37 : i32
    %sign3A_39 = arith.extui %sign3A_38 : i1 to i32
    %sign3A_40 = arith.subi %sign3A_36, %sign3A_39 : i32
    %ne3A = vector.broadcast %sign3A_40 : i32 to vector<1024x8xi32>
    %ne3A_41 = arith.cmpi ne, %sign3A_33, %ne3A : vector<1024x8xi32>
    %rem3A = vector.broadcast %jit3A : i32 to vector<1024x8xi32>
    %rem3A_42 = arith.remsi %iota3A, %rem3A : vector<1024x8xi32>
    %ne3A_43 = arith.constant 0 : i32
    %ne3A_44 = vector.broadcast %ne3A_43 : i32 to vector<1024x8xi32>
    %ne3A_45 = arith.cmpi ne, %rem3A_42, %ne3A_44 : vector<1024x8xi32>
    %and3A = arith.andi %ne3A_41, %ne3A_45 : vector<1024x8xi1>
    %sub3A = arith.constant 1 : i32
    %sub3A_46 = vector.broadcast %sub3A : i32 to vector<1024x8xi32>
    %sub3A_47 = arith.subi %div3A_25, %sub3A_46 : vector<1024x8xi32>
    %select_n3A = arith.select %and3A, %sub3A_47, %div3A_25 : vector<1024x8xi1>, vector<1024x8xi32>
    %iota3A_48 = tpu.iota {dimensions = array<i32: 1>} : vector<1024x8xi32>
    %eq3A = arith.cmpi eq, %select_n3A, %iota3A_48 : vector<1024x8xi32>
    %convert_element_type3A = arith.extui %eq3A : vector<1024x8xi1> to vector<1024x8xi32>
    %convert_element_type3A_49 = arith.sitofp %convert_element_type3A : vector<1024x8xi32> to vector<1024x8xf32>
    %dot_general3A_50 = arith.constant dense<0.000000e+00> : vector<1024x8xf32>
    %dot_general3A_51 = tpu.matmul %mul3A, %convert_element_type3A_49, %dot_general3A_50 {dimension_numbers = #tpu.dot_dimension_numbers<[1], [0], [0], [1], [0, 0, 1, 1], [], []>, transpose_lhs_hint = false} : vector<1024x1024xf32>, vector<1024x8xf32>, vector<1024x8xf32> -> vector<1024x8xf32>
    %broadcast_in_dim3A = arith.constant 1.000000e+00 : f32
    %broadcast_in_dim3A_52 = vector.broadcast %broadcast_in_dim3A : f32 to vector<1024x1xf32>
    %broadcast_in_dim3A_53 = arith.constant 0.000000e+00 : f32
    %broadcast_in_dim3A_54 = vector.broadcast %broadcast_in_dim3A_53 : f32 to vector<1024x7xf32>
    %concatenate3A_55 = tpu.concatenate %dot_general3A_51, %broadcast_in_dim3A_52, %broadcast_in_dim3A_54 in 1 : vector<1024x8xf32>, vector<1024x1xf32>, vector<1024x7xf32> -> vector<1024x16xf32>
    %concatenate3A_56 = tpu.concatenate %concatenate3A_55, %concatenate3A_55, %concatenate3A_55, %concatenate3A_55, %concatenate3A_55, %concatenate3A_55, %concatenate3A_55, %concatenate3A_55 in 1 : vector<1024x16xf32>, vector<1024x16xf32>, vector<1024x16xf32>, vector<1024x16xf32>, vector<1024x16xf32>, vector<1024x16xf32>, vector<1024x16xf32>, vector<1024x16xf32> -> vector<1024x128xf32>
    %iota3A_57 = tpu.iota {dimensions = array<i32: 1>} : vector<1024x128xi32>
    %jit3A_58 = arith.constant 16 : i32
    %div3A_59 = vector.broadcast %jit3A_58 : i32 to vector<1024x128xi32>
    %div3A_60 = arith.divsi %iota3A_57, %div3A_59 : vector<1024x128xi32>
    %sign3A_61 = arith.constant 0 : i32
    %sign3A_62 = vector.broadcast %sign3A_61 : i32 to vector<1024x128xi32>
    %sign3A_63 = arith.cmpi sgt, %iota3A_57, %sign3A_62 : vector<1024x128xi32>
    %sign3A_64 = arith.extui %sign3A_63 : vector<1024x128xi1> to vector<1024x128xi32>
    %sign3A_65 = arith.constant 0 : i32
    %sign3A_66 = vector.broadcast %sign3A_65 : i32 to vector<1024x128xi32>
    %sign3A_67 = arith.cmpi slt, %iota3A_57, %sign3A_66 : vector<1024x128xi32>
    %sign3A_68 = arith.extui %sign3A_67 : vector<1024x128xi1> to vector<1024x128xi32>
    %sign3A_69 = arith.subi %sign3A_64, %sign3A_68 : vector<1024x128xi32>
    %sign3A_70 = arith.constant 0 : i32
    %sign3A_71 = arith.cmpi sgt, %jit3A_58, %sign3A_70 : i32
    %sign3A_72 = arith.extui %sign3A_71 : i1 to i32
    %sign3A_73 = arith.constant 0 : i32
    %sign3A_74 = arith.cmpi slt, %jit3A_58, %sign3A_73 : i32
    %sign3A_75 = arith.extui %sign3A_74 : i1 to i32
    %sign3A_76 = arith.subi %sign3A_72, %sign3A_75 : i32
    %ne3A_77 = vector.broadcast %sign3A_76 : i32 to vector<1024x128xi32>
    %ne3A_78 = arith.cmpi ne, %sign3A_69, %ne3A_77 : vector<1024x128xi32>
    %rem3A_79 = vector.broadcast %jit3A_58 : i32 to vector<1024x128xi32>
    %rem3A_80 = arith.remsi %iota3A_57, %rem3A_79 : vector<1024x128xi32>
    %ne3A_81 = arith.constant 0 : i32
    %ne3A_82 = vector.broadcast %ne3A_81 : i32 to vector<1024x128xi32>
    %ne3A_83 = arith.cmpi ne, %rem3A_80, %ne3A_82 : vector<1024x128xi32>
    %and3A_84 = arith.andi %ne3A_78, %ne3A_83 : vector<1024x128xi1>
    %sub3A_85 = arith.constant 1 : i32
    %sub3A_86 = vector.broadcast %sub3A_85 : i32 to vector<1024x128xi32>
    %sub3A_87 = arith.subi %div3A_60, %sub3A_86 : vector<1024x128xi32>
    %select_n3A_88 = arith.select %and3A_84, %sub3A_87, %div3A_60 : vector<1024x128xi1>, vector<1024x128xi32>
    %get3A_89 = arith.constant 0 : index
    %get3A_90 = arith.constant 0 : index
    %get3A_91 = vector.load %arg3[%get3A_89, %get3A_90] : memref<1024x1xi32, #tpu.memory_space<vmem>>, vector<1024x1xi32>
    %eq3A_92 = vector.broadcast %get3A_91 : vector<1024x1xi32> to vector<1024x128xi32>
    %eq3A_93 = arith.cmpi eq, %select_n3A_88, %eq3A_92 : vector<1024x128xi32>
    %convert_element_type3A_94 = arith.extui %eq3A_93 : vector<1024x128xi1> to vector<1024x128xi32>
    %convert_element_type3A_95 = arith.sitofp %convert_element_type3A_94 : vector<1024x128xi32> to vector<1024x128xf32>
    %mul3A_96 = arith.mulf %concatenate3A_56, %convert_element_type3A_95 : vector<1024x128xf32>
    %swap3A = arith.constant 0 : index
    %swap3A_97 = arith.constant 0 : index
    %swap3A_98 = vector.load %arg8[%swap3A, %swap3A_97] : memref<1024x128xf32, #tpu.memory_space<vmem>>, vector<1024x128xf32>
    tpu.vector_store %arg8[%swap3A, %swap3A_97], %mul3A_96 {strides = array<i32>} : memref<1024x128xf32, #tpu.memory_space<vmem>>, vector<1024x128xf32>,
    return
  }
  func.func @transform_0(%arg0: i32) -> (i32, i32) {
    %c0_i32 = arith.constant 0 : i32
    %c0_i32_0 = arith.constant 0 : i32
    return %arg0, %c0_i32 : i32, i32
  }
  func.func @transform_1(%arg0: i32) -> (i32, i32) {
    %c0_i32 = arith.constant 0 : i32
    %c0_i32_0 = arith.constant 0 : i32
    return %arg0, %c0_i32 : i32, i32
  }
  func.func @transform_2(%arg0: i32) -> (i32, i32) {
    %c0_i32 = arith.constant 0 : i32
    %c0_i32_0 = arith.constant 0 : i32
    return %arg0, %c0_i32 : i32, i32
  }
  func.func @transform_3(%arg0: i32) -> (i32, i32) {
    %c0_i32 = arith.constant 0 : i32
    %c0_i32_0 = arith.constant 0 : i32
    %c0_i32_1 = arith.constant 0 : i32
    return %c0_i32, %c0_i32_0 : i32, i32
  }
  func.func @transform_4(%arg0: i32) -> (i32, i32) {
    %c0_i32 = arith.constant 0 : i32
    %c0_i32_0 = arith.constant 0 : i32
    %c0_i32_1 = arith.constant 0 : i32
    return %c0_i32, %c0_i32_0 : i32, i32
  }
  func.func @transform_5(%arg0: i32) -> (i32, i32) {
    %c0_i32 = arith.constant 0 : i32
    %c0_i32_0 = arith.constant 0 : i32
    %c0_i32_1 = arith.constant 0 : i32
    return %c0_i32, %c0_i32_0 : i32, i32
  }
  func.func @transform_6(%arg0: i32) -> (i32, i32) {
    %c0_i32 = arith.constant 0 : i32
    %c0_i32_0 = arith.constant 0 : i32
    %c0_i32_1 = arith.constant 0 : i32
    return %c0_i32, %c0_i32_0 : i32, i32
  }
  func.func @transform_7(%arg0: i32) -> (i32, i32) {
    %c0_i32 = arith.constant 0 : i32
    %c0_i32_0 = arith.constant 0 : i32
    return %arg0, %c0_i32 : i32, i32
  }
}

module attributes {stable_mosaic.version = 14 : i64} {
  func.func @_node_body(%arg0: memref<10000x128xf32, #tpu.memory_space<vmem>>, %arg1: memref<2x1280x128xf32, #tpu.memory_space<vmem>>, %arg2: memref<128x8xf32, #tpu.memory_space<vmem>>, %arg3: memref<1x8xf32, #tpu.memory_space<vmem>>, %arg4: memref<10000x128xf32, #tpu.memory_space<vmem>>) attributes {dimension_semantics = [], scalar_prefetch = 0 : i64, scratch_operands = 0 : i64, tpu.core_type = #tpu.core_type<tc>} {
    %get3A = arith.constant 0 : index
    %get3A_0 = arith.constant 0 : index
    %get3A_1 = arith.constant 0 : index
    %get3A_2 = vector.load %arg1[%get3A, %get3A_0, %get3A_1] : memref<2x1280x128xf32, #tpu.memory_space<vmem>>, vector<1x1280x128xf32>
    %get3A_3 = vector.shape_cast %get3A_2 : vector<1x1280x128xf32> to vector<1280x128xf32>
    %get3A_4 = arith.constant 1 : index
    %get3A_5 = arith.constant 0 : index
    %get3A_6 = arith.constant 0 : index
    %get3A_7 = vector.load %arg1[%get3A_4, %get3A_5, %get3A_6] : memref<2x1280x128xf32, #tpu.memory_space<vmem>>, vector<1x1280x128xf32>
    %get3A_8 = vector.shape_cast %get3A_7 : vector<1x1280x128xf32> to vector<1280x128xf32>
    %add3A = arith.addf %get3A_3, %get3A_8 : vector<1280x128xf32>
    %broadcast_in_dim3A = vector.shape_cast %add3A : vector<1280x128xf32> to vector<1280x1x128xf32>
    %broadcast_in_dim3A_9 = vector.shape_cast %broadcast_in_dim3A : vector<1280x1x128xf32> to vector<1280x1x128xf32>
    %broadcast_in_dim3A_10 = vector.broadcast %broadcast_in_dim3A_9 : vector<1280x1x128xf32> to vector<1280x8x128xf32>
    %reshape3A = vector.shape_cast %broadcast_in_dim3A_10 : vector<1280x8x128xf32> to vector<10240x128xf32>
    %iota3A = tpu.iota {dimensions = array<i32: 1>} : vector<10240x128xi32>
    %jit3A = arith.constant 16 : i32
    %div3A = vector.broadcast %jit3A : i32 to vector<10240x128xi32>
    %div3A_11 = arith.divsi %iota3A, %div3A : vector<10240x128xi32>
    %sign3A = arith.constant 0 : i32
    %sign3A_12 = vector.broadcast %sign3A : i32 to vector<10240x128xi32>
    %sign3A_13 = arith.cmpi sgt, %iota3A, %sign3A_12 : vector<10240x128xi32>
    %sign3A_14 = arith.extui %sign3A_13 : vector<10240x128xi1> to vector<10240x128xi32>
    %sign3A_15 = arith.constant 0 : i32
    %sign3A_16 = vector.broadcast %sign3A_15 : i32 to vector<10240x128xi32>
    %sign3A_17 = arith.cmpi slt, %iota3A, %sign3A_16 : vector<10240x128xi32>
    %sign3A_18 = arith.extui %sign3A_17 : vector<10240x128xi1> to vector<10240x128xi32>
    %sign3A_19 = arith.subi %sign3A_14, %sign3A_18 : vector<10240x128xi32>
    %sign3A_20 = arith.constant 0 : i32
    %sign3A_21 = arith.cmpi sgt, %jit3A, %sign3A_20 : i32
    %sign3A_22 = arith.extui %sign3A_21 : i1 to i32
    %sign3A_23 = arith.constant 0 : i32
    %sign3A_24 = arith.cmpi slt, %jit3A, %sign3A_23 : i32
    %sign3A_25 = arith.extui %sign3A_24 : i1 to i32
    %sign3A_26 = arith.subi %sign3A_22, %sign3A_25 : i32
    %ne3A = vector.broadcast %sign3A_26 : i32 to vector<10240x128xi32>
    %ne3A_27 = arith.cmpi ne, %sign3A_19, %ne3A : vector<10240x128xi32>
    %rem3A = vector.broadcast %jit3A : i32 to vector<10240x128xi32>
    %rem3A_28 = arith.remsi %iota3A, %rem3A : vector<10240x128xi32>
    %ne3A_29 = arith.constant 0 : i32
    %ne3A_30 = vector.broadcast %ne3A_29 : i32 to vector<10240x128xi32>
    %ne3A_31 = arith.cmpi ne, %rem3A_28, %ne3A_30 : vector<10240x128xi32>
    %and3A = arith.andi %ne3A_27, %ne3A_31 : vector<10240x128xi1>
    %sub3A = arith.constant 1 : i32
    %sub3A_32 = vector.broadcast %sub3A : i32 to vector<10240x128xi32>
    %sub3A_33 = arith.subi %div3A_11, %sub3A_32 : vector<10240x128xi32>
    %select_n3A = arith.select %and3A, %sub3A_33, %div3A_11 : vector<10240x128xi1>, vector<10240x128xi32>
    %iota3A_34 = tpu.iota {dimensions = array<i32: 0>} : vector<10240x128xi32>
    %jit3A_35 = arith.constant 8 : i32
    %eq3A = arith.constant 0 : i32
    %eq3A_36 = arith.cmpi eq, %jit3A_35, %eq3A : i32
    %jit3A_37 = arith.constant 1 : i32
    %select_n3A_38 = arith.select %eq3A_36, %jit3A_37, %jit3A_35 : i32
    %rem3A_39 = vector.broadcast %select_n3A_38 : i32 to vector<10240x128xi32>
    %rem3A_40 = arith.remsi %iota3A_34, %rem3A_39 : vector<10240x128xi32>
    %ne3A_41 = arith.constant 0 : i32
    %ne3A_42 = vector.broadcast %ne3A_41 : i32 to vector<10240x128xi32>
    %ne3A_43 = arith.cmpi ne, %rem3A_40, %ne3A_42 : vector<10240x128xi32>
    %lt3A = arith.constant 0 : i32
    %lt3A_44 = vector.broadcast %lt3A : i32 to vector<10240x128xi32>
    %lt3A_45 = arith.cmpi slt, %rem3A_40, %lt3A_44 : vector<10240x128xi32>
    %lt3A_46 = arith.constant 0 : i32
    %lt3A_47 = arith.cmpi slt, %select_n3A_38, %lt3A_46 : i32
    %ne3A_48 = vector.broadcast %lt3A_47 : i1 to vector<10240x128xi1>
    %ne3A_49 = vector.broadcast %ne3A_48 : vector<10240x128xi1> to vector<10240x128xi1>
    %ne3A_50 = arith.xori %lt3A_45, %ne3A_49 : vector<10240x128xi1>
    %and3A_51 = arith.andi %ne3A_50, %ne3A_43 : vector<10240x128xi1>
    %add3A_52 = vector.broadcast %select_n3A_38 : i32 to vector<10240x128xi32>
    %add3A_53 = arith.addi %rem3A_40, %add3A_52 : vector<10240x128xi32>
    %select_n3A_54 = arith.select %and3A_51, %add3A_53, %rem3A_40 : vector<10240x128xi1>, vector<10240x128xi32>
    %eq3A_55 = arith.cmpi eq, %select_n3A, %select_n3A_54 : vector<10240x128xi32>
    %convert_element_type3A = arith.extui %eq3A_55 : vector<10240x128xi1> to vector<10240x128xi32>
    %convert_element_type3A_56 = arith.sitofp %convert_element_type3A : vector<10240x128xi32> to vector<10240x128xf32>
    %iota3A_57 = tpu.iota {dimensions = array<i32: 0>} : vector<128x16xi32>
    %jit3A_58 = arith.constant 16 : i32
    %eq3A_59 = arith.constant 0 : i32
    %eq3A_60 = arith.cmpi eq, %jit3A_58, %eq3A_59 : i32
    %jit3A_61 = arith.constant 1 : i32
    %select_n3A_62 = arith.select %eq3A_60, %jit3A_61, %jit3A_58 : i32
    %rem3A_63 = vector.broadcast %select_n3A_62 : i32 to vector<128x16xi32>
    %rem3A_64 = arith.remsi %iota3A_57, %rem3A_63 : vector<128x16xi32>
    %ne3A_65 = arith.constant 0 : i32
    %ne3A_66 = vector.broadcast %ne3A_65 : i32 to vector<128x16xi32>
    %ne3A_67 = arith.cmpi ne, %rem3A_64, %ne3A_66 : vector<128x16xi32>
    %lt3A_68 = arith.constant 0 : i32
    %lt3A_69 = vector.broadcast %lt3A_68 : i32 to vector<128x16xi32>
    %lt3A_70 = arith.cmpi slt, %rem3A_64, %lt3A_69 : vector<128x16xi32>
    %lt3A_71 = arith.constant 0 : i32
    %lt3A_72 = arith.cmpi slt, %select_n3A_62, %lt3A_71 : i32
    %ne3A_73 = vector.broadcast %lt3A_72 : i1 to vector<128x16xi1>
    %ne3A_74 = vector.broadcast %ne3A_73 : vector<128x16xi1> to vector<128x16xi1>
    %ne3A_75 = arith.xori %lt3A_70, %ne3A_74 : vector<128x16xi1>
    %and3A_76 = arith.andi %ne3A_75, %ne3A_67 : vector<128x16xi1>
    %add3A_77 = vector.broadcast %select_n3A_62 : i32 to vector<128x16xi32>
    %add3A_78 = arith.addi %rem3A_64, %add3A_77 : vector<128x16xi32>
    %select_n3A_79 = arith.select %and3A_76, %add3A_78, %rem3A_64 : vector<128x16xi1>, vector<128x16xi32>
    %iota3A_80 = tpu.iota {dimensions = array<i32: 1>} : vector<128x16xi32>
    %eq3A_81 = arith.cmpi eq, %select_n3A_79, %iota3A_80 : vector<128x16xi32>
    %convert_element_type3A_82 = arith.extui %eq3A_81 : vector<128x16xi1> to vector<128x16xi32>
    %convert_element_type3A_83 = arith.sitofp %convert_element_type3A_82 : vector<128x16xi32> to vector<128x16xf32>
    %mul3A = arith.mulf %reshape3A, %convert_element_type3A_56 : vector<10240x128xf32>
    %dot_general3A = arith.constant dense<0.000000e+00> : vector<10240x16xf32>
    %dot_general3A_84 = tpu.matmul %mul3A, %convert_element_type3A_83, %dot_general3A {dimension_numbers = #tpu.dot_dimension_numbers<[1], [0], [0], [1], [0, 0, 1, 1], [], []>, transpose_lhs_hint = false} : vector<10240x128xf32>, vector<128x16xf32>, vector<10240x16xf32> -> vector<10240x16xf32>
    %slice3A = vector.extract_strided_slice %dot_general3A_84 {offsets = [0, 0], sizes = [10000, 8], strides = [1, 1]} : vector<10240x16xf32> to vector<10000x8xf32>
    %slice3A_85 = vector.extract_strided_slice %dot_general3A_84 {offsets = [0, 8], sizes = [10000, 1], strides = [1, 1]} : vector<10240x16xf32> to vector<10000x1xf32>
    %max3A = arith.constant 1.000000e+00 : f32
    %max3A_86 = vector.broadcast %max3A : f32 to vector<10000x1xf32>
    %max3A_87 = arith.maximumf %slice3A_85, %max3A_86 : vector<10000x1xf32>
    %div3A_88 = vector.broadcast %max3A_87 : vector<10000x1xf32> to vector<10000x8xf32>
    %div3A_89 = arith.divf %slice3A, %div3A_88 : vector<10000x8xf32>
    %get3A_90 = arith.constant 0 : index
    %get3A_91 = arith.constant 0 : index
    %get3A_92 = vector.load %arg0[%get3A_90, %get3A_91] : memref<10000x128xf32, #tpu.memory_space<vmem>>, vector<10000x128xf32>
    %get3A_93 = arith.constant 0 : index
    %get3A_94 = arith.constant 0 : index
    %get3A_95 = vector.load %arg2[%get3A_93, %get3A_94] : memref<128x8xf32, #tpu.memory_space<vmem>>, vector<128x8xf32>
    %dot_general3A_96 = arith.constant dense<0.000000e+00> : vector<10000x8xf32>
    %dot_general3A_97 = tpu.matmul %get3A_92, %get3A_95, %dot_general3A_96 {dimension_numbers = #tpu.dot_dimension_numbers<[1], [0], [0], [1], [0, 0, 1, 1], [], []>, transpose_lhs_hint = false} : vector<10000x128xf32>, vector<128x8xf32>, vector<10000x8xf32> -> vector<10000x8xf32>
    %add3A_98 = arith.addf %dot_general3A_97, %div3A_89 : vector<10000x8xf32>
    %get3A_99 = arith.constant 0 : index
    %get3A_100 = arith.constant 0 : index
    %get3A_101 = vector.load %arg3[%get3A_99, %get3A_100] : memref<1x8xf32, #tpu.memory_space<vmem>>, vector<1x8xf32>
    %add3A_102 = vector.broadcast %get3A_101 : vector<1x8xf32> to vector<10000x8xf32>
    %add3A_103 = arith.addf %add3A_98, %add3A_102 : vector<10000x8xf32>
    %max3A_104 = arith.constant 0.000000e+00 : f32
    %max3A_105 = vector.broadcast %max3A_104 : f32 to vector<10000x8xf32>
    %max3A_106 = arith.maximumf %add3A_103, %max3A_105 : vector<10000x8xf32>
    %broadcast_in_dim3A_107 = arith.constant 0.000000e+00 : f32
    %broadcast_in_dim3A_108 = vector.broadcast %broadcast_in_dim3A_107 : f32 to vector<10000x120xf32>
    %concatenate3A = tpu.concatenate %max3A_106, %broadcast_in_dim3A_108 in 1 : vector<10000x8xf32>, vector<10000x120xf32> -> vector<10000x128xf32>
    %swap3A = arith.constant 0 : index
    %swap3A_109 = arith.constant 0 : index
    %swap3A_110 = vector.load %arg4[%swap3A, %swap3A_109] : memref<10000x128xf32, #tpu.memory_space<vmem>>, vector<10000x128xf32>
    tpu.vector_store %arg4[%swap3A, %swap3A_109], %concatenate3A {strides = array<i32>} : memref<10000x128xf32, #tpu.memory_space<vmem>>, vector<10000x128xf32>,
    return
  }
}

module attributes {stable_mosaic.version = 14 : i64} {
  func.func @_edge_body(%arg0: i32, %arg1: memref<2048x16xf32, #tpu.memory_space<vmem>>, %arg2: memref<2048x128xf32, #tpu.memory_space<vmem>>, %arg3: memref<2048x1xi32, #tpu.memory_space<vmem>>, %arg4: memref<16x64xf32, #tpu.memory_space<vmem>>, %arg5: memref<1x64xf32, #tpu.memory_space<vmem>>, %arg6: memref<64x64xf32, #tpu.memory_space<vmem>>, %arg7: memref<1x64xf32, #tpu.memory_space<vmem>>, %arg8: memref<2048x128xf32, #tpu.memory_space<vmem>>) attributes {dimension_semantics = [#tpu.dimension_semantics<arbitrary>], iteration_bounds = array<i64: 80>, scalar_prefetch = 0 : i64, scratch_operands = 0 : i64, tpu.core_type = #tpu.core_type<tc>, window_params = [{transform_indices = @transform_0, window_bounds = array<i64: 2048, 16>}, {transform_indices = @transform_1, window_bounds = array<i64: 2048, 128>}, {transform_indices = @transform_2, window_bounds = array<i64: 2048, 1>}, {pipeline_mode = #tpu.pipeline_mode<synchronous>, transform_indices = @transform_3, window_bounds = array<i64: 16, 64>}, {pipeline_mode = #tpu.pipeline_mode<synchronous>, transform_indices = @transform_4, window_bounds = array<i64: 1, 64>}, {pipeline_mode = #tpu.pipeline_mode<synchronous>, transform_indices = @transform_5, window_bounds = array<i64: 64, 64>}, {pipeline_mode = #tpu.pipeline_mode<synchronous>, transform_indices = @transform_6, window_bounds = array<i64: 1, 64>}, {transform_indices = @transform_7, window_bounds = array<i64: 2048, 128>}]} {
    %get3A = arith.constant 0 : index
    %get3A_0 = arith.constant 0 : index
    %get3A_1 = vector.load %arg1[%get3A, %get3A_0] : memref<2048x16xf32, #tpu.memory_space<vmem>>, vector<2048x16xf32>
    %get3A_2 = arith.constant 0 : index
    %get3A_3 = arith.constant 0 : index
    %get3A_4 = vector.load %arg4[%get3A_2, %get3A_3] : memref<16x64xf32, #tpu.memory_space<vmem>>, vector<16x64xf32>
    %dot_general3A = arith.constant dense<0.000000e+00> : vector<2048x64xf32>
    %dot_general3A_5 = tpu.matmul %get3A_1, %get3A_4, %dot_general3A {dimension_numbers = #tpu.dot_dimension_numbers<[1], [0], [0], [1], [0, 0, 1, 1], [], []>, transpose_lhs_hint = false} : vector<2048x16xf32>, vector<16x64xf32>, vector<2048x64xf32> -> vector<2048x64xf32>
    %get3A_6 = arith.constant 0 : index
    %get3A_7 = arith.constant 0 : index
    %get3A_8 = vector.load %arg5[%get3A_6, %get3A_7] : memref<1x64xf32, #tpu.memory_space<vmem>>, vector<1x64xf32>
    %add3A = vector.broadcast %get3A_8 : vector<1x64xf32> to vector<2048x64xf32>
    %add3A_9 = arith.addf %dot_general3A_5, %add3A : vector<2048x64xf32>
    %max3A = arith.constant 0.000000e+00 : f32
    %max3A_10 = vector.broadcast %max3A : f32 to vector<2048x64xf32>
    %max3A_11 = arith.maximumf %add3A_9, %max3A_10 : vector<2048x64xf32>
    %get3A_12 = arith.constant 0 : index
    %get3A_13 = arith.constant 0 : index
    %get3A_14 = vector.load %arg6[%get3A_12, %get3A_13] : memref<64x64xf32, #tpu.memory_space<vmem>>, vector<64x64xf32>
    %dot_general3A_15 = arith.constant dense<0.000000e+00> : vector<2048x64xf32>
    %dot_general3A_16 = tpu.matmul %max3A_11, %get3A_14, %dot_general3A_15 {dimension_numbers = #tpu.dot_dimension_numbers<[1], [0], [0], [1], [0, 0, 1, 1], [], []>, transpose_lhs_hint = false} : vector<2048x64xf32>, vector<64x64xf32>, vector<2048x64xf32> -> vector<2048x64xf32>
    %get3A_17 = arith.constant 0 : index
    %get3A_18 = arith.constant 0 : index
    %get3A_19 = vector.load %arg7[%get3A_17, %get3A_18] : memref<1x64xf32, #tpu.memory_space<vmem>>, vector<1x64xf32>
    %add3A_20 = vector.broadcast %get3A_19 : vector<1x64xf32> to vector<2048x64xf32>
    %add3A_21 = arith.addf %dot_general3A_16, %add3A_20 : vector<2048x64xf32>
    %get3A_22 = arith.constant 0 : index
    %get3A_23 = arith.constant 0 : index
    %get3A_24 = vector.load %arg2[%get3A_22, %get3A_23] : memref<2048x128xf32, #tpu.memory_space<vmem>>, vector<2048x128xf32>
    %slice3A = vector.extract_strided_slice %get3A_24 {offsets = [0, 0], sizes = [2048, 8], strides = [1, 1]} : vector<2048x128xf32> to vector<2048x8xf32>
    %concatenate3A = tpu.concatenate %slice3A, %slice3A, %slice3A, %slice3A, %slice3A, %slice3A, %slice3A, %slice3A in 1 : vector<2048x8xf32>, vector<2048x8xf32>, vector<2048x8xf32>, vector<2048x8xf32>, vector<2048x8xf32>, vector<2048x8xf32>, vector<2048x8xf32>, vector<2048x8xf32> -> vector<2048x64xf32>
    %mul3A = arith.mulf %concatenate3A, %add3A_21 : vector<2048x64xf32>
    %iota3A = tpu.iota {dimensions = array<i32: 0>} : vector<64x8xi32>
    %jit3A = arith.constant 8 : i32
    %div3A = vector.broadcast %jit3A : i32 to vector<64x8xi32>
    %div3A_25 = arith.divsi %iota3A, %div3A : vector<64x8xi32>
    %sign3A = arith.constant 0 : i32
    %sign3A_26 = vector.broadcast %sign3A : i32 to vector<64x8xi32>
    %sign3A_27 = arith.cmpi sgt, %iota3A, %sign3A_26 : vector<64x8xi32>
    %sign3A_28 = arith.extui %sign3A_27 : vector<64x8xi1> to vector<64x8xi32>
    %sign3A_29 = arith.constant 0 : i32
    %sign3A_30 = vector.broadcast %sign3A_29 : i32 to vector<64x8xi32>
    %sign3A_31 = arith.cmpi slt, %iota3A, %sign3A_30 : vector<64x8xi32>
    %sign3A_32 = arith.extui %sign3A_31 : vector<64x8xi1> to vector<64x8xi32>
    %sign3A_33 = arith.subi %sign3A_28, %sign3A_32 : vector<64x8xi32>
    %sign3A_34 = arith.constant 0 : i32
    %sign3A_35 = arith.cmpi sgt, %jit3A, %sign3A_34 : i32
    %sign3A_36 = arith.extui %sign3A_35 : i1 to i32
    %sign3A_37 = arith.constant 0 : i32
    %sign3A_38 = arith.cmpi slt, %jit3A, %sign3A_37 : i32
    %sign3A_39 = arith.extui %sign3A_38 : i1 to i32
    %sign3A_40 = arith.subi %sign3A_36, %sign3A_39 : i32
    %ne3A = vector.broadcast %sign3A_40 : i32 to vector<64x8xi32>
    %ne3A_41 = arith.cmpi ne, %sign3A_33, %ne3A : vector<64x8xi32>
    %rem3A = vector.broadcast %jit3A : i32 to vector<64x8xi32>
    %rem3A_42 = arith.remsi %iota3A, %rem3A : vector<64x8xi32>
    %ne3A_43 = arith.constant 0 : i32
    %ne3A_44 = vector.broadcast %ne3A_43 : i32 to vector<64x8xi32>
    %ne3A_45 = arith.cmpi ne, %rem3A_42, %ne3A_44 : vector<64x8xi32>
    %and3A = arith.andi %ne3A_41, %ne3A_45 : vector<64x8xi1>
    %sub3A = arith.constant 1 : i32
    %sub3A_46 = vector.broadcast %sub3A : i32 to vector<64x8xi32>
    %sub3A_47 = arith.subi %div3A_25, %sub3A_46 : vector<64x8xi32>
    %select_n3A = arith.select %and3A, %sub3A_47, %div3A_25 : vector<64x8xi1>, vector<64x8xi32>
    %iota3A_48 = tpu.iota {dimensions = array<i32: 1>} : vector<64x8xi32>
    %eq3A = arith.cmpi eq, %select_n3A, %iota3A_48 : vector<64x8xi32>
    %convert_element_type3A = arith.extui %eq3A : vector<64x8xi1> to vector<64x8xi32>
    %convert_element_type3A_49 = arith.sitofp %convert_element_type3A : vector<64x8xi32> to vector<64x8xf32>
    %dot_general3A_50 = arith.constant dense<0.000000e+00> : vector<2048x8xf32>
    %dot_general3A_51 = tpu.matmul %mul3A, %convert_element_type3A_49, %dot_general3A_50 {dimension_numbers = #tpu.dot_dimension_numbers<[1], [0], [0], [1], [0, 0, 1, 1], [], []>, transpose_lhs_hint = false} : vector<2048x64xf32>, vector<64x8xf32>, vector<2048x8xf32> -> vector<2048x8xf32>
    %broadcast_in_dim3A = arith.constant 1.000000e+00 : f32
    %broadcast_in_dim3A_52 = vector.broadcast %broadcast_in_dim3A : f32 to vector<2048x1xf32>
    %broadcast_in_dim3A_53 = arith.constant 0.000000e+00 : f32
    %broadcast_in_dim3A_54 = vector.broadcast %broadcast_in_dim3A_53 : f32 to vector<2048x7xf32>
    %concatenate3A_55 = tpu.concatenate %dot_general3A_51, %broadcast_in_dim3A_52, %broadcast_in_dim3A_54 in 1 : vector<2048x8xf32>, vector<2048x1xf32>, vector<2048x7xf32> -> vector<2048x16xf32>
    %concatenate3A_56 = tpu.concatenate %concatenate3A_55, %concatenate3A_55, %concatenate3A_55, %concatenate3A_55, %concatenate3A_55, %concatenate3A_55, %concatenate3A_55, %concatenate3A_55 in 1 : vector<2048x16xf32>, vector<2048x16xf32>, vector<2048x16xf32>, vector<2048x16xf32>, vector<2048x16xf32>, vector<2048x16xf32>, vector<2048x16xf32>, vector<2048x16xf32> -> vector<2048x128xf32>
    %iota3A_57 = tpu.iota {dimensions = array<i32: 1>} : vector<2048x128xi32>
    %jit3A_58 = arith.constant 16 : i32
    %div3A_59 = vector.broadcast %jit3A_58 : i32 to vector<2048x128xi32>
    %div3A_60 = arith.divsi %iota3A_57, %div3A_59 : vector<2048x128xi32>
    %sign3A_61 = arith.constant 0 : i32
    %sign3A_62 = vector.broadcast %sign3A_61 : i32 to vector<2048x128xi32>
    %sign3A_63 = arith.cmpi sgt, %iota3A_57, %sign3A_62 : vector<2048x128xi32>
    %sign3A_64 = arith.extui %sign3A_63 : vector<2048x128xi1> to vector<2048x128xi32>
    %sign3A_65 = arith.constant 0 : i32
    %sign3A_66 = vector.broadcast %sign3A_65 : i32 to vector<2048x128xi32>
    %sign3A_67 = arith.cmpi slt, %iota3A_57, %sign3A_66 : vector<2048x128xi32>
    %sign3A_68 = arith.extui %sign3A_67 : vector<2048x128xi1> to vector<2048x128xi32>
    %sign3A_69 = arith.subi %sign3A_64, %sign3A_68 : vector<2048x128xi32>
    %sign3A_70 = arith.constant 0 : i32
    %sign3A_71 = arith.cmpi sgt, %jit3A_58, %sign3A_70 : i32
    %sign3A_72 = arith.extui %sign3A_71 : i1 to i32
    %sign3A_73 = arith.constant 0 : i32
    %sign3A_74 = arith.cmpi slt, %jit3A_58, %sign3A_73 : i32
    %sign3A_75 = arith.extui %sign3A_74 : i1 to i32
    %sign3A_76 = arith.subi %sign3A_72, %sign3A_75 : i32
    %ne3A_77 = vector.broadcast %sign3A_76 : i32 to vector<2048x128xi32>
    %ne3A_78 = arith.cmpi ne, %sign3A_69, %ne3A_77 : vector<2048x128xi32>
    %rem3A_79 = vector.broadcast %jit3A_58 : i32 to vector<2048x128xi32>
    %rem3A_80 = arith.remsi %iota3A_57, %rem3A_79 : vector<2048x128xi32>
    %ne3A_81 = arith.constant 0 : i32
    %ne3A_82 = vector.broadcast %ne3A_81 : i32 to vector<2048x128xi32>
    %ne3A_83 = arith.cmpi ne, %rem3A_80, %ne3A_82 : vector<2048x128xi32>
    %and3A_84 = arith.andi %ne3A_78, %ne3A_83 : vector<2048x128xi1>
    %sub3A_85 = arith.constant 1 : i32
    %sub3A_86 = vector.broadcast %sub3A_85 : i32 to vector<2048x128xi32>
    %sub3A_87 = arith.subi %div3A_60, %sub3A_86 : vector<2048x128xi32>
    %select_n3A_88 = arith.select %and3A_84, %sub3A_87, %div3A_60 : vector<2048x128xi1>, vector<2048x128xi32>
    %get3A_89 = arith.constant 0 : index
    %get3A_90 = arith.constant 0 : index
    %get3A_91 = vector.load %arg3[%get3A_89, %get3A_90] : memref<2048x1xi32, #tpu.memory_space<vmem>>, vector<2048x1xi32>
    %eq3A_92 = vector.broadcast %get3A_91 : vector<2048x1xi32> to vector<2048x128xi32>
    %eq3A_93 = arith.cmpi eq, %select_n3A_88, %eq3A_92 : vector<2048x128xi32>
    %convert_element_type3A_94 = arith.extui %eq3A_93 : vector<2048x128xi1> to vector<2048x128xi32>
    %convert_element_type3A_95 = arith.sitofp %convert_element_type3A_94 : vector<2048x128xi32> to vector<2048x128xf32>
    %mul3A_96 = arith.mulf %concatenate3A_56, %convert_element_type3A_95 : vector<2048x128xf32>
    %swap3A = arith.constant 0 : index
    %swap3A_97 = arith.constant 0 : index
    %swap3A_98 = vector.load %arg8[%swap3A, %swap3A_97] : memref<2048x128xf32, #tpu.memory_space<vmem>>, vector<2048x128xf32>
    tpu.vector_store %arg8[%swap3A, %swap3A_97], %mul3A_96 {strides = array<i32>} : memref<2048x128xf32, #tpu.memory_space<vmem>>, vector<2048x128xf32>,
    return
  }
  func.func @transform_0(%arg0: i32) -> (i32, i32) {
    %c0_i32 = arith.constant 0 : i32
    %c0_i32_0 = arith.constant 0 : i32
    return %arg0, %c0_i32 : i32, i32
  }
  func.func @transform_1(%arg0: i32) -> (i32, i32) {
    %c0_i32 = arith.constant 0 : i32
    %c0_i32_0 = arith.constant 0 : i32
    return %arg0, %c0_i32 : i32, i32
  }
  func.func @transform_2(%arg0: i32) -> (i32, i32) {
    %c0_i32 = arith.constant 0 : i32
    %c0_i32_0 = arith.constant 0 : i32
    return %arg0, %c0_i32 : i32, i32
  }
  func.func @transform_3(%arg0: i32) -> (i32, i32) {
    %c0_i32 = arith.constant 0 : i32
    %c0_i32_0 = arith.constant 0 : i32
    %c0_i32_1 = arith.constant 0 : i32
    return %c0_i32, %c0_i32_0 : i32, i32
  }
  func.func @transform_4(%arg0: i32) -> (i32, i32) {
    %c0_i32 = arith.constant 0 : i32
    %c0_i32_0 = arith.constant 0 : i32
    %c0_i32_1 = arith.constant 0 : i32
    return %c0_i32, %c0_i32_0 : i32, i32
  }
  func.func @transform_5(%arg0: i32) -> (i32, i32) {
    %c0_i32 = arith.constant 0 : i32
    %c0_i32_0 = arith.constant 0 : i32
    %c0_i32_1 = arith.constant 0 : i32
    return %c0_i32, %c0_i32_0 : i32, i32
  }
  func.func @transform_6(%arg0: i32) -> (i32, i32) {
    %c0_i32 = arith.constant 0 : i32
    %c0_i32_0 = arith.constant 0 : i32
    %c0_i32_1 = arith.constant 0 : i32
    return %c0_i32, %c0_i32_0 : i32, i32
  }
  func.func @transform_7(%arg0: i32) -> (i32, i32) {
    %c0_i32 = arith.constant 0 : i32
    %c0_i32_0 = arith.constant 0 : i32
    return %arg0, %c0_i32 : i32, i32
  }
}

module attributes {stable_mosaic.version = 14 : i64} {
  func.func @_final_body(%arg0: memref<10000x128xf32, #tpu.memory_space<vmem>>, %arg1: memref<2x1280x128xf32, #tpu.memory_space<vmem>>, %arg2: memref<1x10000xi32, #tpu.memory_space<vmem>>, %arg3: memref<8x8xf32, #tpu.memory_space<vmem>>, %arg4: memref<1x8xf32, #tpu.memory_space<vmem>>, %arg5: memref<8x8xf32, #tpu.memory_space<vmem>>, %arg6: memref<1x8xf32, #tpu.memory_space<vmem>>, %arg7: memref<8x1xf32, #tpu.memory_space<vmem>>, %arg8: memref<1x1xf32, #tpu.memory_space<vmem>>, %arg9: memref<64x1xf32, #tpu.memory_space<vmem>>) attributes {dimension_semantics = [], scalar_prefetch = 0 : i64, scratch_operands = 0 : i64, tpu.core_type = #tpu.core_type<tc>} {
    %get3A = arith.constant 0 : index
    %get3A_0 = arith.constant 0 : index
    %get3A_1 = arith.constant 0 : index
    %get3A_2 = vector.load %arg1[%get3A, %get3A_0, %get3A_1] : memref<2x1280x128xf32, #tpu.memory_space<vmem>>, vector<1x1280x128xf32>
    %get3A_3 = vector.shape_cast %get3A_2 : vector<1x1280x128xf32> to vector<1280x128xf32>
    %get3A_4 = arith.constant 1 : index
    %get3A_5 = arith.constant 0 : index
    %get3A_6 = arith.constant 0 : index
    %get3A_7 = vector.load %arg1[%get3A_4, %get3A_5, %get3A_6] : memref<2x1280x128xf32, #tpu.memory_space<vmem>>, vector<1x1280x128xf32>
    %get3A_8 = vector.shape_cast %get3A_7 : vector<1x1280x128xf32> to vector<1280x128xf32>
    %add3A = arith.addf %get3A_3, %get3A_8 : vector<1280x128xf32>
    %broadcast_in_dim3A = vector.shape_cast %add3A : vector<1280x128xf32> to vector<1280x1x128xf32>
    %broadcast_in_dim3A_9 = vector.shape_cast %broadcast_in_dim3A : vector<1280x1x128xf32> to vector<1280x1x128xf32>
    %broadcast_in_dim3A_10 = vector.broadcast %broadcast_in_dim3A_9 : vector<1280x1x128xf32> to vector<1280x8x128xf32>
    %reshape3A = vector.shape_cast %broadcast_in_dim3A_10 : vector<1280x8x128xf32> to vector<10240x128xf32>
    %iota3A = tpu.iota {dimensions = array<i32: 1>} : vector<10240x128xi32>
    %jit3A = arith.constant 16 : i32
    %div3A = vector.broadcast %jit3A : i32 to vector<10240x128xi32>
    %div3A_11 = arith.divsi %iota3A, %div3A : vector<10240x128xi32>
    %sign3A = arith.constant 0 : i32
    %sign3A_12 = vector.broadcast %sign3A : i32 to vector<10240x128xi32>
    %sign3A_13 = arith.cmpi sgt, %iota3A, %sign3A_12 : vector<10240x128xi32>
    %sign3A_14 = arith.extui %sign3A_13 : vector<10240x128xi1> to vector<10240x128xi32>
    %sign3A_15 = arith.constant 0 : i32
    %sign3A_16 = vector.broadcast %sign3A_15 : i32 to vector<10240x128xi32>
    %sign3A_17 = arith.cmpi slt, %iota3A, %sign3A_16 : vector<10240x128xi32>
    %sign3A_18 = arith.extui %sign3A_17 : vector<10240x128xi1> to vector<10240x128xi32>
    %sign3A_19 = arith.subi %sign3A_14, %sign3A_18 : vector<10240x128xi32>
    %sign3A_20 = arith.constant 0 : i32
    %sign3A_21 = arith.cmpi sgt, %jit3A, %sign3A_20 : i32
    %sign3A_22 = arith.extui %sign3A_21 : i1 to i32
    %sign3A_23 = arith.constant 0 : i32
    %sign3A_24 = arith.cmpi slt, %jit3A, %sign3A_23 : i32
    %sign3A_25 = arith.extui %sign3A_24 : i1 to i32
    %sign3A_26 = arith.subi %sign3A_22, %sign3A_25 : i32
    %ne3A = vector.broadcast %sign3A_26 : i32 to vector<10240x128xi32>
    %ne3A_27 = arith.cmpi ne, %sign3A_19, %ne3A : vector<10240x128xi32>
    %rem3A = vector.broadcast %jit3A : i32 to vector<10240x128xi32>
    %rem3A_28 = arith.remsi %iota3A, %rem3A : vector<10240x128xi32>
    %ne3A_29 = arith.constant 0 : i32
    %ne3A_30 = vector.broadcast %ne3A_29 : i32 to vector<10240x128xi32>
    %ne3A_31 = arith.cmpi ne, %rem3A_28, %ne3A_30 : vector<10240x128xi32>
    %and3A = arith.andi %ne3A_27, %ne3A_31 : vector<10240x128xi1>
    %sub3A = arith.constant 1 : i32
    %sub3A_32 = vector.broadcast %sub3A : i32 to vector<10240x128xi32>
    %sub3A_33 = arith.subi %div3A_11, %sub3A_32 : vector<10240x128xi32>
    %select_n3A = arith.select %and3A, %sub3A_33, %div3A_11 : vector<10240x128xi1>, vector<10240x128xi32>
    %iota3A_34 = tpu.iota {dimensions = array<i32: 0>} : vector<10240x128xi32>
    %jit3A_35 = arith.constant 8 : i32
    %eq3A = arith.constant 0 : i32
    %eq3A_36 = arith.cmpi eq, %jit3A_35, %eq3A : i32
    %jit3A_37 = arith.constant 1 : i32
    %select_n3A_38 = arith.select %eq3A_36, %jit3A_37, %jit3A_35 : i32
    %rem3A_39 = vector.broadcast %select_n3A_38 : i32 to vector<10240x128xi32>
    %rem3A_40 = arith.remsi %iota3A_34, %rem3A_39 : vector<10240x128xi32>
    %ne3A_41 = arith.constant 0 : i32
    %ne3A_42 = vector.broadcast %ne3A_41 : i32 to vector<10240x128xi32>
    %ne3A_43 = arith.cmpi ne, %rem3A_40, %ne3A_42 : vector<10240x128xi32>
    %lt3A = arith.constant 0 : i32
    %lt3A_44 = vector.broadcast %lt3A : i32 to vector<10240x128xi32>
    %lt3A_45 = arith.cmpi slt, %rem3A_40, %lt3A_44 : vector<10240x128xi32>
    %lt3A_46 = arith.constant 0 : i32
    %lt3A_47 = arith.cmpi slt, %select_n3A_38, %lt3A_46 : i32
    %ne3A_48 = vector.broadcast %lt3A_47 : i1 to vector<10240x128xi1>
    %ne3A_49 = vector.broadcast %ne3A_48 : vector<10240x128xi1> to vector<10240x128xi1>
    %ne3A_50 = arith.xori %lt3A_45, %ne3A_49 : vector<10240x128xi1>
    %and3A_51 = arith.andi %ne3A_50, %ne3A_43 : vector<10240x128xi1>
    %add3A_52 = vector.broadcast %select_n3A_38 : i32 to vector<10240x128xi32>
    %add3A_53 = arith.addi %rem3A_40, %add3A_52 : vector<10240x128xi32>
    %select_n3A_54 = arith.select %and3A_51, %add3A_53, %rem3A_40 : vector<10240x128xi1>, vector<10240x128xi32>
    %eq3A_55 = arith.cmpi eq, %select_n3A, %select_n3A_54 : vector<10240x128xi32>
    %convert_element_type3A = arith.extui %eq3A_55 : vector<10240x128xi1> to vector<10240x128xi32>
    %convert_element_type3A_56 = arith.sitofp %convert_element_type3A : vector<10240x128xi32> to vector<10240x128xf32>
    %iota3A_57 = tpu.iota {dimensions = array<i32: 0>} : vector<128x16xi32>
    %jit3A_58 = arith.constant 16 : i32
    %eq3A_59 = arith.constant 0 : i32
    %eq3A_60 = arith.cmpi eq, %jit3A_58, %eq3A_59 : i32
    %jit3A_61 = arith.constant 1 : i32
    %select_n3A_62 = arith.select %eq3A_60, %jit3A_61, %jit3A_58 : i32
    %rem3A_63 = vector.broadcast %select_n3A_62 : i32 to vector<128x16xi32>
    %rem3A_64 = arith.remsi %iota3A_57, %rem3A_63 : vector<128x16xi32>
    %ne3A_65 = arith.constant 0 : i32
    %ne3A_66 = vector.broadcast %ne3A_65 : i32 to vector<128x16xi32>
    %ne3A_67 = arith.cmpi ne, %rem3A_64, %ne3A_66 : vector<128x16xi32>
    %lt3A_68 = arith.constant 0 : i32
    %lt3A_69 = vector.broadcast %lt3A_68 : i32 to vector<128x16xi32>
    %lt3A_70 = arith.cmpi slt, %rem3A_64, %lt3A_69 : vector<128x16xi32>
    %lt3A_71 = arith.constant 0 : i32
    %lt3A_72 = arith.cmpi slt, %select_n3A_62, %lt3A_71 : i32
    %ne3A_73 = vector.broadcast %lt3A_72 : i1 to vector<128x16xi1>
    %ne3A_74 = vector.broadcast %ne3A_73 : vector<128x16xi1> to vector<128x16xi1>
    %ne3A_75 = arith.xori %lt3A_70, %ne3A_74 : vector<128x16xi1>
    %and3A_76 = arith.andi %ne3A_75, %ne3A_67 : vector<128x16xi1>
    %add3A_77 = vector.broadcast %select_n3A_62 : i32 to vector<128x16xi32>
    %add3A_78 = arith.addi %rem3A_64, %add3A_77 : vector<128x16xi32>
    %select_n3A_79 = arith.select %and3A_76, %add3A_78, %rem3A_64 : vector<128x16xi1>, vector<128x16xi32>
    %iota3A_80 = tpu.iota {dimensions = array<i32: 1>} : vector<128x16xi32>
    %eq3A_81 = arith.cmpi eq, %select_n3A_79, %iota3A_80 : vector<128x16xi32>
    %convert_element_type3A_82 = arith.extui %eq3A_81 : vector<128x16xi1> to vector<128x16xi32>
    %convert_element_type3A_83 = arith.sitofp %convert_element_type3A_82 : vector<128x16xi32> to vector<128x16xf32>
    %mul3A = arith.mulf %reshape3A, %convert_element_type3A_56 : vector<10240x128xf32>
    %dot_general3A = arith.constant dense<0.000000e+00> : vector<10240x16xf32>
    %dot_general3A_84 = tpu.matmul %mul3A, %convert_element_type3A_83, %dot_general3A {dimension_numbers = #tpu.dot_dimension_numbers<[1], [0], [0], [1], [0, 0, 1, 1], [], []>, transpose_lhs_hint = false} : vector<10240x128xf32>, vector<128x16xf32>, vector<10240x16xf32> -> vector<10240x16xf32>
    %slice3A = vector.extract_strided_slice %dot_general3A_84 {offsets = [0, 0], sizes = [10000, 8], strides = [1, 1]} : vector<10240x16xf32> to vector<10000x8xf32>
    %slice3A_85 = vector.extract_strided_slice %dot_general3A_84 {offsets = [0, 8], sizes = [10000, 1], strides = [1, 1]} : vector<10240x16xf32> to vector<10000x1xf32>
    %max3A = arith.constant 1.000000e+00 : f32
    %max3A_86 = vector.broadcast %max3A : f32 to vector<10000x1xf32>
    %max3A_87 = arith.maximumf %slice3A_85, %max3A_86 : vector<10000x1xf32>
    %div3A_88 = vector.broadcast %max3A_87 : vector<10000x1xf32> to vector<10000x8xf32>
    %div3A_89 = arith.divf %slice3A, %div3A_88 : vector<10000x8xf32>
    %get3A_90 = arith.constant 0 : index
    %get3A_91 = arith.constant 0 : index
    %get3A_92 = vector.load %arg0[%get3A_90, %get3A_91] : memref<10000x128xf32, #tpu.memory_space<vmem>>, vector<10000x128xf32>
    %slice3A_93 = vector.extract_strided_slice %get3A_92 {offsets = [0, 0], sizes = [10000, 8], strides = [1, 1]} : vector<10000x128xf32> to vector<10000x8xf32>
    %get3A_94 = arith.constant 0 : index
    %get3A_95 = arith.constant 0 : index
    %get3A_96 = vector.load %arg3[%get3A_94, %get3A_95] : memref<8x8xf32, #tpu.memory_space<vmem>>, vector<8x8xf32>
    %dot_general3A_97 = arith.constant dense<0.000000e+00> : vector<10000x8xf32>
    %dot_general3A_98 = tpu.matmul %slice3A_93, %get3A_96, %dot_general3A_97 {dimension_numbers = #tpu.dot_dimension_numbers<[1], [0], [0], [1], [0, 0, 1, 1], [], []>, transpose_lhs_hint = false} : vector<10000x8xf32>, vector<8x8xf32>, vector<10000x8xf32> -> vector<10000x8xf32>
    %add3A_99 = arith.addf %dot_general3A_98, %div3A_89 : vector<10000x8xf32>
    %get3A_100 = arith.constant 0 : index
    %get3A_101 = arith.constant 0 : index
    %get3A_102 = vector.load %arg4[%get3A_100, %get3A_101] : memref<1x8xf32, #tpu.memory_space<vmem>>, vector<1x8xf32>
    %add3A_103 = vector.broadcast %get3A_102 : vector<1x8xf32> to vector<10000x8xf32>
    %add3A_104 = arith.addf %add3A_99, %add3A_103 : vector<10000x8xf32>
    %max3A_105 = arith.constant 0.000000e+00 : f32
    %max3A_106 = vector.broadcast %max3A_105 : f32 to vector<10000x8xf32>
    %max3A_107 = arith.maximumf %add3A_104, %max3A_106 : vector<10000x8xf32>
    %get3A_108 = arith.constant 0 : index
    %get3A_109 = arith.constant 0 : index
    %get3A_110 = vector.load %arg2[%get3A_108, %get3A_109] : memref<1x10000xi32, #tpu.memory_space<vmem>>, vector<1x10000xi32>
    %broadcast_in_dim3A_111 = vector.shape_cast %get3A_110 : vector<1x10000xi32> to vector<1x10000xi32>
    %broadcast_in_dim3A_112 = vector.broadcast %broadcast_in_dim3A_111 : vector<1x10000xi32> to vector<64x10000xi32>
    %iota3A_113 = tpu.iota {dimensions = array<i32: 0>} : vector<64x10000xi32>
    %eq3A_114 = arith.cmpi eq, %broadcast_in_dim3A_112, %iota3A_113 : vector<64x10000xi32>
    %convert_element_type3A_115 = arith.extui %eq3A_114 : vector<64x10000xi1> to vector<64x10000xi32>
    %convert_element_type3A_116 = arith.sitofp %convert_element_type3A_115 : vector<64x10000xi32> to vector<64x10000xf32>
    %dot_general3A_117 = arith.constant dense<0.000000e+00> : vector<64x8xf32>
    %dot_general3A_118 = tpu.matmul %convert_element_type3A_116, %max3A_107, %dot_general3A_117 {dimension_numbers = #tpu.dot_dimension_numbers<[1], [0], [0], [1], [0, 0, 1, 1], [], []>, transpose_lhs_hint = false} : vector<64x10000xf32>, vector<10000x8xf32>, vector<64x8xf32> -> vector<64x8xf32>
    %reduce_sum3A = arith.constant dense<0.000000e+00> : vector<64xf32>
    %reduce_sum3A_119 = vector.multi_reduction <add>, %convert_element_type3A_116, %reduce_sum3A [1] : vector<64x10000xf32> to vector<64xf32>
    %broadcast_in_dim3A_120 = vector.shape_cast %reduce_sum3A_119 : vector<64xf32> to vector<64x1xf32>
    %max3A_121 = arith.constant 1.000000e+00 : f32
    %max3A_122 = vector.broadcast %max3A_121 : f32 to vector<64x1xf32>
    %max3A_123 = arith.maximumf %broadcast_in_dim3A_120, %max3A_122 : vector<64x1xf32>
    %div3A_124 = vector.broadcast %max3A_123 : vector<64x1xf32> to vector<64x8xf32>
    %div3A_125 = arith.divf %dot_general3A_118, %div3A_124 : vector<64x8xf32>
    %get3A_126 = arith.constant 0 : index
    %get3A_127 = arith.constant 0 : index
    %get3A_128 = vector.load %arg5[%get3A_126, %get3A_127] : memref<8x8xf32, #tpu.memory_space<vmem>>, vector<8x8xf32>
    %dot_general3A_129 = arith.constant dense<0.000000e+00> : vector<64x8xf32>
    %dot_general3A_130 = tpu.matmul %div3A_125, %get3A_128, %dot_general3A_129 {dimension_numbers = #tpu.dot_dimension_numbers<[1], [0], [0], [1], [0, 0, 1, 1], [], []>, transpose_lhs_hint = false} : vector<64x8xf32>, vector<8x8xf32>, vector<64x8xf32> -> vector<64x8xf32>
    %get3A_131 = arith.constant 0 : index
    %get3A_132 = arith.constant 0 : index
    %get3A_133 = vector.load %arg6[%get3A_131, %get3A_132] : memref<1x8xf32, #tpu.memory_space<vmem>>, vector<1x8xf32>
    %add3A_134 = vector.broadcast %get3A_133 : vector<1x8xf32> to vector<64x8xf32>
    %add3A_135 = arith.addf %dot_general3A_130, %add3A_134 : vector<64x8xf32>
    %max3A_136 = arith.constant 0.000000e+00 : f32
    %max3A_137 = vector.broadcast %max3A_136 : f32 to vector<64x8xf32>
    %max3A_138 = arith.maximumf %add3A_135, %max3A_137 : vector<64x8xf32>
    %get3A_139 = arith.constant 0 : index
    %get3A_140 = arith.constant 0 : index
    %get3A_141 = vector.load %arg7[%get3A_139, %get3A_140] : memref<8x1xf32, #tpu.memory_space<vmem>>, vector<8x1xf32>
    %dot_general3A_142 = arith.constant dense<0.000000e+00> : vector<64x1xf32>
    %dot_general3A_143 = tpu.matmul %max3A_138, %get3A_141, %dot_general3A_142 {dimension_numbers = #tpu.dot_dimension_numbers<[1], [0], [0], [1], [0, 0, 1, 1], [], []>, transpose_lhs_hint = false} : vector<64x8xf32>, vector<8x1xf32>, vector<64x1xf32> -> vector<64x1xf32>
    %get3A_144 = arith.constant 0 : index
    %get3A_145 = arith.constant 0 : index
    %get3A_146 = vector.load %arg8[%get3A_144, %get3A_145] : memref<1x1xf32, #tpu.memory_space<vmem>>, vector<1x1xf32>
    %add3A_147 = vector.broadcast %get3A_146 : vector<1x1xf32> to vector<64x1xf32>
    %add3A_148 = arith.addf %dot_general3A_143, %add3A_147 : vector<64x1xf32>
    %swap3A = arith.constant 0 : index
    %swap3A_149 = arith.constant 0 : index
    %swap3A_150 = vector.load %arg9[%swap3A, %swap3A_149] : memref<64x1xf32, #tpu.memory_space<vmem>>, vector<64x1xf32>
    tpu.vector_store %arg9[%swap3A, %swap3A_149], %add3A_148 {strides = array<i32>} : memref<64x1xf32, #tpu.memory_space<vmem>>, vector<64x1xf32>,
    return
  }
}

</mosaic_0001>

<sc_bundles>
// kernel: kernel.10.cloned.1.call-start
scs
__scs_entry_jumppad:
0x0: {  	(pc) =	sbr.rel $0x88, $3  }
0x1: {  	(tag) =	ssettag $0x0;
	lr =	simm.s32 $0x1  }
0x2: {  	[smem:$0x3F8D] =	sst lr;
	_ =	strace $0xD0000000  }
0x3: {  	_ = 	snop  }
0x4: {  	_ = 	snop  }
0x5: {  	_ = 	snop  }
0x6: {  	_ = 	snop  }
0x7: {  	_ = 	snop  }
__scs_overlays_trampoline_lowered:
0x8: {  	[smem:$0x3F9C] =	sst s0  }
0x9: {  	[smem:$0x3F9D] =	sst s1  }
0xa: {  	[smem:$0x3F9E] =	sst s2  }
0xb: {  	[smem:$0x3F9F] =	sst s3  }
0xc: {  	[smem:$0x3FA0] =	sst s4  }
0xd: {  	[smem:$0x3FA1] =	sst s5  }
0xe: {  	[smem:$0x3FA2] =	sst s6  }
0xf: {  	[smem:$0x3FA3] =	sst s7  }
0x10: {  	[smem:$0x3FA4] =	sst s8  }
0x11: {  	[smem:$0x3FA5] =	sst s9;
	s0 =	simm.s32 @!p0 $0x0  }
0x12: {  	s1 =	sld [smem:$0x3F8B];
	s0 =	simm.s32 @p0 $0x1  }
0x13: {  	[smem:$0x3FA6] =	sst s0;
	s0 =	simm.s32 @!p1 $0x0  }
0x14: {  	s2 =	sld [smem:$0x3F8A];
	s0 =	simm.s32 @p1 $0x1  }
0x15: {  	[smem:$0x3FA7] =	sst s0;
	s0 =	simm.s32 @!p2 $0x0  }
0x16: {  	s3 =	sld [smem:$0x3FDB];
	s0 =	simm.s32 @p2 $0x1  }
0x17: {  	s4 =	simm.s32 $0x1BF5;
	[smem:$0x3FA9] =	sst s0  }
0x18: {  	s0 =	sld [smem:$0x3F8C];
	_ =	swait.ge [sflag:s4], $0x0  }
0x19: {  	s7 =	sld [smem:$0x3F8D]  }
0x1a: {  	s8 =	sadd.s32 $0xFFFFE003, lr  }
0x1b: {  	s9 =	sadd.s32 $0xFFFFFEF7, lr;
	s5 =	simm.s32 $0xFFFFFFFF;
	p2 =	slt.u32 s8, $0xFFFFF086  }
0x1c: {  	p1 =	slt.u32 s9, $0xF7A;
	s5 =	simm.s32 @!p2 $0x0  }
0x1d: {  	s5 =	simm.s32 @p1 $0x1;
	p0 =	seq.s32 s7, s2  }
0x1e: {  	s7 =	smul.u32 @!p0 $0xF7A, s2;
	p2 =	seq.s32 @!p0 s5, $0x0  }
0x1f: {  	s9 =	smul.u32 $0xF7A, s1;
	s8 =	simm.s32 @!p0 $0x1BF5;
	p2 =	por !p2, p0  }
0x20: {  	[sflag:s8] =	ssyncset.s32 @!p0 $0xFFFFF086;
	s6 =	sadd.s32 @!p0 s3, s7;
	s7 =	simm.s32 @!p0 $0x108  }
0x21: {  	s3 =	sadd.s32 s3, s9;
	s6 =	sadd.s32 @!p0 $0x88, s6;
	s7 =	simm.s32 @p2 $0x1082  }
0x22: {  	[simem:s7], [sflag:s8] =	dma.local @!p0 [hbm:s6], $0xF7A  }
0x23: {  	s9 =	sor.u32 $0xD0000000, s2;
	s6 =	simm.s32 $0x108;
	_ =	swait.ge @!p0 [sflag:s8], $0x0  }
0x24: {  	s3 =	sadd.s32 $0x88, s3;
	s6 =	simm.s32 @!p1 $0x1082;
	[sflag:s4] =	ssyncset.s32 $0xFFFFF086  }
0x25: {  	[simem:s6], [sflag:s4] =	dma.local [hbm:s3], $0xF7A  }
0x26: {  	[smem:$0x3F8D] =	sst s1;
	(tag) =	ssettag s2;
	_ =	strace s9  }
0x27: {  	s1 =	sld [smem:$0x3F9D]  }
0x28: {  	s2 =	sld [smem:$0x3F9E]  }
0x29: {  	s4 =	sld [smem:$0x3FA0]  }
0x2a: {  	p0 =	seq.s32 s5, $0x0;
	s5 =	sld [smem:$0x3FA1]  }
0x2b: {  	s6 =	sld [smem:$0x3FA2]  }
0x2c: {  	s7 =	sld [smem:$0x3FA3]  }
0x2d: {  	s3 =	simm.s32 $0x108;
	s8 =	sld [smem:$0x3FA4]  }
0x2e: {  	s3 =	simm.s32 @!p0 $0x1082;
	s9 =	sld [smem:$0x3FA5]  }
0x2f: {  	lr =	sadd.s32 s0, s3;
	s0 =	sld [smem:$0x3F9C]  }
0x30: {  	s3 =	sld [smem:$0x3F9F]  }
0x31: {  	[smem:$0x3FA8] =	sst s10  }
0x32: {  	s10 =	sld [smem:$0x3FA6];
	_ =	sdelay $0x3  }
0x33: {  	p0 =	seq.s32 s10, $0x1;
	s10 =	sld [smem:$0x3FA8];
	_ =	sdelay $0x3  }
0x34: {  	[smem:$0x3FA8] =	sst s10  }
0x35: {  	s10 =	sld [smem:$0x3FA7];
	_ =	sdelay $0x3  }
0x36: {  	p1 =	seq.s32 s10, $0x1;
	s10 =	sld [smem:$0x3FA8];
	_ =	sdelay $0x3  }
0x37: {  	[smem:$0x3FA8] =	sst s10  }
0x38: {  	s10 =	sld [smem:$0x3FA9]  }
0x39: {  	_ = 	snop;
	(pc) =	sbr.ind lr, $3  }
0x3a: {  	_ = 	snop  }
0x3b: {  	_ = 	snop  }
0x3c: {  	p2 =	seq.s32 s10, $0x1;
	s10 =	sld [smem:$0x3FA8]  }
0x3d: {  	_ =	shalt  }
0x3e: {  	_ =	shalt  }
0x3f: {  	_ =	shalt  }
0x40: {  	_ =	shalt  }
0x41: {  	_ =	shalt  }
0x42: {  	_ =	shalt  }
0x43: {  	_ =	shalt  }
0x44: {  	_ =	shalt  }
0x45: {  	_ =	shalt  }
0x46: {  	_ =	shalt  }
0x47: {  	_ =	shalt  }
0x48: {  	_ =	shalt  }
0x49: {  	_ =	shalt  }
0x4a: {  	_ =	shalt  }
0x4b: {  	_ =	shalt  }
0x4c: {  	_ =	shalt  }
0x4d: {  	_ =	shalt  }
0x4e: {  	_ =	shalt  }
0x4f: {  	_ =	shalt  }
0x50: {  	_ =	shalt  }
0x51: {  	_ =	shalt  }
0x52: {  	_ =	shalt  }
0x53: {  	_ =	shalt  }
0x54: {  	_ =	shalt  }
0x55: {  	_ =	shalt  }
0x56: {  	_ =	shalt  }
0x57: {  	_ =	shalt  }
0x58: {  	_ =	shalt  }
0x59: {  	_ =	shalt  }
0x5a: {  	_ =	shalt  }
0x5b: {  	_ =	shalt  }
0x5c: {  	_ =	shalt  }
0x5d: {  	_ =	shalt  }
0x5e: {  	_ =	shalt  }
0x5f: {  	_ =	shalt  }
0x60: {  	_ =	shalt  }
0x61: {  	_ =	shalt  }
0x62: {  	_ =	shalt  }
0x63: {  	_ =	shalt  }
0x64: {  	_ =	shalt  }
0x65: {  	_ =	shalt  }
0x66: {  	_ =	shalt  }
0x67: {  	_ =	shalt  }
0x68: {  	_ =	shalt  }
0x69: {  	_ =	shalt  }
0x6a: {  	_ =	shalt  }
0x6b: {  	_ =	shalt  }
0x6c: {  	_ =	shalt  }
0x6d: {  	_ =	shalt  }
0x6e: {  	_ =	shalt  }
0x6f: {  	_ =	shalt  }
0x70: {  	_ =	shalt  }
0x71: {  	_ =	shalt  }
0x72: {  	_ =	shalt  }
0x73: {  	_ =	shalt  }
0x74: {  	_ =	shalt  }
0x75: {  	_ =	shalt  }
0x76: {  	_ =	shalt  }
0x77: {  	_ =	shalt  }
0x78: {  	_ =	shalt  }
0x79: {  	_ =	shalt  }
0x7a: {  	_ =	shalt  }
0x7b: {  	_ =	shalt  }
0x7c: {  	_ =	shalt  }
0x7d: {  	_ =	shalt  }
0x7e: {  	_ =	shalt  }
0x7f: {  	_ =	shalt  }
0x80: {  	_ =	shalt  }
0x81: {  	_ =	shalt  }
0x82: {  	_ =	shalt  }
0x83: {  	_ =	shalt  }
0x84: {  	_ =	shalt  }
0x85: {  	_ =	shalt  }
0x86: {  	_ =	shalt  }
0x87: {  	_ =	shalt  }
.Lfunc_end0:
.L_simem_size_0:
called_computation_lowered:
.L_overlay_start_0:
0x88: {  	s2 =	sld [smem:$0x3FD9]  }
0x89: {  	s3 =	sld [smem:$0x3FFE];
	_ =	sdelay $0x1  }
0x8a: {  	s1 =	srdreg.scid  }
0x8b: {  	s0 =	sand.u32 $0x1, s1  }
0x8c: {  	s17 =	sshll.u32 s0, $0xA;
	s2 =	sadd.s32 s3, s2  }
0x8d: {  	s2 =	sadd.s32 s2, s17  }
0x8e: {  	[smem:$0x3FB4] =	sst s2  }
0x8f: {  	_ = 	snop  }
0x90: {  	s2 =	sld [smem:$0x3FC9];
	(tm) =	ssettm $0x1  }
0x91: {  	s18 =	sld [smem:$0x3FFB];
	_ =	sdelay $0x3  }
0x92: {  	_ =	strace s18  }
0x93: {  	s3 =	sld [smem:$0x3FFC];
	_ =	sdelay $0x3  }
0x94: {  	_ =	strace s3  }
0x95: {  	s3 =	sld [smem:$0x3FFD];
	_ =	sdelay $0x3  }
0x96: {  	_ =	strace s3  }
0x97: {  	_ =	strace $0x8FFFFFFF  }
0x98: {  	s19 =	sld [smem:$0x3FDB];
	_ =	sdelay $0x1  }
0x99: {  	s4 =	simm.s32 $_scs_section_size  }
0x9a: {  	s5 =	simm.s32 $_size__tile_overlayer_lowered;
	s6 =	simm.s32 $_tile_overlayer_lowered  }
0x9b: {  	s22 =	simm.s32 $0x1BFF;
	s21 =	sshll.u32 s6, $0x1;
	s3 =	sadd.s32 s4, s19  }
0x9c: {  	s7 =	simm.s32 $0x0;
	s20 =	sshll.u32 s5, $0x1;
	s5 =	sadd.s32 s21, s3  }
0x9d: {  	[timem:s7], [sflag:s22] =	dma.local [hbm:s5], s20  }
0x9e: {  	_ =	swait.ge [sflag:s22], s20  }
0x9f: {  	s4 =	ssub.s32 $0x0, s20;
	[sflag:s22] =	ssyncset.done $0x0  }
0xa0: {  	[sflag:s22] =	ssyncadd.s32 s4;
	_ =	sdelay $0x1  }
0xa1: {  	s23 =	simm.s32 $0x1B8B  }
0xa2: {  	_ =	swait.ge [sflag:s23], $0x1  }
0xa3: {  	[sflag:s23] =	ssyncset.done $0x0  }
0xa4: {  	s25 =	simm.s32 $0x1B8E;
	s24 =	sld [smem:$0x3FFE];
	[sflag:s23] =	ssyncadd.s32 $0xFFFFFFFF  }
0xa5: {  	s26 =	simm.s32 $execute0_lowered;
	[smem:$0x3FD2] =	sst s25  }
0xa6: {  	s5 =	sshll.u32 s26, $0x1;
	_ =	strace $0x80000046;
	[dreg:$0x1] =	wrdreg $0xFFFFFFFF  }
0xa7: {  	s28 =	simm.s32 $_size_execute0_lowered;
	s3 =	sadd.s32 s3, s5;
	[dreg:$0x0] =	wrdreg $0x0  }
0xa8: {  	s5 =	sshll.u32 s28, $0x1;
	[dreg:$0x2] =	wrdreg s3  }
0xa9: {  	[dreg:$0x3] =	wrdreg s5  }
0xaa: {  	[dreg:$0x4] =	wrdreg $0xC0  }
0xab: {  	_ =	task [dreg:s7], $0x5FFFF  }
0xac: {  	[dreg:$0x1] =	wrdreg $0xFFFFFFFF  }
0xad: {  	[dreg:$0x0] =	wrdreg $0x60  }
0xae: {  	[dreg:$0x2] =	wrdreg s2  }
0xaf: {  	[dreg:$0x3] =	wrdreg s24  }
0xb0: {  	[dreg:$0x4] =	wrdreg $0x9  }
0xb1: {  	_ =	task.clear_ibuf [dreg:s7], $0x5FFFF;
	_ =	strace $0x90000046  }
0xb2: {  	s29 =	simm.s32 $0x9;
	_ =	strace $0x80000048  }
0xb3: {  	_ =	swait.ge [sflag:s29], $0x1  }
0xb4: {  	[sflag:s29] =	ssyncadd.s32 $0xFFFFFFFF  }
0xb5: {  	_ =	strace $0x90000048  }
0xb6: {  	_ =	sfence  }
0xb7: {  	s30 =	sld [smem:$0x0];
	_ =	sdelay $0x2  }
0xb8: {  	s31 =	sshll.u32 s1, $0xD;
	s1 =	sshrl.u32 s1, $0x2  }
0xb9: {  	s3 =	sand.u32 $0x4000, s31;
	s1 =	sadd.s32 s1, s30  }
0xba: {  	s0 =	sor.u32 s3, s0;
	s1 =	sshll.u32 s1, $0x11  }
0xbb: {  	s0 =	sor.u32 s1, s0  }
0xbc: {  	s0 =	sadd.s32 $0x8F2B, s0  }
0xbd: {  	[sflag:s0] =	ssyncadd.remote.s32 $0x1  }
0xbe: {  	_ =	sfence.sel $0xFFFF  }
0xbf: {  	[dreg:$0x0] =	wrdreg $0xFFFFFFFF;
	(pc) =	sbr.abs _section_cstart, $3  }
0xc0: {  	[dreg:$0x1] =	wrdreg $0xFFFFFFFF  }
0xc1: {  	_ =	task.clear_ibuf [dreg:s7], $0x2FFFF;
	_ =	strace $0x9FFFFFFF  }
0xc2: {  	(tm) =	ssettm $0x7FFFFFFF  }
0xc3: {  	_ =	shalt  }
tec
execute0_lowered:
.L_overlay_start_1:
0x0: {  	(tag) =	ssettag $0x1  }
0x1: {  	s0 =	srdreg.scid;
	s2 =	rddreg [dreg:$0x0]  }
0x2: {  	s5 =	rddreg [dreg:$0x1];
	s1 =	stileid.u32  }
0x3: {  	s3 =	simm.s32 $0x0;
	s9 =	simm.s32 $0x1400;
	s10 =	simm.s32 $0x5400  }
0x4: {  	s11 =	simm.s32 $0x9400;
	s12 =	simm.s32 $0xD400;
	s4 =	sand.u32 $0x1, s0  }
0x5: {  	s13 =	simm.s32 $0x11400;
	s14 =	simm.s32 $0x1;
	s6 =	sshll.u32 s4, $0x4  }
0x6: {  	s15 =	simm.s32 $0x2;
	s8 =	smul.u32 $0x14000, s1;
	s6 =	sor.u32 s1, s6  }
0x7: {  	s16 =	simm.s32 $0x0;
	s0 =	rddreg [dreg:$0x2];
	s6 =	smul.u32 $0x1400, s6  }
0x8: {  	[smem:$0x7FF] =	sst s3;
	s7 =	smul.u32 $0x140000, s4;
	s4 =	ssub.s32 $0x2, s4  }
0x9: {  	_ =	strace $0x80000047;
	s30 =	sshrl.u32 s4, $0x1;
	s6 =	sshrl.u32 s6, $0x3  }
0xa: {  	s6 =	sadd.s32 s6, s5;
	s5 =	sadd.s32 s7, s5;
	s7 =	ssub.s32 s4, s30  }
0xb: {  	s4 =	sadd.s32 $0x3600, s6;
	s31 =	sadd.s32 s8, s5;
	s5 =	smax.u32 s7, $0x1  }
0xc: {  	s7 =	simm.s32 $0x3;
	s8 =	simm.s32 $0x80;
	s6 =	sadd.s32 $0xA600, s31  }
.LBB2_1:
0xd: {  	[tilespmem:s3], [sflag:$0x3] =	stream.linear.gather [hbm4b:s4+s3], $0x1400, $0x38;
	[tilespmem:$0x15400] =	vst v63  }
0xe: {  	_ =	swait.ge [sflag:s7], $0x1400  }
0xf: {  	[sflag:s7] =	ssyncset.done $0x0  }
0x10: {  	s17 =	simm.s32 $0x0;
	[sflag:s7] =	ssyncadd.s32 $0xFFFFEC00  }
0x11: {  	[tilespmem:s9], [sflag:$0x1] =	stream.indirect.gather [hbm4b:s2+s8], $0x80, s17, s8, $0xb8;
	[tilespmem:$0x15400] =	vst v63  }
0x12: {  	s23 =	simm.s32 $0x80  }
0x13: {  	[tilespmem:s10], [sflag:$0x1] =	stream.indirect.gather [hbm4b:s2+s8], $0x80, s23, s8, $0xb8;
	[tilespmem:$0x15400] =	vst v63  }
0x14: {  	s24 =	simm.s32 $0x100  }
0x15: {  	[tilespmem:s11], [sflag:$0x1] =	stream.indirect.gather [hbm4b:s2+s8], $0x80, s24, s8, $0xb8;
	[tilespmem:$0x15400] =	vst v63  }
0x16: {  	s25 =	simm.s32 $0x180  }
0x17: {  	[tilespmem:s12], [sflag:$0x1] =	stream.indirect.gather [hbm4b:s2+s8], $0x80, s25, s8, $0xb8;
	[tilespmem:$0x15400] =	vst v63  }
0x18: {  	s26 =	simm.s32 $0x200  }
0x19: {  	[tilespmem:s13], [sflag:$0x1] =	stream.indirect.gather [hbm4b:s2+s8], $0x80, s26, s8, $0xb8;
	[tilespmem:$0x15400] =	vst v63  }
0x1a: {  	_ =	swait.ge [sflag:s14], $0x4000  }
0x1b: {  	[sflag:s14] =	ssyncset.done $0x0  }
0x1c: {  	[sflag:s14] =	ssyncadd.s32 $0xFFFFC000  }
0x1d: {  	_ =	swait.ge [sflag:s14], $0x4000  }
0x1e: {  	[sflag:s14] =	ssyncset.done $0x0  }
0x1f: {  	[sflag:s14] =	ssyncadd.s32 $0xFFFFC000  }
0x20: {  	_ =	swait.ge [sflag:s14], $0x4000  }
0x21: {  	[sflag:s14] =	ssyncset.done $0x0  }
0x22: {  	[sflag:s14] =	ssyncadd.s32 $0xFFFFC000  }
0x23: {  	_ =	swait.ge [sflag:s14], $0x4000  }
0x24: {  	[sflag:s14] =	ssyncset.done $0x0  }
0x25: {  	[sflag:s14] =	ssyncadd.s32 $0xFFFFC000  }
0x26: {  	_ =	swait.ge [sflag:s14], $0x4000  }
0x27: {  	[sflag:s14] =	ssyncset.done $0x0  }
0x28: {  	s28 =	sadd.s32 $0xFFFFE000, s6;
	[sflag:s14] =	ssyncadd.s32 $0xFFFFC000  }
0x29: {  	[hbm4b:s28+s3] =	stream.linear.scatter [tilespmem:s9], [sflag:$0x2], $0x4000, $0x38;
	[tilespmem:$0x15400] =	vst v63  }
0x2a: {  	s29 =	sadd.s32 $0xFFFFE800, s6  }
0x2b: {  	[hbm4b:s29+s3] =	stream.linear.scatter [tilespmem:s10], [sflag:$0x2], $0x4000, $0x38;
	[tilespmem:$0x15400] =	vst v63  }
0x2c: {  	s30 =	sadd.s32 $0xFFFFF000, s6  }
0x2d: {  	[hbm4b:s30+s3] =	stream.linear.scatter [tilespmem:s11], [sflag:$0x2], $0x4000, $0x38;
	[tilespmem:$0x15400] =	vst v63  }
0x2e: {  	s31 =	sadd.s32 $0xFFFFF800, s6  }
0x2f: {  	[hbm4b:s31+s3] =	stream.linear.scatter [tilespmem:s12], [sflag:$0x2], $0x4000, $0x38;
	[tilespmem:$0x15400] =	vst v63  }
0x30: {  	_ = 	snop  }
0x31: {  	[hbm4b:s6+s3] =	stream.linear.scatter [tilespmem:s13], [sflag:$0x2], $0x4000, $0x38;
	[tilespmem:$0x15400] =	vst v63  }
0x32: {  	_ =	swait.ge [sflag:s15], $0x4000  }
0x33: {  	[sflag:s15] =	ssyncset.done $0x0  }
0x34: {  	[sflag:s15] =	ssyncadd.s32 $0xFFFFC000  }
0x35: {  	_ =	swait.ge [sflag:s15], $0x4000  }
0x36: {  	[sflag:s15] =	ssyncset.done $0x0  }
0x37: {  	[sflag:s15] =	ssyncadd.s32 $0xFFFFC000  }
0x38: {  	_ =	swait.ge [sflag:s15], $0x4000  }
0x39: {  	[sflag:s15] =	ssyncset.done $0x0  }
0x3a: {  	[sflag:s15] =	ssyncadd.s32 $0xFFFFC000  }
0x3b: {  	_ =	swait.ge [sflag:s15], $0x4000  }
0x3c: {  	[sflag:s15] =	ssyncset.done $0x0  }
0x3d: {  	[sflag:s15] =	ssyncadd.s32 $0xFFFFC000  }
0x3e: {  	s18 =	simm.s32 $0xA00;
	_ =	swait.ge [sflag:s15], $0x4000  }
0x3f: {  	s20 =	simm.s32 $0x1400;
	s17 =	sadd.s32 $0x2800, s6;
	[sflag:s15] =	ssyncset.done $0x0  }
.LBB2_2:
0x40: {  	s21 =	sshra.s32 s18, $0x2  }
0x41: {  	[sflag:s15] =	ssyncadd.s32 $0xFFFFC000;
	s18 =	smov.u32 s20;
	s19 =	sadd.s32 $0xA00, s20  }
0x42: {  	[tilespmem:s9], [sflag:$0x1] =	stream.indirect.gather [hbm4b:s2+s8], $0x80, s21, s8, $0xb8;
	[tilespmem:$0x15400] =	vst v63  }
0x43: {  	p0 =	sne.s32 s20, $0x4600;
	s20 =	sadd.s32 $0x80, s21  }
0x44: {  	[tilespmem:s10], [sflag:$0x1] =	stream.indirect.gather [hbm4b:s2+s8], $0x80, s20, s8, $0xb8;
	[tilespmem:$0x15400] =	vst v63  }
0x45: {  	s20 =	sadd.s32 $0x100, s21  }
0x46: {  	[tilespmem:s11], [sflag:$0x1] =	stream.indirect.gather [hbm4b:s2+s8], $0x80, s20, s8, $0xb8;
	[tilespmem:$0x15400] =	vst v63  }
0x47: {  	s20 =	sadd.s32 $0x180, s21  }
0x48: {  	[tilespmem:s12], [sflag:$0x1] =	stream.indirect.gather [hbm4b:s2+s8], $0x80, s20, s8, $0xb8;
	[tilespmem:$0x15400] =	vst v63  }
0x49: {  	s20 =	sadd.s32 $0x200, s21  }
0x4a: {  	[tilespmem:s13], [sflag:$0x1] =	stream.indirect.gather [hbm4b:s2+s8], $0x80, s20, s8, $0xb8;
	[tilespmem:$0x15400] =	vst v63  }
0x4b: {  	_ =	swait.ge [sflag:s14], $0x4000  }
0x4c: {  	[sflag:s14] =	ssyncset.done $0x0  }
0x4d: {  	[sflag:s14] =	ssyncadd.s32 $0xFFFFC000  }
0x4e: {  	_ =	swait.ge [sflag:s14], $0x4000  }
0x4f: {  	[sflag:s14] =	ssyncset.done $0x0  }
0x50: {  	[sflag:s14] =	ssyncadd.s32 $0xFFFFC000  }
0x51: {  	_ =	swait.ge [sflag:s14], $0x4000  }
0x52: {  	[sflag:s14] =	ssyncset.done $0x0  }
0x53: {  	[sflag:s14] =	ssyncadd.s32 $0xFFFFC000  }
0x54: {  	_ =	swait.ge [sflag:s14], $0x4000  }
0x55: {  	[sflag:s14] =	ssyncset.done $0x0  }
0x56: {  	[sflag:s14] =	ssyncadd.s32 $0xFFFFC000  }
0x57: {  	_ =	swait.ge [sflag:s14], $0x4000  }
0x58: {  	[sflag:s14] =	ssyncset.done $0x0  }
0x59: {  	s20 =	sadd.s32 $0xFFFFE000, s17;
	[sflag:s14] =	ssyncadd.s32 $0xFFFFC000  }
0x5a: {  	[hbm4b:s20+s3] =	stream.linear.scatter [tilespmem:s9], [sflag:$0x2], $0x4000, $0x38;
	[tilespmem:$0x15400] =	vst v63  }
0x5b: {  	s20 =	sadd.s32 $0xFFFFE800, s17  }
0x5c: {  	[hbm4b:s20+s3] =	stream.linear.scatter [tilespmem:s10], [sflag:$0x2], $0x4000, $0x38;
	[tilespmem:$0x15400] =	vst v63  }
0x5d: {  	s20 =	sadd.s32 $0xFFFFF000, s17  }
0x5e: {  	[hbm4b:s20+s3] =	stream.linear.scatter [tilespmem:s11], [sflag:$0x2], $0x4000, $0x38;
	[tilespmem:$0x15400] =	vst v63  }
0x5f: {  	s20 =	sadd.s32 $0xFFFFF800, s17  }
0x60: {  	[hbm4b:s20+s3] =	stream.linear.scatter [tilespmem:s12], [sflag:$0x2], $0x4000, $0x38;
	[tilespmem:$0x15400] =	vst v63  }
0x61: {  	_ = 	snop  }
0x62: {  	[hbm4b:s17+s3] =	stream.linear.scatter [tilespmem:s13], [sflag:$0x2], $0x4000, $0x38;
	[tilespmem:$0x15400] =	vst v63  }
0x63: {  	_ =	swait.ge [sflag:s15], $0x4000  }
0x64: {  	[sflag:s15] =	ssyncset.done $0x0  }
0x65: {  	[sflag:s15] =	ssyncadd.s32 $0xFFFFC000  }
0x66: {  	_ =	swait.ge [sflag:s15], $0x4000  }
0x67: {  	[sflag:s15] =	ssyncset.done $0x0  }
0x68: {  	[sflag:s15] =	ssyncadd.s32 $0xFFFFC000  }
0x69: {  	_ =	swait.ge [sflag:s15], $0x4000  }
0x6a: {  	[sflag:s15] =	ssyncset.done $0x0  }
0x6b: {  	[sflag:s15] =	ssyncadd.s32 $0xFFFFC000  }
.Ltmp0:
0x6c: {  	_ =	swait.ge [sflag:s15], $0x4000;
	(pc) =	sbr.rel @p0 .LBB2_2-.Ltmp0, $4  }
0x6d: {  	[sflag:s15] =	ssyncset.done $0x0  }
0x6e: {  	[sflag:s15] =	ssyncadd.s32 $0xFFFFC000  }
0x6f: {  	_ =	swait.ge [sflag:s15], $0x4000  }
0x70: {  	s20 =	smov.u32 s19;
	s17 =	sadd.s32 $0x2800, s17;
	[sflag:s15] =	ssyncset.done $0x0  }
0x71: {  	s18 =	sshra.s32 s18, $0x2;
	[sflag:s15] =	ssyncadd.s32 $0xFFFFC000  }
0x72: {  	[tilespmem:s9], [sflag:$0x1] =	stream.indirect.gather [hbm4b:s2+s8], $0x80, s18, s8, $0xb8;
	[tilespmem:$0x15400] =	vst v63  }
0x73: {  	s19 =	sadd.s32 $0x80, s18  }
0x74: {  	[tilespmem:s10], [sflag:$0x1] =	stream.indirect.gather [hbm4b:s2+s8], $0x80, s19, s8, $0xb8;
	[tilespmem:$0x15400] =	vst v63  }
0x75: {  	s25 =	sadd.s32 $0x100, s18  }
0x76: {  	[tilespmem:s11], [sflag:$0x1] =	stream.indirect.gather [hbm4b:s2+s8], $0x80, s25, s8, $0xb8;
	[tilespmem:$0x15400] =	vst v63  }
0x77: {  	s26 =	sadd.s32 $0x180, s18  }
0x78: {  	[tilespmem:s12], [sflag:$0x1] =	stream.indirect.gather [hbm4b:s2+s8], $0x80, s26, s8, $0xb8;
	[tilespmem:$0x15400] =	vst v63  }
0x79: {  	s18 =	sadd.s32 $0x200, s18  }
0x7a: {  	[tilespmem:s13], [sflag:$0x1] =	stream.indirect.gather [hbm4b:s2+s8], $0x80, s18, s8, $0xb8;
	[tilespmem:$0x15400] =	vst v63  }
0x7b: {  	_ =	swait.ge [sflag:s14], $0x4000  }
0x7c: {  	[sflag:s14] =	ssyncset.done $0x0  }
0x7d: {  	[sflag:s14] =	ssyncadd.s32 $0xFFFFC000  }
0x7e: {  	_ =	swait.ge [sflag:s14], $0x4000  }
0x7f: {  	[sflag:s14] =	ssyncset.done $0x0  }
0x80: {  	[sflag:s14] =	ssyncadd.s32 $0xFFFFC000  }
0x81: {  	_ =	swait.ge [sflag:s14], $0x4000  }
0x82: {  	[sflag:s14] =	ssyncset.done $0x0  }
0x83: {  	[sflag:s14] =	ssyncadd.s32 $0xFFFFC000  }
0x84: {  	_ =	swait.ge [sflag:s14], $0x4000  }
0x85: {  	[sflag:s14] =	ssyncset.done $0x0  }
0x86: {  	[sflag:s14] =	ssyncadd.s32 $0xFFFFC000  }
0x87: {  	_ =	swait.ge [sflag:s14], $0x4000  }
0x88: {  	[sflag:s14] =	ssyncset.done $0x0  }
0x89: {  	s28 =	sadd.s32 $0xFFFFE000, s17;
	[sflag:s14] =	ssyncadd.s32 $0xFFFFC000  }
0x8a: {  	[hbm4b:s28+s3] =	stream.linear.scatter [tilespmem:s9], [sflag:$0x2], $0x4000, $0x38;
	[tilespmem:$0x15400] =	vst v63  }
0x8b: {  	s29 =	sadd.s32 $0xFFFFE800, s17  }
0x8c: {  	[hbm4b:s29+s3] =	stream.linear.scatter [tilespmem:s10], [sflag:$0x2], $0x4000, $0x38;
	[tilespmem:$0x15400] =	vst v63  }
0x8d: {  	s30 =	sadd.s32 $0xFFFFF000, s17  }
0x8e: {  	[hbm4b:s30+s3] =	stream.linear.scatter [tilespmem:s11], [sflag:$0x2], $0x4000, $0x38;
	[tilespmem:$0x15400] =	vst v63  }
0x8f: {  	s31 =	sadd.s32 $0xFFFFF800, s17  }
0x90: {  	[hbm4b:s31+s3] =	stream.linear.scatter [tilespmem:s12], [sflag:$0x2], $0x4000, $0x38;
	[tilespmem:$0x15400] =	vst v63  }
0x91: {  	_ = 	snop  }
0x92: {  	[hbm4b:s17+s3] =	stream.linear.scatter [tilespmem:s13], [sflag:$0x2], $0x4000, $0x38;
	[tilespmem:$0x15400] =	vst v63  }
0x93: {  	_ =	swait.ge [sflag:s15], $0x4000  }
0x94: {  	[sflag:s15] =	ssyncset.done $0x0  }
0x95: {  	[sflag:s15] =	ssyncadd.s32 $0xFFFFC000  }
0x96: {  	_ =	swait.ge [sflag:s15], $0x4000  }
0x97: {  	[sflag:s15] =	ssyncset.done $0x0  }
0x98: {  	[sflag:s15] =	ssyncadd.s32 $0xFFFFC000  }
0x99: {  	_ =	swait.ge [sflag:s15], $0x4000  }
0x9a: {  	[sflag:s15] =	ssyncset.done $0x0  }
0x9b: {  	s16 =	sadd.s32 $0x1, s16;
	[sflag:s15] =	ssyncadd.s32 $0xFFFFC000  }
0x9c: {  	p0 =	sne.s32 s16, s5;
	_ =	swait.ge [sflag:s15], $0x4000  }
.Ltmp1:
0x9d: {  	[sflag:s15] =	ssyncset.done $0x0;
	(pc) =	sbr.rel @p0 .LBB2_1-.Ltmp1, $4  }
0x9e: {  	[sflag:s15] =	ssyncadd.s32 $0xFFFFC000  }
0x9f: {  	_ =	swait.ge [sflag:s15], $0x4000  }
0xa0: {  	[sflag:s15] =	ssyncset.done $0x0  }
0xa1: {  	[sflag:s15] =	ssyncadd.s32 $0xFFFFC000  }
0xa2: {  	_ =	sfence.sel $0x180000  }
0xa3: {  	[bflag:$0x0] =	sbarrier.arrive $0xFFFF  }
0xa4: {  	p0 =	sne.s32 s1, $0x0;
	_ =	strace $0x90000047  }
0xa5: {  	s0 =	sadd.s32 @!p0 $0x100000, s0;
	[bflag:$0x2] =	sbarrier.arrive $0xFFFF  }
0xa6: {  	[sflag:s0] =	ssyncadd.tile.s32 @!p0 $0x1;
	_ =	shalt  }
.Lfunc_end2:
_tile_overlayer_lowered:
.L_overlay_start_2:
0xa7: {  	(tag) =	ssettag $0x2  }
0xa8: {  	s0 =	rddreg [dreg:$0x0];
	s2 =	stileid.u32  }
0xa9: {  	s1 =	rddreg [dreg:$0x1];
	p0 =	sne.s32 s2, $0x0  }
0xaa: {  	s3 =	rddreg [dreg:$0x2];
	[bflag:$0x3] =	sbarrier.arrive $0xFFFF;
	s2 =	simm.s32 @!p0 $0x1C03  }
0xab: {  	[timem:s3], [sflag:s2] =	dma.local @!p0 [hbm:s0], s1  }
0xac: {  	s0 =	simm.s32 @!p0 $0x3  }
0xad: {  	_ =	swait.ge @!p0 [sflag:s0], s1  }
0xae: {  	s1 =	ssub.s32 @!p0 $0x0, s1;
	[sflag:s0] =	ssyncset.done @!p0 $0x0  }
0xaf: {  	[sflag:s0] =	ssyncadd.s32 @!p0 s1  }
0xb0: {  	[bflag:$0x3] =	sbarrier.arrive $0xFFFF  }
0xb1: {  	_ =	shalt  }

// kernel: kernel.13.cloned.1.call-start
scs
__scs_entry_jumppad:
0x0: {  	(pc) =	sbr.rel $0x88, $3  }
0x1: {  	(tag) =	ssettag $0x0;
	lr =	simm.s32 $0x1  }
0x2: {  	[smem:$0x3F8D] =	sst lr;
	_ =	strace $0xD0000000  }
0x3: {  	_ = 	snop  }
0x4: {  	_ = 	snop  }
0x5: {  	_ = 	snop  }
0x6: {  	_ = 	snop  }
0x7: {  	_ = 	snop  }
__scs_overlays_trampoline_lowered:
0x8: {  	[smem:$0x3F9C] =	sst s0  }
0x9: {  	[smem:$0x3F9D] =	sst s1  }
0xa: {  	[smem:$0x3F9E] =	sst s2  }
0xb: {  	[smem:$0x3F9F] =	sst s3  }
0xc: {  	[smem:$0x3FA0] =	sst s4  }
0xd: {  	[smem:$0x3FA1] =	sst s5  }
0xe: {  	[smem:$0x3FA2] =	sst s6  }
0xf: {  	[smem:$0x3FA3] =	sst s7  }
0x10: {  	[smem:$0x3FA4] =	sst s8  }
0x11: {  	[smem:$0x3FA5] =	sst s9;
	s0 =	simm.s32 @!p0 $0x0  }
0x12: {  	s1 =	sld [smem:$0x3F8B];
	s0 =	simm.s32 @p0 $0x1  }
0x13: {  	[smem:$0x3FA6] =	sst s0;
	s0 =	simm.s32 @!p1 $0x0  }
0x14: {  	s2 =	sld [smem:$0x3F8A];
	s0 =	simm.s32 @p1 $0x1  }
0x15: {  	[smem:$0x3FA7] =	sst s0;
	s0 =	simm.s32 @!p2 $0x0  }
0x16: {  	s3 =	sld [smem:$0x3FDB];
	s0 =	simm.s32 @p2 $0x1  }
0x17: {  	s4 =	simm.s32 $0x1BF5;
	[smem:$0x3FA9] =	sst s0  }
0x18: {  	s0 =	sld [smem:$0x3F8C];
	_ =	swait.ge [sflag:s4], $0x0  }
0x19: {  	s7 =	sld [smem:$0x3F8D]  }
0x1a: {  	s8 =	sadd.s32 $0xFFFFE003, lr  }
0x1b: {  	s9 =	sadd.s32 $0xFFFFFEF7, lr;
	s5 =	simm.s32 $0xFFFFFFFF;
	p2 =	slt.u32 s8, $0xFFFFF086  }
0x1c: {  	p1 =	slt.u32 s9, $0xF7A;
	s5 =	simm.s32 @!p2 $0x0  }
0x1d: {  	s5 =	simm.s32 @p1 $0x1;
	p0 =	seq.s32 s7, s2  }
0x1e: {  	s7 =	smul.u32 @!p0 $0xF7A, s2;
	p2 =	seq.s32 @!p0 s5, $0x0  }
0x1f: {  	s9 =	smul.u32 $0xF7A, s1;
	s8 =	simm.s32 @!p0 $0x1BF5;
	p2 =	por !p2, p0  }
0x20: {  	[sflag:s8] =	ssyncset.s32 @!p0 $0xFFFFF086;
	s6 =	sadd.s32 @!p0 s3, s7;
	s7 =	simm.s32 @!p0 $0x108  }
0x21: {  	s3 =	sadd.s32 s3, s9;
	s6 =	sadd.s32 @!p0 $0x88, s6;
	s7 =	simm.s32 @p2 $0x1082  }
0x22: {  	[simem:s7], [sflag:s8] =	dma.local @!p0 [hbm:s6], $0xF7A  }
0x23: {  	s9 =	sor.u32 $0xD0000000, s2;
	s6 =	simm.s32 $0x108;
	_ =	swait.ge @!p0 [sflag:s8], $0x0  }
0x24: {  	s3 =	sadd.s32 $0x88, s3;
	s6 =	simm.s32 @!p1 $0x1082;
	[sflag:s4] =	ssyncset.s32 $0xFFFFF086  }
0x25: {  	[simem:s6], [sflag:s4] =	dma.local [hbm:s3], $0xF7A  }
0x26: {  	[smem:$0x3F8D] =	sst s1;
	(tag) =	ssettag s2;
	_ =	strace s9  }
0x27: {  	s1 =	sld [smem:$0x3F9D]  }
0x28: {  	s2 =	sld [smem:$0x3F9E]  }
0x29: {  	s4 =	sld [smem:$0x3FA0]  }
0x2a: {  	p0 =	seq.s32 s5, $0x0;
	s5 =	sld [smem:$0x3FA1]  }
0x2b: {  	s6 =	sld [smem:$0x3FA2]  }
0x2c: {  	s7 =	sld [smem:$0x3FA3]  }
0x2d: {  	s3 =	simm.s32 $0x108;
	s8 =	sld [smem:$0x3FA4]  }
0x2e: {  	s3 =	simm.s32 @!p0 $0x1082;
	s9 =	sld [smem:$0x3FA5]  }
0x2f: {  	lr =	sadd.s32 s0, s3;
	s0 =	sld [smem:$0x3F9C]  }
0x30: {  	s3 =	sld [smem:$0x3F9F]  }
0x31: {  	[smem:$0x3FA8] =	sst s10  }
0x32: {  	s10 =	sld [smem:$0x3FA6];
	_ =	sdelay $0x3  }
0x33: {  	p0 =	seq.s32 s10, $0x1;
	s10 =	sld [smem:$0x3FA8];
	_ =	sdelay $0x3  }
0x34: {  	[smem:$0x3FA8] =	sst s10  }
0x35: {  	s10 =	sld [smem:$0x3FA7];
	_ =	sdelay $0x3  }
0x36: {  	p1 =	seq.s32 s10, $0x1;
	s10 =	sld [smem:$0x3FA8];
	_ =	sdelay $0x3  }
0x37: {  	[smem:$0x3FA8] =	sst s10  }
0x38: {  	s10 =	sld [smem:$0x3FA9]  }
0x39: {  	_ = 	snop;
	(pc) =	sbr.ind lr, $3  }
0x3a: {  	_ = 	snop  }
0x3b: {  	_ = 	snop  }
0x3c: {  	p2 =	seq.s32 s10, $0x1;
	s10 =	sld [smem:$0x3FA8]  }
0x3d: {  	_ =	shalt  }
0x3e: {  	_ =	shalt  }
0x3f: {  	_ =	shalt  }
0x40: {  	_ =	shalt  }
0x41: {  	_ =	shalt  }
0x42: {  	_ =	shalt  }
0x43: {  	_ =	shalt  }
0x44: {  	_ =	shalt  }
0x45: {  	_ =	shalt  }
0x46: {  	_ =	shalt  }
0x47: {  	_ =	shalt  }
0x48: {  	_ =	shalt  }
0x49: {  	_ =	shalt  }
0x4a: {  	_ =	shalt  }
0x4b: {  	_ =	shalt  }
0x4c: {  	_ =	shalt  }
0x4d: {  	_ =	shalt  }
0x4e: {  	_ =	shalt  }
0x4f: {  	_ =	shalt  }
0x50: {  	_ =	shalt  }
0x51: {  	_ =	shalt  }
0x52: {  	_ =	shalt  }
0x53: {  	_ =	shalt  }
0x54: {  	_ =	shalt  }
0x55: {  	_ =	shalt  }
0x56: {  	_ =	shalt  }
0x57: {  	_ =	shalt  }
0x58: {  	_ =	shalt  }
0x59: {  	_ =	shalt  }
0x5a: {  	_ =	shalt  }
0x5b: {  	_ =	shalt  }
0x5c: {  	_ =	shalt  }
0x5d: {  	_ =	shalt  }
0x5e: {  	_ =	shalt  }
0x5f: {  	_ =	shalt  }
0x60: {  	_ =	shalt  }
0x61: {  	_ =	shalt  }
0x62: {  	_ =	shalt  }
0x63: {  	_ =	shalt  }
0x64: {  	_ =	shalt  }
0x65: {  	_ =	shalt  }
0x66: {  	_ =	shalt  }
0x67: {  	_ =	shalt  }
0x68: {  	_ =	shalt  }
0x69: {  	_ =	shalt  }
0x6a: {  	_ =	shalt  }
0x6b: {  	_ =	shalt  }
0x6c: {  	_ =	shalt  }
0x6d: {  	_ =	shalt  }
0x6e: {  	_ =	shalt  }
0x6f: {  	_ =	shalt  }
0x70: {  	_ =	shalt  }
0x71: {  	_ =	shalt  }
0x72: {  	_ =	shalt  }
0x73: {  	_ =	shalt  }
0x74: {  	_ =	shalt  }
0x75: {  	_ =	shalt  }
0x76: {  	_ =	shalt  }
0x77: {  	_ =	shalt  }
0x78: {  	_ =	shalt  }
0x79: {  	_ =	shalt  }
0x7a: {  	_ =	shalt  }
0x7b: {  	_ =	shalt  }
0x7c: {  	_ =	shalt  }
0x7d: {  	_ =	shalt  }
0x7e: {  	_ =	shalt  }
0x7f: {  	_ =	shalt  }
0x80: {  	_ =	shalt  }
0x81: {  	_ =	shalt  }
0x82: {  	_ =	shalt  }
0x83: {  	_ =	shalt  }
0x84: {  	_ =	shalt  }
0x85: {  	_ =	shalt  }
0x86: {  	_ =	shalt  }
0x87: {  	_ =	shalt  }
.Lfunc_end0:
.L_simem_size_0:
called_computation.1_lowered:
.L_overlay_start_0:
0x88: {  	s2 =	sld [smem:$0x3FD9]  }
0x89: {  	s3 =	sld [smem:$0x3FFE];
	_ =	sdelay $0x1  }
0x8a: {  	s1 =	srdreg.scid  }
0x8b: {  	s0 =	sand.u32 $0x1, s1  }
0x8c: {  	s16 =	sshll.u32 s0, $0xA;
	s2 =	sadd.s32 s3, s2  }
0x8d: {  	s2 =	sadd.s32 s2, s16  }
0x8e: {  	[smem:$0x3FB4] =	sst s2  }
0x8f: {  	_ = 	snop  }
0x90: {  	(tm) =	ssettm $0x1  }
0x91: {  	s17 =	sld [smem:$0x3FFB];
	_ =	sdelay $0x3  }
0x92: {  	_ =	strace s17  }
0x93: {  	s2 =	sld [smem:$0x3FFC];
	_ =	sdelay $0x3  }
0x94: {  	_ =	strace s2  }
0x95: {  	s2 =	sld [smem:$0x3FFD];
	_ =	sdelay $0x3  }
0x96: {  	_ =	strace s2  }
0x97: {  	_ =	strace $0x8FFFFFFF  }
0x98: {  	s18 =	sld [smem:$0x3FDB];
	_ =	sdelay $0x1  }
0x99: {  	s19 =	simm.s32 $_scs_section_size  }
0x9a: {  	s4 =	simm.s32 $_size__tile_overlayer_lowered;
	s5 =	simm.s32 $_tile_overlayer_lowered  }
0x9b: {  	s22 =	simm.s32 $0x1BFF;
	s21 =	sshll.u32 s5, $0x1;
	s2 =	sadd.s32 s19, s18  }
0x9c: {  	s6 =	simm.s32 $0x0;
	s20 =	sshll.u32 s4, $0x1;
	s4 =	sadd.s32 s21, s2  }
0x9d: {  	[timem:s6], [sflag:s22] =	dma.local [hbm:s4], s20  }
0x9e: {  	_ =	swait.ge [sflag:s22], s20  }
0x9f: {  	s3 =	ssub.s32 $0x0, s20;
	[sflag:s22] =	ssyncset.done $0x0  }
0xa0: {  	[sflag:s22] =	ssyncadd.s32 s3;
	_ =	sdelay $0x1  }
0xa1: {  	s23 =	simm.s32 $0x1B8B  }
0xa2: {  	_ =	swait.ge [sflag:s23], $0x1  }
0xa3: {  	[sflag:s23] =	ssyncset.done $0x0  }
0xa4: {  	s25 =	simm.s32 $0x1B8E;
	s24 =	sld [smem:$0x3FFE];
	[sflag:s23] =	ssyncadd.s32 $0xFFFFFFFF  }
0xa5: {  	s26 =	simm.s32 $execute0_lowered;
	[smem:$0x3FD2] =	sst s25  }
0xa6: {  	s4 =	sshll.u32 s26, $0x1;
	_ =	strace $0x80000049;
	[dreg:$0x1] =	wrdreg $0xFFFFFFFF  }
0xa7: {  	s28 =	simm.s32 $_size_execute0_lowered;
	s2 =	sadd.s32 s2, s4;
	[dreg:$0x0] =	wrdreg $0x0  }
0xa8: {  	s4 =	sshll.u32 s28, $0x1;
	[dreg:$0x2] =	wrdreg s2  }
0xa9: {  	[dreg:$0x3] =	wrdreg s4  }
0xaa: {  	[dreg:$0x4] =	wrdreg $0xC0  }
0xab: {  	_ =	task [dreg:s6], $0x5FFFF  }
0xac: {  	[dreg:$0x1] =	wrdreg $0xFFFFFFFF  }
0xad: {  	[dreg:$0x0] =	wrdreg $0x60  }
0xae: {  	[dreg:$0x2] =	wrdreg s24  }
0xaf: {  	[dreg:$0x3] =	wrdreg $0x144000  }
0xb0: {  	[dreg:$0x4] =	wrdreg $0x9  }
0xb1: {  	_ =	task.clear_ibuf [dreg:s6], $0x5FFFF;
	_ =	strace $0x90000049  }
0xb2: {  	s29 =	simm.s32 $0x9;
	_ =	strace $0x8000004B  }
0xb3: {  	_ =	swait.ge [sflag:s29], $0x1  }
0xb4: {  	[sflag:s29] =	ssyncadd.s32 $0xFFFFFFFF  }
0xb5: {  	_ =	strace $0x9000004B  }
0xb6: {  	_ =	sfence  }
0xb7: {  	s30 =	sld [smem:$0x0];
	_ =	sdelay $0x2  }
0xb8: {  	s31 =	sshll.u32 s1, $0xD;
	s1 =	sshrl.u32 s1, $0x2  }
0xb9: {  	s3 =	sand.u32 $0x4000, s31;
	s1 =	sadd.s32 s1, s30  }
0xba: {  	s0 =	sor.u32 s3, s0;
	s1 =	sshll.u32 s1, $0x11  }
0xbb: {  	s0 =	sor.u32 s1, s0  }
0xbc: {  	s0 =	sadd.s32 $0x8F2B, s0  }
0xbd: {  	[sflag:s0] =	ssyncadd.remote.s32 $0x1  }
0xbe: {  	_ =	sfence.sel $0xFFFF  }
0xbf: {  	[dreg:$0x0] =	wrdreg $0xFFFFFFFF;
	(pc) =	sbr.abs _section_cstart, $3  }
0xc0: {  	[dreg:$0x1] =	wrdreg $0xFFFFFFFF  }
0xc1: {  	_ =	task.clear_ibuf [dreg:s6], $0x2FFFF;
	_ =	strace $0x9FFFFFFF  }
0xc2: {  	(tm) =	ssettm $0x7FFFFFFF  }
0xc3: {  	_ =	shalt  }
tec
execute0_lowered:
.L_overlay_start_1:
0x0: {  	(tag) =	ssettag $0x1  }
0x1: {  	s0 =	rddreg [dreg:$0x0]  }
0x2: {  	s2 =	srdreg.scid;
	s11 =	stileid.u32  }
0x3: {  	s1 =	rddreg [dreg:$0x1];
	s3 =	simm.s32 $0x0;
	s6 =	smul.u32 $0x2800, s11  }
0x4: {  	s15 =	simm.s32 $0x4;
	s16 =	simm.s32 $0x80;
	s19 =	smul.u32 $0xA000, s11  }
0x5: {  	s17 =	simm.s32 $0x100;
	s28 =	simm.s32 $0x3;
	s8 =	smul.u32 $0x1400, s11  }
0x6: {  	s29 =	simm.s32 $0x0;
	s2 =	sand.u32 $0x1, s2;
	s22 =	smul.u32 $0x14000, s11  }
0x7: {  	[smem:$0x7FF] =	sst s3;
	s9 =	sadd.s32 $0x288600, s0;
	s4 =	smul.u32 $0x140000, s2  }
0x8: {  	s18 =	sadd.s32 $0x50D600, s0;
	s21 =	sshll.u32 s11, $0x6;
	s5 =	smul.u32 $0x28000, s2  }
0x9: {  	_ =	strace $0x8000004A;
	[dreg:$0x3] =	wrdreg s18;
	s20 =	ssub.s32 $0x2, s2  }
0xa: {  	s2 =	smul.u32 $0x14000, s2;
	s18 =	simm.s32 $0x180;
	s7 =	sshrl.u32 s20, $0x1  }
0xb: {  	s4 =	sadd.s32 s4, s0;
	s5 =	sadd.s32 s6, s5;
	s6 =	sshrl.u32 s19, $0x2  }
0xc: {  	s7 =	ssub.s32 s20, s7;
	s2 =	sadd.s32 s8, s2;
	s19 =	simm.s32 $0x200  }
0xd: {  	s20 =	simm.s32 $0x400;
	s5 =	sshrl.u32 s5, $0x3;
	s10 =	sadd.s32 s6, s1  }
0xe: {  	s23 =	smax.u32 s7, $0x1;
	s24 =	sor.u32 $0x200, s2;
	s4 =	sadd.s32 s22, s4  }
0xf: {  	s25 =	sshrl.u32 s2, $0x3;
	s30 =	sor.u32 $0x180, s2;
	s31 =	sor.u32 $0x100, s2  }
0x10: {  	s2 =	sor.u32 $0x80, s2;
	s22 =	simm.s32 $0x8400;
	s0 =	sadd.s32 s5, s0  }
0x11: {  	s5 =	sor.u32 $0x1C04, s21;
	[dreg:$0x5] =	wrdreg s23;
	s8 =	sadd.s32 $0x9FE600, s4  }
0x12: {  	s26 =	sadd.s32 s25, s9;
	s12 =	sshrl.u32 s31, $0x3;
	s2 =	sshrl.u32 s2, $0x3  }
0x13: {  	s14 =	sshrl.u32 s10, $0x3;
	s21 =	simm.s32 $0x4400;
	s23 =	simm.s32 $0xC400  }
0x14: {  	s25 =	simm.s32 $0x1;
	s0 =	sadd.s32 $0x50DC00, s0;
	[dreg:$0x6] =	wrdreg s26  }
0x15: {  	s12 =	sadd.s32 s12, s9;
	[dreg:$0x4] =	wrdreg s0;
	s0 =	sshrl.u32 s24, $0x3  }
0x16: {  	s13 =	sadd.s32 s2, s9;
	s6 =	sadd.s32 s0, s9;
	s0 =	sshrl.u32 s30, $0x3  }
0x17: {  	s26 =	simm.s32 $0x2;
	s24 =	simm.s32 $0x10400;
	s11 =	sadd.s32 s0, s9  }
.LBB2_1:
0x18: {  	s0 =	rddreg [dreg:$0x3]  }
0x19: {  	[spmem:s14], [sflag:s5] =	dma.local [hbm:s0], $0x500  }
0x1a: {  	_ =	swait.ge [sflag:s15], $0x500  }
0x1b: {  	[sflag:s15] =	ssyncset.done $0x0  }
0x1c: {  	[sflag:s15] =	ssyncadd.s32 $0xFFFFFB00  }
0x1d: {  	[bflag:$0x0] =	sbarrier.arrive $0xFFFF  }
0x1e: {  	s9 =	rddreg [dreg:$0x6]  }
0x1f: {  	[tilespmem:s3], [sflag:$0x1] =	stream.linear.gather [hbm4b:s9+s3], $0x80, $0x38;
	[tilespmem:$0x16C00] =	vst v63  }
0x20: {  	_ = 	snop  }
0x21: {  	[tilespmem:s16], [sflag:$0x1] =	stream.linear.gather [hbm4b:s13+s3], $0x80, $0x38;
	[tilespmem:$0x16C00] =	vst v63  }
0x22: {  	_ = 	snop  }
0x23: {  	[tilespmem:s17], [sflag:$0x1] =	stream.linear.gather [hbm4b:s12+s3], $0x80, $0x38;
	[tilespmem:$0x16C00] =	vst v63  }
0x24: {  	_ = 	snop  }
0x25: {  	[tilespmem:s18], [sflag:$0x1] =	stream.linear.gather [hbm4b:s11+s3], $0x80, $0x38;
	[tilespmem:$0x16C00] =	vst v63  }
0x26: {  	_ = 	snop  }
0x27: {  	[tilespmem:s19], [sflag:$0x1] =	stream.linear.gather [hbm4b:s6+s3], $0x80, $0x38;
	[tilespmem:$0x16C00] =	vst v63  }
0x28: {  	s4 =	smov.u32 s5;
	s5 =	sadd.s32 $0x0, s8  }
0x29: {  	[tilespmem:s20], [sflag:$0x2] =	stream.linear.gather [hbm4b:s5+s3], $0x4000, $0x38;
	[tilespmem:$0x16C00] =	vst v63  }
0x2a: {  	s2 =	sadd.s32 $0x800, s5  }
0x2b: {  	[tilespmem:s21], [sflag:$0x2] =	stream.linear.gather [hbm4b:s2+s3], $0x4000, $0x38;
	[tilespmem:$0x16C00] =	vst v63  }
0x2c: {  	s7 =	sadd.s32 $0x1000, s5  }
0x2d: {  	[tilespmem:s22], [sflag:$0x2] =	stream.linear.gather [hbm4b:s7+s3], $0x4000, $0x38;
	[tilespmem:$0x16C00] =	vst v63  }
0x2e: {  	s10 =	sadd.s32 $0x1800, s5  }
0x2f: {  	[tilespmem:s23], [sflag:$0x2] =	stream.linear.gather [hbm4b:s10+s3], $0x4000, $0x38;
	[tilespmem:$0x16C00] =	vst v63  }
0x30: {  	s0 =	sadd.s32 $0x2000, s5  }
0x31: {  	[tilespmem:s24], [sflag:$0x2] =	stream.linear.gather [hbm4b:s0+s3], $0x4000, $0x38;
	[tilespmem:$0x16C00] =	vst v63  }
0x32: {  	_ =	swait.ge [sflag:s25], $0x80  }
0x33: {  	[sflag:s25] =	ssyncset.done $0x0  }
0x34: {  	[sflag:s25] =	ssyncadd.s32 $0xFFFFFF80  }
0x35: {  	_ =	swait.ge [sflag:s25], $0x80  }
0x36: {  	[sflag:s25] =	ssyncset.done $0x0  }
0x37: {  	[sflag:s25] =	ssyncadd.s32 $0xFFFFFF80  }
0x38: {  	_ =	swait.ge [sflag:s25], $0x80  }
0x39: {  	[sflag:s25] =	ssyncset.done $0x0  }
0x3a: {  	[sflag:s25] =	ssyncadd.s32 $0xFFFFFF80  }
0x3b: {  	_ =	swait.ge [sflag:s25], $0x80  }
0x3c: {  	[sflag:s25] =	ssyncset.done $0x0  }
0x3d: {  	[sflag:s25] =	ssyncadd.s32 $0xFFFFFF80  }
0x3e: {  	_ =	swait.ge [sflag:s25], $0x80  }
0x3f: {  	[sflag:s25] =	ssyncset.done $0x0  }
0x40: {  	[sflag:s25] =	ssyncadd.s32 $0xFFFFFF80  }
0x41: {  	_ =	swait.ge [sflag:s26], $0x4000  }
0x42: {  	[sflag:s26] =	ssyncset.done $0x0  }
0x43: {  	[sflag:s26] =	ssyncadd.s32 $0xFFFFC000  }
0x44: {  	_ =	swait.ge [sflag:s26], $0x4000  }
0x45: {  	[sflag:s26] =	ssyncset.done $0x0  }
0x46: {  	[sflag:s26] =	ssyncadd.s32 $0xFFFFC000  }
0x47: {  	_ =	swait.ge [sflag:s26], $0x4000  }
0x48: {  	[sflag:s26] =	ssyncset.done $0x0  }
0x49: {  	[sflag:s26] =	ssyncadd.s32 $0xFFFFC000  }
0x4a: {  	_ =	swait.ge [sflag:s26], $0x4000  }
0x4b: {  	[sflag:s26] =	ssyncset.done $0x0  }
0x4c: {  	[sflag:s26] =	ssyncadd.s32 $0xFFFFC000  }
0x4d: {  	_ =	swait.ge [sflag:s26], $0x4000  }
0x4e: {  	[sflag:s26] =	ssyncset.done $0x0  }
0x4f: {  	[sflag:s26] =	ssyncadd.s32 $0xFFFFC000  }
0x50: {  	[spmem:s1] =	stream.indirect.scatter.add.f32 [tilespmem:s20], [sflag:$0x3], $0x80, s3, s16, $0xb8;
	[tilespmem:$0x16C00] =	vst v63  }
0x51: {  	_ = 	snop  }
0x52: {  	[spmem:s1] =	stream.indirect.scatter.add.f32 [tilespmem:s21], [sflag:$0x3], $0x80, s16, s16, $0xb8;
	[tilespmem:$0x16C00] =	vst v63  }
0x53: {  	_ = 	snop  }
0x54: {  	[spmem:s1] =	stream.indirect.scatter.add.f32 [tilespmem:s22], [sflag:$0x3], $0x80, s17, s16, $0xb8;
	[tilespmem:$0x16C00] =	vst v63  }
0x55: {  	_ = 	snop  }
0x56: {  	[spmem:s1] =	stream.indirect.scatter.add.f32 [tilespmem:s23], [sflag:$0x3], $0x80, s18, s16, $0xb8;
	[tilespmem:$0x16C00] =	vst v63  }
0x57: {  	_ = 	snop  }
0x58: {  	[spmem:s1] =	stream.indirect.scatter.add.f32 [tilespmem:s24], [sflag:$0x3], $0x80, s19, s16, $0xb8;
	[tilespmem:$0x16C00] =	vst v63  }
0x59: {  	_ =	swait.ge [sflag:s28], $0x4000  }
0x5a: {  	[sflag:s28] =	ssyncset.done $0x0  }
0x5b: {  	[sflag:s28] =	ssyncadd.s32 $0xFFFFC000  }
0x5c: {  	_ =	swait.ge [sflag:s28], $0x4000  }
0x5d: {  	[sflag:s28] =	ssyncset.done $0x0  }
0x5e: {  	[sflag:s28] =	ssyncadd.s32 $0xFFFFC000  }
0x5f: {  	_ =	swait.ge [sflag:s28], $0x4000  }
0x60: {  	[sflag:s28] =	ssyncset.done $0x0  }
0x61: {  	[sflag:s28] =	ssyncadd.s32 $0xFFFFC000  }
0x62: {  	_ =	swait.ge [sflag:s28], $0x4000  }
0x63: {  	[sflag:s28] =	ssyncset.done $0x0  }
0x64: {  	s30 =	simm.s32 $0x2800;
	[sflag:s28] =	ssyncadd.s32 $0xFFFFC000  }
0x65: {  	s31 =	sadd.s32 $0x50, s13;
	s2 =	sadd.s32 $0x50, s12;
	_ =	swait.ge [sflag:s28], $0x4000  }
0x66: {  	s10 =	smov.u32 s6;
	s0 =	sadd.s32 $0x50, s11;
	[sflag:s28] =	ssyncset.done $0x0  }
.LBB2_2:
0x67: {  	[sflag:s28] =	ssyncadd.s32 $0xFFFFC000;
	s9 =	sadd.s32 $0x50, s9;
	s10 =	sadd.s32 $0x50, s10  }
0x68: {  	[tilespmem:s3], [sflag:$0x1] =	stream.linear.gather [hbm4b:s9+s3], $0x80, $0x38;
	[tilespmem:$0x16C00] =	vst v63  }
0x69: {  	p0 =	sne.s32 s30, $0x11800;
	s7 =	smov.u32 s30;
	s30 =	sadd.s32 $0x2800, s30  }
0x6a: {  	[tilespmem:s16], [sflag:$0x1] =	stream.linear.gather [hbm4b:s31+s3], $0x80, $0x38;
	[tilespmem:$0x16C00] =	vst v63  }
0x6b: {  	_ = 	snop  }
0x6c: {  	[tilespmem:s17], [sflag:$0x1] =	stream.linear.gather [hbm4b:s2+s3], $0x80, $0x38;
	[tilespmem:$0x16C00] =	vst v63  }
0x6d: {  	_ = 	snop  }
0x6e: {  	[tilespmem:s18], [sflag:$0x1] =	stream.linear.gather [hbm4b:s0+s3], $0x80, $0x38;
	[tilespmem:$0x16C00] =	vst v63  }
0x6f: {  	_ = 	snop  }
0x70: {  	[tilespmem:s19], [sflag:$0x1] =	stream.linear.gather [hbm4b:s10+s3], $0x80, $0x38;
	[tilespmem:$0x16C00] =	vst v63  }
0x71: {  	s7 =	sadd.s32 s7, s8  }
0x72: {  	[tilespmem:s20], [sflag:$0x2] =	stream.linear.gather [hbm4b:s7+s3], $0x4000, $0x38;
	[tilespmem:$0x16C00] =	vst v63  }
0x73: {  	s5 =	sadd.s32 $0x800, s7  }
0x74: {  	[tilespmem:s21], [sflag:$0x2] =	stream.linear.gather [hbm4b:s5+s3], $0x4000, $0x38;
	[tilespmem:$0x16C00] =	vst v63  }
0x75: {  	s5 =	sadd.s32 $0x1000, s7  }
0x76: {  	[tilespmem:s22], [sflag:$0x2] =	stream.linear.gather [hbm4b:s5+s3], $0x4000, $0x38;
	[tilespmem:$0x16C00] =	vst v63  }
0x77: {  	s5 =	sadd.s32 $0x1800, s7  }
0x78: {  	[tilespmem:s23], [sflag:$0x2] =	stream.linear.gather [hbm4b:s5+s3], $0x4000, $0x38;
	[tilespmem:$0x16C00] =	vst v63  }
0x79: {  	s5 =	sadd.s32 $0x2000, s7  }
0x7a: {  	[tilespmem:s24], [sflag:$0x2] =	stream.linear.gather [hbm4b:s5+s3], $0x4000, $0x38;
	[tilespmem:$0x16C00] =	vst v63  }
0x7b: {  	_ =	swait.ge [sflag:s25], $0x80  }
0x7c: {  	[sflag:s25] =	ssyncset.done $0x0  }
0x7d: {  	[sflag:s25] =	ssyncadd.s32 $0xFFFFFF80  }
0x7e: {  	_ =	swait.ge [sflag:s25], $0x80  }
0x7f: {  	[sflag:s25] =	ssyncset.done $0x0  }
0x80: {  	[sflag:s25] =	ssyncadd.s32 $0xFFFFFF80  }
0x81: {  	_ =	swait.ge [sflag:s25], $0x80  }
0x82: {  	[sflag:s25] =	ssyncset.done $0x0  }
0x83: {  	[sflag:s25] =	ssyncadd.s32 $0xFFFFFF80  }
0x84: {  	_ =	swait.ge [sflag:s25], $0x80  }
0x85: {  	[sflag:s25] =	ssyncset.done $0x0  }
0x86: {  	[sflag:s25] =	ssyncadd.s32 $0xFFFFFF80  }
0x87: {  	_ =	swait.ge [sflag:s25], $0x80  }
0x88: {  	[sflag:s25] =	ssyncset.done $0x0  }
0x89: {  	[sflag:s25] =	ssyncadd.s32 $0xFFFFFF80  }
0x8a: {  	_ =	swait.ge [sflag:s26], $0x4000  }
0x8b: {  	[sflag:s26] =	ssyncset.done $0x0  }
0x8c: {  	[sflag:s26] =	ssyncadd.s32 $0xFFFFC000  }
0x8d: {  	_ =	swait.ge [sflag:s26], $0x4000  }
0x8e: {  	[sflag:s26] =	ssyncset.done $0x0  }
0x8f: {  	[sflag:s26] =	ssyncadd.s32 $0xFFFFC000  }
0x90: {  	_ =	swait.ge [sflag:s26], $0x4000  }
0x91: {  	[sflag:s26] =	ssyncset.done $0x0  }
0x92: {  	[sflag:s26] =	ssyncadd.s32 $0xFFFFC000  }
0x93: {  	_ =	swait.ge [sflag:s26], $0x4000  }
0x94: {  	[sflag:s26] =	ssyncset.done $0x0  }
0x95: {  	[sflag:s26] =	ssyncadd.s32 $0xFFFFC000  }
0x96: {  	_ =	swait.ge [sflag:s26], $0x4000  }
0x97: {  	[sflag:s26] =	ssyncset.done $0x0  }
0x98: {  	[sflag:s26] =	ssyncadd.s32 $0xFFFFC000  }
0x99: {  	[spmem:s1] =	stream.indirect.scatter.add.f32 [tilespmem:s20], [sflag:$0x3], $0x80, s3, s16, $0xb8;
	[tilespmem:$0x16C00] =	vst v63  }
0x9a: {  	_ = 	snop  }
0x9b: {  	[spmem:s1] =	stream.indirect.scatter.add.f32 [tilespmem:s21], [sflag:$0x3], $0x80, s16, s16, $0xb8;
	[tilespmem:$0x16C00] =	vst v63  }
0x9c: {  	_ = 	snop  }
0x9d: {  	[spmem:s1] =	stream.indirect.scatter.add.f32 [tilespmem:s22], [sflag:$0x3], $0x80, s17, s16, $0xb8;
	[tilespmem:$0x16C00] =	vst v63  }
0x9e: {  	_ = 	snop  }
0x9f: {  	[spmem:s1] =	stream.indirect.scatter.add.f32 [tilespmem:s23], [sflag:$0x3], $0x80, s18, s16, $0xb8;
	[tilespmem:$0x16C00] =	vst v63  }
0xa0: {  	_ = 	snop  }
0xa1: {  	[spmem:s1] =	stream.indirect.scatter.add.f32 [tilespmem:s24], [sflag:$0x3], $0x80, s19, s16, $0xb8;
	[tilespmem:$0x16C00] =	vst v63  }
0xa2: {  	_ =	swait.ge [sflag:s28], $0x4000  }
0xa3: {  	[sflag:s28] =	ssyncset.done $0x0  }
0xa4: {  	[sflag:s28] =	ssyncadd.s32 $0xFFFFC000  }
0xa5: {  	_ =	swait.ge [sflag:s28], $0x4000  }
0xa6: {  	[sflag:s28] =	ssyncset.done $0x0  }
0xa7: {  	[sflag:s28] =	ssyncadd.s32 $0xFFFFC000  }
0xa8: {  	_ =	swait.ge [sflag:s28], $0x4000  }
0xa9: {  	[sflag:s28] =	ssyncset.done $0x0  }
0xaa: {  	[sflag:s28] =	ssyncadd.s32 $0xFFFFC000  }
.Ltmp0:
0xab: {  	_ =	swait.ge [sflag:s28], $0x4000;
	(pc) =	sbr.rel @p0 .LBB2_2-.Ltmp0, $4  }
0xac: {  	[sflag:s28] =	ssyncset.done $0x0  }
0xad: {  	[sflag:s28] =	ssyncadd.s32 $0xFFFFC000  }
0xae: {  	s31 =	sadd.s32 $0x50, s31;
	_ =	swait.ge [sflag:s28], $0x4000  }
0xaf: {  	s2 =	sadd.s32 $0x50, s2;
	s0 =	sadd.s32 $0x50, s0;
	[sflag:s28] =	ssyncset.done $0x0  }
0xb0: {  	[sflag:s28] =	ssyncadd.s32 $0xFFFFC000  }
0xb1: {  	[bflag:$0x0] =	sbarrier.arrive $0xFFFF  }
0xb2: {  	s0 =	rddreg [dreg:$0x4]  }
0xb3: {  	[hbm:s0], [sflag:s4] =	dma.local [spmem:s14], $0x500  }
0xb4: {  	_ =	swait.ge [sflag:s15], $0x500  }
0xb5: {  	s29 =	sadd.s32 $0x1, s29;
	s31 =	rddreg [dreg:$0x5]  }
0xb6: {  	p0 =	sne.s32 s29, s31  }
.Ltmp1:
0xb7: {  	_ = 	snop;
	(pc) =	sbr.rel @p0 .LBB2_1-.Ltmp1, $3  }
0xb8: {  	_ =	sdelay $0x1  }
0xb9: {  	[sflag:s15] =	ssyncset.done $0x0  }
0xba: {  	s5 =	smov.u32 s4;
	[sflag:s15] =	ssyncadd.s32 $0xFFFFFB00  }
0xbb: {  	_ =	sfence.sel $0x180000  }
0xbc: {  	[bflag:$0x0] =	sbarrier.arrive $0xFFFF  }
0xbd: {  	_ =	strace $0x9000004A  }
0xbe: {  	s0 =	stileid.u32;
	[bflag:$0x2] =	sbarrier.arrive $0xFFFF  }
0xbf: {  	p0 =	sne.s32 s0, $0x0;
	s0 =	rddreg [dreg:$0x2]  }
0xc0: {  	s0 =	sadd.s32 @!p0 $0x100000, s0  }
0xc1: {  	[sflag:s0] =	ssyncadd.tile.s32 @!p0 $0x1;
	_ =	shalt  }
.Lfunc_end2:
_tile_overlayer_lowered:
.L_overlay_start_2:
0xc2: {  	(tag) =	ssettag $0x2  }
0xc3: {  	s0 =	rddreg [dreg:$0x0];
	s2 =	stileid.u32  }
0xc4: {  	s1 =	rddreg [dreg:$0x1];
	p0 =	sne.s32 s2, $0x0  }
0xc5: {  	s3 =	rddreg [dreg:$0x2];
	[bflag:$0x3] =	sbarrier.arrive $0xFFFF;
	s2 =	simm.s32 @!p0 $0x1C04  }
0xc6: {  	[timem:s3], [sflag:s2] =	dma.local @!p0 [hbm:s0], s1  }
0xc7: {  	s0 =	simm.s32 @!p0 $0x4  }
0xc8: {  	_ =	swait.ge @!p0 [sflag:s0], s1  }
0xc9: {  	s1 =	ssub.s32 @!p0 $0x0, s1;
	[sflag:s0] =	ssyncset.done @!p0 $0x0  }
0xca: {  	[sflag:s0] =	ssyncadd.s32 @!p0 s1  }
0xcb: {  	[bflag:$0x3] =	sbarrier.arrive $0xFFFF  }
0xcc: {  	_ =	shalt  }

// kernel: kernel.16.cloned.1.call-start
scs
__scs_entry_jumppad:
0x0: {  	(pc) =	sbr.rel $0x88, $3  }
0x1: {  	(tag) =	ssettag $0x0;
	lr =	simm.s32 $0x1  }
0x2: {  	[smem:$0x3F8D] =	sst lr;
	_ =	strace $0xD0000000  }
0x3: {  	_ = 	snop  }
0x4: {  	_ = 	snop  }
0x5: {  	_ = 	snop  }
0x6: {  	_ = 	snop  }
0x7: {  	_ = 	snop  }
__scs_overlays_trampoline_lowered:
0x8: {  	[smem:$0x3F9C] =	sst s0  }
0x9: {  	[smem:$0x3F9D] =	sst s1  }
0xa: {  	[smem:$0x3F9E] =	sst s2  }
0xb: {  	[smem:$0x3F9F] =	sst s3  }
0xc: {  	[smem:$0x3FA0] =	sst s4  }
0xd: {  	[smem:$0x3FA1] =	sst s5  }
0xe: {  	[smem:$0x3FA2] =	sst s6  }
0xf: {  	[smem:$0x3FA3] =	sst s7  }
0x10: {  	[smem:$0x3FA4] =	sst s8  }
0x11: {  	[smem:$0x3FA5] =	sst s9;
	s0 =	simm.s32 @!p0 $0x0  }
0x12: {  	s1 =	sld [smem:$0x3F8B];
	s0 =	simm.s32 @p0 $0x1  }
0x13: {  	[smem:$0x3FA6] =	sst s0;
	s0 =	simm.s32 @!p1 $0x0  }
0x14: {  	s2 =	sld [smem:$0x3F8A];
	s0 =	simm.s32 @p1 $0x1  }
0x15: {  	[smem:$0x3FA7] =	sst s0;
	s0 =	simm.s32 @!p2 $0x0  }
0x16: {  	s3 =	sld [smem:$0x3FDB];
	s0 =	simm.s32 @p2 $0x1  }
0x17: {  	s4 =	simm.s32 $0x1BF5;
	[smem:$0x3FA9] =	sst s0  }
0x18: {  	s0 =	sld [smem:$0x3F8C];
	_ =	swait.ge [sflag:s4], $0x0  }
0x19: {  	s7 =	sld [smem:$0x3F8D]  }
0x1a: {  	s8 =	sadd.s32 $0xFFFFE003, lr  }
0x1b: {  	s9 =	sadd.s32 $0xFFFFFEF7, lr;
	s5 =	simm.s32 $0xFFFFFFFF;
	p2 =	slt.u32 s8, $0xFFFFF086  }
0x1c: {  	p1 =	slt.u32 s9, $0xF7A;
	s5 =	simm.s32 @!p2 $0x0  }
0x1d: {  	s5 =	simm.s32 @p1 $0x1;
	p0 =	seq.s32 s7, s2  }
0x1e: {  	s7 =	smul.u32 @!p0 $0xF7A, s2;
	p2 =	seq.s32 @!p0 s5, $0x0  }
0x1f: {  	s9 =	smul.u32 $0xF7A, s1;
	s8 =	simm.s32 @!p0 $0x1BF5;
	p2 =	por !p2, p0  }
0x20: {  	[sflag:s8] =	ssyncset.s32 @!p0 $0xFFFFF086;
	s6 =	sadd.s32 @!p0 s3, s7;
	s7 =	simm.s32 @!p0 $0x108  }
0x21: {  	s3 =	sadd.s32 s3, s9;
	s6 =	sadd.s32 @!p0 $0x88, s6;
	s7 =	simm.s32 @p2 $0x1082  }
0x22: {  	[simem:s7], [sflag:s8] =	dma.local @!p0 [hbm:s6], $0xF7A  }
0x23: {  	s9 =	sor.u32 $0xD0000000, s2;
	s6 =	simm.s32 $0x108;
	_ =	swait.ge @!p0 [sflag:s8], $0x0  }
0x24: {  	s3 =	sadd.s32 $0x88, s3;
	s6 =	simm.s32 @!p1 $0x1082;
	[sflag:s4] =	ssyncset.s32 $0xFFFFF086  }
0x25: {  	[simem:s6], [sflag:s4] =	dma.local [hbm:s3], $0xF7A  }
0x26: {  	[smem:$0x3F8D] =	sst s1;
	(tag) =	ssettag s2;
	_ =	strace s9  }
0x27: {  	s1 =	sld [smem:$0x3F9D]  }
0x28: {  	s2 =	sld [smem:$0x3F9E]  }
0x29: {  	s4 =	sld [smem:$0x3FA0]  }
0x2a: {  	p0 =	seq.s32 s5, $0x0;
	s5 =	sld [smem:$0x3FA1]  }
0x2b: {  	s6 =	sld [smem:$0x3FA2]  }
0x2c: {  	s7 =	sld [smem:$0x3FA3]  }
0x2d: {  	s3 =	simm.s32 $0x108;
	s8 =	sld [smem:$0x3FA4]  }
0x2e: {  	s3 =	simm.s32 @!p0 $0x1082;
	s9 =	sld [smem:$0x3FA5]  }
0x2f: {  	lr =	sadd.s32 s0, s3;
	s0 =	sld [smem:$0x3F9C]  }
0x30: {  	s3 =	sld [smem:$0x3F9F]  }
0x31: {  	[smem:$0x3FA8] =	sst s10  }
0x32: {  	s10 =	sld [smem:$0x3FA6];
	_ =	sdelay $0x3  }
0x33: {  	p0 =	seq.s32 s10, $0x1;
	s10 =	sld [smem:$0x3FA8];
	_ =	sdelay $0x3  }
0x34: {  	[smem:$0x3FA8] =	sst s10  }
0x35: {  	s10 =	sld [smem:$0x3FA7];
	_ =	sdelay $0x3  }
0x36: {  	p1 =	seq.s32 s10, $0x1;
	s10 =	sld [smem:$0x3FA8];
	_ =	sdelay $0x3  }
0x37: {  	[smem:$0x3FA8] =	sst s10  }
0x38: {  	s10 =	sld [smem:$0x3FA9]  }
0x39: {  	_ = 	snop;
	(pc) =	sbr.ind lr, $3  }
0x3a: {  	_ = 	snop  }
0x3b: {  	_ = 	snop  }
0x3c: {  	p2 =	seq.s32 s10, $0x1;
	s10 =	sld [smem:$0x3FA8]  }
0x3d: {  	_ =	shalt  }
0x3e: {  	_ =	shalt  }
0x3f: {  	_ =	shalt  }
0x40: {  	_ =	shalt  }
0x41: {  	_ =	shalt  }
0x42: {  	_ =	shalt  }
0x43: {  	_ =	shalt  }
0x44: {  	_ =	shalt  }
0x45: {  	_ =	shalt  }
0x46: {  	_ =	shalt  }
0x47: {  	_ =	shalt  }
0x48: {  	_ =	shalt  }
0x49: {  	_ =	shalt  }
0x4a: {  	_ =	shalt  }
0x4b: {  	_ =	shalt  }
0x4c: {  	_ =	shalt  }
0x4d: {  	_ =	shalt  }
0x4e: {  	_ =	shalt  }
0x4f: {  	_ =	shalt  }
0x50: {  	_ =	shalt  }
0x51: {  	_ =	shalt  }
0x52: {  	_ =	shalt  }
0x53: {  	_ =	shalt  }
0x54: {  	_ =	shalt  }
0x55: {  	_ =	shalt  }
0x56: {  	_ =	shalt  }
0x57: {  	_ =	shalt  }
0x58: {  	_ =	shalt  }
0x59: {  	_ =	shalt  }
0x5a: {  	_ =	shalt  }
0x5b: {  	_ =	shalt  }
0x5c: {  	_ =	shalt  }
0x5d: {  	_ =	shalt  }
0x5e: {  	_ =	shalt  }
0x5f: {  	_ =	shalt  }
0x60: {  	_ =	shalt  }
0x61: {  	_ =	shalt  }
0x62: {  	_ =	shalt  }
0x63: {  	_ =	shalt  }
0x64: {  	_ =	shalt  }
0x65: {  	_ =	shalt  }
0x66: {  	_ =	shalt  }
0x67: {  	_ =	shalt  }
0x68: {  	_ =	shalt  }
0x69: {  	_ =	shalt  }
0x6a: {  	_ =	shalt  }
0x6b: {  	_ =	shalt  }
0x6c: {  	_ =	shalt  }
0x6d: {  	_ =	shalt  }
0x6e: {  	_ =	shalt  }
0x6f: {  	_ =	shalt  }
0x70: {  	_ =	shalt  }
0x71: {  	_ =	shalt  }
0x72: {  	_ =	shalt  }
0x73: {  	_ =	shalt  }
0x74: {  	_ =	shalt  }
0x75: {  	_ =	shalt  }
0x76: {  	_ =	shalt  }
0x77: {  	_ =	shalt  }
0x78: {  	_ =	shalt  }
0x79: {  	_ =	shalt  }
0x7a: {  	_ =	shalt  }
0x7b: {  	_ =	shalt  }
0x7c: {  	_ =	shalt  }
0x7d: {  	_ =	shalt  }
0x7e: {  	_ =	shalt  }
0x7f: {  	_ =	shalt  }
0x80: {  	_ =	shalt  }
0x81: {  	_ =	shalt  }
0x82: {  	_ =	shalt  }
0x83: {  	_ =	shalt  }
0x84: {  	_ =	shalt  }
0x85: {  	_ =	shalt  }
0x86: {  	_ =	shalt  }
0x87: {  	_ =	shalt  }
.Lfunc_end0:
.L_simem_size_0:
called_computation.2_lowered:
.L_overlay_start_0:
0x88: {  	s2 =	sld [smem:$0x3FD9]  }
0x89: {  	s3 =	sld [smem:$0x3FFE];
	_ =	sdelay $0x1  }
0x8a: {  	s1 =	srdreg.scid  }
0x8b: {  	s0 =	sand.u32 $0x1, s1  }
0x8c: {  	s16 =	sshll.u32 s0, $0xA;
	s2 =	sadd.s32 s3, s2  }
0x8d: {  	s2 =	sadd.s32 s2, s16  }
0x8e: {  	[smem:$0x3FB4] =	sst s2  }
0x8f: {  	_ = 	snop  }
0x90: {  	(tm) =	ssettm $0x1  }
0x91: {  	s17 =	sld [smem:$0x3FFB];
	_ =	sdelay $0x3  }
0x92: {  	_ =	strace s17  }
0x93: {  	s2 =	sld [smem:$0x3FFC];
	_ =	sdelay $0x3  }
0x94: {  	_ =	strace s2  }
0x95: {  	s2 =	sld [smem:$0x3FFD];
	_ =	sdelay $0x3  }
0x96: {  	_ =	strace s2  }
0x97: {  	_ =	strace $0x8FFFFFFF  }
0x98: {  	s18 =	sld [smem:$0x3FDB];
	_ =	sdelay $0x1  }
0x99: {  	s19 =	simm.s32 $_scs_section_size  }
0x9a: {  	s4 =	simm.s32 $_size__tile_overlayer_lowered;
	s5 =	simm.s32 $_tile_overlayer_lowered  }
0x9b: {  	s22 =	simm.s32 $0x1BFF;
	s21 =	sshll.u32 s5, $0x1;
	s2 =	sadd.s32 s19, s18  }
0x9c: {  	s6 =	simm.s32 $0x0;
	s20 =	sshll.u32 s4, $0x1;
	s4 =	sadd.s32 s21, s2  }
0x9d: {  	[timem:s6], [sflag:s22] =	dma.local [hbm:s4], s20  }
0x9e: {  	_ =	swait.ge [sflag:s22], s20  }
0x9f: {  	s3 =	ssub.s32 $0x0, s20;
	[sflag:s22] =	ssyncset.done $0x0  }
0xa0: {  	[sflag:s22] =	ssyncadd.s32 s3;
	_ =	sdelay $0x1  }
0xa1: {  	s23 =	simm.s32 $0x1B8B  }
0xa2: {  	_ =	swait.ge [sflag:s23], $0x1  }
0xa3: {  	[sflag:s23] =	ssyncset.done $0x0  }
0xa4: {  	s25 =	simm.s32 $0x1B8E;
	s24 =	sld [smem:$0x3FFE];
	[sflag:s23] =	ssyncadd.s32 $0xFFFFFFFF  }
0xa5: {  	s26 =	simm.s32 $execute0_lowered;
	[smem:$0x3FD2] =	sst s25  }
0xa6: {  	s4 =	sshll.u32 s26, $0x1;
	_ =	strace $0x8000004C;
	[dreg:$0x1] =	wrdreg $0xFFFFFFFF  }
0xa7: {  	s28 =	simm.s32 $_size_execute0_lowered;
	s2 =	sadd.s32 s2, s4;
	[dreg:$0x0] =	wrdreg $0x0  }
0xa8: {  	s4 =	sshll.u32 s28, $0x1;
	[dreg:$0x2] =	wrdreg s2  }
0xa9: {  	[dreg:$0x3] =	wrdreg s4  }
0xaa: {  	[dreg:$0x4] =	wrdreg $0xC0  }
0xab: {  	_ =	task [dreg:s6], $0x5FFFF  }
0xac: {  	[dreg:$0x1] =	wrdreg $0xFFFFFFFF  }
0xad: {  	[dreg:$0x0] =	wrdreg $0x60  }
0xae: {  	[dreg:$0x2] =	wrdreg s24  }
0xaf: {  	[dreg:$0x3] =	wrdreg $0x9  }
0xb0: {  	_ =	task.clear_ibuf [dreg:s6], $0x4FFFF;
	_ =	strace $0x9000004C  }
0xb1: {  	s29 =	simm.s32 $0x9;
	_ =	strace $0x8000004E  }
0xb2: {  	_ =	swait.ge [sflag:s29], $0x1  }
0xb3: {  	[sflag:s29] =	ssyncadd.s32 $0xFFFFFFFF  }
0xb4: {  	_ =	strace $0x9000004E  }
0xb5: {  	_ =	sfence  }
0xb6: {  	s30 =	sld [smem:$0x0];
	_ =	sdelay $0x2  }
0xb7: {  	s31 =	sshll.u32 s1, $0xD;
	s1 =	sshrl.u32 s1, $0x2  }
0xb8: {  	s3 =	sand.u32 $0x4000, s31;
	s1 =	sadd.s32 s1, s30  }
0xb9: {  	s0 =	sor.u32 s3, s0;
	s1 =	sshll.u32 s1, $0x11  }
0xba: {  	s0 =	sor.u32 s1, s0  }
0xbb: {  	s0 =	sadd.s32 $0x8F2B, s0  }
0xbc: {  	[sflag:s0] =	ssyncadd.remote.s32 $0x1  }
0xbd: {  	_ =	sfence.sel $0xFFFF  }
0xbe: {  	[dreg:$0x0] =	wrdreg $0xFFFFFFFF;
	(pc) =	sbr.abs _section_cstart, $3  }
0xbf: {  	[dreg:$0x1] =	wrdreg $0xFFFFFFFF  }
0xc0: {  	_ =	task.clear_ibuf [dreg:s6], $0x2FFFF;
	_ =	strace $0x9FFFFFFF  }
0xc1: {  	(tm) =	ssettm $0x7FFFFFFF  }
tec
execute0_lowered:
.L_overlay_start_1:
0x0: {  	(tag) =	ssettag $0x1  }
0x1: {  	s4 =	rddreg [dreg:$0x0]  }
0x2: {  	s1 =	srdreg.scid;
	s0 =	rddreg [dreg:$0x1];
	s2 =	simm.s32 $0x0  }
0x3: {  	s9 =	simm.s32 $0x1400;
	s10 =	simm.s32 $0x5400;
	s11 =	simm.s32 $0x9400  }
0x4: {  	s12 =	simm.s32 $0xD400;
	s13 =	simm.s32 $0x11400;
	s14 =	simm.s32 $0x1  }
0x5: {  	s15 =	simm.s32 $0x2;
	s16 =	simm.s32 $0x0;
	s5 =	sand.u32 $0x1, s1  }
0x6: {  	s1 =	stileid.u32;
	s3 =	sshll.u32 s5, $0x4;
	s7 =	smul.u32 $0x140000, s5  }
0x7: {  	[smem:$0x7FF] =	sst s2;
	s8 =	smul.u32 $0x14000, s1;
	s3 =	sor.u32 s1, s3  }
0x8: {  	_ =	strace $0x8000004D;
	s5 =	ssub.s32 $0x2, s5;
	s6 =	smul.u32 $0x1400, s3  }
0x9: {  	s30 =	sshrl.u32 s5, $0x1;
	s3 =	sadd.s32 $0x50DC00, s4;
	s7 =	sadd.s32 s7, s4  }
0xa: {  	s5 =	ssub.s32 s5, s30;
	s31 =	sadd.s32 s8, s7;
	s6 =	sshrl.u32 s6, $0x3  }
0xb: {  	s5 =	smax.u32 s5, $0x1;
	s7 =	simm.s32 $0x3;
	s6 =	sadd.s32 s6, s4  }
0xc: {  	s8 =	simm.s32 $0x80;
	s4 =	sadd.s32 $0x3600, s6;
	s6 =	sadd.s32 $0xA600, s31  }
.LBB2_1:
0xd: {  	[tilespmem:s2], [sflag:$0x3] =	stream.linear.gather [hbm4b:s4+s2], $0x1400, $0x38;
	[tilespmem:$0x15400] =	vst v63  }
0xe: {  	_ =	swait.ge [sflag:s7], $0x1400  }
0xf: {  	[sflag:s7] =	ssyncset.done $0x0  }
0x10: {  	s17 =	simm.s32 $0x0;
	[sflag:s7] =	ssyncadd.s32 $0xFFFFEC00  }
0x11: {  	[tilespmem:s9], [sflag:$0x1] =	stream.indirect.gather [hbm4b:s3+s8], $0x80, s17, s8, $0xb8;
	[tilespmem:$0x15400] =	vst v63  }
0x12: {  	s23 =	simm.s32 $0x80  }
0x13: {  	[tilespmem:s10], [sflag:$0x1] =	stream.indirect.gather [hbm4b:s3+s8], $0x80, s23, s8, $0xb8;
	[tilespmem:$0x15400] =	vst v63  }
0x14: {  	s24 =	simm.s32 $0x100  }
0x15: {  	[tilespmem:s11], [sflag:$0x1] =	stream.indirect.gather [hbm4b:s3+s8], $0x80, s24, s8, $0xb8;
	[tilespmem:$0x15400] =	vst v63  }
0x16: {  	s25 =	simm.s32 $0x180  }
0x17: {  	[tilespmem:s12], [sflag:$0x1] =	stream.indirect.gather [hbm4b:s3+s8], $0x80, s25, s8, $0xb8;
	[tilespmem:$0x15400] =	vst v63  }
0x18: {  	s26 =	simm.s32 $0x200  }
0x19: {  	[tilespmem:s13], [sflag:$0x1] =	stream.indirect.gather [hbm4b:s3+s8], $0x80, s26, s8, $0xb8;
	[tilespmem:$0x15400] =	vst v63  }
0x1a: {  	_ =	swait.ge [sflag:s14], $0x4000  }
0x1b: {  	[sflag:s14] =	ssyncset.done $0x0  }
0x1c: {  	[sflag:s14] =	ssyncadd.s32 $0xFFFFC000  }
0x1d: {  	_ =	swait.ge [sflag:s14], $0x4000  }
0x1e: {  	[sflag:s14] =	ssyncset.done $0x0  }
0x1f: {  	[sflag:s14] =	ssyncadd.s32 $0xFFFFC000  }
0x20: {  	_ =	swait.ge [sflag:s14], $0x4000  }
0x21: {  	[sflag:s14] =	ssyncset.done $0x0  }
0x22: {  	[sflag:s14] =	ssyncadd.s32 $0xFFFFC000  }
0x23: {  	_ =	swait.ge [sflag:s14], $0x4000  }
0x24: {  	[sflag:s14] =	ssyncset.done $0x0  }
0x25: {  	[sflag:s14] =	ssyncadd.s32 $0xFFFFC000  }
0x26: {  	_ =	swait.ge [sflag:s14], $0x4000  }
0x27: {  	[sflag:s14] =	ssyncset.done $0x0  }
0x28: {  	s28 =	sadd.s32 $0xFFFFE000, s6;
	[sflag:s14] =	ssyncadd.s32 $0xFFFFC000  }
0x29: {  	[hbm4b:s28+s2] =	stream.linear.scatter [tilespmem:s9], [sflag:$0x2], $0x4000, $0x38;
	[tilespmem:$0x15400] =	vst v63  }
0x2a: {  	s29 =	sadd.s32 $0xFFFFE800, s6  }
0x2b: {  	[hbm4b:s29+s2] =	stream.linear.scatter [tilespmem:s10], [sflag:$0x2], $0x4000, $0x38;
	[tilespmem:$0x15400] =	vst v63  }
0x2c: {  	s30 =	sadd.s32 $0xFFFFF000, s6  }
0x2d: {  	[hbm4b:s30+s2] =	stream.linear.scatter [tilespmem:s11], [sflag:$0x2], $0x4000, $0x38;
	[tilespmem:$0x15400] =	vst v63  }
0x2e: {  	s31 =	sadd.s32 $0xFFFFF800, s6  }
0x2f: {  	[hbm4b:s31+s2] =	stream.linear.scatter [tilespmem:s12], [sflag:$0x2], $0x4000, $0x38;
	[tilespmem:$0x15400] =	vst v63  }
0x30: {  	_ = 	snop  }
0x31: {  	[hbm4b:s6+s2] =	stream.linear.scatter [tilespmem:s13], [sflag:$0x2], $0x4000, $0x38;
	[tilespmem:$0x15400] =	vst v63  }
0x32: {  	_ =	swait.ge [sflag:s15], $0x4000  }
0x33: {  	[sflag:s15] =	ssyncset.done $0x0  }
0x34: {  	[sflag:s15] =	ssyncadd.s32 $0xFFFFC000  }
0x35: {  	_ =	swait.ge [sflag:s15], $0x4000  }
0x36: {  	[sflag:s15] =	ssyncset.done $0x0  }
0x37: {  	[sflag:s15] =	ssyncadd.s32 $0xFFFFC000  }
0x38: {  	_ =	swait.ge [sflag:s15], $0x4000  }
0x39: {  	[sflag:s15] =	ssyncset.done $0x0  }
0x3a: {  	[sflag:s15] =	ssyncadd.s32 $0xFFFFC000  }
0x3b: {  	_ =	swait.ge [sflag:s15], $0x4000  }
0x3c: {  	[sflag:s15] =	ssyncset.done $0x0  }
0x3d: {  	[sflag:s15] =	ssyncadd.s32 $0xFFFFC000  }
0x3e: {  	s18 =	simm.s32 $0xA00;
	_ =	swait.ge [sflag:s15], $0x4000  }
0x3f: {  	s20 =	simm.s32 $0x1400;
	s17 =	sadd.s32 $0x2800, s6;
	[sflag:s15] =	ssyncset.done $0x0  }
.LBB2_2:
0x40: {  	s21 =	sshra.s32 s18, $0x2  }
0x41: {  	[sflag:s15] =	ssyncadd.s32 $0xFFFFC000;
	s18 =	smov.u32 s20;
	s19 =	sadd.s32 $0xA00, s20  }
0x42: {  	[tilespmem:s9], [sflag:$0x1] =	stream.indirect.gather [hbm4b:s3+s8], $0x80, s21, s8, $0xb8;
	[tilespmem:$0x15400] =	vst v63  }
0x43: {  	p0 =	sne.s32 s20, $0x4600;
	s20 =	sadd.s32 $0x80, s21  }
0x44: {  	[tilespmem:s10], [sflag:$0x1] =	stream.indirect.gather [hbm4b:s3+s8], $0x80, s20, s8, $0xb8;
	[tilespmem:$0x15400] =	vst v63  }
0x45: {  	s20 =	sadd.s32 $0x100, s21  }
0x46: {  	[tilespmem:s11], [sflag:$0x1] =	stream.indirect.gather [hbm4b:s3+s8], $0x80, s20, s8, $0xb8;
	[tilespmem:$0x15400] =	vst v63  }
0x47: {  	s20 =	sadd.s32 $0x180, s21  }
0x48: {  	[tilespmem:s12], [sflag:$0x1] =	stream.indirect.gather [hbm4b:s3+s8], $0x80, s20, s8, $0xb8;
	[tilespmem:$0x15400] =	vst v63  }
0x49: {  	s20 =	sadd.s32 $0x200, s21  }
0x4a: {  	[tilespmem:s13], [sflag:$0x1] =	stream.indirect.gather [hbm4b:s3+s8], $0x80, s20, s8, $0xb8;
	[tilespmem:$0x15400] =	vst v63  }
0x4b: {  	_ =	swait.ge [sflag:s14], $0x4000  }
0x4c: {  	[sflag:s14] =	ssyncset.done $0x0  }
0x4d: {  	[sflag:s14] =	ssyncadd.s32 $0xFFFFC000  }
0x4e: {  	_ =	swait.ge [sflag:s14], $0x4000  }
0x4f: {  	[sflag:s14] =	ssyncset.done $0x0  }
0x50: {  	[sflag:s14] =	ssyncadd.s32 $0xFFFFC000  }
0x51: {  	_ =	swait.ge [sflag:s14], $0x4000  }
0x52: {  	[sflag:s14] =	ssyncset.done $0x0  }
0x53: {  	[sflag:s14] =	ssyncadd.s32 $0xFFFFC000  }
0x54: {  	_ =	swait.ge [sflag:s14], $0x4000  }
0x55: {  	[sflag:s14] =	ssyncset.done $0x0  }
0x56: {  	[sflag:s14] =	ssyncadd.s32 $0xFFFFC000  }
0x57: {  	_ =	swait.ge [sflag:s14], $0x4000  }
0x58: {  	[sflag:s14] =	ssyncset.done $0x0  }
0x59: {  	s20 =	sadd.s32 $0xFFFFE000, s17;
	[sflag:s14] =	ssyncadd.s32 $0xFFFFC000  }
0x5a: {  	[hbm4b:s20+s2] =	stream.linear.scatter [tilespmem:s9], [sflag:$0x2], $0x4000, $0x38;
	[tilespmem:$0x15400] =	vst v63  }
0x5b: {  	s20 =	sadd.s32 $0xFFFFE800, s17  }
0x5c: {  	[hbm4b:s20+s2] =	stream.linear.scatter [tilespmem:s10], [sflag:$0x2], $0x4000, $0x38;
	[tilespmem:$0x15400] =	vst v63  }
0x5d: {  	s20 =	sadd.s32 $0xFFFFF000, s17  }
0x5e: {  	[hbm4b:s20+s2] =	stream.linear.scatter [tilespmem:s11], [sflag:$0x2], $0x4000, $0x38;
	[tilespmem:$0x15400] =	vst v63  }
0x5f: {  	s20 =	sadd.s32 $0xFFFFF800, s17  }
0x60: {  	[hbm4b:s20+s2] =	stream.linear.scatter [tilespmem:s12], [sflag:$0x2], $0x4000, $0x38;
	[tilespmem:$0x15400] =	vst v63  }
0x61: {  	_ = 	snop  }
0x62: {  	[hbm4b:s17+s2] =	stream.linear.scatter [tilespmem:s13], [sflag:$0x2], $0x4000, $0x38;
	[tilespmem:$0x15400] =	vst v63  }
0x63: {  	_ =	swait.ge [sflag:s15], $0x4000  }
0x64: {  	[sflag:s15] =	ssyncset.done $0x0  }
0x65: {  	[sflag:s15] =	ssyncadd.s32 $0xFFFFC000  }
0x66: {  	_ =	swait.ge [sflag:s15], $0x4000  }
0x67: {  	[sflag:s15] =	ssyncset.done $0x0  }
0x68: {  	[sflag:s15] =	ssyncadd.s32 $0xFFFFC000  }
0x69: {  	_ =	swait.ge [sflag:s15], $0x4000  }
0x6a: {  	[sflag:s15] =	ssyncset.done $0x0  }
0x6b: {  	[sflag:s15] =	ssyncadd.s32 $0xFFFFC000  }
.Ltmp0:
0x6c: {  	_ =	swait.ge [sflag:s15], $0x4000;
	(pc) =	sbr.rel @p0 .LBB2_2-.Ltmp0, $4  }
0x6d: {  	[sflag:s15] =	ssyncset.done $0x0  }
0x6e: {  	[sflag:s15] =	ssyncadd.s32 $0xFFFFC000  }
0x6f: {  	_ =	swait.ge [sflag:s15], $0x4000  }
0x70: {  	s20 =	smov.u32 s19;
	s17 =	sadd.s32 $0x2800, s17;
	[sflag:s15] =	ssyncset.done $0x0  }
0x71: {  	s18 =	sshra.s32 s18, $0x2;
	[sflag:s15] =	ssyncadd.s32 $0xFFFFC000  }
0x72: {  	[tilespmem:s9], [sflag:$0x1] =	stream.indirect.gather [hbm4b:s3+s8], $0x80, s18, s8, $0xb8;
	[tilespmem:$0x15400] =	vst v63  }
0x73: {  	s19 =	sadd.s32 $0x80, s18  }
0x74: {  	[tilespmem:s10], [sflag:$0x1] =	stream.indirect.gather [hbm4b:s3+s8], $0x80, s19, s8, $0xb8;
	[tilespmem:$0x15400] =	vst v63  }
0x75: {  	s25 =	sadd.s32 $0x100, s18  }
0x76: {  	[tilespmem:s11], [sflag:$0x1] =	stream.indirect.gather [hbm4b:s3+s8], $0x80, s25, s8, $0xb8;
	[tilespmem:$0x15400] =	vst v63  }
0x77: {  	s26 =	sadd.s32 $0x180, s18  }
0x78: {  	[tilespmem:s12], [sflag:$0x1] =	stream.indirect.gather [hbm4b:s3+s8], $0x80, s26, s8, $0xb8;
	[tilespmem:$0x15400] =	vst v63  }
0x79: {  	s18 =	sadd.s32 $0x200, s18  }
0x7a: {  	[tilespmem:s13], [sflag:$0x1] =	stream.indirect.gather [hbm4b:s3+s8], $0x80, s18, s8, $0xb8;
	[tilespmem:$0x15400] =	vst v63  }
0x7b: {  	_ =	swait.ge [sflag:s14], $0x4000  }
0x7c: {  	[sflag:s14] =	ssyncset.done $0x0  }
0x7d: {  	[sflag:s14] =	ssyncadd.s32 $0xFFFFC000  }
0x7e: {  	_ =	swait.ge [sflag:s14], $0x4000  }
0x7f: {  	[sflag:s14] =	ssyncset.done $0x0  }
0x80: {  	[sflag:s14] =	ssyncadd.s32 $0xFFFFC000  }
0x81: {  	_ =	swait.ge [sflag:s14], $0x4000  }
0x82: {  	[sflag:s14] =	ssyncset.done $0x0  }
0x83: {  	[sflag:s14] =	ssyncadd.s32 $0xFFFFC000  }
0x84: {  	_ =	swait.ge [sflag:s14], $0x4000  }
0x85: {  	[sflag:s14] =	ssyncset.done $0x0  }
0x86: {  	[sflag:s14] =	ssyncadd.s32 $0xFFFFC000  }
0x87: {  	_ =	swait.ge [sflag:s14], $0x4000  }
0x88: {  	[sflag:s14] =	ssyncset.done $0x0  }
0x89: {  	s28 =	sadd.s32 $0xFFFFE000, s17;
	[sflag:s14] =	ssyncadd.s32 $0xFFFFC000  }
0x8a: {  	[hbm4b:s28+s2] =	stream.linear.scatter [tilespmem:s9], [sflag:$0x2], $0x4000, $0x38;
	[tilespmem:$0x15400] =	vst v63  }
0x8b: {  	s29 =	sadd.s32 $0xFFFFE800, s17  }
0x8c: {  	[hbm4b:s29+s2] =	stream.linear.scatter [tilespmem:s10], [sflag:$0x2], $0x4000, $0x38;
	[tilespmem:$0x15400] =	vst v63  }
0x8d: {  	s30 =	sadd.s32 $0xFFFFF000, s17  }
0x8e: {  	[hbm4b:s30+s2] =	stream.linear.scatter [tilespmem:s11], [sflag:$0x2], $0x4000, $0x38;
	[tilespmem:$0x15400] =	vst v63  }
0x8f: {  	s31 =	sadd.s32 $0xFFFFF800, s17  }
0x90: {  	[hbm4b:s31+s2] =	stream.linear.scatter [tilespmem:s12], [sflag:$0x2], $0x4000, $0x38;
	[tilespmem:$0x15400] =	vst v63  }
0x91: {  	_ = 	snop  }
0x92: {  	[hbm4b:s17+s2] =	stream.linear.scatter [tilespmem:s13], [sflag:$0x2], $0x4000, $0x38;
	[tilespmem:$0x15400] =	vst v63  }
0x93: {  	_ =	swait.ge [sflag:s15], $0x4000  }
0x94: {  	[sflag:s15] =	ssyncset.done $0x0  }
0x95: {  	[sflag:s15] =	ssyncadd.s32 $0xFFFFC000  }
0x96: {  	_ =	swait.ge [sflag:s15], $0x4000  }
0x97: {  	[sflag:s15] =	ssyncset.done $0x0  }
0x98: {  	[sflag:s15] =	ssyncadd.s32 $0xFFFFC000  }
0x99: {  	_ =	swait.ge [sflag:s15], $0x4000  }
0x9a: {  	[sflag:s15] =	ssyncset.done $0x0  }
0x9b: {  	s16 =	sadd.s32 $0x1, s16;
	[sflag:s15] =	ssyncadd.s32 $0xFFFFC000  }
0x9c: {  	p0 =	sne.s32 s16, s5;
	_ =	swait.ge [sflag:s15], $0x4000  }
.Ltmp1:
0x9d: {  	[sflag:s15] =	ssyncset.done $0x0;
	(pc) =	sbr.rel @p0 .LBB2_1-.Ltmp1, $4  }
0x9e: {  	[sflag:s15] =	ssyncadd.s32 $0xFFFFC000  }
0x9f: {  	_ =	swait.ge [sflag:s15], $0x4000  }
0xa0: {  	[sflag:s15] =	ssyncset.done $0x0  }
0xa1: {  	[sflag:s15] =	ssyncadd.s32 $0xFFFFC000  }
0xa2: {  	_ =	sfence.sel $0x180000  }
0xa3: {  	[bflag:$0x0] =	sbarrier.arrive $0xFFFF  }
0xa4: {  	p0 =	sne.s32 s1, $0x0;
	_ =	strace $0x9000004D  }
0xa5: {  	s0 =	sadd.s32 @!p0 $0x100000, s0;
	[bflag:$0x2] =	sbarrier.arrive $0xFFFF  }
0xa6: {  	[sflag:s0] =	ssyncadd.tile.s32 @!p0 $0x1;
	_ =	shalt  }
.Lfunc_end2:
_tile_overlayer_lowered:
.L_overlay_start_2:
0xa7: {  	(tag) =	ssettag $0x2  }
0xa8: {  	s0 =	rddreg [dreg:$0x0];
	s2 =	stileid.u32  }
0xa9: {  	s1 =	rddreg [dreg:$0x1];
	p0 =	sne.s32 s2, $0x0  }
0xaa: {  	s3 =	rddreg [dreg:$0x2];
	[bflag:$0x3] =	sbarrier.arrive $0xFFFF;
	s2 =	simm.s32 @!p0 $0x1C03  }
0xab: {  	[timem:s3], [sflag:s2] =	dma.local @!p0 [hbm:s0], s1  }
0xac: {  	s0 =	simm.s32 @!p0 $0x3  }
0xad: {  	_ =	swait.ge @!p0 [sflag:s0], s1  }
0xae: {  	s1 =	ssub.s32 @!p0 $0x0, s1;
	[sflag:s0] =	ssyncset.done @!p0 $0x0  }
0xaf: {  	[sflag:s0] =	ssyncadd.s32 @!p0 s1  }
0xb0: {  	[bflag:$0x3] =	sbarrier.arrive $0xFFFF  }
0xb1: {  	_ =	shalt  }

// kernel: kernel.19.cloned.1.call-start
scs
__scs_entry_jumppad:
0x0: {  	(pc) =	sbr.rel $0x88, $3  }
0x1: {  	(tag) =	ssettag $0x0;
	lr =	simm.s32 $0x1  }
0x2: {  	[smem:$0x3F8D] =	sst lr;
	_ =	strace $0xD0000000  }
0x3: {  	_ = 	snop  }
0x4: {  	_ = 	snop  }
0x5: {  	_ = 	snop  }
0x6: {  	_ = 	snop  }
0x7: {  	_ = 	snop  }
__scs_overlays_trampoline_lowered:
0x8: {  	[smem:$0x3F9C] =	sst s0  }
0x9: {  	[smem:$0x3F9D] =	sst s1  }
0xa: {  	[smem:$0x3F9E] =	sst s2  }
0xb: {  	[smem:$0x3F9F] =	sst s3  }
0xc: {  	[smem:$0x3FA0] =	sst s4  }
0xd: {  	[smem:$0x3FA1] =	sst s5  }
0xe: {  	[smem:$0x3FA2] =	sst s6  }
0xf: {  	[smem:$0x3FA3] =	sst s7  }
0x10: {  	[smem:$0x3FA4] =	sst s8  }
0x11: {  	[smem:$0x3FA5] =	sst s9;
	s0 =	simm.s32 @!p0 $0x0  }
0x12: {  	s1 =	sld [smem:$0x3F8B];
	s0 =	simm.s32 @p0 $0x1  }
0x13: {  	[smem:$0x3FA6] =	sst s0;
	s0 =	simm.s32 @!p1 $0x0  }
0x14: {  	s2 =	sld [smem:$0x3F8A];
	s0 =	simm.s32 @p1 $0x1  }
0x15: {  	[smem:$0x3FA7] =	sst s0;
	s0 =	simm.s32 @!p2 $0x0  }
0x16: {  	s3 =	sld [smem:$0x3FDB];
	s0 =	simm.s32 @p2 $0x1  }
0x17: {  	s4 =	simm.s32 $0x1BF5;
	[smem:$0x3FA9] =	sst s0  }
0x18: {  	s0 =	sld [smem:$0x3F8C];
	_ =	swait.ge [sflag:s4], $0x0  }
0x19: {  	s7 =	sld [smem:$0x3F8D]  }
0x1a: {  	s8 =	sadd.s32 $0xFFFFE003, lr  }
0x1b: {  	s9 =	sadd.s32 $0xFFFFFEF7, lr;
	s5 =	simm.s32 $0xFFFFFFFF;
	p2 =	slt.u32 s8, $0xFFFFF086  }
0x1c: {  	p1 =	slt.u32 s9, $0xF7A;
	s5 =	simm.s32 @!p2 $0x0  }
0x1d: {  	s5 =	simm.s32 @p1 $0x1;
	p0 =	seq.s32 s7, s2  }
0x1e: {  	s7 =	smul.u32 @!p0 $0xF7A, s2;
	p2 =	seq.s32 @!p0 s5, $0x0  }
0x1f: {  	s9 =	smul.u32 $0xF7A, s1;
	s8 =	simm.s32 @!p0 $0x1BF5;
	p2 =	por !p2, p0  }
0x20: {  	[sflag:s8] =	ssyncset.s32 @!p0 $0xFFFFF086;
	s6 =	sadd.s32 @!p0 s3, s7;
	s7 =	simm.s32 @!p0 $0x108  }
0x21: {  	s3 =	sadd.s32 s3, s9;
	s6 =	sadd.s32 @!p0 $0x88, s6;
	s7 =	simm.s32 @p2 $0x1082  }
0x22: {  	[simem:s7], [sflag:s8] =	dma.local @!p0 [hbm:s6], $0xF7A  }
0x23: {  	s9 =	sor.u32 $0xD0000000, s2;
	s6 =	simm.s32 $0x108;
	_ =	swait.ge @!p0 [sflag:s8], $0x0  }
0x24: {  	s3 =	sadd.s32 $0x88, s3;
	s6 =	simm.s32 @!p1 $0x1082;
	[sflag:s4] =	ssyncset.s32 $0xFFFFF086  }
0x25: {  	[simem:s6], [sflag:s4] =	dma.local [hbm:s3], $0xF7A  }
0x26: {  	[smem:$0x3F8D] =	sst s1;
	(tag) =	ssettag s2;
	_ =	strace s9  }
0x27: {  	s1 =	sld [smem:$0x3F9D]  }
0x28: {  	s2 =	sld [smem:$0x3F9E]  }
0x29: {  	s4 =	sld [smem:$0x3FA0]  }
0x2a: {  	p0 =	seq.s32 s5, $0x0;
	s5 =	sld [smem:$0x3FA1]  }
0x2b: {  	s6 =	sld [smem:$0x3FA2]  }
0x2c: {  	s7 =	sld [smem:$0x3FA3]  }
0x2d: {  	s3 =	simm.s32 $0x108;
	s8 =	sld [smem:$0x3FA4]  }
0x2e: {  	s3 =	simm.s32 @!p0 $0x1082;
	s9 =	sld [smem:$0x3FA5]  }
0x2f: {  	lr =	sadd.s32 s0, s3;
	s0 =	sld [smem:$0x3F9C]  }
0x30: {  	s3 =	sld [smem:$0x3F9F]  }
0x31: {  	[smem:$0x3FA8] =	sst s10  }
0x32: {  	s10 =	sld [smem:$0x3FA6];
	_ =	sdelay $0x3  }
0x33: {  	p0 =	seq.s32 s10, $0x1;
	s10 =	sld [smem:$0x3FA8];
	_ =	sdelay $0x3  }
0x34: {  	[smem:$0x3FA8] =	sst s10  }
0x35: {  	s10 =	sld [smem:$0x3FA7];
	_ =	sdelay $0x3  }
0x36: {  	p1 =	seq.s32 s10, $0x1;
	s10 =	sld [smem:$0x3FA8];
	_ =	sdelay $0x3  }
0x37: {  	[smem:$0x3FA8] =	sst s10  }
0x38: {  	s10 =	sld [smem:$0x3FA9]  }
0x39: {  	_ = 	snop;
	(pc) =	sbr.ind lr, $3  }
0x3a: {  	_ = 	snop  }
0x3b: {  	_ = 	snop  }
0x3c: {  	p2 =	seq.s32 s10, $0x1;
	s10 =	sld [smem:$0x3FA8]  }
0x3d: {  	_ =	shalt  }
0x3e: {  	_ =	shalt  }
0x3f: {  	_ =	shalt  }
0x40: {  	_ =	shalt  }
0x41: {  	_ =	shalt  }
0x42: {  	_ =	shalt  }
0x43: {  	_ =	shalt  }
0x44: {  	_ =	shalt  }
0x45: {  	_ =	shalt  }
0x46: {  	_ =	shalt  }
0x47: {  	_ =	shalt  }
0x48: {  	_ =	shalt  }
0x49: {  	_ =	shalt  }
0x4a: {  	_ =	shalt  }
0x4b: {  	_ =	shalt  }
0x4c: {  	_ =	shalt  }
0x4d: {  	_ =	shalt  }
0x4e: {  	_ =	shalt  }
0x4f: {  	_ =	shalt  }
0x50: {  	_ =	shalt  }
0x51: {  	_ =	shalt  }
0x52: {  	_ =	shalt  }
0x53: {  	_ =	shalt  }
0x54: {  	_ =	shalt  }
0x55: {  	_ =	shalt  }
0x56: {  	_ =	shalt  }
0x57: {  	_ =	shalt  }
0x58: {  	_ =	shalt  }
0x59: {  	_ =	shalt  }
0x5a: {  	_ =	shalt  }
0x5b: {  	_ =	shalt  }
0x5c: {  	_ =	shalt  }
0x5d: {  	_ =	shalt  }
0x5e: {  	_ =	shalt  }
0x5f: {  	_ =	shalt  }
0x60: {  	_ =	shalt  }
0x61: {  	_ =	shalt  }
0x62: {  	_ =	shalt  }
0x63: {  	_ =	shalt  }
0x64: {  	_ =	shalt  }
0x65: {  	_ =	shalt  }
0x66: {  	_ =	shalt  }
0x67: {  	_ =	shalt  }
0x68: {  	_ =	shalt  }
0x69: {  	_ =	shalt  }
0x6a: {  	_ =	shalt  }
0x6b: {  	_ =	shalt  }
0x6c: {  	_ =	shalt  }
0x6d: {  	_ =	shalt  }
0x6e: {  	_ =	shalt  }
0x6f: {  	_ =	shalt  }
0x70: {  	_ =	shalt  }
0x71: {  	_ =	shalt  }
0x72: {  	_ =	shalt  }
0x73: {  	_ =	shalt  }
0x74: {  	_ =	shalt  }
0x75: {  	_ =	shalt  }
0x76: {  	_ =	shalt  }
0x77: {  	_ =	shalt  }
0x78: {  	_ =	shalt  }
0x79: {  	_ =	shalt  }
0x7a: {  	_ =	shalt  }
0x7b: {  	_ =	shalt  }
0x7c: {  	_ =	shalt  }
0x7d: {  	_ =	shalt  }
0x7e: {  	_ =	shalt  }
0x7f: {  	_ =	shalt  }
0x80: {  	_ =	shalt  }
0x81: {  	_ =	shalt  }
0x82: {  	_ =	shalt  }
0x83: {  	_ =	shalt  }
0x84: {  	_ =	shalt  }
0x85: {  	_ =	shalt  }
0x86: {  	_ =	shalt  }
0x87: {  	_ =	shalt  }
.Lfunc_end0:
.L_simem_size_0:
called_computation.3_lowered:
.L_overlay_start_0:
0x88: {  	s2 =	sld [smem:$0x3FD9]  }
0x89: {  	s3 =	sld [smem:$0x3FFE];
	_ =	sdelay $0x1  }
0x8a: {  	s1 =	srdreg.scid  }
0x8b: {  	s0 =	sand.u32 $0x1, s1  }
0x8c: {  	s16 =	sshll.u32 s0, $0xA;
	s2 =	sadd.s32 s3, s2  }
0x8d: {  	s2 =	sadd.s32 s2, s16  }
0x8e: {  	[smem:$0x3FB4] =	sst s2  }
0x8f: {  	_ = 	snop  }
0x90: {  	(tm) =	ssettm $0x1  }
0x91: {  	s17 =	sld [smem:$0x3FFB];
	_ =	sdelay $0x3  }
0x92: {  	_ =	strace s17  }
0x93: {  	s2 =	sld [smem:$0x3FFC];
	_ =	sdelay $0x3  }
0x94: {  	_ =	strace s2  }
0x95: {  	s2 =	sld [smem:$0x3FFD];
	_ =	sdelay $0x3  }
0x96: {  	_ =	strace s2  }
0x97: {  	_ =	strace $0x8FFFFFFF  }
0x98: {  	s18 =	sld [smem:$0x3FDB];
	_ =	sdelay $0x1  }
0x99: {  	s19 =	simm.s32 $_scs_section_size  }
0x9a: {  	s4 =	simm.s32 $_size__tile_overlayer_lowered;
	s5 =	simm.s32 $_tile_overlayer_lowered  }
0x9b: {  	s22 =	simm.s32 $0x1BFF;
	s21 =	sshll.u32 s5, $0x1;
	s2 =	sadd.s32 s19, s18  }
0x9c: {  	s6 =	simm.s32 $0x0;
	s20 =	sshll.u32 s4, $0x1;
	s4 =	sadd.s32 s21, s2  }
0x9d: {  	[timem:s6], [sflag:s22] =	dma.local [hbm:s4], s20  }
0x9e: {  	_ =	swait.ge [sflag:s22], s20  }
0x9f: {  	s3 =	ssub.s32 $0x0, s20;
	[sflag:s22] =	ssyncset.done $0x0  }
0xa0: {  	[sflag:s22] =	ssyncadd.s32 s3;
	_ =	sdelay $0x1  }
0xa1: {  	s23 =	simm.s32 $0x1B8B  }
0xa2: {  	_ =	swait.ge [sflag:s23], $0x1  }
0xa3: {  	[sflag:s23] =	ssyncset.done $0x0  }
0xa4: {  	s25 =	simm.s32 $0x1B8E;
	s24 =	sld [smem:$0x3FFE];
	[sflag:s23] =	ssyncadd.s32 $0xFFFFFFFF  }
0xa5: {  	s26 =	simm.s32 $execute0_lowered;
	[smem:$0x3FD2] =	sst s25  }
0xa6: {  	s4 =	sshll.u32 s26, $0x1;
	_ =	strace $0x8000004F;
	[dreg:$0x1] =	wrdreg $0xFFFFFFFF  }
0xa7: {  	s28 =	simm.s32 $_size_execute0_lowered;
	s2 =	sadd.s32 s2, s4;
	[dreg:$0x0] =	wrdreg $0x0  }
0xa8: {  	s4 =	sshll.u32 s28, $0x1;
	[dreg:$0x2] =	wrdreg s2  }
0xa9: {  	[dreg:$0x3] =	wrdreg s4  }
0xaa: {  	[dreg:$0x4] =	wrdreg $0xC0  }
0xab: {  	_ =	task [dreg:s6], $0x5FFFF  }
0xac: {  	[dreg:$0x1] =	wrdreg $0xFFFFFFFF  }
0xad: {  	[dreg:$0x0] =	wrdreg $0x60  }
0xae: {  	[dreg:$0x2] =	wrdreg s24  }
0xaf: {  	[dreg:$0x3] =	wrdreg $0x144000  }
0xb0: {  	[dreg:$0x4] =	wrdreg $0x9  }
0xb1: {  	_ =	task.clear_ibuf [dreg:s6], $0x5FFFF;
	_ =	strace $0x9000004F  }
0xb2: {  	s29 =	simm.s32 $0x9;
	_ =	strace $0x80000051  }
0xb3: {  	_ =	swait.ge [sflag:s29], $0x1  }
0xb4: {  	[sflag:s29] =	ssyncadd.s32 $0xFFFFFFFF  }
0xb5: {  	_ =	strace $0x90000051  }
0xb6: {  	_ =	sfence  }
0xb7: {  	s30 =	sld [smem:$0x0];
	_ =	sdelay $0x2  }
0xb8: {  	s31 =	sshll.u32 s1, $0xD;
	s1 =	sshrl.u32 s1, $0x2  }
0xb9: {  	s3 =	sand.u32 $0x4000, s31;
	s1 =	sadd.s32 s1, s30  }
0xba: {  	s0 =	sor.u32 s3, s0;
	s1 =	sshll.u32 s1, $0x11  }
0xbb: {  	s0 =	sor.u32 s1, s0  }
0xbc: {  	s0 =	sadd.s32 $0x8F2B, s0  }
0xbd: {  	[sflag:s0] =	ssyncadd.remote.s32 $0x1  }
0xbe: {  	_ =	sfence.sel $0xFFFF  }
0xbf: {  	[dreg:$0x0] =	wrdreg $0xFFFFFFFF;
	(pc) =	sbr.abs _section_cstart, $3  }
0xc0: {  	[dreg:$0x1] =	wrdreg $0xFFFFFFFF  }
0xc1: {  	_ =	task.clear_ibuf [dreg:s6], $0x2FFFF;
	_ =	strace $0x9FFFFFFF  }
0xc2: {  	(tm) =	ssettm $0x7FFFFFFF  }
0xc3: {  	_ =	shalt  }
tec
execute0_lowered:
.L_overlay_start_1:
0x0: {  	(tag) =	ssettag $0x1  }
0x1: {  	s0 =	rddreg [dreg:$0x0]  }
0x2: {  	s2 =	srdreg.scid;
	s11 =	stileid.u32  }
0x3: {  	s1 =	rddreg [dreg:$0x1];
	s3 =	simm.s32 $0x0;
	s6 =	smul.u32 $0x2800, s11  }
0x4: {  	s15 =	simm.s32 $0x4;
	s16 =	simm.s32 $0x80;
	s19 =	smul.u32 $0xA000, s11  }
0x5: {  	s17 =	simm.s32 $0x100;
	s28 =	simm.s32 $0x3;
	s8 =	smul.u32 $0x1400, s11  }
0x6: {  	s29 =	simm.s32 $0x0;
	s2 =	sand.u32 $0x1, s2;
	s22 =	smul.u32 $0x14000, s11  }
0x7: {  	[smem:$0x7FF] =	sst s3;
	s9 =	sadd.s32 $0x288600, s0;
	s4 =	smul.u32 $0x140000, s2  }
0x8: {  	s18 =	sadd.s32 $0x50D600, s0;
	s21 =	sshll.u32 s11, $0x6;
	s5 =	smul.u32 $0x28000, s2  }
0x9: {  	_ =	strace $0x80000050;
	[dreg:$0x3] =	wrdreg s18;
	s20 =	ssub.s32 $0x2, s2  }
0xa: {  	s2 =	smul.u32 $0x14000, s2;
	s18 =	simm.s32 $0x180;
	s7 =	sshrl.u32 s20, $0x1  }
0xb: {  	s4 =	sadd.s32 s4, s0;
	s5 =	sadd.s32 s6, s5;
	s6 =	sshrl.u32 s19, $0x2  }
0xc: {  	s7 =	ssub.s32 s20, s7;
	s2 =	sadd.s32 s8, s2;
	s19 =	simm.s32 $0x200  }
0xd: {  	s20 =	simm.s32 $0x400;
	s5 =	sshrl.u32 s5, $0x3;
	s10 =	sadd.s32 s6, s1  }
0xe: {  	s23 =	smax.u32 s7, $0x1;
	s24 =	sor.u32 $0x200, s2;
	s4 =	sadd.s32 s22, s4  }
0xf: {  	s25 =	sshrl.u32 s2, $0x3;
	s30 =	sor.u32 $0x180, s2;
	s31 =	sor.u32 $0x100, s2  }
0x10: {  	s2 =	sor.u32 $0x80, s2;
	s22 =	simm.s32 $0x8400;
	s0 =	sadd.s32 s5, s0  }
0x11: {  	s5 =	sor.u32 $0x1C04, s21;
	[dreg:$0x5] =	wrdreg s23;
	s8 =	sadd.s32 $0x9FE600, s4  }
0x12: {  	s26 =	sadd.s32 s25, s9;
	s12 =	sshrl.u32 s31, $0x3;
	s2 =	sshrl.u32 s2, $0x3  }
0x13: {  	s14 =	sshrl.u32 s10, $0x3;
	s21 =	simm.s32 $0x4400;
	s23 =	simm.s32 $0xC400  }
0x14: {  	s25 =	simm.s32 $0x1;
	s0 =	sadd.s32 $0x28D600, s0;
	[dreg:$0x6] =	wrdreg s26  }
0x15: {  	s12 =	sadd.s32 s12, s9;
	[dreg:$0x4] =	wrdreg s0;
	s0 =	sshrl.u32 s24, $0x3  }
0x16: {  	s13 =	sadd.s32 s2, s9;
	s6 =	sadd.s32 s0, s9;
	s0 =	sshrl.u32 s30, $0x3  }
0x17: {  	s26 =	simm.s32 $0x2;
	s24 =	simm.s32 $0x10400;
	s11 =	sadd.s32 s0, s9  }
.LBB2_1:
0x18: {  	s0 =	rddreg [dreg:$0x3]  }
0x19: {  	[spmem:s14], [sflag:s5] =	dma.local [hbm:s0], $0x500  }
0x1a: {  	_ =	swait.ge [sflag:s15], $0x500  }
0x1b: {  	[sflag:s15] =	ssyncset.done $0x0  }
0x1c: {  	[sflag:s15] =	ssyncadd.s32 $0xFFFFFB00  }
0x1d: {  	[bflag:$0x0] =	sbarrier.arrive $0xFFFF  }
0x1e: {  	s9 =	rddreg [dreg:$0x6]  }
0x1f: {  	[tilespmem:s3], [sflag:$0x1] =	stream.linear.gather [hbm4b:s9+s3], $0x80, $0x38;
	[tilespmem:$0x16C00] =	vst v63  }
0x20: {  	_ = 	snop  }
0x21: {  	[tilespmem:s16], [sflag:$0x1] =	stream.linear.gather [hbm4b:s13+s3], $0x80, $0x38;
	[tilespmem:$0x16C00] =	vst v63  }
0x22: {  	_ = 	snop  }
0x23: {  	[tilespmem:s17], [sflag:$0x1] =	stream.linear.gather [hbm4b:s12+s3], $0x80, $0x38;
	[tilespmem:$0x16C00] =	vst v63  }
0x24: {  	_ = 	snop  }
0x25: {  	[tilespmem:s18], [sflag:$0x1] =	stream.linear.gather [hbm4b:s11+s3], $0x80, $0x38;
	[tilespmem:$0x16C00] =	vst v63  }
0x26: {  	_ = 	snop  }
0x27: {  	[tilespmem:s19], [sflag:$0x1] =	stream.linear.gather [hbm4b:s6+s3], $0x80, $0x38;
	[tilespmem:$0x16C00] =	vst v63  }
0x28: {  	s4 =	smov.u32 s5;
	s5 =	sadd.s32 $0x0, s8  }
0x29: {  	[tilespmem:s20], [sflag:$0x2] =	stream.linear.gather [hbm4b:s5+s3], $0x4000, $0x38;
	[tilespmem:$0x16C00] =	vst v63  }
0x2a: {  	s2 =	sadd.s32 $0x800, s5  }
0x2b: {  	[tilespmem:s21], [sflag:$0x2] =	stream.linear.gather [hbm4b:s2+s3], $0x4000, $0x38;
	[tilespmem:$0x16C00] =	vst v63  }
0x2c: {  	s7 =	sadd.s32 $0x1000, s5  }
0x2d: {  	[tilespmem:s22], [sflag:$0x2] =	stream.linear.gather [hbm4b:s7+s3], $0x4000, $0x38;
	[tilespmem:$0x16C00] =	vst v63  }
0x2e: {  	s10 =	sadd.s32 $0x1800, s5  }
0x2f: {  	[tilespmem:s23], [sflag:$0x2] =	stream.linear.gather [hbm4b:s10+s3], $0x4000, $0x38;
	[tilespmem:$0x16C00] =	vst v63  }
0x30: {  	s0 =	sadd.s32 $0x2000, s5  }
0x31: {  	[tilespmem:s24], [sflag:$0x2] =	stream.linear.gather [hbm4b:s0+s3], $0x4000, $0x38;
	[tilespmem:$0x16C00] =	vst v63  }
0x32: {  	_ =	swait.ge [sflag:s25], $0x80  }
0x33: {  	[sflag:s25] =	ssyncset.done $0x0  }
0x34: {  	[sflag:s25] =	ssyncadd.s32 $0xFFFFFF80  }
0x35: {  	_ =	swait.ge [sflag:s25], $0x80  }
0x36: {  	[sflag:s25] =	ssyncset.done $0x0  }
0x37: {  	[sflag:s25] =	ssyncadd.s32 $0xFFFFFF80  }
0x38: {  	_ =	swait.ge [sflag:s25], $0x80  }
0x39: {  	[sflag:s25] =	ssyncset.done $0x0  }
0x3a: {  	[sflag:s25] =	ssyncadd.s32 $0xFFFFFF80  }
0x3b: {  	_ =	swait.ge [sflag:s25], $0x80  }
0x3c: {  	[sflag:s25] =	ssyncset.done $0x0  }
0x3d: {  	[sflag:s25] =	ssyncadd.s32 $0xFFFFFF80  }
0x3e: {  	_ =	swait.ge [sflag:s25], $0x80  }
0x3f: {  	[sflag:s25] =	ssyncset.done $0x0  }
0x40: {  	[sflag:s25] =	ssyncadd.s32 $0xFFFFFF80  }
0x41: {  	_ =	swait.ge [sflag:s26], $0x4000  }
0x42: {  	[sflag:s26] =	ssyncset.done $0x0  }
0x43: {  	[sflag:s26] =	ssyncadd.s32 $0xFFFFC000  }
0x44: {  	_ =	swait.ge [sflag:s26], $0x4000  }
0x45: {  	[sflag:s26] =	ssyncset.done $0x0  }
0x46: {  	[sflag:s26] =	ssyncadd.s32 $0xFFFFC000  }
0x47: {  	_ =	swait.ge [sflag:s26], $0x4000  }
0x48: {  	[sflag:s26] =	ssyncset.done $0x0  }
0x49: {  	[sflag:s26] =	ssyncadd.s32 $0xFFFFC000  }
0x4a: {  	_ =	swait.ge [sflag:s26], $0x4000  }
0x4b: {  	[sflag:s26] =	ssyncset.done $0x0  }
0x4c: {  	[sflag:s26] =	ssyncadd.s32 $0xFFFFC000  }
0x4d: {  	_ =	swait.ge [sflag:s26], $0x4000  }
0x4e: {  	[sflag:s26] =	ssyncset.done $0x0  }
0x4f: {  	[sflag:s26] =	ssyncadd.s32 $0xFFFFC000  }
0x50: {  	[spmem:s1] =	stream.indirect.scatter.add.f32 [tilespmem:s20], [sflag:$0x3], $0x80, s3, s16, $0xb8;
	[tilespmem:$0x16C00] =	vst v63  }
0x51: {  	_ = 	snop  }
0x52: {  	[spmem:s1] =	stream.indirect.scatter.add.f32 [tilespmem:s21], [sflag:$0x3], $0x80, s16, s16, $0xb8;
	[tilespmem:$0x16C00] =	vst v63  }
0x53: {  	_ = 	snop  }
0x54: {  	[spmem:s1] =	stream.indirect.scatter.add.f32 [tilespmem:s22], [sflag:$0x3], $0x80, s17, s16, $0xb8;
	[tilespmem:$0x16C00] =	vst v63  }
0x55: {  	_ = 	snop  }
0x56: {  	[spmem:s1] =	stream.indirect.scatter.add.f32 [tilespmem:s23], [sflag:$0x3], $0x80, s18, s16, $0xb8;
	[tilespmem:$0x16C00] =	vst v63  }
0x57: {  	_ = 	snop  }
0x58: {  	[spmem:s1] =	stream.indirect.scatter.add.f32 [tilespmem:s24], [sflag:$0x3], $0x80, s19, s16, $0xb8;
	[tilespmem:$0x16C00] =	vst v63  }
0x59: {  	_ =	swait.ge [sflag:s28], $0x4000  }
0x5a: {  	[sflag:s28] =	ssyncset.done $0x0  }
0x5b: {  	[sflag:s28] =	ssyncadd.s32 $0xFFFFC000  }
0x5c: {  	_ =	swait.ge [sflag:s28], $0x4000  }
0x5d: {  	[sflag:s28] =	ssyncset.done $0x0  }
0x5e: {  	[sflag:s28] =	ssyncadd.s32 $0xFFFFC000  }
0x5f: {  	_ =	swait.ge [sflag:s28], $0x4000  }
0x60: {  	[sflag:s28] =	ssyncset.done $0x0  }
0x61: {  	[sflag:s28] =	ssyncadd.s32 $0xFFFFC000  }
0x62: {  	_ =	swait.ge [sflag:s28], $0x4000  }
0x63: {  	[sflag:s28] =	ssyncset.done $0x0  }
0x64: {  	s30 =	simm.s32 $0x2800;
	[sflag:s28] =	ssyncadd.s32 $0xFFFFC000  }
0x65: {  	s31 =	sadd.s32 $0x50, s13;
	s2 =	sadd.s32 $0x50, s12;
	_ =	swait.ge [sflag:s28], $0x4000  }
0x66: {  	s10 =	smov.u32 s6;
	s0 =	sadd.s32 $0x50, s11;
	[sflag:s28] =	ssyncset.done $0x0  }
.LBB2_2:
0x67: {  	[sflag:s28] =	ssyncadd.s32 $0xFFFFC000;
	s9 =	sadd.s32 $0x50, s9;
	s10 =	sadd.s32 $0x50, s10  }
0x68: {  	[tilespmem:s3], [sflag:$0x1] =	stream.linear.gather [hbm4b:s9+s3], $0x80, $0x38;
	[tilespmem:$0x16C00] =	vst v63  }
0x69: {  	p0 =	sne.s32 s30, $0x11800;
	s7 =	smov.u32 s30;
	s30 =	sadd.s32 $0x2800, s30  }
0x6a: {  	[tilespmem:s16], [sflag:$0x1] =	stream.linear.gather [hbm4b:s31+s3], $0x80, $0x38;
	[tilespmem:$0x16C00] =	vst v63  }
0x6b: {  	_ = 	snop  }
0x6c: {  	[tilespmem:s17], [sflag:$0x1] =	stream.linear.gather [hbm4b:s2+s3], $0x80, $0x38;
	[tilespmem:$0x16C00] =	vst v63  }
0x6d: {  	_ = 	snop  }
0x6e: {  	[tilespmem:s18], [sflag:$0x1] =	stream.linear.gather [hbm4b:s0+s3], $0x80, $0x38;
	[tilespmem:$0x16C00] =	vst v63  }
0x6f: {  	_ = 	snop  }
0x70: {  	[tilespmem:s19], [sflag:$0x1] =	stream.linear.gather [hbm4b:s10+s3], $0x80, $0x38;
	[tilespmem:$0x16C00] =	vst v63  }
0x71: {  	s7 =	sadd.s32 s7, s8  }
0x72: {  	[tilespmem:s20], [sflag:$0x2] =	stream.linear.gather [hbm4b:s7+s3], $0x4000, $0x38;
	[tilespmem:$0x16C00] =	vst v63  }
0x73: {  	s5 =	sadd.s32 $0x800, s7  }
0x74: {  	[tilespmem:s21], [sflag:$0x2] =	stream.linear.gather [hbm4b:s5+s3], $0x4000, $0x38;
	[tilespmem:$0x16C00] =	vst v63  }
0x75: {  	s5 =	sadd.s32 $0x1000, s7  }
0x76: {  	[tilespmem:s22], [sflag:$0x2] =	stream.linear.gather [hbm4b:s5+s3], $0x4000, $0x38;
	[tilespmem:$0x16C00] =	vst v63  }
0x77: {  	s5 =	sadd.s32 $0x1800, s7  }
0x78: {  	[tilespmem:s23], [sflag:$0x2] =	stream.linear.gather [hbm4b:s5+s3], $0x4000, $0x38;
	[tilespmem:$0x16C00] =	vst v63  }
0x79: {  	s5 =	sadd.s32 $0x2000, s7  }
0x7a: {  	[tilespmem:s24], [sflag:$0x2] =	stream.linear.gather [hbm4b:s5+s3], $0x4000, $0x38;
	[tilespmem:$0x16C00] =	vst v63  }
0x7b: {  	_ =	swait.ge [sflag:s25], $0x80  }
0x7c: {  	[sflag:s25] =	ssyncset.done $0x0  }
0x7d: {  	[sflag:s25] =	ssyncadd.s32 $0xFFFFFF80  }
0x7e: {  	_ =	swait.ge [sflag:s25], $0x80  }
0x7f: {  	[sflag:s25] =	ssyncset.done $0x0  }
0x80: {  	[sflag:s25] =	ssyncadd.s32 $0xFFFFFF80  }
0x81: {  	_ =	swait.ge [sflag:s25], $0x80  }
0x82: {  	[sflag:s25] =	ssyncset.done $0x0  }
0x83: {  	[sflag:s25] =	ssyncadd.s32 $0xFFFFFF80  }
0x84: {  	_ =	swait.ge [sflag:s25], $0x80  }
0x85: {  	[sflag:s25] =	ssyncset.done $0x0  }
0x86: {  	[sflag:s25] =	ssyncadd.s32 $0xFFFFFF80  }
0x87: {  	_ =	swait.ge [sflag:s25], $0x80  }
0x88: {  	[sflag:s25] =	ssyncset.done $0x0  }
0x89: {  	[sflag:s25] =	ssyncadd.s32 $0xFFFFFF80  }
0x8a: {  	_ =	swait.ge [sflag:s26], $0x4000  }
0x8b: {  	[sflag:s26] =	ssyncset.done $0x0  }
0x8c: {  	[sflag:s26] =	ssyncadd.s32 $0xFFFFC000  }
0x8d: {  	_ =	swait.ge [sflag:s26], $0x4000  }
0x8e: {  	[sflag:s26] =	ssyncset.done $0x0  }
0x8f: {  	[sflag:s26] =	ssyncadd.s32 $0xFFFFC000  }
0x90: {  	_ =	swait.ge [sflag:s26], $0x4000  }
0x91: {  	[sflag:s26] =	ssyncset.done $0x0  }
0x92: {  	[sflag:s26] =	ssyncadd.s32 $0xFFFFC000  }
0x93: {  	_ =	swait.ge [sflag:s26], $0x4000  }
0x94: {  	[sflag:s26] =	ssyncset.done $0x0  }
0x95: {  	[sflag:s26] =	ssyncadd.s32 $0xFFFFC000  }
0x96: {  	_ =	swait.ge [sflag:s26], $0x4000  }
0x97: {  	[sflag:s26] =	ssyncset.done $0x0  }
0x98: {  	[sflag:s26] =	ssyncadd.s32 $0xFFFFC000  }
0x99: {  	[spmem:s1] =	stream.indirect.scatter.add.f32 [tilespmem:s20], [sflag:$0x3], $0x80, s3, s16, $0xb8;
	[tilespmem:$0x16C00] =	vst v63  }
0x9a: {  	_ = 	snop  }
0x9b: {  	[spmem:s1] =	stream.indirect.scatter.add.f32 [tilespmem:s21], [sflag:$0x3], $0x80, s16, s16, $0xb8;
	[tilespmem:$0x16C00] =	vst v63  }
0x9c: {  	_ = 	snop  }
0x9d: {  	[spmem:s1] =	stream.indirect.scatter.add.f32 [tilespmem:s22], [sflag:$0x3], $0x80, s17, s16, $0xb8;
	[tilespmem:$0x16C00] =	vst v63  }
0x9e: {  	_ = 	snop  }
0x9f: {  	[spmem:s1] =	stream.indirect.scatter.add.f32 [tilespmem:s23], [sflag:$0x3], $0x80, s18, s16, $0xb8;
	[tilespmem:$0x16C00] =	vst v63  }
0xa0: {  	_ = 	snop  }
0xa1: {  	[spmem:s1] =	stream.indirect.scatter.add.f32 [tilespmem:s24], [sflag:$0x3], $0x80, s19, s16, $0xb8;
	[tilespmem:$0x16C00] =	vst v63  }
0xa2: {  	_ =	swait.ge [sflag:s28], $0x4000  }
0xa3: {  	[sflag:s28] =	ssyncset.done $0x0  }
0xa4: {  	[sflag:s28] =	ssyncadd.s32 $0xFFFFC000  }
0xa5: {  	_ =	swait.ge [sflag:s28], $0x4000  }
0xa6: {  	[sflag:s28] =	ssyncset.done $0x0  }
0xa7: {  	[sflag:s28] =	ssyncadd.s32 $0xFFFFC000  }
0xa8: {  	_ =	swait.ge [sflag:s28], $0x4000  }
0xa9: {  	[sflag:s28] =	ssyncset.done $0x0  }
0xaa: {  	[sflag:s28] =	ssyncadd.s32 $0xFFFFC000  }
.Ltmp0:
0xab: {  	_ =	swait.ge [sflag:s28], $0x4000;
	(pc) =	sbr.rel @p0 .LBB2_2-.Ltmp0, $4  }
0xac: {  	[sflag:s28] =	ssyncset.done $0x0  }
0xad: {  	[sflag:s28] =	ssyncadd.s32 $0xFFFFC000  }
0xae: {  	s31 =	sadd.s32 $0x50, s31;
	_ =	swait.ge [sflag:s28], $0x4000  }
0xaf: {  	s2 =	sadd.s32 $0x50, s2;
	s0 =	sadd.s32 $0x50, s0;
	[sflag:s28] =	ssyncset.done $0x0  }
0xb0: {  	[sflag:s28] =	ssyncadd.s32 $0xFFFFC000  }
0xb1: {  	[bflag:$0x0] =	sbarrier.arrive $0xFFFF  }
0xb2: {  	s0 =	rddreg [dreg:$0x4]  }
0xb3: {  	[hbm:s0], [sflag:s4] =	dma.local [spmem:s14], $0x500  }
0xb4: {  	_ =	swait.ge [sflag:s15], $0x500  }
0xb5: {  	s29 =	sadd.s32 $0x1, s29;
	s31 =	rddreg [dreg:$0x5]  }
0xb6: {  	p0 =	sne.s32 s29, s31  }
.Ltmp1:
0xb7: {  	_ = 	snop;
	(pc) =	sbr.rel @p0 .LBB2_1-.Ltmp1, $3  }
0xb8: {  	_ =	sdelay $0x1  }
0xb9: {  	[sflag:s15] =	ssyncset.done $0x0  }
0xba: {  	s5 =	smov.u32 s4;
	[sflag:s15] =	ssyncadd.s32 $0xFFFFFB00  }
0xbb: {  	_ =	sfence.sel $0x180000  }
0xbc: {  	[bflag:$0x0] =	sbarrier.arrive $0xFFFF  }
0xbd: {  	_ =	strace $0x90000050  }
0xbe: {  	s0 =	stileid.u32;
	[bflag:$0x2] =	sbarrier.arrive $0xFFFF  }
0xbf: {  	p0 =	sne.s32 s0, $0x0;
	s0 =	rddreg [dreg:$0x2]  }
0xc0: {  	s0 =	sadd.s32 @!p0 $0x100000, s0  }
0xc1: {  	[sflag:s0] =	ssyncadd.tile.s32 @!p0 $0x1;
	_ =	shalt  }
.Lfunc_end2:
_tile_overlayer_lowered:
.L_overlay_start_2:
0xc2: {  	(tag) =	ssettag $0x2  }
0xc3: {  	s0 =	rddreg [dreg:$0x0];
	s2 =	stileid.u32  }
0xc4: {  	s1 =	rddreg [dreg:$0x1];
	p0 =	sne.s32 s2, $0x0  }
0xc5: {  	s3 =	rddreg [dreg:$0x2];
	[bflag:$0x3] =	sbarrier.arrive $0xFFFF;
	s2 =	simm.s32 @!p0 $0x1C04  }
0xc6: {  	[timem:s3], [sflag:s2] =	dma.local @!p0 [hbm:s0], s1  }
0xc7: {  	s0 =	simm.s32 @!p0 $0x4  }
0xc8: {  	_ =	swait.ge @!p0 [sflag:s0], s1  }
0xc9: {  	s1 =	ssub.s32 @!p0 $0x0, s1;
	[sflag:s0] =	ssyncset.done @!p0 $0x0  }
0xca: {  	[sflag:s0] =	ssyncadd.s32 @!p0 s1  }
0xcb: {  	[bflag:$0x3] =	sbarrier.arrive $0xFFFF  }
0xcc: {  	_ =	shalt  }

</sc_bundles>
